<compile_context>
chip_gen: v7x
topology: tpu7x:2x2x1
jax: 0.10.2.dev20260603
libtpu: 0.0.44.dev20260713+nightly
codegen_flags: <defaults>
</compile_context>

<pallas_src>
import functools

import jax
import jax.numpy as jnp
from jax import lax
from jax.experimental import pallas as pl
from jax.experimental.pallas import tpu as pltpu
from jax.experimental.pallas import tpu_sc as plsc

_NC = 2
_NS = 16
_NW = _NC * _NS

_CW = 512
_D = 64
_V = 1000000
_NFULL = _V // _CW
_TAIL = _V - _NFULL * _CW
_PER_T = _NFULL // _NW


def _sc_stream_extract(tableT, idx_sorted, pos_sorted, rng_w):
    b_total = idx_sorted.shape[0]
    mesh = plsc.VectorSubcoreMesh(core_axis_name="c", subcore_axis_name="s")

    @functools.partial(
        pl.kernel,
        mesh=mesh,
        out_type=jax.ShapeDtypeStruct(((b_total + _NW) * _D,), jnp.float32),
        compiler_params=pltpu.CompilerParams(needs_layout_passes=False),
        scratch_types=[
            pltpu.VMEM((b_total,), jnp.int32),
            pltpu.VMEM((b_total,), jnp.int32),
            pltpu.VMEM((2, _D, _CW), jnp.float32),
            pltpu.VMEM((2, 16 * _D), jnp.float32),
            pltpu.VMEM((16,), jnp.int32),
            pltpu.SemaphoreType.DMA,
            pltpu.SemaphoreType.DMA,
        ],
    )
    def k(tab_hbm, idx_hbm, pos_hbm, rng_hbm, out_hbm,
          idx_v, pos_v, chunk_v, slots_v, rng_v, wsem, psem):
        pltpu.sync_copy(idx_hbm, idx_v)
        pltpu.sync_copy(pos_hbm, pos_v)
        wid = lax.axis_index("s") * _NC + lax.axis_index("c")
        pltpu.sync_copy(rng_hbm.at[wid], rng_v)
        rv = rng_v[...]
        s_lo = rv[0]
        s_hi = rv[1]

        ri = [lax.iota(jnp.int32, 16) + 16 * m for m in range(4)]

        def drain_w():
            pltpu.make_async_copy(
                out_hbm.at[pl.ds(0, 16 * _D)], slots_v.at[0], wsem).wait()

        def process16(chunkid, ab, iv, sel, pv, sp, pw):
            pv_eff = jnp.where(sel, pv, b_total + wid)
            anysel = jnp.any(sel)

            @pl.when(anysel)
            def _p():
                @pl.when(pw == 1)
                def _d():
                    drain_w()

                clv = jnp.clip(iv - chunkid * _CW, 0, _CW - 1)
                for j in range(16):
                    ci = jnp.broadcast_to(clv[j], (16,))
                    for m in range(4):
                        gat = plsc.load_gather(chunk_v.at[ab], [ri[m], ci])
                        slots_v[sp, pl.ds(j * _D + m * 16, 16)] = gat
                    pltpu.async_copy(
                        slots_v.at[sp, pl.ds(j * _D, _D)],
                        out_hbm.at[pl.ds(pl.multiple_of(pv_eff[j] * _D, _D), _D)],
                        wsem)
            sp2 = jnp.where(anysel, 1 - sp, sp)
            pw2 = jnp.where(anysel, 1, pw)
            return sp2, pw2

        def fetch(chunkid, ab):
            @pl.when(chunkid >= _NFULL)
            def _t():
                pltpu.sync_copy(
                    tab_hbm.at[:, pl.ds(pl.multiple_of(chunkid * _CW, 128), 128)],
                    chunk_v.at[ab, :, pl.ds(0, 128)])

            @pl.when(chunkid < _NFULL)
            def _f():
                pltpu.sync_copy(
                    tab_hbm.at[:, pl.ds(pl.multiple_of(chunkid * _CW, _CW), _CW)],
                    chunk_v.at[ab])

        def prefetch(chunkid, ab):
            pltpu.async_copy(
                tab_hbm.at[:, pl.ds(pl.multiple_of(chunkid * _CW, _CW), _CW)],
                chunk_v.at[ab], psem)

        def drain_p():
            pltpu.make_async_copy(
                tab_hbm.at[:, pl.ds(0, _CW)], chunk_v.at[0], psem).wait()

        def grp(g, state):
            cur, ab, pend, sp, pw = state
            iv = idx_v[pl.ds(g * 16, 16)]
            pv = pos_v[pl.ds(g * 16, 16)]
            e_vec = g * 16 + lax.iota(jnp.int32, 16)
            act = jnp.logical_and(e_vec >= s_lo, e_vec < s_hi)
            cv = jnp.where(act, iv // _CW, -1)
            sel = jnp.logical_and(act, cv == cur)
            sp, pw = process16(cur, ab, iv, sel, pv, sp, pw)
            tgt = jnp.max(cv)

            def wbody(st):
                c, ab, pend, sp, pw = st
                nxt = jnp.min(jnp.where(cv > c, cv, jnp.int32(1 << 30)))
                hit = jnp.logical_and(pend == 1, nxt == c + 1)

                @pl.when(pend == 1)
                def _d():
                    drain_p()

                nab = 1 - ab

                @pl.when(jnp.logical_not(hit))
                def _f():
                    fetch(nxt, nab)

                can_pre = nxt + 1 < _NFULL

                @pl.when(can_pre)
                def _p():
                    prefetch(nxt + 1, ab)

                seln = jnp.logical_and(act, cv == nxt)
                sp, pw = process16(nxt, nab, iv, seln, pv, sp, pw)
                return (nxt, nab, jnp.where(can_pre, 1, 0).astype(jnp.int32),
                        sp, pw)

            return lax.while_loop(lambda st: st[0] < tgt, wbody,
                                  (cur, ab, pend, sp, pw))

        fin = lax.fori_loop(
            s_lo // 16, (s_hi + 15) // 16, grp,
            (jnp.int32(-1), jnp.int32(0), jnp.int32(0),
             jnp.int32(0), jnp.int32(0)))

        @pl.when(fin[2] == 1)
        def _cleanup():
            drain_p()

        @pl.when(fin[4] == 1)
        def _cleanup_w():
            drain_w()

    return k(tableT, idx_sorted, pos_sorted, rng_w)


def _mlp_body(embT_ref, w1t_ref, b1_ref, w2t_ref, b2_ref, out_ref):
    x = jnp.dot(w1t_ref[...], embT_ref[...],
                preferred_element_type=jnp.float32)
    x = jnp.maximum(x + b1_ref[...], 0.0)
    out_ref[...] = jnp.sum(x * w2t_ref[...], axis=0, keepdims=True) + b2_ref[...]


def _tc_mlp_t(embT, W1T, b1, W2T, b2):
    d, b_total = embT.shape
    h = W1T.shape[0]
    blk = 2048
    grid = (b_total // blk,)
    return pl.pallas_call(
        _mlp_body,
        grid=grid,
        in_specs=[
            pl.BlockSpec((d, blk), lambda i: (0, i)),
            pl.BlockSpec((h, d), lambda i: (0, 0)),
            pl.BlockSpec((h, 1), lambda i: (0, 0)),
            pl.BlockSpec((h, 1), lambda i: (0, 0)),
            pl.BlockSpec((1, 1), lambda i: (0, 0)),
        ],
        out_specs=pl.BlockSpec((1, blk), lambda i: (0, i)),
        out_shape=jax.ShapeDtypeStruct((1, b_total), jnp.float32),
    )(embT, W1T, b1.reshape(h, 1), W2T.reshape(h, 1), b2.reshape(1, 1))


def kernel(states, emb_table, W1, b1, W2, b2):
    b_total = states.shape[0]
    d = emb_table.shape[1]
    idx1d = states.reshape(b_total)
    tableT = emb_table.T

    iota = lax.iota(jnp.int32, b_total)
    idx_sorted, pos_sorted = lax.sort_key_val(idx1d, iota)
    bnd = jnp.minimum(jnp.arange(_NW + 1) * (_PER_T * _CW), _V).astype(
        jnp.int32).at[_NW].set(_V)
    st = jnp.searchsorted(idx_sorted, bnd, side="left").astype(jnp.int32)
    rng_w = jnp.pad(jnp.stack([st[:-1], st[1:]], axis=1), ((0, 0), (0, 14)))

    flat = _sc_stream_extract(tableT, idx_sorted, pos_sorted, rng_w)
    emb = flat[: b_total * d].reshape(b_total, d)
    valT = _tc_mlp_t(emb.T, W1.T, b1, W2.reshape(-1), b2)
    return (emb, valT.T)

# --- scband reference (transcript-rebuilt; emitter-appended) ---
"""Pipeline reference for scband-ac-value-net-17042430230643 (READ-ONLY COPY).

The authoritative reference and input builder live on the scoring server;
editing this copy changes nothing except your own understanding.
"""

import jax, jax.numpy as jnp
import numpy as np

STATE_NUM = 1000000
DIM = 64
HIDDEN = 16
B = 16384


def setup_inputs(seed: int = 0) -> dict:
    key = jax.random.key(seed)
    k1, k2, k3, k4, k5, k6 = jax.random.split(key, 6)
    states = jax.random.randint(k1, (B, 1), 0, STATE_NUM, dtype=jnp.int32)
    emb_table = jax.random.normal(k2, (STATE_NUM, DIM), dtype=jnp.float32)
    W1 = jax.random.normal(k3, (DIM, HIDDEN), dtype=jnp.float32) / np.sqrt(DIM)
    b1 = jax.random.normal(k4, (HIDDEN,), dtype=jnp.float32) * 0.01
    W2 = jax.random.normal(k5, (HIDDEN, 1), dtype=jnp.float32) / np.sqrt(HIDDEN)
    b2 = jax.random.normal(k6, (1,), dtype=jnp.float32) * 0.01
    return {"states": states, "emb_table": emb_table, "W1": W1, "b1": b1, "W2": W2, "b2": b2}


def reference(states, emb_table, W1, b1, W2, b2):
    # nn.Embedding lookup: [B, 1, DIM] then squeeze(1) -> [B, DIM]
    emb = jnp.take(emb_table, states[:, 0], axis=0)
    # linear1 + relu
    x = jnp.maximum(emb @ W1 + b1, 0.0)
    # linear2 -> state values
    states_value = x @ W2 + b2
    return (emb, states_value)

if __name__ == "__main__":
    import jax
    _d = setup_inputs()
    print(jax.jit(kernel)(*tuple(_d.values())))

</pallas_src>

<mosaic_0001>
#map = affine_map<(d0, d1) -> (0, 0)>
#map1 = affine_map<(d0, d1) -> (0)>
module attributes {stable_mosaic.version = 14 : i64} {
  func.func @k(%arg0: i32, %arg1: i32, %arg2: memref<64x1000000xf32, #tpu.memory_space<hbm>>, %arg3: memref<16384xi32, #tpu.memory_space<hbm>>, %arg4: memref<16384xi32, #tpu.memory_space<hbm>>, %arg5: memref<32x16xi32, #tpu.memory_space<hbm>>, %arg6: memref<1050624xf32, #tpu.memory_space<hbm>>, %arg7: memref<16384xi32, #tpu.memory_space<vmem>>, %arg8: memref<16384xi32, #tpu.memory_space<vmem>>, %arg9: memref<2x64x512xf32, #tpu.memory_space<vmem>>, %arg10: memref<2x1024xf32, #tpu.memory_space<vmem>>, %arg11: memref<16xi32, #tpu.memory_space<vmem>>, %arg12: memref<!tpu.dma_semaphore, #tpu.memory_space<semaphore_mem>>, %arg13: memref<!tpu.dma_semaphore, #tpu.memory_space<semaphore_mem>>) attributes {dimension_semantics = [#tpu.dimension_semantics<core_parallel>, #tpu.dimension_semantics<subcore_parallel>], iteration_bounds = array<i64: 2, 16>, scalar_prefetch = 0 : i64, scratch_operands = 7 : i64, tpu.core_type = #tpu.core_type<sc_vector_subcore>, window_params = [{transform_indices = #map}, {transform_indices = #map1}, {transform_indices = #map1}, {transform_indices = #map}, {transform_indices = #map1}]} {
    "tpu.region"() ({
      %run_scoped3A = tpu.sem_alloc : memref<!tpu.dma_semaphore, #tpu.memory_space<semaphore_mem>>
      tpu.enqueue_dma source(%arg3 : memref<16384xi32, #tpu.memory_space<hbm>>) target(%arg7 : memref<16384xi32, #tpu.memory_space<vmem>>) target_semaphore(%run_scoped3A : memref<!tpu.dma_semaphore, #tpu.memory_space<semaphore_mem>>)
      tpu.wait_dma2 semaphore(%run_scoped3A : memref<!tpu.dma_semaphore, #tpu.memory_space<semaphore_mem>>) src(%arg3 : memref<16384xi32, #tpu.memory_space<hbm>>) dst(%arg7 : memref<16384xi32, #tpu.memory_space<vmem>>)
      tpu.yield
    }) : () -> ()
    "tpu.region"() ({
      %run_scoped3A = tpu.sem_alloc : memref<!tpu.dma_semaphore, #tpu.memory_space<semaphore_mem>>
      tpu.enqueue_dma source(%arg4 : memref<16384xi32, #tpu.memory_space<hbm>>) target(%arg8 : memref<16384xi32, #tpu.memory_space<vmem>>) target_semaphore(%run_scoped3A : memref<!tpu.dma_semaphore, #tpu.memory_space<semaphore_mem>>)
      tpu.wait_dma2 semaphore(%run_scoped3A : memref<!tpu.dma_semaphore, #tpu.memory_space<semaphore_mem>>) src(%arg4 : memref<16384xi32, #tpu.memory_space<hbm>>) dst(%arg8 : memref<16384xi32, #tpu.memory_space<vmem>>)
      tpu.yield
    }) : () -> ()
    %mul3A = arith.constant 2 : i32
    %mul3A_0 = arith.muli %arg1, %mul3A : i32
    %add3A = arith.addi %mul3A_0, %arg0 : i32
    "tpu.region"() ({
      %run_scoped3A = tpu.sem_alloc : memref<!tpu.dma_semaphore, #tpu.memory_space<semaphore_mem>>
      %dma_start3A = arith.constant 0 : i32
      %dma_start3A_82 = tpu.memref_slice %arg5[%add3A, %dma_start3A] : memref<32x16xi32, #tpu.memory_space<hbm>> -> memref<1x16xi32, #tpu.memory_space<hbm>>
      %dma_start3A_83 = tpu.memref_squeeze %dma_start3A_82 : memref<1x16xi32, #tpu.memory_space<hbm>> -> memref<16xi32, #tpu.memory_space<hbm>>
      %dma_start3A_84 = arith.constant 0 : i32
      %dma_start3A_85 = tpu.memref_slice %arg5[%add3A, %dma_start3A_84] : memref<32x16xi32, #tpu.memory_space<hbm>> -> memref<1x16xi32, #tpu.memory_space<hbm>>
      %dma_start3A_86 = tpu.memref_squeeze %dma_start3A_85 : memref<1x16xi32, #tpu.memory_space<hbm>> -> memref<16xi32, #tpu.memory_space<hbm>>
      tpu.enqueue_dma source(%dma_start3A_86 : memref<16xi32, #tpu.memory_space<hbm>>) target(%arg11 : memref<16xi32, #tpu.memory_space<vmem>>) target_semaphore(%run_scoped3A : memref<!tpu.dma_semaphore, #tpu.memory_space<semaphore_mem>>)
      %dma_wait3A = arith.constant 0 : i32
      %dma_wait3A_87 = tpu.memref_slice %arg5[%add3A, %dma_wait3A] : memref<32x16xi32, #tpu.memory_space<hbm>> -> memref<1x16xi32, #tpu.memory_space<hbm>>
      %dma_wait3A_88 = tpu.memref_squeeze %dma_wait3A_87 : memref<1x16xi32, #tpu.memory_space<hbm>> -> memref<16xi32, #tpu.memory_space<hbm>>
      %dma_wait3A_89 = arith.constant 0 : i32
      %dma_wait3A_90 = tpu.memref_slice %arg5[%add3A, %dma_wait3A_89] : memref<32x16xi32, #tpu.memory_space<hbm>> -> memref<1x16xi32, #tpu.memory_space<hbm>>
      %dma_wait3A_91 = tpu.memref_squeeze %dma_wait3A_90 : memref<1x16xi32, #tpu.memory_space<hbm>> -> memref<16xi32, #tpu.memory_space<hbm>>
      tpu.wait_dma2 semaphore(%run_scoped3A : memref<!tpu.dma_semaphore, #tpu.memory_space<semaphore_mem>>) src(%dma_wait3A_91 : memref<16xi32, #tpu.memory_space<hbm>>) dst(%arg11 : memref<16xi32, #tpu.memory_space<vmem>>)
      tpu.yield
    }) : () -> ()
    %get3A = arith.constant 0 : index
    %get3A_1 = tpu.vector_load %arg11[%get3A] {strides = array<i32>} : memref<16xi32, #tpu.memory_space<vmem>>, vector<16xi32>,
    %slice3A = vector.extract_strided_slice %get3A_1 {offsets = [0], sizes = [1], strides = [1]} : vector<16xi32> to vector<1xi32>
    %squeeze3A = vector.extract %slice3A[0] : i32 from vector<1xi32>
    %slice3A_2 = vector.extract_strided_slice %get3A_1 {offsets = [1], sizes = [1], strides = [1]} : vector<16xi32> to vector<1xi32>
    %squeeze3A_3 = vector.extract %slice3A_2[0] : i32 from vector<1xi32>
    %iota3A = tpu.iota {dimensions = array<i32: 0>} : vector<16xi32>
    %add3A_4 = arith.constant 0 : i32
    %add3A_5 = vector.broadcast %add3A_4 : i32 to vector<16xi32>
    %add3A_6 = arith.addi %iota3A, %add3A_5 : vector<16xi32>
    %iota3A_7 = tpu.iota {dimensions = array<i32: 0>} : vector<16xi32>
    %add3A_8 = arith.constant 16 : i32
    %add3A_9 = vector.broadcast %add3A_8 : i32 to vector<16xi32>
    %add3A_10 = arith.addi %iota3A_7, %add3A_9 : vector<16xi32>
    %iota3A_11 = tpu.iota {dimensions = array<i32: 0>} : vector<16xi32>
    %add3A_12 = arith.constant 32 : i32
    %add3A_13 = vector.broadcast %add3A_12 : i32 to vector<16xi32>
    %add3A_14 = arith.addi %iota3A_11, %add3A_13 : vector<16xi32>
    %iota3A_15 = tpu.iota {dimensions = array<i32: 0>} : vector<16xi32>
    %add3A_16 = arith.constant 48 : i32
    %add3A_17 = vector.broadcast %add3A_16 : i32 to vector<16xi32>
    %add3A_18 = arith.addi %iota3A_15, %add3A_17 : vector<16xi32>
    %jit3A = arith.constant 16 : i32
    %div3A = arith.divsi %squeeze3A, %jit3A : i32
    %sign3A = arith.constant 0 : i32
    %sign3A_19 = arith.cmpi sgt, %squeeze3A, %sign3A : i32
    %sign3A_20 = arith.extui %sign3A_19 : i1 to i32
    %sign3A_21 = arith.constant 0 : i32
    %sign3A_22 = arith.cmpi slt, %squeeze3A, %sign3A_21 : i32
    %sign3A_23 = arith.extui %sign3A_22 : i1 to i32
    %sign3A_24 = arith.subi %sign3A_20, %sign3A_23 : i32
    %sign3A_25 = arith.constant 0 : i32
    %sign3A_26 = arith.cmpi sgt, %jit3A, %sign3A_25 : i32
    %sign3A_27 = arith.extui %sign3A_26 : i1 to i32
    %sign3A_28 = arith.constant 0 : i32
    %sign3A_29 = arith.cmpi slt, %jit3A, %sign3A_28 : i32
    %sign3A_30 = arith.extui %sign3A_29 : i1 to i32
    %sign3A_31 = arith.subi %sign3A_27, %sign3A_30 : i32
    %ne3A = arith.cmpi ne, %sign3A_24, %sign3A_31 : i32
    %rem3A = arith.remsi %squeeze3A, %jit3A : i32
    %ne3A_32 = arith.constant 0 : i32
    %ne3A_33 = arith.cmpi ne, %rem3A, %ne3A_32 : i32
    %and3A = arith.andi %ne3A, %ne3A_33 : i1
    %sub3A = arith.constant 1 : i32
    %sub3A_34 = arith.subi %div3A, %sub3A : i32
    %select_n3A = arith.select %and3A, %sub3A_34, %div3A : i32
    %add3A_35 = arith.constant 15 : i32
    %add3A_36 = arith.addi %squeeze3A_3, %add3A_35 : i32
    %jit3A_37 = arith.constant 16 : i32
    %div3A_38 = arith.divsi %add3A_36, %jit3A_37 : i32
    %sign3A_39 = arith.constant 0 : i32
    %sign3A_40 = arith.cmpi sgt, %add3A_36, %sign3A_39 : i32
    %sign3A_41 = arith.extui %sign3A_40 : i1 to i32
    %sign3A_42 = arith.constant 0 : i32
    %sign3A_43 = arith.cmpi slt, %add3A_36, %sign3A_42 : i32
    %sign3A_44 = arith.extui %sign3A_43 : i1 to i32
    %sign3A_45 = arith.subi %sign3A_41, %sign3A_44 : i32
    %sign3A_46 = arith.constant 0 : i32
    %sign3A_47 = arith.cmpi sgt, %jit3A_37, %sign3A_46 : i32
    %sign3A_48 = arith.extui %sign3A_47 : i1 to i32
    %sign3A_49 = arith.constant 0 : i32
    %sign3A_50 = arith.cmpi slt, %jit3A_37, %sign3A_49 : i32
    %sign3A_51 = arith.extui %sign3A_50 : i1 to i32
    %sign3A_52 = arith.subi %sign3A_48, %sign3A_51 : i32
    %ne3A_53 = arith.cmpi ne, %sign3A_45, %sign3A_52 : i32
    %rem3A_54 = arith.remsi %add3A_36, %jit3A_37 : i32
    %ne3A_55 = arith.constant 0 : i32
    %ne3A_56 = arith.cmpi ne, %rem3A_54, %ne3A_55 : i32
    %and3A_57 = arith.andi %ne3A_53, %ne3A_56 : i1
    %sub3A_58 = arith.constant 1 : i32
    %sub3A_59 = arith.subi %div3A_38, %sub3A_58 : i32
    %select_n3A_60 = arith.select %and3A_57, %sub3A_59, %div3A_38 : i32
    %while3A = arith.constant -1 : i32
    %while3A_61 = arith.constant 0 : i32
    %while3A_62 = arith.constant 0 : i32
    %while3A_63 = arith.constant 0 : i32
    %while3A_64 = arith.constant 0 : i32
    %while3A_65 = arith.subi %select_n3A_60, %select_n3A : i32
    %while3A_66 = arith.addi %select_n3A, %while3A_65 : i32
    %while3A_67 = arith.constant 1 : i32
    %while3A_68 = arith.divsi %while3A_65, %while3A_67 : i32
    %while3A_69 = arith.muli %while3A_68, %while3A_67 : i32
    %while3A_70 = arith.addi %select_n3A, %while3A_69 : i32
    %while3A_71 = arith.constant 1 : i32
    %while3A_72:5 = scf.for %while3A_82 = %select_n3A to %while3A_70 step %while3A_71 iter_args(%while3A_83 = %while3A, %while3A_84 = %while3A_61, %while3A_85 = %while3A_62, %while3A_86 = %while3A_63, %while3A_87 = %while3A_64) -> (i32, i32, i32, i32, i32)  : i32 {
      %mul3A_88 = arith.constant 16 : i32
      %mul3A_89 = arith.muli %while3A_82, %mul3A_88 : i32
      %get3A_90 = arith.index_cast %mul3A_89 : i32 to index
      %get3A_91 = tpu.vector_load %arg7[%get3A_90] {strides = array<i32>} : memref<16384xi32, #tpu.memory_space<vmem>>, vector<16xi32>,
      %mul3A_92 = arith.constant 16 : i32
      %mul3A_93 = arith.muli %while3A_82, %mul3A_92 : i32
      %get3A_94 = arith.index_cast %mul3A_93 : i32 to index
      %get3A_95 = tpu.vector_load %arg8[%get3A_94] {strides = array<i32>} : memref<16384xi32, #tpu.memory_space<vmem>>, vector<16xi32>,
      %mul3A_96 = arith.constant 16 : i32
      %mul3A_97 = arith.muli %while3A_82, %mul3A_96 : i32
      %iota3A_98 = tpu.iota {dimensions = array<i32: 0>} : vector<16xi32>
      %add3A_99 = vector.broadcast %mul3A_97 : i32 to vector<16xi32>
      %add3A_100 = arith.addi %add3A_99, %iota3A_98 : vector<16xi32>
      %ge3A = vector.broadcast %squeeze3A : i32 to vector<16xi32>
      %ge3A_101 = arith.cmpi sge, %add3A_100, %ge3A : vector<16xi32>
      %lt3A = vector.broadcast %squeeze3A_3 : i32 to vector<16xi32>
      %lt3A_102 = arith.cmpi slt, %add3A_100, %lt3A : vector<16xi32>
      %and3A_103 = arith.andi %ge3A_101, %lt3A_102 : vector<16xi1>
      %jit3A_104 = arith.constant 512 : i32
      %div3A_105 = vector.broadcast %jit3A_104 : i32 to vector<16xi32>
      %div3A_106 = arith.divsi %get3A_91, %div3A_105 : vector<16xi32>
      %sign3A_107 = arith.constant 0 : i32
      %sign3A_108 = vector.broadcast %sign3A_107 : i32 to vector<16xi32>
      %sign3A_109 = arith.cmpi sgt, %get3A_91, %sign3A_108 : vector<16xi32>
      %sign3A_110 = arith.extui %sign3A_109 : vector<16xi1> to vector<16xi32>
      %sign3A_111 = arith.constant 0 : i32
      %sign3A_112 = vector.broadcast %sign3A_111 : i32 to vector<16xi32>
      %sign3A_113 = arith.cmpi slt, %get3A_91, %sign3A_112 : vector<16xi32>
      %sign3A_114 = arith.extui %sign3A_113 : vector<16xi1> to vector<16xi32>
      %sign3A_115 = arith.subi %sign3A_110, %sign3A_114 : vector<16xi32>
      %sign3A_116 = arith.constant 0 : i32
      %sign3A_117 = arith.cmpi sgt, %jit3A_104, %sign3A_116 : i32
      %sign3A_118 = arith.extui %sign3A_117 : i1 to i32
      %sign3A_119 = arith.constant 0 : i32
      %sign3A_120 = arith.cmpi slt, %jit3A_104, %sign3A_119 : i32
      %sign3A_121 = arith.extui %sign3A_120 : i1 to i32
      %sign3A_122 = arith.subi %sign3A_118, %sign3A_121 : i32
      %ne3A_123 = vector.broadcast %sign3A_122 : i32 to vector<16xi32>
      %ne3A_124 = arith.cmpi ne, %sign3A_115, %ne3A_123 : vector<16xi32>
      %rem3A_125 = vector.broadcast %jit3A_104 : i32 to vector<16xi32>
      %rem3A_126 = arith.remsi %get3A_91, %rem3A_125 : vector<16xi32>
      %ne3A_127 = arith.constant 0 : i32
      %ne3A_128 = vector.broadcast %ne3A_127 : i32 to vector<16xi32>
      %ne3A_129 = arith.cmpi ne, %rem3A_126, %ne3A_128 : vector<16xi32>
      %and3A_130 = arith.andi %ne3A_124, %ne3A_129 : vector<16xi1>
      %sub3A_131 = arith.constant 1 : i32
      %sub3A_132 = vector.broadcast %sub3A_131 : i32 to vector<16xi32>
      %sub3A_133 = arith.subi %div3A_106, %sub3A_132 : vector<16xi32>
      %select_n3A_134 = arith.select %and3A_130, %sub3A_133, %div3A_106 : vector<16xi1>, vector<16xi32>
      %jit3A_135 = arith.constant -1 : i32
      %broadcast_in_dim3A = vector.broadcast %jit3A_135 : i32 to vector<16xi32>
      %select_n3A_136 = arith.select %and3A_103, %select_n3A_134, %broadcast_in_dim3A : vector<16xi1>, vector<16xi32>
      %eq3A_137 = vector.broadcast %while3A_83 : i32 to vector<16xi32>
      %eq3A_138 = arith.cmpi eq, %select_n3A_136, %eq3A_137 : vector<16xi32>
      %and3A_139 = arith.andi %and3A_103, %eq3A_138 : vector<16xi1>
      %add3A_140 = arith.constant 16384 : i32
      %add3A_141 = arith.addi %add3A_140, %add3A : i32
      %broadcast_in_dim3A_142 = vector.broadcast %add3A_141 : i32 to vector<16xi32>
      %select_n3A_143 = arith.select %and3A_139, %get3A_95, %broadcast_in_dim3A_142 : vector<16xi1>, vector<16xi32>
      %reduce_or3A = arith.constant 1.000000e+00 : f32
      %reduce_or3A_144 = arith.constant 0.000000e+00 : f32
      %reduce_or3A_145 = vector.broadcast %reduce_or3A : f32 to vector<16xf32>
      %reduce_or3A_146 = vector.broadcast %reduce_or3A_144 : f32 to vector<16xf32>
      %reduce_or3A_147 = arith.select %and3A_139, %reduce_or3A_145, %reduce_or3A_146 : vector<16xi1>, vector<16xf32>
      %reduce_or3A_148 = arith.constant true
      %reduce_or3A_149 = vector.broadcast %reduce_or3A_148 : i1 to vector<16xi1>
      %reduce_or3A_150 = tpu.scan <max>, %reduce_or3A_147 masked %reduce_or3A_149 : vector<16xf32>, vector<16xi1> -> vector<16xf32>
      %reduce_or3A_151 = vector.extract %reduce_or3A_150[15] : f32 from vector<16xf32>
      %reduce_or3A_152 = arith.constant 0.000000e+00 : f32
      %reduce_or3A_153 = arith.cmpf ogt, %reduce_or3A_151, %reduce_or3A_152 : f32
      %convert_element_type3A_154 = arith.extui %reduce_or3A_153 : i1 to i32
      %cond3A_155 = arith.constant 0 : i32
      %cond3A_156 = arith.cmpi ne, %convert_element_type3A_154, %cond3A_155 : i32
      scf.if %cond3A_156 {
        %eq3A_170 = arith.constant 1 : i32
        %eq3A_171 = arith.cmpi eq, %while3A_87, %eq3A_170 : i32
        %convert_element_type3A_172 = arith.extui %eq3A_171 : i1 to i32
        %cond3A_173 = arith.constant 0 : i32
        %cond3A_174 = arith.cmpi ne, %convert_element_type3A_172, %cond3A_173 : i32
        scf.if %cond3A_174 {
          %dma_wait3A = arith.constant 0 : i32
          %dma_wait3A_947 = arith.constant 0 : i32
          %dma_wait3A_948 = tpu.memref_slice %arg10[%dma_wait3A, %dma_wait3A_947] : memref<2x1024xf32, #tpu.memory_space<vmem>> -> memref<1x1024xf32, #tpu.memory_space<vmem>>
          %dma_wait3A_949 = tpu.memref_squeeze %dma_wait3A_948 : memref<1x1024xf32, #tpu.memory_space<vmem>> -> memref<1024xf32, #tpu.memory_space<vmem>>
          %dma_wait3A_950 = arith.constant 0 : i32
          %dma_wait3A_951 = tpu.memref_slice %arg6[%dma_wait3A_950] : memref<1050624xf32, #tpu.memory_space<hbm>> -> memref<1024xf32, #tpu.memory_space<hbm>>
          %dma_wait3A_952 = arith.constant 0 : i32
          %dma_wait3A_953 = tpu.memref_slice %arg10[%dma_wait3A, %dma_wait3A_952] : memref<2x1024xf32, #tpu.memory_space<vmem>> -> memref<1x1024xf32, #tpu.memory_space<vmem>>
          %dma_wait3A_954 = tpu.memref_squeeze %dma_wait3A_953 : memref<1x1024xf32, #tpu.memory_space<vmem>> -> memref<1024xf32, #tpu.memory_space<vmem>>
          %dma_wait3A_955 = arith.constant 0 : i32
          %dma_wait3A_956 = tpu.memref_slice %arg6[%dma_wait3A_955] : memref<1050624xf32, #tpu.memory_space<hbm>> -> memref<1024xf32, #tpu.memory_space<hbm>>
          tpu.wait_dma2 semaphore(%arg12 : memref<!tpu.dma_semaphore, #tpu.memory_space<semaphore_mem>>) src(%dma_wait3A_956 : memref<1024xf32, #tpu.memory_space<hbm>>) dst(%dma_wait3A_954 : memref<1024xf32, #tpu.memory_space<vmem>>)
        } else {
        }
        %mul3A_175 = arith.constant 512 : i32
        %mul3A_176 = arith.muli %while3A_83, %mul3A_175 : i32
        %sub3A_177 = vector.broadcast %mul3A_176 : i32 to vector<16xi32>
        %sub3A_178 = arith.subi %get3A_91, %sub3A_177 : vector<16xi32>
        %jit3A_179 = arith.constant 0 : i32
        %jit3A_180 = arith.constant 511 : i32
        %max3A = vector.broadcast %jit3A_179 : i32 to vector<16xi32>
        %max3A_181 = arith.maxsi %max3A, %sub3A_178 : vector<16xi32>
        %min3A = vector.broadcast %jit3A_180 : i32 to vector<16xi32>
        %min3A_182 = arith.minsi %min3A, %max3A_181 : vector<16xi32>
        %slice3A_183 = vector.extract_strided_slice %min3A_182 {offsets = [0], sizes = [1], strides = [1]} : vector<16xi32> to vector<1xi32>
        %squeeze3A_184 = vector.extract %slice3A_183[0] : i32 from vector<1xi32>
        %broadcast_in_dim3A_185 = vector.broadcast %squeeze3A_184 : i32 to vector<16xi32>
        %gather3A = arith.constant 0 : i32
        %gather3A_186 = arith.constant 0 : i32
        %gather3A_187 = tpu.memref_slice %arg9[%while3A_84, %gather3A, %gather3A_186] : memref<2x64x512xf32, #tpu.memory_space<vmem>> -> memref<1x64x512xf32, #tpu.memory_space<vmem>>
        %gather3A_188 = tpu.memref_squeeze %gather3A_187 : memref<1x64x512xf32, #tpu.memory_space<vmem>> -> memref<64x512xf32, #tpu.memory_space<vmem>>
        %gather3A_189 = tpu.vector_load_idx %gather3A_188[%add3A_6, %broadcast_in_dim3A_185] : memref<64x512xf32, #tpu.memory_space<vmem>>[vector<16xi32>, vector<16xi32>], vector<16xf32>,
        %swap3A = arith.index_cast %while3A_86 : i32 to index
        %swap3A_190 = arith.constant 0 : index
        %swap3A_191 = tpu.vector_load %arg10[%swap3A, %swap3A_190] {strides = array<i32>} : memref<2x1024xf32, #tpu.memory_space<vmem>>, vector<16xf32>,
        tpu.vector_store %arg10[%swap3A, %swap3A_190], %gather3A_189 {strides = array<i32>} : memref<2x1024xf32, #tpu.memory_space<vmem>>, vector<16xf32>,
        %gather3A_192 = arith.constant 0 : i32
        %gather3A_193 = arith.constant 0 : i32
        %gather3A_194 = tpu.memref_slice %arg9[%while3A_84, %gather3A_192, %gather3A_193] : memref<2x64x512xf32, #tpu.memory_space<vmem>> -> memref<1x64x512xf32, #tpu.memory_space<vmem>>
        %gather3A_195 = tpu.memref_squeeze %gather3A_194 : memref<1x64x512xf32, #tpu.memory_space<vmem>> -> memref<64x512xf32, #tpu.memory_space<vmem>>
        %gather3A_196 = tpu.vector_load_idx %gather3A_195[%add3A_10, %broadcast_in_dim3A_185] : memref<64x512xf32, #tpu.memory_space<vmem>>[vector<16xi32>, vector<16xi32>], vector<16xf32>,
        %swap3A_197 = arith.index_cast %while3A_86 : i32 to index
        %swap3A_198 = arith.constant 16 : index
        %swap3A_199 = tpu.vector_load %arg10[%swap3A_197, %swap3A_198] {strides = array<i32>} : memref<2x1024xf32, #tpu.memory_space<vmem>>, vector<16xf32>,
        tpu.vector_store %arg10[%swap3A_197, %swap3A_198], %gather3A_196 {strides = array<i32>} : memref<2x1024xf32, #tpu.memory_space<vmem>>, vector<16xf32>,
        %gather3A_200 = arith.constant 0 : i32
        %gather3A_201 = arith.constant 0 : i32
        %gather3A_202 = tpu.memref_slice %arg9[%while3A_84, %gather3A_200, %gather3A_201] : memref<2x64x512xf32, #tpu.memory_space<vmem>> -> memref<1x64x512xf32, #tpu.memory_space<vmem>>
        %gather3A_203 = tpu.memref_squeeze %gather3A_202 : memref<1x64x512xf32, #tpu.memory_space<vmem>> -> memref<64x512xf32, #tpu.memory_space<vmem>>
        %gather3A_204 = tpu.vector_load_idx %gather3A_203[%add3A_14, %broadcast_in_dim3A_185] : memref<64x512xf32, #tpu.memory_space<vmem>>[vector<16xi32>, vector<16xi32>], vector<16xf32>,
        %swap3A_205 = arith.index_cast %while3A_86 : i32 to index
        %swap3A_206 = arith.constant 32 : index
        %swap3A_207 = tpu.vector_load %arg10[%swap3A_205, %swap3A_206] {strides = array<i32>} : memref<2x1024xf32, #tpu.memory_space<vmem>>, vector<16xf32>,
        tpu.vector_store %arg10[%swap3A_205, %swap3A_206], %gather3A_204 {strides = array<i32>} : memref<2x1024xf32, #tpu.memory_space<vmem>>, vector<16xf32>,
        %gather3A_208 = arith.constant 0 : i32
        %gather3A_209 = arith.constant 0 : i32
        %gather3A_210 = tpu.memref_slice %arg9[%while3A_84, %gather3A_208, %gather3A_209] : memref<2x64x512xf32, #tpu.memory_space<vmem>> -> memref<1x64x512xf32, #tpu.memory_space<vmem>>
        %gather3A_211 = tpu.memref_squeeze %gather3A_210 : memref<1x64x512xf32, #tpu.memory_space<vmem>> -> memref<64x512xf32, #tpu.memory_space<vmem>>
        %gather3A_212 = tpu.vector_load_idx %gather3A_211[%add3A_18, %broadcast_in_dim3A_185] : memref<64x512xf32, #tpu.memory_space<vmem>>[vector<16xi32>, vector<16xi32>], vector<16xf32>,
        %swap3A_213 = arith.index_cast %while3A_86 : i32 to index
        %swap3A_214 = arith.constant 48 : index
        %swap3A_215 = tpu.vector_load %arg10[%swap3A_213, %swap3A_214] {strides = array<i32>} : memref<2x1024xf32, #tpu.memory_space<vmem>>, vector<16xf32>,
        tpu.vector_store %arg10[%swap3A_213, %swap3A_214], %gather3A_212 {strides = array<i32>} : memref<2x1024xf32, #tpu.memory_space<vmem>>, vector<16xf32>,
        %slice3A_216 = vector.extract_strided_slice %select_n3A_143 {offsets = [0], sizes = [1], strides = [1]} : vector<16xi32> to vector<1xi32>
        %squeeze3A_217 = vector.extract %slice3A_216[0] : i32 from vector<1xi32>
        %mul3A_218 = arith.constant 64 : i32
        %mul3A_219 = arith.muli %squeeze3A_217, %mul3A_218 : i32
        %multiple_of3A = tpu.assume_multiple %mul3A_219, 64 : i32
        %dma_start3A = arith.constant 0 : i32
        %dma_start3A_220 = tpu.memref_slice %arg10[%while3A_86, %dma_start3A] : memref<2x1024xf32, #tpu.memory_space<vmem>> -> memref<1x64xf32, #tpu.memory_space<vmem>>
        %dma_start3A_221 = tpu.memref_squeeze %dma_start3A_220 : memref<1x64xf32, #tpu.memory_space<vmem>> -> memref<64xf32, #tpu.memory_space<vmem>>
        %dma_start3A_222 = tpu.memref_slice %arg6[%multiple_of3A] : memref<1050624xf32, #tpu.memory_space<hbm>> -> memref<64xf32, #tpu.memory_space<hbm>>
        %dma_start3A_223 = tpu.memref_slice %arg6[%multiple_of3A] : memref<1050624xf32, #tpu.memory_space<hbm>> -> memref<64xf32, #tpu.memory_space<hbm>>
        %dma_start3A_224 = arith.constant 0 : i32
        %dma_start3A_225 = tpu.memref_slice %arg10[%while3A_86, %dma_start3A_224] : memref<2x1024xf32, #tpu.memory_space<vmem>> -> memref<1x64xf32, #tpu.memory_space<vmem>>
        %dma_start3A_226 = tpu.memref_squeeze %dma_start3A_225 : memref<1x64xf32, #tpu.memory_space<vmem>> -> memref<64xf32, #tpu.memory_space<vmem>>
        tpu.enqueue_dma source(%dma_start3A_226 : memref<64xf32, #tpu.memory_space<vmem>>) target(%dma_start3A_223 : memref<64xf32, #tpu.memory_space<hbm>>) target_semaphore(%arg12 : memref<!tpu.dma_semaphore, #tpu.memory_space<semaphore_mem>>)
        %slice3A_227 = vector.extract_strided_slice %min3A_182 {offsets = [1], sizes = [1], strides = [1]} : vector<16xi32> to vector<1xi32>
        %squeeze3A_228 = vector.extract %slice3A_227[0] : i32 from vector<1xi32>
        %broadcast_in_dim3A_229 = vector.broadcast %squeeze3A_228 : i32 to vector<16xi32>
        %gather3A_230 = arith.constant 0 : i32
        %gather3A_231 = arith.constant 0 : i32
        %gather3A_232 = tpu.memref_slice %arg9[%while3A_84, %gather3A_230, %gather3A_231] : memref<2x64x512xf32, #tpu.memory_space<vmem>> -> memref<1x64x512xf32, #tpu.memory_space<vmem>>
        %gather3A_233 = tpu.memref_squeeze %gather3A_232 : memref<1x64x512xf32, #tpu.memory_space<vmem>> -> memref<64x512xf32, #tpu.memory_space<vmem>>
        %gather3A_234 = tpu.vector_load_idx %gather3A_233[%add3A_6, %broadcast_in_dim3A_229] : memref<64x512xf32, #tpu.memory_space<vmem>>[vector<16xi32>, vector<16xi32>], vector<16xf32>,
        %swap3A_235 = arith.index_cast %while3A_86 : i32 to index
        %swap3A_236 = arith.constant 64 : index
        %swap3A_237 = tpu.vector_load %arg10[%swap3A_235, %swap3A_236] {strides = array<i32>} : memref<2x1024xf32, #tpu.memory_space<vmem>>, vector<16xf32>,
        tpu.vector_store %arg10[%swap3A_235, %swap3A_236], %gather3A_234 {strides = array<i32>} : memref<2x1024xf32, #tpu.memory_space<vmem>>, vector<16xf32>,
        %gather3A_238 = arith.constant 0 : i32
        %gather3A_239 = arith.constant 0 : i32
        %gather3A_240 = tpu.memref_slice %arg9[%while3A_84, %gather3A_238, %gather3A_239] : memref<2x64x512xf32, #tpu.memory_space<vmem>> -> memref<1x64x512xf32, #tpu.memory_space<vmem>>
        %gather3A_241 = tpu.memref_squeeze %gather3A_240 : memref<1x64x512xf32, #tpu.memory_space<vmem>> -> memref<64x512xf32, #tpu.memory_space<vmem>>
        %gather3A_242 = tpu.vector_load_idx %gather3A_241[%add3A_10, %broadcast_in_dim3A_229] : memref<64x512xf32, #tpu.memory_space<vmem>>[vector<16xi32>, vector<16xi32>], vector<16xf32>,
        %swap3A_243 = arith.index_cast %while3A_86 : i32 to index
        %swap3A_244 = arith.constant 80 : index
        %swap3A_245 = tpu.vector_load %arg10[%swap3A_243, %swap3A_244] {strides = array<i32>} : memref<2x1024xf32, #tpu.memory_space<vmem>>, vector<16xf32>,
        tpu.vector_store %arg10[%swap3A_243, %swap3A_244], %gather3A_242 {strides = array<i32>} : memref<2x1024xf32, #tpu.memory_space<vmem>>, vector<16xf32>,
        %gather3A_246 = arith.constant 0 : i32
        %gather3A_247 = arith.constant 0 : i32
        %gather3A_248 = tpu.memref_slice %arg9[%while3A_84, %gather3A_246, %gather3A_247] : memref<2x64x512xf32, #tpu.memory_space<vmem>> -> memref<1x64x512xf32, #tpu.memory_space<vmem>>
        %gather3A_249 = tpu.memref_squeeze %gather3A_248 : memref<1x64x512xf32, #tpu.memory_space<vmem>> -> memref<64x512xf32, #tpu.memory_space<vmem>>
        %gather3A_250 = tpu.vector_load_idx %gather3A_249[%add3A_14, %broadcast_in_dim3A_229] : memref<64x512xf32, #tpu.memory_space<vmem>>[vector<16xi32>, vector<16xi32>], vector<16xf32>,
        %swap3A_251 = arith.index_cast %while3A_86 : i32 to index
        %swap3A_252 = arith.constant 96 : index
        %swap3A_253 = tpu.vector_load %arg10[%swap3A_251, %swap3A_252] {strides = array<i32>} : memref<2x1024xf32, #tpu.memory_space<vmem>>, vector<16xf32>,
        tpu.vector_store %arg10[%swap3A_251, %swap3A_252], %gather3A_250 {strides = array<i32>} : memref<2x1024xf32, #tpu.memory_space<vmem>>, vector<16xf32>,
        %gather3A_254 = arith.constant 0 : i32
        %gather3A_255 = arith.constant 0 : i32
        %gather3A_256 = tpu.memref_slice %arg9[%while3A_84, %gather3A_254, %gather3A_255] : memref<2x64x512xf32, #tpu.memory_space<vmem>> -> memref<1x64x512xf32, #tpu.memory_space<vmem>>
        %gather3A_257 = tpu.memref_squeeze %gather3A_256 : memref<1x64x512xf32, #tpu.memory_space<vmem>> -> memref<64x512xf32, #tpu.memory_space<vmem>>
        %gather3A_258 = tpu.vector_load_idx %gather3A_257[%add3A_18, %broadcast_in_dim3A_229] : memref<64x512xf32, #tpu.memory_space<vmem>>[vector<16xi32>, vector<16xi32>], vector<16xf32>,
        %swap3A_259 = arith.index_cast %while3A_86 : i32 to index
        %swap3A_260 = arith.constant 112 : index
        %swap3A_261 = tpu.vector_load %arg10[%swap3A_259, %swap3A_260] {strides = array<i32>} : memref<2x1024xf32, #tpu.memory_space<vmem>>, vector<16xf32>,
        tpu.vector_store %arg10[%swap3A_259, %swap3A_260], %gather3A_258 {strides = array<i32>} : memref<2x1024xf32, #tpu.memory_space<vmem>>, vector<16xf32>,
        %slice3A_262 = vector.extract_strided_slice %select_n3A_143 {offsets = [1], sizes = [1], strides = [1]} : vector<16xi32> to vector<1xi32>
        %squeeze3A_263 = vector.extract %slice3A_262[0] : i32 from vector<1xi32>
        %mul3A_264 = arith.constant 64 : i32
        %mul3A_265 = arith.muli %squeeze3A_263, %mul3A_264 : i32
        %multiple_of3A_266 = tpu.assume_multiple %mul3A_265, 64 : i32
        %dma_start3A_267 = arith.constant 64 : i32
        %dma_start3A_268 = tpu.memref_slice %arg10[%while3A_86, %dma_start3A_267] : memref<2x1024xf32, #tpu.memory_space<vmem>> -> memref<1x64xf32, #tpu.memory_space<vmem>>
        %dma_start3A_269 = tpu.memref_squeeze %dma_start3A_268 : memref<1x64xf32, #tpu.memory_space<vmem>> -> memref<64xf32, #tpu.memory_space<vmem>>
        %dma_start3A_270 = tpu.memref_slice %arg6[%multiple_of3A_266] : memref<1050624xf32, #tpu.memory_space<hbm>> -> memref<64xf32, #tpu.memory_space<hbm>>
        %dma_start3A_271 = tpu.memref_slice %arg6[%multiple_of3A_266] : memref<1050624xf32, #tpu.memory_space<hbm>> -> memref<64xf32, #tpu.memory_space<hbm>>
        %dma_start3A_272 = arith.constant 64 : i32
        %dma_start3A_273 = tpu.memref_slice %arg10[%while3A_86, %dma_start3A_272] : memref<2x1024xf32, #tpu.memory_space<vmem>> -> memref<1x64xf32, #tpu.memory_space<vmem>>
        %dma_start3A_274 = tpu.memref_squeeze %dma_start3A_273 : memref<1x64xf32, #tpu.memory_space<vmem>> -> memref<64xf32, #tpu.memory_space<vmem>>
        tpu.enqueue_dma source(%dma_start3A_274 : memref<64xf32, #tpu.memory_space<vmem>>) target(%dma_start3A_271 : memref<64xf32, #tpu.memory_space<hbm>>) target_semaphore(%arg12 : memref<!tpu.dma_semaphore, #tpu.memory_space<semaphore_mem>>)
        %slice3A_275 = vector.extract_strided_slice %min3A_182 {offsets = [2], sizes = [1], strides = [1]} : vector<16xi32> to vector<1xi32>
        %squeeze3A_276 = vector.extract %slice3A_275[0] : i32 from vector<1xi32>
        %broadcast_in_dim3A_277 = vector.broadcast %squeeze3A_276 : i32 to vector<16xi32>
        %gather3A_278 = arith.constant 0 : i32
        %gather3A_279 = arith.constant 0 : i32
        %gather3A_280 = tpu.memref_slice %arg9[%while3A_84, %gather3A_278, %gather3A_279] : memref<2x64x512xf32, #tpu.memory_space<vmem>> -> memref<1x64x512xf32, #tpu.memory_space<vmem>>
        %gather3A_281 = tpu.memref_squeeze %gather3A_280 : memref<1x64x512xf32, #tpu.memory_space<vmem>> -> memref<64x512xf32, #tpu.memory_space<vmem>>
        %gather3A_282 = tpu.vector_load_idx %gather3A_281[%add3A_6, %broadcast_in_dim3A_277] : memref<64x512xf32, #tpu.memory_space<vmem>>[vector<16xi32>, vector<16xi32>], vector<16xf32>,
        %swap3A_283 = arith.index_cast %while3A_86 : i32 to index
        %swap3A_284 = arith.constant 128 : index
        %swap3A_285 = tpu.vector_load %arg10[%swap3A_283, %swap3A_284] {strides = array<i32>} : memref<2x1024xf32, #tpu.memory_space<vmem>>, vector<16xf32>,
        tpu.vector_store %arg10[%swap3A_283, %swap3A_284], %gather3A_282 {strides = array<i32>} : memref<2x1024xf32, #tpu.memory_space<vmem>>, vector<16xf32>,
        %gather3A_286 = arith.constant 0 : i32
        %gather3A_287 = arith.constant 0 : i32
        %gather3A_288 = tpu.memref_slice %arg9[%while3A_84, %gather3A_286, %gather3A_287] : memref<2x64x512xf32, #tpu.memory_space<vmem>> -> memref<1x64x512xf32, #tpu.memory_space<vmem>>
        %gather3A_289 = tpu.memref_squeeze %gather3A_288 : memref<1x64x512xf32, #tpu.memory_space<vmem>> -> memref<64x512xf32, #tpu.memory_space<vmem>>
        %gather3A_290 = tpu.vector_load_idx %gather3A_289[%add3A_10, %broadcast_in_dim3A_277] : memref<64x512xf32, #tpu.memory_space<vmem>>[vector<16xi32>, vector<16xi32>], vector<16xf32>,
        %swap3A_291 = arith.index_cast %while3A_86 : i32 to index
        %swap3A_292 = arith.constant 144 : index
        %swap3A_293 = tpu.vector_load %arg10[%swap3A_291, %swap3A_292] {strides = array<i32>} : memref<2x1024xf32, #tpu.memory_space<vmem>>, vector<16xf32>,
        tpu.vector_store %arg10[%swap3A_291, %swap3A_292], %gather3A_290 {strides = array<i32>} : memref<2x1024xf32, #tpu.memory_space<vmem>>, vector<16xf32>,
        %gather3A_294 = arith.constant 0 : i32
        %gather3A_295 = arith.constant 0 : i32
        %gather3A_296 = tpu.memref_slice %arg9[%while3A_84, %gather3A_294, %gather3A_295] : memref<2x64x512xf32, #tpu.memory_space<vmem>> -> memref<1x64x512xf32, #tpu.memory_space<vmem>>
        %gather3A_297 = tpu.memref_squeeze %gather3A_296 : memref<1x64x512xf32, #tpu.memory_space<vmem>> -> memref<64x512xf32, #tpu.memory_space<vmem>>
        %gather3A_298 = tpu.vector_load_idx %gather3A_297[%add3A_14, %broadcast_in_dim3A_277] : memref<64x512xf32, #tpu.memory_space<vmem>>[vector<16xi32>, vector<16xi32>], vector<16xf32>,
        %swap3A_299 = arith.index_cast %while3A_86 : i32 to index
        %swap3A_300 = arith.constant 160 : index
        %swap3A_301 = tpu.vector_load %arg10[%swap3A_299, %swap3A_300] {strides = array<i32>} : memref<2x1024xf32, #tpu.memory_space<vmem>>, vector<16xf32>,
        tpu.vector_store %arg10[%swap3A_299, %swap3A_300], %gather3A_298 {strides = array<i32>} : memref<2x1024xf32, #tpu.memory_space<vmem>>, vector<16xf32>,
        %gather3A_302 = arith.constant 0 : i32
        %gather3A_303 = arith.constant 0 : i32
        %gather3A_304 = tpu.memref_slice %arg9[%while3A_84, %gather3A_302, %gather3A_303] : memref<2x64x512xf32, #tpu.memory_space<vmem>> -> memref<1x64x512xf32, #tpu.memory_space<vmem>>
        %gather3A_305 = tpu.memref_squeeze %gather3A_304 : memref<1x64x512xf32, #tpu.memory_space<vmem>> -> memref<64x512xf32, #tpu.memory_space<vmem>>
        %gather3A_306 = tpu.vector_load_idx %gather3A_305[%add3A_18, %broadcast_in_dim3A_277] : memref<64x512xf32, #tpu.memory_space<vmem>>[vector<16xi32>, vector<16xi32>], vector<16xf32>,
        %swap3A_307 = arith.index_cast %while3A_86 : i32 to index
        %swap3A_308 = arith.constant 176 : index
        %swap3A_309 = tpu.vector_load %arg10[%swap3A_307, %swap3A_308] {strides = array<i32>} : memref<2x1024xf32, #tpu.memory_space<vmem>>, vector<16xf32>,
        tpu.vector_store %arg10[%swap3A_307, %swap3A_308], %gather3A_306 {strides = array<i32>} : memref<2x1024xf32, #tpu.memory_space<vmem>>, vector<16xf32>,
        %slice3A_310 = vector.extract_strided_slice %select_n3A_143 {offsets = [2], sizes = [1], strides = [1]} : vector<16xi32> to vector<1xi32>
        %squeeze3A_311 = vector.extract %slice3A_310[0] : i32 from vector<1xi32>
        %mul3A_312 = arith.constant 64 : i32
        %mul3A_313 = arith.muli %squeeze3A_311, %mul3A_312 : i32
        %multiple_of3A_314 = tpu.assume_multiple %mul3A_313, 64 : i32
        %dma_start3A_315 = arith.constant 128 : i32
        %dma_start3A_316 = tpu.memref_slice %arg10[%while3A_86, %dma_start3A_315] : memref<2x1024xf32, #tpu.memory_space<vmem>> -> memref<1x64xf32, #tpu.memory_space<vmem>>
        %dma_start3A_317 = tpu.memref_squeeze %dma_start3A_316 : memref<1x64xf32, #tpu.memory_space<vmem>> -> memref<64xf32, #tpu.memory_space<vmem>>
        %dma_start3A_318 = tpu.memref_slice %arg6[%multiple_of3A_314] : memref<1050624xf32, #tpu.memory_space<hbm>> -> memref<64xf32, #tpu.memory_space<hbm>>
        %dma_start3A_319 = tpu.memref_slice %arg6[%multiple_of3A_314] : memref<1050624xf32, #tpu.memory_space<hbm>> -> memref<64xf32, #tpu.memory_space<hbm>>
        %dma_start3A_320 = arith.constant 128 : i32
        %dma_start3A_321 = tpu.memref_slice %arg10[%while3A_86, %dma_start3A_320] : memref<2x1024xf32, #tpu.memory_space<vmem>> -> memref<1x64xf32, #tpu.memory_space<vmem>>
        %dma_start3A_322 = tpu.memref_squeeze %dma_start3A_321 : memref<1x64xf32, #tpu.memory_space<vmem>> -> memref<64xf32, #tpu.memory_space<vmem>>
        tpu.enqueue_dma source(%dma_start3A_322 : memref<64xf32, #tpu.memory_space<vmem>>) target(%dma_start3A_319 : memref<64xf32, #tpu.memory_space<hbm>>) target_semaphore(%arg12 : memref<!tpu.dma_semaphore, #tpu.memory_space<semaphore_mem>>)
        %slice3A_323 = vector.extract_strided_slice %min3A_182 {offsets = [3], sizes = [1], strides = [1]} : vector<16xi32> to vector<1xi32>
        %squeeze3A_324 = vector.extract %slice3A_323[0] : i32 from vector<1xi32>
        %broadcast_in_dim3A_325 = vector.broadcast %squeeze3A_324 : i32 to vector<16xi32>
        %gather3A_326 = arith.constant 0 : i32
        %gather3A_327 = arith.constant 0 : i32
        %gather3A_328 = tpu.memref_slice %arg9[%while3A_84, %gather3A_326, %gather3A_327] : memref<2x64x512xf32, #tpu.memory_space<vmem>> -> memref<1x64x512xf32, #tpu.memory_space<vmem>>
        %gather3A_329 = tpu.memref_squeeze %gather3A_328 : memref<1x64x512xf32, #tpu.memory_space<vmem>> -> memref<64x512xf32, #tpu.memory_space<vmem>>
        %gather3A_330 = tpu.vector_load_idx %gather3A_329[%add3A_6, %broadcast_in_dim3A_325] : memref<64x512xf32, #tpu.memory_space<vmem>>[vector<16xi32>, vector<16xi32>], vector<16xf32>,
        %swap3A_331 = arith.index_cast %while3A_86 : i32 to index
        %swap3A_332 = arith.constant 192 : index
        %swap3A_333 = tpu.vector_load %arg10[%swap3A_331, %swap3A_332] {strides = array<i32>} : memref<2x1024xf32, #tpu.memory_space<vmem>>, vector<16xf32>,
        tpu.vector_store %arg10[%swap3A_331, %swap3A_332], %gather3A_330 {strides = array<i32>} : memref<2x1024xf32, #tpu.memory_space<vmem>>, vector<16xf32>,
        %gather3A_334 = arith.constant 0 : i32
        %gather3A_335 = arith.constant 0 : i32
        %gather3A_336 = tpu.memref_slice %arg9[%while3A_84, %gather3A_334, %gather3A_335] : memref<2x64x512xf32, #tpu.memory_space<vmem>> -> memref<1x64x512xf32, #tpu.memory_space<vmem>>
        %gather3A_337 = tpu.memref_squeeze %gather3A_336 : memref<1x64x512xf32, #tpu.memory_space<vmem>> -> memref<64x512xf32, #tpu.memory_space<vmem>>
        %gather3A_338 = tpu.vector_load_idx %gather3A_337[%add3A_10, %broadcast_in_dim3A_325] : memref<64x512xf32, #tpu.memory_space<vmem>>[vector<16xi32>, vector<16xi32>], vector<16xf32>,
        %swap3A_339 = arith.index_cast %while3A_86 : i32 to index
        %swap3A_340 = arith.constant 208 : index
        %swap3A_341 = tpu.vector_load %arg10[%swap3A_339, %swap3A_340] {strides = array<i32>} : memref<2x1024xf32, #tpu.memory_space<vmem>>, vector<16xf32>,
        tpu.vector_store %arg10[%swap3A_339, %swap3A_340], %gather3A_338 {strides = array<i32>} : memref<2x1024xf32, #tpu.memory_space<vmem>>, vector<16xf32>,
        %gather3A_342 = arith.constant 0 : i32
        %gather3A_343 = arith.constant 0 : i32
        %gather3A_344 = tpu.memref_slice %arg9[%while3A_84, %gather3A_342, %gather3A_343] : memref<2x64x512xf32, #tpu.memory_space<vmem>> -> memref<1x64x512xf32, #tpu.memory_space<vmem>>
        %gather3A_345 = tpu.memref_squeeze %gather3A_344 : memref<1x64x512xf32, #tpu.memory_space<vmem>> -> memref<64x512xf32, #tpu.memory_space<vmem>>
        %gather3A_346 = tpu.vector_load_idx %gather3A_345[%add3A_14, %broadcast_in_dim3A_325] : memref<64x512xf32, #tpu.memory_space<vmem>>[vector<16xi32>, vector<16xi32>], vector<16xf32>,
        %swap3A_347 = arith.index_cast %while3A_86 : i32 to index
        %swap3A_348 = arith.constant 224 : index
        %swap3A_349 = tpu.vector_load %arg10[%swap3A_347, %swap3A_348] {strides = array<i32>} : memref<2x1024xf32, #tpu.memory_space<vmem>>, vector<16xf32>,
        tpu.vector_store %arg10[%swap3A_347, %swap3A_348], %gather3A_346 {strides = array<i32>} : memref<2x1024xf32, #tpu.memory_space<vmem>>, vector<16xf32>,
        %gather3A_350 = arith.constant 0 : i32
        %gather3A_351 = arith.constant 0 : i32
        %gather3A_352 = tpu.memref_slice %arg9[%while3A_84, %gather3A_350, %gather3A_351] : memref<2x64x512xf32, #tpu.memory_space<vmem>> -> memref<1x64x512xf32, #tpu.memory_space<vmem>>
        %gather3A_353 = tpu.memref_squeeze %gather3A_352 : memref<1x64x512xf32, #tpu.memory_space<vmem>> -> memref<64x512xf32, #tpu.memory_space<vmem>>
        %gather3A_354 = tpu.vector_load_idx %gather3A_353[%add3A_18, %broadcast_in_dim3A_325] : memref<64x512xf32, #tpu.memory_space<vmem>>[vector<16xi32>, vector<16xi32>], vector<16xf32>,
        %swap3A_355 = arith.index_cast %while3A_86 : i32 to index
        %swap3A_356 = arith.constant 240 : index
        %swap3A_357 = tpu.vector_load %arg10[%swap3A_355, %swap3A_356] {strides = array<i32>} : memref<2x1024xf32, #tpu.memory_space<vmem>>, vector<16xf32>,
        tpu.vector_store %arg10[%swap3A_355, %swap3A_356], %gather3A_354 {strides = array<i32>} : memref<2x1024xf32, #tpu.memory_space<vmem>>, vector<16xf32>,
        %slice3A_358 = vector.extract_strided_slice %select_n3A_143 {offsets = [3], sizes = [1], strides = [1]} : vector<16xi32> to vector<1xi32>
        %squeeze3A_359 = vector.extract %slice3A_358[0] : i32 from vector<1xi32>
        %mul3A_360 = arith.constant 64 : i32
        %mul3A_361 = arith.muli %squeeze3A_359, %mul3A_360 : i32
        %multiple_of3A_362 = tpu.assume_multiple %mul3A_361, 64 : i32
        %dma_start3A_363 = arith.constant 192 : i32
        %dma_start3A_364 = tpu.memref_slice %arg10[%while3A_86, %dma_start3A_363] : memref<2x1024xf32, #tpu.memory_space<vmem>> -> memref<1x64xf32, #tpu.memory_space<vmem>>
        %dma_start3A_365 = tpu.memref_squeeze %dma_start3A_364 : memref<1x64xf32, #tpu.memory_space<vmem>> -> memref<64xf32, #tpu.memory_space<vmem>>
        %dma_start3A_366 = tpu.memref_slice %arg6[%multiple_of3A_362] : memref<1050624xf32, #tpu.memory_space<hbm>> -> memref<64xf32, #tpu.memory_space<hbm>>
        %dma_start3A_367 = tpu.memref_slice %arg6[%multiple_of3A_362] : memref<1050624xf32, #tpu.memory_space<hbm>> -> memref<64xf32, #tpu.memory_space<hbm>>
        %dma_start3A_368 = arith.constant 192 : i32
        %dma_start3A_369 = tpu.memref_slice %arg10[%while3A_86, %dma_start3A_368] : memref<2x1024xf32, #tpu.memory_space<vmem>> -> memref<1x64xf32, #tpu.memory_space<vmem>>
        %dma_start3A_370 = tpu.memref_squeeze %dma_start3A_369 : memref<1x64xf32, #tpu.memory_space<vmem>> -> memref<64xf32, #tpu.memory_space<vmem>>
        tpu.enqueue_dma source(%dma_start3A_370 : memref<64xf32, #tpu.memory_space<vmem>>) target(%dma_start3A_367 : memref<64xf32, #tpu.memory_space<hbm>>) target_semaphore(%arg12 : memref<!tpu.dma_semaphore, #tpu.memory_space<semaphore_mem>>)
        %slice3A_371 = vector.extract_strided_slice %min3A_182 {offsets = [4], sizes = [1], strides = [1]} : vector<16xi32> to vector<1xi32>
        %squeeze3A_372 = vector.extract %slice3A_371[0] : i32 from vector<1xi32>
        %broadcast_in_dim3A_373 = vector.broadcast %squeeze3A_372 : i32 to vector<16xi32>
        %gather3A_374 = arith.constant 0 : i32
        %gather3A_375 = arith.constant 0 : i32
        %gather3A_376 = tpu.memref_slice %arg9[%while3A_84, %gather3A_374, %gather3A_375] : memref<2x64x512xf32, #tpu.memory_space<vmem>> -> memref<1x64x512xf32, #tpu.memory_space<vmem>>
        %gather3A_377 = tpu.memref_squeeze %gather3A_376 : memref<1x64x512xf32, #tpu.memory_space<vmem>> -> memref<64x512xf32, #tpu.memory_space<vmem>>
        %gather3A_378 = tpu.vector_load_idx %gather3A_377[%add3A_6, %broadcast_in_dim3A_373] : memref<64x512xf32, #tpu.memory_space<vmem>>[vector<16xi32>, vector<16xi32>], vector<16xf32>,
        %swap3A_379 = arith.index_cast %while3A_86 : i32 to index
        %swap3A_380 = arith.constant 256 : index
        %swap3A_381 = tpu.vector_load %arg10[%swap3A_379, %swap3A_380] {strides = array<i32>} : memref<2x1024xf32, #tpu.memory_space<vmem>>, vector<16xf32>,
        tpu.vector_store %arg10[%swap3A_379, %swap3A_380], %gather3A_378 {strides = array<i32>} : memref<2x1024xf32, #tpu.memory_space<vmem>>, vector<16xf32>,
        %gather3A_382 = arith.constant 0 : i32
        %gather3A_383 = arith.constant 0 : i32
        %gather3A_384 = tpu.memref_slice %arg9[%while3A_84, %gather3A_382, %gather3A_383] : memref<2x64x512xf32, #tpu.memory_space<vmem>> -> memref<1x64x512xf32, #tpu.memory_space<vmem>>
        %gather3A_385 = tpu.memref_squeeze %gather3A_384 : memref<1x64x512xf32, #tpu.memory_space<vmem>> -> memref<64x512xf32, #tpu.memory_space<vmem>>
        %gather3A_386 = tpu.vector_load_idx %gather3A_385[%add3A_10, %broadcast_in_dim3A_373] : memref<64x512xf32, #tpu.memory_space<vmem>>[vector<16xi32>, vector<16xi32>], vector<16xf32>,
        %swap3A_387 = arith.index_cast %while3A_86 : i32 to index
        %swap3A_388 = arith.constant 272 : index
        %swap3A_389 = tpu.vector_load %arg10[%swap3A_387, %swap3A_388] {strides = array<i32>} : memref<2x1024xf32, #tpu.memory_space<vmem>>, vector<16xf32>,
        tpu.vector_store %arg10[%swap3A_387, %swap3A_388], %gather3A_386 {strides = array<i32>} : memref<2x1024xf32, #tpu.memory_space<vmem>>, vector<16xf32>,
        %gather3A_390 = arith.constant 0 : i32
        %gather3A_391 = arith.constant 0 : i32
        %gather3A_392 = tpu.memref_slice %arg9[%while3A_84, %gather3A_390, %gather3A_391] : memref<2x64x512xf32, #tpu.memory_space<vmem>> -> memref<1x64x512xf32, #tpu.memory_space<vmem>>
        %gather3A_393 = tpu.memref_squeeze %gather3A_392 : memref<1x64x512xf32, #tpu.memory_space<vmem>> -> memref<64x512xf32, #tpu.memory_space<vmem>>
        %gather3A_394 = tpu.vector_load_idx %gather3A_393[%add3A_14, %broadcast_in_dim3A_373] : memref<64x512xf32, #tpu.memory_space<vmem>>[vector<16xi32>, vector<16xi32>], vector<16xf32>,
        %swap3A_395 = arith.index_cast %while3A_86 : i32 to index
        %swap3A_396 = arith.constant 288 : index
        %swap3A_397 = tpu.vector_load %arg10[%swap3A_395, %swap3A_396] {strides = array<i32>} : memref<2x1024xf32, #tpu.memory_space<vmem>>, vector<16xf32>,
        tpu.vector_store %arg10[%swap3A_395, %swap3A_396], %gather3A_394 {strides = array<i32>} : memref<2x1024xf32, #tpu.memory_space<vmem>>, vector<16xf32>,
        %gather3A_398 = arith.constant 0 : i32
        %gather3A_399 = arith.constant 0 : i32
        %gather3A_400 = tpu.memref_slice %arg9[%while3A_84, %gather3A_398, %gather3A_399] : memref<2x64x512xf32, #tpu.memory_space<vmem>> -> memref<1x64x512xf32, #tpu.memory_space<vmem>>
        %gather3A_401 = tpu.memref_squeeze %gather3A_400 : memref<1x64x512xf32, #tpu.memory_space<vmem>> -> memref<64x512xf32, #tpu.memory_space<vmem>>
        %gather3A_402 = tpu.vector_load_idx %gather3A_401[%add3A_18, %broadcast_in_dim3A_373] : memref<64x512xf32, #tpu.memory_space<vmem>>[vector<16xi32>, vector<16xi32>], vector<16xf32>,
        %swap3A_403 = arith.index_cast %while3A_86 : i32 to index
        %swap3A_404 = arith.constant 304 : index
        %swap3A_405 = tpu.vector_load %arg10[%swap3A_403, %swap3A_404] {strides = array<i32>} : memref<2x1024xf32, #tpu.memory_space<vmem>>, vector<16xf32>,
        tpu.vector_store %arg10[%swap3A_403, %swap3A_404], %gather3A_402 {strides = array<i32>} : memref<2x1024xf32, #tpu.memory_space<vmem>>, vector<16xf32>,
        %slice3A_406 = vector.extract_strided_slice %select_n3A_143 {offsets = [4], sizes = [1], strides = [1]} : vector<16xi32> to vector<1xi32>
        %squeeze3A_407 = vector.extract %slice3A_406[0] : i32 from vector<1xi32>
        %mul3A_408 = arith.constant 64 : i32
        %mul3A_409 = arith.muli %squeeze3A_407, %mul3A_408 : i32
        %multiple_of3A_410 = tpu.assume_multiple %mul3A_409, 64 : i32
        %dma_start3A_411 = arith.constant 256 : i32
        %dma_start3A_412 = tpu.memref_slice %arg10[%while3A_86, %dma_start3A_411] : memref<2x1024xf32, #tpu.memory_space<vmem>> -> memref<1x64xf32, #tpu.memory_space<vmem>>
        %dma_start3A_413 = tpu.memref_squeeze %dma_start3A_412 : memref<1x64xf32, #tpu.memory_space<vmem>> -> memref<64xf32, #tpu.memory_space<vmem>>
        %dma_start3A_414 = tpu.memref_slice %arg6[%multiple_of3A_410] : memref<1050624xf32, #tpu.memory_space<hbm>> -> memref<64xf32, #tpu.memory_space<hbm>>
        %dma_start3A_415 = tpu.memref_slice %arg6[%multiple_of3A_410] : memref<1050624xf32, #tpu.memory_space<hbm>> -> memref<64xf32, #tpu.memory_space<hbm>>
        %dma_start3A_416 = arith.constant 256 : i32
        %dma_start3A_417 = tpu.memref_slice %arg10[%while3A_86, %dma_start3A_416] : memref<2x1024xf32, #tpu.memory_space<vmem>> -> memref<1x64xf32, #tpu.memory_space<vmem>>
        %dma_start3A_418 = tpu.memref_squeeze %dma_start3A_417 : memref<1x64xf32, #tpu.memory_space<vmem>> -> memref<64xf32, #tpu.memory_space<vmem>>
        tpu.enqueue_dma source(%dma_start3A_418 : memref<64xf32, #tpu.memory_space<vmem>>) target(%dma_start3A_415 : memref<64xf32, #tpu.memory_space<hbm>>) target_semaphore(%arg12 : memref<!tpu.dma_semaphore, #tpu.memory_space<semaphore_mem>>)
        %slice3A_419 = vector.extract_strided_slice %min3A_182 {offsets = [5], sizes = [1], strides = [1]} : vector<16xi32> to vector<1xi32>
        %squeeze3A_420 = vector.extract %slice3A_419[0] : i32 from vector<1xi32>
        %broadcast_in_dim3A_421 = vector.broadcast %squeeze3A_420 : i32 to vector<16xi32>
        %gather3A_422 = arith.constant 0 : i32
        %gather3A_423 = arith.constant 0 : i32
        %gather3A_424 = tpu.memref_slice %arg9[%while3A_84, %gather3A_422, %gather3A_423] : memref<2x64x512xf32, #tpu.memory_space<vmem>> -> memref<1x64x512xf32, #tpu.memory_space<vmem>>
        %gather3A_425 = tpu.memref_squeeze %gather3A_424 : memref<1x64x512xf32, #tpu.memory_space<vmem>> -> memref<64x512xf32, #tpu.memory_space<vmem>>
        %gather3A_426 = tpu.vector_load_idx %gather3A_425[%add3A_6, %broadcast_in_dim3A_421] : memref<64x512xf32, #tpu.memory_space<vmem>>[vector<16xi32>, vector<16xi32>], vector<16xf32>,
        %swap3A_427 = arith.index_cast %while3A_86 : i32 to index
        %swap3A_428 = arith.constant 320 : index
        %swap3A_429 = tpu.vector_load %arg10[%swap3A_427, %swap3A_428] {strides = array<i32>} : memref<2x1024xf32, #tpu.memory_space<vmem>>, vector<16xf32>,
        tpu.vector_store %arg10[%swap3A_427, %swap3A_428], %gather3A_426 {strides = array<i32>} : memref<2x1024xf32, #tpu.memory_space<vmem>>, vector<16xf32>,
        %gather3A_430 = arith.constant 0 : i32
        %gather3A_431 = arith.constant 0 : i32
        %gather3A_432 = tpu.memref_slice %arg9[%while3A_84, %gather3A_430, %gather3A_431] : memref<2x64x512xf32, #tpu.memory_space<vmem>> -> memref<1x64x512xf32, #tpu.memory_space<vmem>>
        %gather3A_433 = tpu.memref_squeeze %gather3A_432 : memref<1x64x512xf32, #tpu.memory_space<vmem>> -> memref<64x512xf32, #tpu.memory_space<vmem>>
        %gather3A_434 = tpu.vector_load_idx %gather3A_433[%add3A_10, %broadcast_in_dim3A_421] : memref<64x512xf32, #tpu.memory_space<vmem>>[vector<16xi32>, vector<16xi32>], vector<16xf32>,
        %swap3A_435 = arith.index_cast %while3A_86 : i32 to index
        %swap3A_436 = arith.constant 336 : index
        %swap3A_437 = tpu.vector_load %arg10[%swap3A_435, %swap3A_436] {strides = array<i32>} : memref<2x1024xf32, #tpu.memory_space<vmem>>, vector<16xf32>,
        tpu.vector_store %arg10[%swap3A_435, %swap3A_436], %gather3A_434 {strides = array<i32>} : memref<2x1024xf32, #tpu.memory_space<vmem>>, vector<16xf32>,
        %gather3A_438 = arith.constant 0 : i32
        %gather3A_439 = arith.constant 0 : i32
        %gather3A_440 = tpu.memref_slice %arg9[%while3A_84, %gather3A_438, %gather3A_439] : memref<2x64x512xf32, #tpu.memory_space<vmem>> -> memref<1x64x512xf32, #tpu.memory_space<vmem>>
        %gather3A_441 = tpu.memref_squeeze %gather3A_440 : memref<1x64x512xf32, #tpu.memory_space<vmem>> -> memref<64x512xf32, #tpu.memory_space<vmem>>
        %gather3A_442 = tpu.vector_load_idx %gather3A_441[%add3A_14, %broadcast_in_dim3A_421] : memref<64x512xf32, #tpu.memory_space<vmem>>[vector<16xi32>, vector<16xi32>], vector<16xf32>,
        %swap3A_443 = arith.index_cast %while3A_86 : i32 to index
        %swap3A_444 = arith.constant 352 : index
        %swap3A_445 = tpu.vector_load %arg10[%swap3A_443, %swap3A_444] {strides = array<i32>} : memref<2x1024xf32, #tpu.memory_space<vmem>>, vector<16xf32>,
        tpu.vector_store %arg10[%swap3A_443, %swap3A_444], %gather3A_442 {strides = array<i32>} : memref<2x1024xf32, #tpu.memory_space<vmem>>, vector<16xf32>,
        %gather3A_446 = arith.constant 0 : i32
        %gather3A_447 = arith.constant 0 : i32
        %gather3A_448 = tpu.memref_slice %arg9[%while3A_84, %gather3A_446, %gather3A_447] : memref<2x64x512xf32, #tpu.memory_space<vmem>> -> memref<1x64x512xf32, #tpu.memory_space<vmem>>
        %gather3A_449 = tpu.memref_squeeze %gather3A_448 : memref<1x64x512xf32, #tpu.memory_space<vmem>> -> memref<64x512xf32, #tpu.memory_space<vmem>>
        %gather3A_450 = tpu.vector_load_idx %gather3A_449[%add3A_18, %broadcast_in_dim3A_421] : memref<64x512xf32, #tpu.memory_space<vmem>>[vector<16xi32>, vector<16xi32>], vector<16xf32>,
        %swap3A_451 = arith.index_cast %while3A_86 : i32 to index
        %swap3A_452 = arith.constant 368 : index
        %swap3A_453 = tpu.vector_load %arg10[%swap3A_451, %swap3A_452] {strides = array<i32>} : memref<2x1024xf32, #tpu.memory_space<vmem>>, vector<16xf32>,
        tpu.vector_store %arg10[%swap3A_451, %swap3A_452], %gather3A_450 {strides = array<i32>} : memref<2x1024xf32, #tpu.memory_space<vmem>>, vector<16xf32>,
        %slice3A_454 = vector.extract_strided_slice %select_n3A_143 {offsets = [5], sizes = [1], strides = [1]} : vector<16xi32> to vector<1xi32>
        %squeeze3A_455 = vector.extract %slice3A_454[0] : i32 from vector<1xi32>
        %mul3A_456 = arith.constant 64 : i32
        %mul3A_457 = arith.muli %squeeze3A_455, %mul3A_456 : i32
        %multiple_of3A_458 = tpu.assume_multiple %mul3A_457, 64 : i32
        %dma_start3A_459 = arith.constant 320 : i32
        %dma_start3A_460 = tpu.memref_slice %arg10[%while3A_86, %dma_start3A_459] : memref<2x1024xf32, #tpu.memory_space<vmem>> -> memref<1x64xf32, #tpu.memory_space<vmem>>
        %dma_start3A_461 = tpu.memref_squeeze %dma_start3A_460 : memref<1x64xf32, #tpu.memory_space<vmem>> -> memref<64xf32, #tpu.memory_space<vmem>>
        %dma_start3A_462 = tpu.memref_slice %arg6[%multiple_of3A_458] : memref<1050624xf32, #tpu.memory_space<hbm>> -> memref<64xf32, #tpu.memory_space<hbm>>
        %dma_start3A_463 = tpu.memref_slice %arg6[%multiple_of3A_458] : memref<1050624xf32, #tpu.memory_space<hbm>> -> memref<64xf32, #tpu.memory_space<hbm>>
        %dma_start3A_464 = arith.constant 320 : i32
        %dma_start3A_465 = tpu.memref_slice %arg10[%while3A_86, %dma_start3A_464] : memref<2x1024xf32, #tpu.memory_space<vmem>> -> memref<1x64xf32, #tpu.memory_space<vmem>>
        %dma_start3A_466 = tpu.memref_squeeze %dma_start3A_465 : memref<1x64xf32, #tpu.memory_space<vmem>> -> memref<64xf32, #tpu.memory_space<vmem>>
        tpu.enqueue_dma source(%dma_start3A_466 : memref<64xf32, #tpu.memory_space<vmem>>) target(%dma_start3A_463 : memref<64xf32, #tpu.memory_space<hbm>>) target_semaphore(%arg12 : memref<!tpu.dma_semaphore, #tpu.memory_space<semaphore_mem>>)
        %slice3A_467 = vector.extract_strided_slice %min3A_182 {offsets = [6], sizes = [1], strides = [1]} : vector<16xi32> to vector<1xi32>
        %squeeze3A_468 = vector.extract %slice3A_467[0] : i32 from vector<1xi32>
        %broadcast_in_dim3A_469 = vector.broadcast %squeeze3A_468 : i32 to vector<16xi32>
        %gather3A_470 = arith.constant 0 : i32
        %gather3A_471 = arith.constant 0 : i32
        %gather3A_472 = tpu.memref_slice %arg9[%while3A_84, %gather3A_470, %gather3A_471] : memref<2x64x512xf32, #tpu.memory_space<vmem>> -> memref<1x64x512xf32, #tpu.memory_space<vmem>>
        %gather3A_473 = tpu.memref_squeeze %gather3A_472 : memref<1x64x512xf32, #tpu.memory_space<vmem>> -> memref<64x512xf32, #tpu.memory_space<vmem>>
        %gather3A_474 = tpu.vector_load_idx %gather3A_473[%add3A_6, %broadcast_in_dim3A_469] : memref<64x512xf32, #tpu.memory_space<vmem>>[vector<16xi32>, vector<16xi32>], vector<16xf32>,
        %swap3A_475 = arith.index_cast %while3A_86 : i32 to index
        %swap3A_476 = arith.constant 384 : index
        %swap3A_477 = tpu.vector_load %arg10[%swap3A_475, %swap3A_476] {strides = array<i32>} : memref<2x1024xf32, #tpu.memory_space<vmem>>, vector<16xf32>,
        tpu.vector_store %arg10[%swap3A_475, %swap3A_476], %gather3A_474 {strides = array<i32>} : memref<2x1024xf32, #tpu.memory_space<vmem>>, vector<16xf32>,
        %gather3A_478 = arith.constant 0 : i32
        %gather3A_479 = arith.constant 0 : i32
        %gather3A_480 = tpu.memref_slice %arg9[%while3A_84, %gather3A_478, %gather3A_479] : memref<2x64x512xf32, #tpu.memory_space<vmem>> -> memref<1x64x512xf32, #tpu.memory_space<vmem>>
        %gather3A_481 = tpu.memref_squeeze %gather3A_480 : memref<1x64x512xf32, #tpu.memory_space<vmem>> -> memref<64x512xf32, #tpu.memory_space<vmem>>
        %gather3A_482 = tpu.vector_load_idx %gather3A_481[%add3A_10, %broadcast_in_dim3A_469] : memref<64x512xf32, #tpu.memory_space<vmem>>[vector<16xi32>, vector<16xi32>], vector<16xf32>,
        %swap3A_483 = arith.index_cast %while3A_86 : i32 to index
        %swap3A_484 = arith.constant 400 : index
        %swap3A_485 = tpu.vector_load %arg10[%swap3A_483, %swap3A_484] {strides = array<i32>} : memref<2x1024xf32, #tpu.memory_space<vmem>>, vector<16xf32>,
        tpu.vector_store %arg10[%swap3A_483, %swap3A_484], %gather3A_482 {strides = array<i32>} : memref<2x1024xf32, #tpu.memory_space<vmem>>, vector<16xf32>,
        %gather3A_486 = arith.constant 0 : i32
        %gather3A_487 = arith.constant 0 : i32
        %gather3A_488 = tpu.memref_slice %arg9[%while3A_84, %gather3A_486, %gather3A_487] : memref<2x64x512xf32, #tpu.memory_space<vmem>> -> memref<1x64x512xf32, #tpu.memory_space<vmem>>
        %gather3A_489 = tpu.memref_squeeze %gather3A_488 : memref<1x64x512xf32, #tpu.memory_space<vmem>> -> memref<64x512xf32, #tpu.memory_space<vmem>>
        %gather3A_490 = tpu.vector_load_idx %gather3A_489[%add3A_14, %broadcast_in_dim3A_469] : memref<64x512xf32, #tpu.memory_space<vmem>>[vector<16xi32>, vector<16xi32>], vector<16xf32>,
        %swap3A_491 = arith.index_cast %while3A_86 : i32 to index
        %swap3A_492 = arith.constant 416 : index
        %swap3A_493 = tpu.vector_load %arg10[%swap3A_491, %swap3A_492] {strides = array<i32>} : memref<2x1024xf32, #tpu.memory_space<vmem>>, vector<16xf32>,
        tpu.vector_store %arg10[%swap3A_491, %swap3A_492], %gather3A_490 {strides = array<i32>} : memref<2x1024xf32, #tpu.memory_space<vmem>>, vector<16xf32>,
        %gather3A_494 = arith.constant 0 : i32
        %gather3A_495 = arith.constant 0 : i32
        %gather3A_496 = tpu.memref_slice %arg9[%while3A_84, %gather3A_494, %gather3A_495] : memref<2x64x512xf32, #tpu.memory_space<vmem>> -> memref<1x64x512xf32, #tpu.memory_space<vmem>>
        %gather3A_497 = tpu.memref_squeeze %gather3A_496 : memref<1x64x512xf32, #tpu.memory_space<vmem>> -> memref<64x512xf32, #tpu.memory_space<vmem>>
        %gather3A_498 = tpu.vector_load_idx %gather3A_497[%add3A_18, %broadcast_in_dim3A_469] : memref<64x512xf32, #tpu.memory_space<vmem>>[vector<16xi32>, vector<16xi32>], vector<16xf32>,
        %swap3A_499 = arith.index_cast %while3A_86 : i32 to index
        %swap3A_500 = arith.constant 432 : index
        %swap3A_501 = tpu.vector_load %arg10[%swap3A_499, %swap3A_500] {strides = array<i32>} : memref<2x1024xf32, #tpu.memory_space<vmem>>, vector<16xf32>,
        tpu.vector_store %arg10[%swap3A_499, %swap3A_500], %gather3A_498 {strides = array<i32>} : memref<2x1024xf32, #tpu.memory_space<vmem>>, vector<16xf32>,
        %slice3A_502 = vector.extract_strided_slice %select_n3A_143 {offsets = [6], sizes = [1], strides = [1]} : vector<16xi32> to vector<1xi32>
        %squeeze3A_503 = vector.extract %slice3A_502[0] : i32 from vector<1xi32>
        %mul3A_504 = arith.constant 64 : i32
        %mul3A_505 = arith.muli %squeeze3A_503, %mul3A_504 : i32
        %multiple_of3A_506 = tpu.assume_multiple %mul3A_505, 64 : i32
        %dma_start3A_507 = arith.constant 384 : i32
        %dma_start3A_508 = tpu.memref_slice %arg10[%while3A_86, %dma_start3A_507] : memref<2x1024xf32, #tpu.memory_space<vmem>> -> memref<1x64xf32, #tpu.memory_space<vmem>>
        %dma_start3A_509 = tpu.memref_squeeze %dma_start3A_508 : memref<1x64xf32, #tpu.memory_space<vmem>> -> memref<64xf32, #tpu.memory_space<vmem>>
        %dma_start3A_510 = tpu.memref_slice %arg6[%multiple_of3A_506] : memref<1050624xf32, #tpu.memory_space<hbm>> -> memref<64xf32, #tpu.memory_space<hbm>>
        %dma_start3A_511 = tpu.memref_slice %arg6[%multiple_of3A_506] : memref<1050624xf32, #tpu.memory_space<hbm>> -> memref<64xf32, #tpu.memory_space<hbm>>
        %dma_start3A_512 = arith.constant 384 : i32
        %dma_start3A_513 = tpu.memref_slice %arg10[%while3A_86, %dma_start3A_512] : memref<2x1024xf32, #tpu.memory_space<vmem>> -> memref<1x64xf32, #tpu.memory_space<vmem>>
        %dma_start3A_514 = tpu.memref_squeeze %dma_start3A_513 : memref<1x64xf32, #tpu.memory_space<vmem>> -> memref<64xf32, #tpu.memory_space<vmem>>
        tpu.enqueue_dma source(%dma_start3A_514 : memref<64xf32, #tpu.memory_space<vmem>>) target(%dma_start3A_511 : memref<64xf32, #tpu.memory_space<hbm>>) target_semaphore(%arg12 : memref<!tpu.dma_semaphore, #tpu.memory_space<semaphore_mem>>)
        %slice3A_515 = vector.extract_strided_slice %min3A_182 {offsets = [7], sizes = [1], strides = [1]} : vector<16xi32> to vector<1xi32>
        %squeeze3A_516 = vector.extract %slice3A_515[0] : i32 from vector<1xi32>
        %broadcast_in_dim3A_517 = vector.broadcast %squeeze3A_516 : i32 to vector<16xi32>
        %gather3A_518 = arith.constant 0 : i32
        %gather3A_519 = arith.constant 0 : i32
        %gather3A_520 = tpu.memref_slice %arg9[%while3A_84, %gather3A_518, %gather3A_519] : memref<2x64x512xf32, #tpu.memory_space<vmem>> -> memref<1x64x512xf32, #tpu.memory_space<vmem>>
        %gather3A_521 = tpu.memref_squeeze %gather3A_520 : memref<1x64x512xf32, #tpu.memory_space<vmem>> -> memref<64x512xf32, #tpu.memory_space<vmem>>
        %gather3A_522 = tpu.vector_load_idx %gather3A_521[%add3A_6, %broadcast_in_dim3A_517] : memref<64x512xf32, #tpu.memory_space<vmem>>[vector<16xi32>, vector<16xi32>], vector<16xf32>,
        %swap3A_523 = arith.index_cast %while3A_86 : i32 to index
        %swap3A_524 = arith.constant 448 : index
        %swap3A_525 = tpu.vector_load %arg10[%swap3A_523, %swap3A_524] {strides = array<i32>} : memref<2x1024xf32, #tpu.memory_space<vmem>>, vector<16xf32>,
        tpu.vector_store %arg10[%swap3A_523, %swap3A_524], %gather3A_522 {strides = array<i32>} : memref<2x1024xf32, #tpu.memory_space<vmem>>, vector<16xf32>,
        %gather3A_526 = arith.constant 0 : i32
        %gather3A_527 = arith.constant 0 : i32
        %gather3A_528 = tpu.memref_slice %arg9[%while3A_84, %gather3A_526, %gather3A_527] : memref<2x64x512xf32, #tpu.memory_space<vmem>> -> memref<1x64x512xf32, #tpu.memory_space<vmem>>
        %gather3A_529 = tpu.memref_squeeze %gather3A_528 : memref<1x64x512xf32, #tpu.memory_space<vmem>> -> memref<64x512xf32, #tpu.memory_space<vmem>>
        %gather3A_530 = tpu.vector_load_idx %gather3A_529[%add3A_10, %broadcast_in_dim3A_517] : memref<64x512xf32, #tpu.memory_space<vmem>>[vector<16xi32>, vector<16xi32>], vector<16xf32>,
        %swap3A_531 = arith.index_cast %while3A_86 : i32 to index
        %swap3A_532 = arith.constant 464 : index
        %swap3A_533 = tpu.vector_load %arg10[%swap3A_531, %swap3A_532] {strides = array<i32>} : memref<2x1024xf32, #tpu.memory_space<vmem>>, vector<16xf32>,
        tpu.vector_store %arg10[%swap3A_531, %swap3A_532], %gather3A_530 {strides = array<i32>} : memref<2x1024xf32, #tpu.memory_space<vmem>>, vector<16xf32>,
        %gather3A_534 = arith.constant 0 : i32
        %gather3A_535 = arith.constant 0 : i32
        %gather3A_536 = tpu.memref_slice %arg9[%while3A_84, %gather3A_534, %gather3A_535] : memref<2x64x512xf32, #tpu.memory_space<vmem>> -> memref<1x64x512xf32, #tpu.memory_space<vmem>>
        %gather3A_537 = tpu.memref_squeeze %gather3A_536 : memref<1x64x512xf32, #tpu.memory_space<vmem>> -> memref<64x512xf32, #tpu.memory_space<vmem>>
        %gather3A_538 = tpu.vector_load_idx %gather3A_537[%add3A_14, %broadcast_in_dim3A_517] : memref<64x512xf32, #tpu.memory_space<vmem>>[vector<16xi32>, vector<16xi32>], vector<16xf32>,
        %swap3A_539 = arith.index_cast %while3A_86 : i32 to index
        %swap3A_540 = arith.constant 480 : index
        %swap3A_541 = tpu.vector_load %arg10[%swap3A_539, %swap3A_540] {strides = array<i32>} : memref<2x1024xf32, #tpu.memory_space<vmem>>, vector<16xf32>,
        tpu.vector_store %arg10[%swap3A_539, %swap3A_540], %gather3A_538 {strides = array<i32>} : memref<2x1024xf32, #tpu.memory_space<vmem>>, vector<16xf32>,
        %gather3A_542 = arith.constant 0 : i32
        %gather3A_543 = arith.constant 0 : i32
        %gather3A_544 = tpu.memref_slice %arg9[%while3A_84, %gather3A_542, %gather3A_543] : memref<2x64x512xf32, #tpu.memory_space<vmem>> -> memref<1x64x512xf32, #tpu.memory_space<vmem>>
        %gather3A_545 = tpu.memref_squeeze %gather3A_544 : memref<1x64x512xf32, #tpu.memory_space<vmem>> -> memref<64x512xf32, #tpu.memory_space<vmem>>
        %gather3A_546 = tpu.vector_load_idx %gather3A_545[%add3A_18, %broadcast_in_dim3A_517] : memref<64x512xf32, #tpu.memory_space<vmem>>[vector<16xi32>, vector<16xi32>], vector<16xf32>,
        %swap3A_547 = arith.index_cast %while3A_86 : i32 to index
        %swap3A_548 = arith.constant 496 : index
        %swap3A_549 = tpu.vector_load %arg10[%swap3A_547, %swap3A_548] {strides = array<i32>} : memref<2x1024xf32, #tpu.memory_space<vmem>>, vector<16xf32>,
        tpu.vector_store %arg10[%swap3A_547, %swap3A_548], %gather3A_546 {strides = array<i32>} : memref<2x1024xf32, #tpu.memory_space<vmem>>, vector<16xf32>,
        %slice3A_550 = vector.extract_strided_slice %select_n3A_143 {offsets = [7], sizes = [1], strides = [1]} : vector<16xi32> to vector<1xi32>
        %squeeze3A_551 = vector.extract %slice3A_550[0] : i32 from vector<1xi32>
        %mul3A_552 = arith.constant 64 : i32
        %mul3A_553 = arith.muli %squeeze3A_551, %mul3A_552 : i32
        %multiple_of3A_554 = tpu.assume_multiple %mul3A_553, 64 : i32
        %dma_start3A_555 = arith.constant 448 : i32
        %dma_start3A_556 = tpu.memref_slice %arg10[%while3A_86, %dma_start3A_555] : memref<2x1024xf32, #tpu.memory_space<vmem>> -> memref<1x64xf32, #tpu.memory_space<vmem>>
        %dma_start3A_557 = tpu.memref_squeeze %dma_start3A_556 : memref<1x64xf32, #tpu.memory_space<vmem>> -> memref<64xf32, #tpu.memory_space<vmem>>
        %dma_start3A_558 = tpu.memref_slice %arg6[%multiple_of3A_554] : memref<1050624xf32, #tpu.memory_space<hbm>> -> memref<64xf32, #tpu.memory_space<hbm>>
        %dma_start3A_559 = tpu.memref_slice %arg6[%multiple_of3A_554] : memref<1050624xf32, #tpu.memory_space<hbm>> -> memref<64xf32, #tpu.memory_space<hbm>>
        %dma_start3A_560 = arith.constant 448 : i32
        %dma_start3A_561 = tpu.memref_slice %arg10[%while3A_86, %dma_start3A_560] : memref<2x1024xf32, #tpu.memory_space<vmem>> -> memref<1x64xf32, #tpu.memory_space<vmem>>
        %dma_start3A_562 = tpu.memref_squeeze %dma_start3A_561 : memref<1x64xf32, #tpu.memory_space<vmem>> -> memref<64xf32, #tpu.memory_space<vmem>>
        tpu.enqueue_dma source(%dma_start3A_562 : memref<64xf32, #tpu.memory_space<vmem>>) target(%dma_start3A_559 : memref<64xf32, #tpu.memory_space<hbm>>) target_semaphore(%arg12 : memref<!tpu.dma_semaphore, #tpu.memory_space<semaphore_mem>>)
        %slice3A_563 = vector.extract_strided_slice %min3A_182 {offsets = [8], sizes = [1], strides = [1]} : vector<16xi32> to vector<1xi32>
        %squeeze3A_564 = vector.extract %slice3A_563[0] : i32 from vector<1xi32>
        %broadcast_in_dim3A_565 = vector.broadcast %squeeze3A_564 : i32 to vector<16xi32>
        %gather3A_566 = arith.constant 0 : i32
        %gather3A_567 = arith.constant 0 : i32
        %gather3A_568 = tpu.memref_slice %arg9[%while3A_84, %gather3A_566, %gather3A_567] : memref<2x64x512xf32, #tpu.memory_space<vmem>> -> memref<1x64x512xf32, #tpu.memory_space<vmem>>
        %gather3A_569 = tpu.memref_squeeze %gather3A_568 : memref<1x64x512xf32, #tpu.memory_space<vmem>> -> memref<64x512xf32, #tpu.memory_space<vmem>>
        %gather3A_570 = tpu.vector_load_idx %gather3A_569[%add3A_6, %broadcast_in_dim3A_565] : memref<64x512xf32, #tpu.memory_space<vmem>>[vector<16xi32>, vector<16xi32>], vector<16xf32>,
        %swap3A_571 = arith.index_cast %while3A_86 : i32 to index
        %swap3A_572 = arith.constant 512 : index
        %swap3A_573 = tpu.vector_load %arg10[%swap3A_571, %swap3A_572] {strides = array<i32>} : memref<2x1024xf32, #tpu.memory_space<vmem>>, vector<16xf32>,
        tpu.vector_store %arg10[%swap3A_571, %swap3A_572], %gather3A_570 {strides = array<i32>} : memref<2x1024xf32, #tpu.memory_space<vmem>>, vector<16xf32>,
        %gather3A_574 = arith.constant 0 : i32
        %gather3A_575 = arith.constant 0 : i32
        %gather3A_576 = tpu.memref_slice %arg9[%while3A_84, %gather3A_574, %gather3A_575] : memref<2x64x512xf32, #tpu.memory_space<vmem>> -> memref<1x64x512xf32, #tpu.memory_space<vmem>>
        %gather3A_577 = tpu.memref_squeeze %gather3A_576 : memref<1x64x512xf32, #tpu.memory_space<vmem>> -> memref<64x512xf32, #tpu.memory_space<vmem>>
        %gather3A_578 = tpu.vector_load_idx %gather3A_577[%add3A_10, %broadcast_in_dim3A_565] : memref<64x512xf32, #tpu.memory_space<vmem>>[vector<16xi32>, vector<16xi32>], vector<16xf32>,
        %swap3A_579 = arith.index_cast %while3A_86 : i32 to index
        %swap3A_580 = arith.constant 528 : index
        %swap3A_581 = tpu.vector_load %arg10[%swap3A_579, %swap3A_580] {strides = array<i32>} : memref<2x1024xf32, #tpu.memory_space<vmem>>, vector<16xf32>,
        tpu.vector_store %arg10[%swap3A_579, %swap3A_580], %gather3A_578 {strides = array<i32>} : memref<2x1024xf32, #tpu.memory_space<vmem>>, vector<16xf32>,
        %gather3A_582 = arith.constant 0 : i32
        %gather3A_583 = arith.constant 0 : i32
        %gather3A_584 = tpu.memref_slice %arg9[%while3A_84, %gather3A_582, %gather3A_583] : memref<2x64x512xf32, #tpu.memory_space<vmem>> -> memref<1x64x512xf32, #tpu.memory_space<vmem>>
        %gather3A_585 = tpu.memref_squeeze %gather3A_584 : memref<1x64x512xf32, #tpu.memory_space<vmem>> -> memref<64x512xf32, #tpu.memory_space<vmem>>
        %gather3A_586 = tpu.vector_load_idx %gather3A_585[%add3A_14, %broadcast_in_dim3A_565] : memref<64x512xf32, #tpu.memory_space<vmem>>[vector<16xi32>, vector<16xi32>], vector<16xf32>,
        %swap3A_587 = arith.index_cast %while3A_86 : i32 to index
        %swap3A_588 = arith.constant 544 : index
        %swap3A_589 = tpu.vector_load %arg10[%swap3A_587, %swap3A_588] {strides = array<i32>} : memref<2x1024xf32, #tpu.memory_space<vmem>>, vector<16xf32>,
        tpu.vector_store %arg10[%swap3A_587, %swap3A_588], %gather3A_586 {strides = array<i32>} : memref<2x1024xf32, #tpu.memory_space<vmem>>, vector<16xf32>,
        %gather3A_590 = arith.constant 0 : i32
        %gather3A_591 = arith.constant 0 : i32
        %gather3A_592 = tpu.memref_slice %arg9[%while3A_84, %gather3A_590, %gather3A_591] : memref<2x64x512xf32, #tpu.memory_space<vmem>> -> memref<1x64x512xf32, #tpu.memory_space<vmem>>
        %gather3A_593 = tpu.memref_squeeze %gather3A_592 : memref<1x64x512xf32, #tpu.memory_space<vmem>> -> memref<64x512xf32, #tpu.memory_space<vmem>>
        %gather3A_594 = tpu.vector_load_idx %gather3A_593[%add3A_18, %broadcast_in_dim3A_565] : memref<64x512xf32, #tpu.memory_space<vmem>>[vector<16xi32>, vector<16xi32>], vector<16xf32>,
        %swap3A_595 = arith.index_cast %while3A_86 : i32 to index
        %swap3A_596 = arith.constant 560 : index
        %swap3A_597 = tpu.vector_load %arg10[%swap3A_595, %swap3A_596] {strides = array<i32>} : memref<2x1024xf32, #tpu.memory_space<vmem>>, vector<16xf32>,
        tpu.vector_store %arg10[%swap3A_595, %swap3A_596], %gather3A_594 {strides = array<i32>} : memref<2x1024xf32, #tpu.memory_space<vmem>>, vector<16xf32>,
        %slice3A_598 = vector.extract_strided_slice %select_n3A_143 {offsets = [8], sizes = [1], strides = [1]} : vector<16xi32> to vector<1xi32>
        %squeeze3A_599 = vector.extract %slice3A_598[0] : i32 from vector<1xi32>
        %mul3A_600 = arith.constant 64 : i32
        %mul3A_601 = arith.muli %squeeze3A_599, %mul3A_600 : i32
        %multiple_of3A_602 = tpu.assume_multiple %mul3A_601, 64 : i32
        %dma_start3A_603 = arith.constant 512 : i32
        %dma_start3A_604 = tpu.memref_slice %arg10[%while3A_86, %dma_start3A_603] : memref<2x1024xf32, #tpu.memory_space<vmem>> -> memref<1x64xf32, #tpu.memory_space<vmem>>
        %dma_start3A_605 = tpu.memref_squeeze %dma_start3A_604 : memref<1x64xf32, #tpu.memory_space<vmem>> -> memref<64xf32, #tpu.memory_space<vmem>>
        %dma_start3A_606 = tpu.memref_slice %arg6[%multiple_of3A_602] : memref<1050624xf32, #tpu.memory_space<hbm>> -> memref<64xf32, #tpu.memory_space<hbm>>
        %dma_start3A_607 = tpu.memref_slice %arg6[%multiple_of3A_602] : memref<1050624xf32, #tpu.memory_space<hbm>> -> memref<64xf32, #tpu.memory_space<hbm>>
        %dma_start3A_608 = arith.constant 512 : i32
        %dma_start3A_609 = tpu.memref_slice %arg10[%while3A_86, %dma_start3A_608] : memref<2x1024xf32, #tpu.memory_space<vmem>> -> memref<1x64xf32, #tpu.memory_space<vmem>>
        %dma_start3A_610 = tpu.memref_squeeze %dma_start3A_609 : memref<1x64xf32, #tpu.memory_space<vmem>> -> memref<64xf32, #tpu.memory_space<vmem>>
        tpu.enqueue_dma source(%dma_start3A_610 : memref<64xf32, #tpu.memory_space<vmem>>) target(%dma_start3A_607 : memref<64xf32, #tpu.memory_space<hbm>>) target_semaphore(%arg12 : memref<!tpu.dma_semaphore, #tpu.memory_space<semaphore_mem>>)
        %slice3A_611 = vector.extract_strided_slice %min3A_182 {offsets = [9], sizes = [1], strides = [1]} : vector<16xi32> to vector<1xi32>
        %squeeze3A_612 = vector.extract %slice3A_611[0] : i32 from vector<1xi32>
        %broadcast_in_dim3A_613 = vector.broadcast %squeeze3A_612 : i32 to vector<16xi32>
        %gather3A_614 = arith.constant 0 : i32
        %gather3A_615 = arith.constant 0 : i32
        %gather3A_616 = tpu.memref_slice %arg9[%while3A_84, %gather3A_614, %gather3A_615] : memref<2x64x512xf32, #tpu.memory_space<vmem>> -> memref<1x64x512xf32, #tpu.memory_space<vmem>>
        %gather3A_617 = tpu.memref_squeeze %gather3A_616 : memref<1x64x512xf32, #tpu.memory_space<vmem>> -> memref<64x512xf32, #tpu.memory_space<vmem>>
        %gather3A_618 = tpu.vector_load_idx %gather3A_617[%add3A_6, %broadcast_in_dim3A_613] : memref<64x512xf32, #tpu.memory_space<vmem>>[vector<16xi32>, vector<16xi32>], vector<16xf32>,
        %swap3A_619 = arith.index_cast %while3A_86 : i32 to index
        %swap3A_620 = arith.constant 576 : index
        %swap3A_621 = tpu.vector_load %arg10[%swap3A_619, %swap3A_620] {strides = array<i32>} : memref<2x1024xf32, #tpu.memory_space<vmem>>, vector<16xf32>,
        tpu.vector_store %arg10[%swap3A_619, %swap3A_620], %gather3A_618 {strides = array<i32>} : memref<2x1024xf32, #tpu.memory_space<vmem>>, vector<16xf32>,
        %gather3A_622 = arith.constant 0 : i32
        %gather3A_623 = arith.constant 0 : i32
        %gather3A_624 = tpu.memref_slice %arg9[%while3A_84, %gather3A_622, %gather3A_623] : memref<2x64x512xf32, #tpu.memory_space<vmem>> -> memref<1x64x512xf32, #tpu.memory_space<vmem>>
        %gather3A_625 = tpu.memref_squeeze %gather3A_624 : memref<1x64x512xf32, #tpu.memory_space<vmem>> -> memref<64x512xf32, #tpu.memory_space<vmem>>
        %gather3A_626 = tpu.vector_load_idx %gather3A_625[%add3A_10, %broadcast_in_dim3A_613] : memref<64x512xf32, #tpu.memory_space<vmem>>[vector<16xi32>, vector<16xi32>], vector<16xf32>,
        %swap3A_627 = arith.index_cast %while3A_86 : i32 to index
        %swap3A_628 = arith.constant 592 : index
        %swap3A_629 = tpu.vector_load %arg10[%swap3A_627, %swap3A_628] {strides = array<i32>} : memref<2x1024xf32, #tpu.memory_space<vmem>>, vector<16xf32>,
        tpu.vector_store %arg10[%swap3A_627, %swap3A_628], %gather3A_626 {strides = array<i32>} : memref<2x1024xf32, #tpu.memory_space<vmem>>, vector<16xf32>,
        %gather3A_630 = arith.constant 0 : i32
        %gather3A_631 = arith.constant 0 : i32
        %gather3A_632 = tpu.memref_slice %arg9[%while3A_84, %gather3A_630, %gather3A_631] : memref<2x64x512xf32, #tpu.memory_space<vmem>> -> memref<1x64x512xf32, #tpu.memory_space<vmem>>
        %gather3A_633 = tpu.memref_squeeze %gather3A_632 : memref<1x64x512xf32, #tpu.memory_space<vmem>> -> memref<64x512xf32, #tpu.memory_space<vmem>>
        %gather3A_634 = tpu.vector_load_idx %gather3A_633[%add3A_14, %broadcast_in_dim3A_613] : memref<64x512xf32, #tpu.memory_space<vmem>>[vector<16xi32>, vector<16xi32>], vector<16xf32>,
        %swap3A_635 = arith.index_cast %while3A_86 : i32 to index
        %swap3A_636 = arith.constant 608 : index
        %swap3A_637 = tpu.vector_load %arg10[%swap3A_635, %swap3A_636] {strides = array<i32>} : memref<2x1024xf32, #tpu.memory_space<vmem>>, vector<16xf32>,
        tpu.vector_store %arg10[%swap3A_635, %swap3A_636], %gather3A_634 {strides = array<i32>} : memref<2x1024xf32, #tpu.memory_space<vmem>>, vector<16xf32>,
        %gather3A_638 = arith.constant 0 : i32
        %gather3A_639 = arith.constant 0 : i32
        %gather3A_640 = tpu.memref_slice %arg9[%while3A_84, %gather3A_638, %gather3A_639] : memref<2x64x512xf32, #tpu.memory_space<vmem>> -> memref<1x64x512xf32, #tpu.memory_space<vmem>>
        %gather3A_641 = tpu.memref_squeeze %gather3A_640 : memref<1x64x512xf32, #tpu.memory_space<vmem>> -> memref<64x512xf32, #tpu.memory_space<vmem>>
        %gather3A_642 = tpu.vector_load_idx %gather3A_641[%add3A_18, %broadcast_in_dim3A_613] : memref<64x512xf32, #tpu.memory_space<vmem>>[vector<16xi32>, vector<16xi32>], vector<16xf32>,
        %swap3A_643 = arith.index_cast %while3A_86 : i32 to index
        %swap3A_644 = arith.constant 624 : index
        %swap3A_645 = tpu.vector_load %arg10[%swap3A_643, %swap3A_644] {strides = array<i32>} : memref<2x1024xf32, #tpu.memory_space<vmem>>, vector<16xf32>,
        tpu.vector_store %arg10[%swap3A_643, %swap3A_644], %gather3A_642 {strides = array<i32>} : memref<2x1024xf32, #tpu.memory_space<vmem>>, vector<16xf32>,
        %slice3A_646 = vector.extract_strided_slice %select_n3A_143 {offsets = [9], sizes = [1], strides = [1]} : vector<16xi32> to vector<1xi32>
        %squeeze3A_647 = vector.extract %slice3A_646[0] : i32 from vector<1xi32>
        %mul3A_648 = arith.constant 64 : i32
        %mul3A_649 = arith.muli %squeeze3A_647, %mul3A_648 : i32
        %multiple_of3A_650 = tpu.assume_multiple %mul3A_649, 64 : i32
        %dma_start3A_651 = arith.constant 576 : i32
        %dma_start3A_652 = tpu.memref_slice %arg10[%while3A_86, %dma_start3A_651] : memref<2x1024xf32, #tpu.memory_space<vmem>> -> memref<1x64xf32, #tpu.memory_space<vmem>>
        %dma_start3A_653 = tpu.memref_squeeze %dma_start3A_652 : memref<1x64xf32, #tpu.memory_space<vmem>> -> memref<64xf32, #tpu.memory_space<vmem>>
        %dma_start3A_654 = tpu.memref_slice %arg6[%multiple_of3A_650] : memref<1050624xf32, #tpu.memory_space<hbm>> -> memref<64xf32, #tpu.memory_space<hbm>>
        %dma_start3A_655 = tpu.memref_slice %arg6[%multiple_of3A_650] : memref<1050624xf32, #tpu.memory_space<hbm>> -> memref<64xf32, #tpu.memory_space<hbm>>
        %dma_start3A_656 = arith.constant 576 : i32
        %dma_start3A_657 = tpu.memref_slice %arg10[%while3A_86, %dma_start3A_656] : memref<2x1024xf32, #tpu.memory_space<vmem>> -> memref<1x64xf32, #tpu.memory_space<vmem>>
        %dma_start3A_658 = tpu.memref_squeeze %dma_start3A_657 : memref<1x64xf32, #tpu.memory_space<vmem>> -> memref<64xf32, #tpu.memory_space<vmem>>
        tpu.enqueue_dma source(%dma_start3A_658 : memref<64xf32, #tpu.memory_space<vmem>>) target(%dma_start3A_655 : memref<64xf32, #tpu.memory_space<hbm>>) target_semaphore(%arg12 : memref<!tpu.dma_semaphore, #tpu.memory_space<semaphore_mem>>)
        %slice3A_659 = vector.extract_strided_slice %min3A_182 {offsets = [10], sizes = [1], strides = [1]} : vector<16xi32> to vector<1xi32>
        %squeeze3A_660 = vector.extract %slice3A_659[0] : i32 from vector<1xi32>
        %broadcast_in_dim3A_661 = vector.broadcast %squeeze3A_660 : i32 to vector<16xi32>
        %gather3A_662 = arith.constant 0 : i32
        %gather3A_663 = arith.constant 0 : i32
        %gather3A_664 = tpu.memref_slice %arg9[%while3A_84, %gather3A_662, %gather3A_663] : memref<2x64x512xf32, #tpu.memory_space<vmem>> -> memref<1x64x512xf32, #tpu.memory_space<vmem>>
        %gather3A_665 = tpu.memref_squeeze %gather3A_664 : memref<1x64x512xf32, #tpu.memory_space<vmem>> -> memref<64x512xf32, #tpu.memory_space<vmem>>
        %gather3A_666 = tpu.vector_load_idx %gather3A_665[%add3A_6, %broadcast_in_dim3A_661] : memref<64x512xf32, #tpu.memory_space<vmem>>[vector<16xi32>, vector<16xi32>], vector<16xf32>,
        %swap3A_667 = arith.index_cast %while3A_86 : i32 to index
        %swap3A_668 = arith.constant 640 : index
        %swap3A_669 = tpu.vector_load %arg10[%swap3A_667, %swap3A_668] {strides = array<i32>} : memref<2x1024xf32, #tpu.memory_space<vmem>>, vector<16xf32>,
        tpu.vector_store %arg10[%swap3A_667, %swap3A_668], %gather3A_666 {strides = array<i32>} : memref<2x1024xf32, #tpu.memory_space<vmem>>, vector<16xf32>,
        %gather3A_670 = arith.constant 0 : i32
        %gather3A_671 = arith.constant 0 : i32
        %gather3A_672 = tpu.memref_slice %arg9[%while3A_84, %gather3A_670, %gather3A_671] : memref<2x64x512xf32, #tpu.memory_space<vmem>> -> memref<1x64x512xf32, #tpu.memory_space<vmem>>
        %gather3A_673 = tpu.memref_squeeze %gather3A_672 : memref<1x64x512xf32, #tpu.memory_space<vmem>> -> memref<64x512xf32, #tpu.memory_space<vmem>>
        %gather3A_674 = tpu.vector_load_idx %gather3A_673[%add3A_10, %broadcast_in_dim3A_661] : memref<64x512xf32, #tpu.memory_space<vmem>>[vector<16xi32>, vector<16xi32>], vector<16xf32>,
        %swap3A_675 = arith.index_cast %while3A_86 : i32 to index
        %swap3A_676 = arith.constant 656 : index
        %swap3A_677 = tpu.vector_load %arg10[%swap3A_675, %swap3A_676] {strides = array<i32>} : memref<2x1024xf32, #tpu.memory_space<vmem>>, vector<16xf32>,
        tpu.vector_store %arg10[%swap3A_675, %swap3A_676], %gather3A_674 {strides = array<i32>} : memref<2x1024xf32, #tpu.memory_space<vmem>>, vector<16xf32>,
        %gather3A_678 = arith.constant 0 : i32
        %gather3A_679 = arith.constant 0 : i32
        %gather3A_680 = tpu.memref_slice %arg9[%while3A_84, %gather3A_678, %gather3A_679] : memref<2x64x512xf32, #tpu.memory_space<vmem>> -> memref<1x64x512xf32, #tpu.memory_space<vmem>>
        %gather3A_681 = tpu.memref_squeeze %gather3A_680 : memref<1x64x512xf32, #tpu.memory_space<vmem>> -> memref<64x512xf32, #tpu.memory_space<vmem>>
        %gather3A_682 = tpu.vector_load_idx %gather3A_681[%add3A_14, %broadcast_in_dim3A_661] : memref<64x512xf32, #tpu.memory_space<vmem>>[vector<16xi32>, vector<16xi32>], vector<16xf32>,
        %swap3A_683 = arith.index_cast %while3A_86 : i32 to index
        %swap3A_684 = arith.constant 672 : index
        %swap3A_685 = tpu.vector_load %arg10[%swap3A_683, %swap3A_684] {strides = array<i32>} : memref<2x1024xf32, #tpu.memory_space<vmem>>, vector<16xf32>,
        tpu.vector_store %arg10[%swap3A_683, %swap3A_684], %gather3A_682 {strides = array<i32>} : memref<2x1024xf32, #tpu.memory_space<vmem>>, vector<16xf32>,
        %gather3A_686 = arith.constant 0 : i32
        %gather3A_687 = arith.constant 0 : i32
        %gather3A_688 = tpu.memref_slice %arg9[%while3A_84, %gather3A_686, %gather3A_687] : memref<2x64x512xf32, #tpu.memory_space<vmem>> -> memref<1x64x512xf32, #tpu.memory_space<vmem>>
        %gather3A_689 = tpu.memref_squeeze %gather3A_688 : memref<1x64x512xf32, #tpu.memory_space<vmem>> -> memref<64x512xf32, #tpu.memory_space<vmem>>
        %gather3A_690 = tpu.vector_load_idx %gather3A_689[%add3A_18, %broadcast_in_dim3A_661] : memref<64x512xf32, #tpu.memory_space<vmem>>[vector<16xi32>, vector<16xi32>], vector<16xf32>,
        %swap3A_691 = arith.index_cast %while3A_86 : i32 to index
        %swap3A_692 = arith.constant 688 : index
        %swap3A_693 = tpu.vector_load %arg10[%swap3A_691, %swap3A_692] {strides = array<i32>} : memref<2x1024xf32, #tpu.memory_space<vmem>>, vector<16xf32>,
        tpu.vector_store %arg10[%swap3A_691, %swap3A_692], %gather3A_690 {strides = array<i32>} : memref<2x1024xf32, #tpu.memory_space<vmem>>, vector<16xf32>,
        %slice3A_694 = vector.extract_strided_slice %select_n3A_143 {offsets = [10], sizes = [1], strides = [1]} : vector<16xi32> to vector<1xi32>
        %squeeze3A_695 = vector.extract %slice3A_694[0] : i32 from vector<1xi32>
        %mul3A_696 = arith.constant 64 : i32
        %mul3A_697 = arith.muli %squeeze3A_695, %mul3A_696 : i32
        %multiple_of3A_698 = tpu.assume_multiple %mul3A_697, 64 : i32
        %dma_start3A_699 = arith.constant 640 : i32
        %dma_start3A_700 = tpu.memref_slice %arg10[%while3A_86, %dma_start3A_699] : memref<2x1024xf32, #tpu.memory_space<vmem>> -> memref<1x64xf32, #tpu.memory_space<vmem>>
        %dma_start3A_701 = tpu.memref_squeeze %dma_start3A_700 : memref<1x64xf32, #tpu.memory_space<vmem>> -> memref<64xf32, #tpu.memory_space<vmem>>
        %dma_start3A_702 = tpu.memref_slice %arg6[%multiple_of3A_698] : memref<1050624xf32, #tpu.memory_space<hbm>> -> memref<64xf32, #tpu.memory_space<hbm>>
        %dma_start3A_703 = tpu.memref_slice %arg6[%multiple_of3A_698] : memref<1050624xf32, #tpu.memory_space<hbm>> -> memref<64xf32, #tpu.memory_space<hbm>>
        %dma_start3A_704 = arith.constant 640 : i32
        %dma_start3A_705 = tpu.memref_slice %arg10[%while3A_86, %dma_start3A_704] : memref<2x1024xf32, #tpu.memory_space<vmem>> -> memref<1x64xf32, #tpu.memory_space<vmem>>
        %dma_start3A_706 = tpu.memref_squeeze %dma_start3A_705 : memref<1x64xf32, #tpu.memory_space<vmem>> -> memref<64xf32, #tpu.memory_space<vmem>>
        tpu.enqueue_dma source(%dma_start3A_706 : memref<64xf32, #tpu.memory_space<vmem>>) target(%dma_start3A_703 : memref<64xf32, #tpu.memory_space<hbm>>) target_semaphore(%arg12 : memref<!tpu.dma_semaphore, #tpu.memory_space<semaphore_mem>>)
        %slice3A_707 = vector.extract_strided_slice %min3A_182 {offsets = [11], sizes = [1], strides = [1]} : vector<16xi32> to vector<1xi32>
        %squeeze3A_708 = vector.extract %slice3A_707[0] : i32 from vector<1xi32>
        %broadcast_in_dim3A_709 = vector.broadcast %squeeze3A_708 : i32 to vector<16xi32>
        %gather3A_710 = arith.constant 0 : i32
        %gather3A_711 = arith.constant 0 : i32
        %gather3A_712 = tpu.memref_slice %arg9[%while3A_84, %gather3A_710, %gather3A_711] : memref<2x64x512xf32, #tpu.memory_space<vmem>> -> memref<1x64x512xf32, #tpu.memory_space<vmem>>
        %gather3A_713 = tpu.memref_squeeze %gather3A_712 : memref<1x64x512xf32, #tpu.memory_space<vmem>> -> memref<64x512xf32, #tpu.memory_space<vmem>>
        %gather3A_714 = tpu.vector_load_idx %gather3A_713[%add3A_6, %broadcast_in_dim3A_709] : memref<64x512xf32, #tpu.memory_space<vmem>>[vector<16xi32>, vector<16xi32>], vector<16xf32>,
        %swap3A_715 = arith.index_cast %while3A_86 : i32 to index
        %swap3A_716 = arith.constant 704 : index
        %swap3A_717 = tpu.vector_load %arg10[%swap3A_715, %swap3A_716] {strides = array<i32>} : memref<2x1024xf32, #tpu.memory_space<vmem>>, vector<16xf32>,
        tpu.vector_store %arg10[%swap3A_715, %swap3A_716], %gather3A_714 {strides = array<i32>} : memref<2x1024xf32, #tpu.memory_space<vmem>>, vector<16xf32>,
        %gather3A_718 = arith.constant 0 : i32
        %gather3A_719 = arith.constant 0 : i32
        %gather3A_720 = tpu.memref_slice %arg9[%while3A_84, %gather3A_718, %gather3A_719] : memref<2x64x512xf32, #tpu.memory_space<vmem>> -> memref<1x64x512xf32, #tpu.memory_space<vmem>>
        %gather3A_721 = tpu.memref_squeeze %gather3A_720 : memref<1x64x512xf32, #tpu.memory_space<vmem>> -> memref<64x512xf32, #tpu.memory_space<vmem>>
        %gather3A_722 = tpu.vector_load_idx %gather3A_721[%add3A_10, %broadcast_in_dim3A_709] : memref<64x512xf32, #tpu.memory_space<vmem>>[vector<16xi32>, vector<16xi32>], vector<16xf32>,
        %swap3A_723 = arith.index_cast %while3A_86 : i32 to index
        %swap3A_724 = arith.constant 720 : index
        %swap3A_725 = tpu.vector_load %arg10[%swap3A_723, %swap3A_724] {strides = array<i32>} : memref<2x1024xf32, #tpu.memory_space<vmem>>, vector<16xf32>,
        tpu.vector_store %arg10[%swap3A_723, %swap3A_724], %gather3A_722 {strides = array<i32>} : memref<2x1024xf32, #tpu.memory_space<vmem>>, vector<16xf32>,
        %gather3A_726 = arith.constant 0 : i32
        %gather3A_727 = arith.constant 0 : i32
        %gather3A_728 = tpu.memref_slice %arg9[%while3A_84, %gather3A_726, %gather3A_727] : memref<2x64x512xf32, #tpu.memory_space<vmem>> -> memref<1x64x512xf32, #tpu.memory_space<vmem>>
        %gather3A_729 = tpu.memref_squeeze %gather3A_728 : memref<1x64x512xf32, #tpu.memory_space<vmem>> -> memref<64x512xf32, #tpu.memory_space<vmem>>
        %gather3A_730 = tpu.vector_load_idx %gather3A_729[%add3A_14, %broadcast_in_dim3A_709] : memref<64x512xf32, #tpu.memory_space<vmem>>[vector<16xi32>, vector<16xi32>], vector<16xf32>,
        %swap3A_731 = arith.index_cast %while3A_86 : i32 to index
        %swap3A_732 = arith.constant 736 : index
        %swap3A_733 = tpu.vector_load %arg10[%swap3A_731, %swap3A_732] {strides = array<i32>} : memref<2x1024xf32, #tpu.memory_space<vmem>>, vector<16xf32>,
        tpu.vector_store %arg10[%swap3A_731, %swap3A_732], %gather3A_730 {strides = array<i32>} : memref<2x1024xf32, #tpu.memory_space<vmem>>, vector<16xf32>,
        %gather3A_734 = arith.constant 0 : i32
        %gather3A_735 = arith.constant 0 : i32
        %gather3A_736 = tpu.memref_slice %arg9[%while3A_84, %gather3A_734, %gather3A_735] : memref<2x64x512xf32, #tpu.memory_space<vmem>> -> memref<1x64x512xf32, #tpu.memory_space<vmem>>
        %gather3A_737 = tpu.memref_squeeze %gather3A_736 : memref<1x64x512xf32, #tpu.memory_space<vmem>> -> memref<64x512xf32, #tpu.memory_space<vmem>>
        %gather3A_738 = tpu.vector_load_idx %gather3A_737[%add3A_18, %broadcast_in_dim3A_709] : memref<64x512xf32, #tpu.memory_space<vmem>>[vector<16xi32>, vector<16xi32>], vector<16xf32>,
        %swap3A_739 = arith.index_cast %while3A_86 : i32 to index
        %swap3A_740 = arith.constant 752 : index
        %swap3A_741 = tpu.vector_load %arg10[%swap3A_739, %swap3A_740] {strides = array<i32>} : memref<2x1024xf32, #tpu.memory_space<vmem>>, vector<16xf32>,
        tpu.vector_store %arg10[%swap3A_739, %swap3A_740], %gather3A_738 {strides = array<i32>} : memref<2x1024xf32, #tpu.memory_space<vmem>>, vector<16xf32>,
        %slice3A_742 = vector.extract_strided_slice %select_n3A_143 {offsets = [11], sizes = [1], strides = [1]} : vector<16xi32> to vector<1xi32>
        %squeeze3A_743 = vector.extract %slice3A_742[0] : i32 from vector<1xi32>
        %mul3A_744 = arith.constant 64 : i32
        %mul3A_745 = arith.muli %squeeze3A_743, %mul3A_744 : i32
        %multiple_of3A_746 = tpu.assume_multiple %mul3A_745, 64 : i32
        %dma_start3A_747 = arith.constant 704 : i32
        %dma_start3A_748 = tpu.memref_slice %arg10[%while3A_86, %dma_start3A_747] : memref<2x1024xf32, #tpu.memory_space<vmem>> -> memref<1x64xf32, #tpu.memory_space<vmem>>
        %dma_start3A_749 = tpu.memref_squeeze %dma_start3A_748 : memref<1x64xf32, #tpu.memory_space<vmem>> -> memref<64xf32, #tpu.memory_space<vmem>>
        %dma_start3A_750 = tpu.memref_slice %arg6[%multiple_of3A_746] : memref<1050624xf32, #tpu.memory_space<hbm>> -> memref<64xf32, #tpu.memory_space<hbm>>
        %dma_start3A_751 = tpu.memref_slice %arg6[%multiple_of3A_746] : memref<1050624xf32, #tpu.memory_space<hbm>> -> memref<64xf32, #tpu.memory_space<hbm>>
        %dma_start3A_752 = arith.constant 704 : i32
        %dma_start3A_753 = tpu.memref_slice %arg10[%while3A_86, %dma_start3A_752] : memref<2x1024xf32, #tpu.memory_space<vmem>> -> memref<1x64xf32, #tpu.memory_space<vmem>>
        %dma_start3A_754 = tpu.memref_squeeze %dma_start3A_753 : memref<1x64xf32, #tpu.memory_space<vmem>> -> memref<64xf32, #tpu.memory_space<vmem>>
        tpu.enqueue_dma source(%dma_start3A_754 : memref<64xf32, #tpu.memory_space<vmem>>) target(%dma_start3A_751 : memref<64xf32, #tpu.memory_space<hbm>>) target_semaphore(%arg12 : memref<!tpu.dma_semaphore, #tpu.memory_space<semaphore_mem>>)
        %slice3A_755 = vector.extract_strided_slice %min3A_182 {offsets = [12], sizes = [1], strides = [1]} : vector<16xi32> to vector<1xi32>
        %squeeze3A_756 = vector.extract %slice3A_755[0] : i32 from vector<1xi32>
        %broadcast_in_dim3A_757 = vector.broadcast %squeeze3A_756 : i32 to vector<16xi32>
        %gather3A_758 = arith.constant 0 : i32
        %gather3A_759 = arith.constant 0 : i32
        %gather3A_760 = tpu.memref_slice %arg9[%while3A_84, %gather3A_758, %gather3A_759] : memref<2x64x512xf32, #tpu.memory_space<vmem>> -> memref<1x64x512xf32, #tpu.memory_space<vmem>>
        %gather3A_761 = tpu.memref_squeeze %gather3A_760 : memref<1x64x512xf32, #tpu.memory_space<vmem>> -> memref<64x512xf32, #tpu.memory_space<vmem>>
        %gather3A_762 = tpu.vector_load_idx %gather3A_761[%add3A_6, %broadcast_in_dim3A_757] : memref<64x512xf32, #tpu.memory_space<vmem>>[vector<16xi32>, vector<16xi32>], vector<16xf32>,
        %swap3A_763 = arith.index_cast %while3A_86 : i32 to index
        %swap3A_764 = arith.constant 768 : index
        %swap3A_765 = tpu.vector_load %arg10[%swap3A_763, %swap3A_764] {strides = array<i32>} : memref<2x1024xf32, #tpu.memory_space<vmem>>, vector<16xf32>,
        tpu.vector_store %arg10[%swap3A_763, %swap3A_764], %gather3A_762 {strides = array<i32>} : memref<2x1024xf32, #tpu.memory_space<vmem>>, vector<16xf32>,
        %gather3A_766 = arith.constant 0 : i32
        %gather3A_767 = arith.constant 0 : i32
        %gather3A_768 = tpu.memref_slice %arg9[%while3A_84, %gather3A_766, %gather3A_767] : memref<2x64x512xf32, #tpu.memory_space<vmem>> -> memref<1x64x512xf32, #tpu.memory_space<vmem>>
        %gather3A_769 = tpu.memref_squeeze %gather3A_768 : memref<1x64x512xf32, #tpu.memory_space<vmem>> -> memref<64x512xf32, #tpu.memory_space<vmem>>
        %gather3A_770 = tpu.vector_load_idx %gather3A_769[%add3A_10, %broadcast_in_dim3A_757] : memref<64x512xf32, #tpu.memory_space<vmem>>[vector<16xi32>, vector<16xi32>], vector<16xf32>,
        %swap3A_771 = arith.index_cast %while3A_86 : i32 to index
        %swap3A_772 = arith.constant 784 : index
        %swap3A_773 = tpu.vector_load %arg10[%swap3A_771, %swap3A_772] {strides = array<i32>} : memref<2x1024xf32, #tpu.memory_space<vmem>>, vector<16xf32>,
        tpu.vector_store %arg10[%swap3A_771, %swap3A_772], %gather3A_770 {strides = array<i32>} : memref<2x1024xf32, #tpu.memory_space<vmem>>, vector<16xf32>,
        %gather3A_774 = arith.constant 0 : i32
        %gather3A_775 = arith.constant 0 : i32
        %gather3A_776 = tpu.memref_slice %arg9[%while3A_84, %gather3A_774, %gather3A_775] : memref<2x64x512xf32, #tpu.memory_space<vmem>> -> memref<1x64x512xf32, #tpu.memory_space<vmem>>
        %gather3A_777 = tpu.memref_squeeze %gather3A_776 : memref<1x64x512xf32, #tpu.memory_space<vmem>> -> memref<64x512xf32, #tpu.memory_space<vmem>>
        %gather3A_778 = tpu.vector_load_idx %gather3A_777[%add3A_14, %broadcast_in_dim3A_757] : memref<64x512xf32, #tpu.memory_space<vmem>>[vector<16xi32>, vector<16xi32>], vector<16xf32>,
        %swap3A_779 = arith.index_cast %while3A_86 : i32 to index
        %swap3A_780 = arith.constant 800 : index
        %swap3A_781 = tpu.vector_load %arg10[%swap3A_779, %swap3A_780] {strides = array<i32>} : memref<2x1024xf32, #tpu.memory_space<vmem>>, vector<16xf32>,
        tpu.vector_store %arg10[%swap3A_779, %swap3A_780], %gather3A_778 {strides = array<i32>} : memref<2x1024xf32, #tpu.memory_space<vmem>>, vector<16xf32>,
        %gather3A_782 = arith.constant 0 : i32
        %gather3A_783 = arith.constant 0 : i32
        %gather3A_784 = tpu.memref_slice %arg9[%while3A_84, %gather3A_782, %gather3A_783] : memref<2x64x512xf32, #tpu.memory_space<vmem>> -> memref<1x64x512xf32, #tpu.memory_space<vmem>>
        %gather3A_785 = tpu.memref_squeeze %gather3A_784 : memref<1x64x512xf32, #tpu.memory_space<vmem>> -> memref<64x512xf32, #tpu.memory_space<vmem>>
        %gather3A_786 = tpu.vector_load_idx %gather3A_785[%add3A_18, %broadcast_in_dim3A_757] : memref<64x512xf32, #tpu.memory_space<vmem>>[vector<16xi32>, vector<16xi32>], vector<16xf32>,
        %swap3A_787 = arith.index_cast %while3A_86 : i32 to index
        %swap3A_788 = arith.constant 816 : index
        %swap3A_789 = tpu.vector_load %arg10[%swap3A_787, %swap3A_788] {strides = array<i32>} : memref<2x1024xf32, #tpu.memory_space<vmem>>, vector<16xf32>,
        tpu.vector_store %arg10[%swap3A_787, %swap3A_788], %gather3A_786 {strides = array<i32>} : memref<2x1024xf32, #tpu.memory_space<vmem>>, vector<16xf32>,
        %slice3A_790 = vector.extract_strided_slice %select_n3A_143 {offsets = [12], sizes = [1], strides = [1]} : vector<16xi32> to vector<1xi32>
        %squeeze3A_791 = vector.extract %slice3A_790[0] : i32 from vector<1xi32>
        %mul3A_792 = arith.constant 64 : i32
        %mul3A_793 = arith.muli %squeeze3A_791, %mul3A_792 : i32
        %multiple_of3A_794 = tpu.assume_multiple %mul3A_793, 64 : i32
        %dma_start3A_795 = arith.constant 768 : i32
        %dma_start3A_796 = tpu.memref_slice %arg10[%while3A_86, %dma_start3A_795] : memref<2x1024xf32, #tpu.memory_space<vmem>> -> memref<1x64xf32, #tpu.memory_space<vmem>>
        %dma_start3A_797 = tpu.memref_squeeze %dma_start3A_796 : memref<1x64xf32, #tpu.memory_space<vmem>> -> memref<64xf32, #tpu.memory_space<vmem>>
        %dma_start3A_798 = tpu.memref_slice %arg6[%multiple_of3A_794] : memref<1050624xf32, #tpu.memory_space<hbm>> -> memref<64xf32, #tpu.memory_space<hbm>>
        %dma_start3A_799 = tpu.memref_slice %arg6[%multiple_of3A_794] : memref<1050624xf32, #tpu.memory_space<hbm>> -> memref<64xf32, #tpu.memory_space<hbm>>
        %dma_start3A_800 = arith.constant 768 : i32
        %dma_start3A_801 = tpu.memref_slice %arg10[%while3A_86, %dma_start3A_800] : memref<2x1024xf32, #tpu.memory_space<vmem>> -> memref<1x64xf32, #tpu.memory_space<vmem>>
        %dma_start3A_802 = tpu.memref_squeeze %dma_start3A_801 : memref<1x64xf32, #tpu.memory_space<vmem>> -> memref<64xf32, #tpu.memory_space<vmem>>
        tpu.enqueue_dma source(%dma_start3A_802 : memref<64xf32, #tpu.memory_space<vmem>>) target(%dma_start3A_799 : memref<64xf32, #tpu.memory_space<hbm>>) target_semaphore(%arg12 : memref<!tpu.dma_semaphore, #tpu.memory_space<semaphore_mem>>)
        %slice3A_803 = vector.extract_strided_slice %min3A_182 {offsets = [13], sizes = [1], strides = [1]} : vector<16xi32> to vector<1xi32>
        %squeeze3A_804 = vector.extract %slice3A_803[0] : i32 from vector<1xi32>
        %broadcast_in_dim3A_805 = vector.broadcast %squeeze3A_804 : i32 to vector<16xi32>
        %gather3A_806 = arith.constant 0 : i32
        %gather3A_807 = arith.constant 0 : i32
        %gather3A_808 = tpu.memref_slice %arg9[%while3A_84, %gather3A_806, %gather3A_807] : memref<2x64x512xf32, #tpu.memory_space<vmem>> -> memref<1x64x512xf32, #tpu.memory_space<vmem>>
        %gather3A_809 = tpu.memref_squeeze %gather3A_808 : memref<1x64x512xf32, #tpu.memory_space<vmem>> -> memref<64x512xf32, #tpu.memory_space<vmem>>
        %gather3A_810 = tpu.vector_load_idx %gather3A_809[%add3A_6, %broadcast_in_dim3A_805] : memref<64x512xf32, #tpu.memory_space<vmem>>[vector<16xi32>, vector<16xi32>], vector<16xf32>,
        %swap3A_811 = arith.index_cast %while3A_86 : i32 to index
        %swap3A_812 = arith.constant 832 : index
        %swap3A_813 = tpu.vector_load %arg10[%swap3A_811, %swap3A_812] {strides = array<i32>} : memref<2x1024xf32, #tpu.memory_space<vmem>>, vector<16xf32>,
        tpu.vector_store %arg10[%swap3A_811, %swap3A_812], %gather3A_810 {strides = array<i32>} : memref<2x1024xf32, #tpu.memory_space<vmem>>, vector<16xf32>,
        %gather3A_814 = arith.constant 0 : i32
        %gather3A_815 = arith.constant 0 : i32
        %gather3A_816 = tpu.memref_slice %arg9[%while3A_84, %gather3A_814, %gather3A_815] : memref<2x64x512xf32, #tpu.memory_space<vmem>> -> memref<1x64x512xf32, #tpu.memory_space<vmem>>
        %gather3A_817 = tpu.memref_squeeze %gather3A_816 : memref<1x64x512xf32, #tpu.memory_space<vmem>> -> memref<64x512xf32, #tpu.memory_space<vmem>>
        %gather3A_818 = tpu.vector_load_idx %gather3A_817[%add3A_10, %broadcast_in_dim3A_805] : memref<64x512xf32, #tpu.memory_space<vmem>>[vector<16xi32>, vector<16xi32>], vector<16xf32>,
        %swap3A_819 = arith.index_cast %while3A_86 : i32 to index
        %swap3A_820 = arith.constant 848 : index
        %swap3A_821 = tpu.vector_load %arg10[%swap3A_819, %swap3A_820] {strides = array<i32>} : memref<2x1024xf32, #tpu.memory_space<vmem>>, vector<16xf32>,
        tpu.vector_store %arg10[%swap3A_819, %swap3A_820], %gather3A_818 {strides = array<i32>} : memref<2x1024xf32, #tpu.memory_space<vmem>>, vector<16xf32>,
        %gather3A_822 = arith.constant 0 : i32
        %gather3A_823 = arith.constant 0 : i32
        %gather3A_824 = tpu.memref_slice %arg9[%while3A_84, %gather3A_822, %gather3A_823] : memref<2x64x512xf32, #tpu.memory_space<vmem>> -> memref<1x64x512xf32, #tpu.memory_space<vmem>>
        %gather3A_825 = tpu.memref_squeeze %gather3A_824 : memref<1x64x512xf32, #tpu.memory_space<vmem>> -> memref<64x512xf32, #tpu.memory_space<vmem>>
        %gather3A_826 = tpu.vector_load_idx %gather3A_825[%add3A_14, %broadcast_in_dim3A_805] : memref<64x512xf32, #tpu.memory_space<vmem>>[vector<16xi32>, vector<16xi32>], vector<16xf32>,
        %swap3A_827 = arith.index_cast %while3A_86 : i32 to index
        %swap3A_828 = arith.constant 864 : index
        %swap3A_829 = tpu.vector_load %arg10[%swap3A_827, %swap3A_828] {strides = array<i32>} : memref<2x1024xf32, #tpu.memory_space<vmem>>, vector<16xf32>,
        tpu.vector_store %arg10[%swap3A_827, %swap3A_828], %gather3A_826 {strides = array<i32>} : memref<2x1024xf32, #tpu.memory_space<vmem>>, vector<16xf32>,
        %gather3A_830 = arith.constant 0 : i32
        %gather3A_831 = arith.constant 0 : i32
        %gather3A_832 = tpu.memref_slice %arg9[%while3A_84, %gather3A_830, %gather3A_831] : memref<2x64x512xf32, #tpu.memory_space<vmem>> -> memref<1x64x512xf32, #tpu.memory_space<vmem>>
        %gather3A_833 = tpu.memref_squeeze %gather3A_832 : memref<1x64x512xf32, #tpu.memory_space<vmem>> -> memref<64x512xf32, #tpu.memory_space<vmem>>
        %gather3A_834 = tpu.vector_load_idx %gather3A_833[%add3A_18, %broadcast_in_dim3A_805] : memref<64x512xf32, #tpu.memory_space<vmem>>[vector<16xi32>, vector<16xi32>], vector<16xf32>,
        %swap3A_835 = arith.index_cast %while3A_86 : i32 to index
        %swap3A_836 = arith.constant 880 : index
        %swap3A_837 = tpu.vector_load %arg10[%swap3A_835, %swap3A_836] {strides = array<i32>} : memref<2x1024xf32, #tpu.memory_space<vmem>>, vector<16xf32>,
        tpu.vector_store %arg10[%swap3A_835, %swap3A_836], %gather3A_834 {strides = array<i32>} : memref<2x1024xf32, #tpu.memory_space<vmem>>, vector<16xf32>,
        %slice3A_838 = vector.extract_strided_slice %select_n3A_143 {offsets = [13], sizes = [1], strides = [1]} : vector<16xi32> to vector<1xi32>
        %squeeze3A_839 = vector.extract %slice3A_838[0] : i32 from vector<1xi32>
        %mul3A_840 = arith.constant 64 : i32
        %mul3A_841 = arith.muli %squeeze3A_839, %mul3A_840 : i32
        %multiple_of3A_842 = tpu.assume_multiple %mul3A_841, 64 : i32
        %dma_start3A_843 = arith.constant 832 : i32
        %dma_start3A_844 = tpu.memref_slice %arg10[%while3A_86, %dma_start3A_843] : memref<2x1024xf32, #tpu.memory_space<vmem>> -> memref<1x64xf32, #tpu.memory_space<vmem>>
        %dma_start3A_845 = tpu.memref_squeeze %dma_start3A_844 : memref<1x64xf32, #tpu.memory_space<vmem>> -> memref<64xf32, #tpu.memory_space<vmem>>
        %dma_start3A_846 = tpu.memref_slice %arg6[%multiple_of3A_842] : memref<1050624xf32, #tpu.memory_space<hbm>> -> memref<64xf32, #tpu.memory_space<hbm>>
        %dma_start3A_847 = tpu.memref_slice %arg6[%multiple_of3A_842] : memref<1050624xf32, #tpu.memory_space<hbm>> -> memref<64xf32, #tpu.memory_space<hbm>>
        %dma_start3A_848 = arith.constant 832 : i32
        %dma_start3A_849 = tpu.memref_slice %arg10[%while3A_86, %dma_start3A_848] : memref<2x1024xf32, #tpu.memory_space<vmem>> -> memref<1x64xf32, #tpu.memory_space<vmem>>
        %dma_start3A_850 = tpu.memref_squeeze %dma_start3A_849 : memref<1x64xf32, #tpu.memory_space<vmem>> -> memref<64xf32, #tpu.memory_space<vmem>>
        tpu.enqueue_dma source(%dma_start3A_850 : memref<64xf32, #tpu.memory_space<vmem>>) target(%dma_start3A_847 : memref<64xf32, #tpu.memory_space<hbm>>) target_semaphore(%arg12 : memref<!tpu.dma_semaphore, #tpu.memory_space<semaphore_mem>>)
        %slice3A_851 = vector.extract_strided_slice %min3A_182 {offsets = [14], sizes = [1], strides = [1]} : vector<16xi32> to vector<1xi32>
        %squeeze3A_852 = vector.extract %slice3A_851[0] : i32 from vector<1xi32>
        %broadcast_in_dim3A_853 = vector.broadcast %squeeze3A_852 : i32 to vector<16xi32>
        %gather3A_854 = arith.constant 0 : i32
        %gather3A_855 = arith.constant 0 : i32
        %gather3A_856 = tpu.memref_slice %arg9[%while3A_84, %gather3A_854, %gather3A_855] : memref<2x64x512xf32, #tpu.memory_space<vmem>> -> memref<1x64x512xf32, #tpu.memory_space<vmem>>
        %gather3A_857 = tpu.memref_squeeze %gather3A_856 : memref<1x64x512xf32, #tpu.memory_space<vmem>> -> memref<64x512xf32, #tpu.memory_space<vmem>>
        %gather3A_858 = tpu.vector_load_idx %gather3A_857[%add3A_6, %broadcast_in_dim3A_853] : memref<64x512xf32, #tpu.memory_space<vmem>>[vector<16xi32>, vector<16xi32>], vector<16xf32>,
        %swap3A_859 = arith.index_cast %while3A_86 : i32 to index
        %swap3A_860 = arith.constant 896 : index
        %swap3A_861 = tpu.vector_load %arg10[%swap3A_859, %swap3A_860] {strides = array<i32>} : memref<2x1024xf32, #tpu.memory_space<vmem>>, vector<16xf32>,
        tpu.vector_store %arg10[%swap3A_859, %swap3A_860], %gather3A_858 {strides = array<i32>} : memref<2x1024xf32, #tpu.memory_space<vmem>>, vector<16xf32>,
        %gather3A_862 = arith.constant 0 : i32
        %gather3A_863 = arith.constant 0 : i32
        %gather3A_864 = tpu.memref_slice %arg9[%while3A_84, %gather3A_862, %gather3A_863] : memref<2x64x512xf32, #tpu.memory_space<vmem>> -> memref<1x64x512xf32, #tpu.memory_space<vmem>>
        %gather3A_865 = tpu.memref_squeeze %gather3A_864 : memref<1x64x512xf32, #tpu.memory_space<vmem>> -> memref<64x512xf32, #tpu.memory_space<vmem>>
        %gather3A_866 = tpu.vector_load_idx %gather3A_865[%add3A_10, %broadcast_in_dim3A_853] : memref<64x512xf32, #tpu.memory_space<vmem>>[vector<16xi32>, vector<16xi32>], vector<16xf32>,
        %swap3A_867 = arith.index_cast %while3A_86 : i32 to index
        %swap3A_868 = arith.constant 912 : index
        %swap3A_869 = tpu.vector_load %arg10[%swap3A_867, %swap3A_868] {strides = array<i32>} : memref<2x1024xf32, #tpu.memory_space<vmem>>, vector<16xf32>,
        tpu.vector_store %arg10[%swap3A_867, %swap3A_868], %gather3A_866 {strides = array<i32>} : memref<2x1024xf32, #tpu.memory_space<vmem>>, vector<16xf32>,
        %gather3A_870 = arith.constant 0 : i32
        %gather3A_871 = arith.constant 0 : i32
        %gather3A_872 = tpu.memref_slice %arg9[%while3A_84, %gather3A_870, %gather3A_871] : memref<2x64x512xf32, #tpu.memory_space<vmem>> -> memref<1x64x512xf32, #tpu.memory_space<vmem>>
        %gather3A_873 = tpu.memref_squeeze %gather3A_872 : memref<1x64x512xf32, #tpu.memory_space<vmem>> -> memref<64x512xf32, #tpu.memory_space<vmem>>
        %gather3A_874 = tpu.vector_load_idx %gather3A_873[%add3A_14, %broadcast_in_dim3A_853] : memref<64x512xf32, #tpu.memory_space<vmem>>[vector<16xi32>, vector<16xi32>], vector<16xf32>,
        %swap3A_875 = arith.index_cast %while3A_86 : i32 to index
        %swap3A_876 = arith.constant 928 : index
        %swap3A_877 = tpu.vector_load %arg10[%swap3A_875, %swap3A_876] {strides = array<i32>} : memref<2x1024xf32, #tpu.memory_space<vmem>>, vector<16xf32>,
        tpu.vector_store %arg10[%swap3A_875, %swap3A_876], %gather3A_874 {strides = array<i32>} : memref<2x1024xf32, #tpu.memory_space<vmem>>, vector<16xf32>,
        %gather3A_878 = arith.constant 0 : i32
        %gather3A_879 = arith.constant 0 : i32
        %gather3A_880 = tpu.memref_slice %arg9[%while3A_84, %gather3A_878, %gather3A_879] : memref<2x64x512xf32, #tpu.memory_space<vmem>> -> memref<1x64x512xf32, #tpu.memory_space<vmem>>
        %gather3A_881 = tpu.memref_squeeze %gather3A_880 : memref<1x64x512xf32, #tpu.memory_space<vmem>> -> memref<64x512xf32, #tpu.memory_space<vmem>>
        %gather3A_882 = tpu.vector_load_idx %gather3A_881[%add3A_18, %broadcast_in_dim3A_853] : memref<64x512xf32, #tpu.memory_space<vmem>>[vector<16xi32>, vector<16xi32>], vector<16xf32>,
        %swap3A_883 = arith.index_cast %while3A_86 : i32 to index
        %swap3A_884 = arith.constant 944 : index
        %swap3A_885 = tpu.vector_load %arg10[%swap3A_883, %swap3A_884] {strides = array<i32>} : memref<2x1024xf32, #tpu.memory_space<vmem>>, vector<16xf32>,
        tpu.vector_store %arg10[%swap3A_883, %swap3A_884], %gather3A_882 {strides = array<i32>} : memref<2x1024xf32, #tpu.memory_space<vmem>>, vector<16xf32>,
        %slice3A_886 = vector.extract_strided_slice %select_n3A_143 {offsets = [14], sizes = [1], strides = [1]} : vector<16xi32> to vector<1xi32>
        %squeeze3A_887 = vector.extract %slice3A_886[0] : i32 from vector<1xi32>
        %mul3A_888 = arith.constant 64 : i32
        %mul3A_889 = arith.muli %squeeze3A_887, %mul3A_888 : i32
        %multiple_of3A_890 = tpu.assume_multiple %mul3A_889, 64 : i32
        %dma_start3A_891 = arith.constant 896 : i32
        %dma_start3A_892 = tpu.memref_slice %arg10[%while3A_86, %dma_start3A_891] : memref<2x1024xf32, #tpu.memory_space<vmem>> -> memref<1x64xf32, #tpu.memory_space<vmem>>
        %dma_start3A_893 = tpu.memref_squeeze %dma_start3A_892 : memref<1x64xf32, #tpu.memory_space<vmem>> -> memref<64xf32, #tpu.memory_space<vmem>>
        %dma_start3A_894 = tpu.memref_slice %arg6[%multiple_of3A_890] : memref<1050624xf32, #tpu.memory_space<hbm>> -> memref<64xf32, #tpu.memory_space<hbm>>
        %dma_start3A_895 = tpu.memref_slice %arg6[%multiple_of3A_890] : memref<1050624xf32, #tpu.memory_space<hbm>> -> memref<64xf32, #tpu.memory_space<hbm>>
        %dma_start3A_896 = arith.constant 896 : i32
        %dma_start3A_897 = tpu.memref_slice %arg10[%while3A_86, %dma_start3A_896] : memref<2x1024xf32, #tpu.memory_space<vmem>> -> memref<1x64xf32, #tpu.memory_space<vmem>>
        %dma_start3A_898 = tpu.memref_squeeze %dma_start3A_897 : memref<1x64xf32, #tpu.memory_space<vmem>> -> memref<64xf32, #tpu.memory_space<vmem>>
        tpu.enqueue_dma source(%dma_start3A_898 : memref<64xf32, #tpu.memory_space<vmem>>) target(%dma_start3A_895 : memref<64xf32, #tpu.memory_space<hbm>>) target_semaphore(%arg12 : memref<!tpu.dma_semaphore, #tpu.memory_space<semaphore_mem>>)
        %slice3A_899 = vector.extract_strided_slice %min3A_182 {offsets = [15], sizes = [1], strides = [1]} : vector<16xi32> to vector<1xi32>
        %squeeze3A_900 = vector.extract %slice3A_899[0] : i32 from vector<1xi32>
        %broadcast_in_dim3A_901 = vector.broadcast %squeeze3A_900 : i32 to vector<16xi32>
        %gather3A_902 = arith.constant 0 : i32
        %gather3A_903 = arith.constant 0 : i32
        %gather3A_904 = tpu.memref_slice %arg9[%while3A_84, %gather3A_902, %gather3A_903] : memref<2x64x512xf32, #tpu.memory_space<vmem>> -> memref<1x64x512xf32, #tpu.memory_space<vmem>>
        %gather3A_905 = tpu.memref_squeeze %gather3A_904 : memref<1x64x512xf32, #tpu.memory_space<vmem>> -> memref<64x512xf32, #tpu.memory_space<vmem>>
        %gather3A_906 = tpu.vector_load_idx %gather3A_905[%add3A_6, %broadcast_in_dim3A_901] : memref<64x512xf32, #tpu.memory_space<vmem>>[vector<16xi32>, vector<16xi32>], vector<16xf32>,
        %swap3A_907 = arith.index_cast %while3A_86 : i32 to index
        %swap3A_908 = arith.constant 960 : index
        %swap3A_909 = tpu.vector_load %arg10[%swap3A_907, %swap3A_908] {strides = array<i32>} : memref<2x1024xf32, #tpu.memory_space<vmem>>, vector<16xf32>,
        tpu.vector_store %arg10[%swap3A_907, %swap3A_908], %gather3A_906 {strides = array<i32>} : memref<2x1024xf32, #tpu.memory_space<vmem>>, vector<16xf32>,
        %gather3A_910 = arith.constant 0 : i32
        %gather3A_911 = arith.constant 0 : i32
        %gather3A_912 = tpu.memref_slice %arg9[%while3A_84, %gather3A_910, %gather3A_911] : memref<2x64x512xf32, #tpu.memory_space<vmem>> -> memref<1x64x512xf32, #tpu.memory_space<vmem>>
        %gather3A_913 = tpu.memref_squeeze %gather3A_912 : memref<1x64x512xf32, #tpu.memory_space<vmem>> -> memref<64x512xf32, #tpu.memory_space<vmem>>
        %gather3A_914 = tpu.vector_load_idx %gather3A_913[%add3A_10, %broadcast_in_dim3A_901] : memref<64x512xf32, #tpu.memory_space<vmem>>[vector<16xi32>, vector<16xi32>], vector<16xf32>,
        %swap3A_915 = arith.index_cast %while3A_86 : i32 to index
        %swap3A_916 = arith.constant 976 : index
        %swap3A_917 = tpu.vector_load %arg10[%swap3A_915, %swap3A_916] {strides = array<i32>} : memref<2x1024xf32, #tpu.memory_space<vmem>>, vector<16xf32>,
        tpu.vector_store %arg10[%swap3A_915, %swap3A_916], %gather3A_914 {strides = array<i32>} : memref<2x1024xf32, #tpu.memory_space<vmem>>, vector<16xf32>,
        %gather3A_918 = arith.constant 0 : i32
        %gather3A_919 = arith.constant 0 : i32
        %gather3A_920 = tpu.memref_slice %arg9[%while3A_84, %gather3A_918, %gather3A_919] : memref<2x64x512xf32, #tpu.memory_space<vmem>> -> memref<1x64x512xf32, #tpu.memory_space<vmem>>
        %gather3A_921 = tpu.memref_squeeze %gather3A_920 : memref<1x64x512xf32, #tpu.memory_space<vmem>> -> memref<64x512xf32, #tpu.memory_space<vmem>>
        %gather3A_922 = tpu.vector_load_idx %gather3A_921[%add3A_14, %broadcast_in_dim3A_901] : memref<64x512xf32, #tpu.memory_space<vmem>>[vector<16xi32>, vector<16xi32>], vector<16xf32>,
        %swap3A_923 = arith.index_cast %while3A_86 : i32 to index
        %swap3A_924 = arith.constant 992 : index
        %swap3A_925 = tpu.vector_load %arg10[%swap3A_923, %swap3A_924] {strides = array<i32>} : memref<2x1024xf32, #tpu.memory_space<vmem>>, vector<16xf32>,
        tpu.vector_store %arg10[%swap3A_923, %swap3A_924], %gather3A_922 {strides = array<i32>} : memref<2x1024xf32, #tpu.memory_space<vmem>>, vector<16xf32>,
        %gather3A_926 = arith.constant 0 : i32
        %gather3A_927 = arith.constant 0 : i32
        %gather3A_928 = tpu.memref_slice %arg9[%while3A_84, %gather3A_926, %gather3A_927] : memref<2x64x512xf32, #tpu.memory_space<vmem>> -> memref<1x64x512xf32, #tpu.memory_space<vmem>>
        %gather3A_929 = tpu.memref_squeeze %gather3A_928 : memref<1x64x512xf32, #tpu.memory_space<vmem>> -> memref<64x512xf32, #tpu.memory_space<vmem>>
        %gather3A_930 = tpu.vector_load_idx %gather3A_929[%add3A_18, %broadcast_in_dim3A_901] : memref<64x512xf32, #tpu.memory_space<vmem>>[vector<16xi32>, vector<16xi32>], vector<16xf32>,
        %swap3A_931 = arith.index_cast %while3A_86 : i32 to index
        %swap3A_932 = arith.constant 1008 : index
        %swap3A_933 = tpu.vector_load %arg10[%swap3A_931, %swap3A_932] {strides = array<i32>} : memref<2x1024xf32, #tpu.memory_space<vmem>>, vector<16xf32>,
        tpu.vector_store %arg10[%swap3A_931, %swap3A_932], %gather3A_930 {strides = array<i32>} : memref<2x1024xf32, #tpu.memory_space<vmem>>, vector<16xf32>,
        %slice3A_934 = vector.extract_strided_slice %select_n3A_143 {offsets = [15], sizes = [1], strides = [1]} : vector<16xi32> to vector<1xi32>
        %squeeze3A_935 = vector.extract %slice3A_934[0] : i32 from vector<1xi32>
        %mul3A_936 = arith.constant 64 : i32
        %mul3A_937 = arith.muli %squeeze3A_935, %mul3A_936 : i32
        %multiple_of3A_938 = tpu.assume_multiple %mul3A_937, 64 : i32
        %dma_start3A_939 = arith.constant 960 : i32
        %dma_start3A_940 = tpu.memref_slice %arg10[%while3A_86, %dma_start3A_939] : memref<2x1024xf32, #tpu.memory_space<vmem>> -> memref<1x64xf32, #tpu.memory_space<vmem>>
        %dma_start3A_941 = tpu.memref_squeeze %dma_start3A_940 : memref<1x64xf32, #tpu.memory_space<vmem>> -> memref<64xf32, #tpu.memory_space<vmem>>
        %dma_start3A_942 = tpu.memref_slice %arg6[%multiple_of3A_938] : memref<1050624xf32, #tpu.memory_space<hbm>> -> memref<64xf32, #tpu.memory_space<hbm>>
        %dma_start3A_943 = tpu.memref_slice %arg6[%multiple_of3A_938] : memref<1050624xf32, #tpu.memory_space<hbm>> -> memref<64xf32, #tpu.memory_space<hbm>>
        %dma_start3A_944 = arith.constant 960 : i32
        %dma_start3A_945 = tpu.memref_slice %arg10[%while3A_86, %dma_start3A_944] : memref<2x1024xf32, #tpu.memory_space<vmem>> -> memref<1x64xf32, #tpu.memory_space<vmem>>
        %dma_start3A_946 = tpu.memref_squeeze %dma_start3A_945 : memref<1x64xf32, #tpu.memory_space<vmem>> -> memref<64xf32, #tpu.memory_space<vmem>>
        tpu.enqueue_dma source(%dma_start3A_946 : memref<64xf32, #tpu.memory_space<vmem>>) target(%dma_start3A_943 : memref<64xf32, #tpu.memory_space<hbm>>) target_semaphore(%arg12 : memref<!tpu.dma_semaphore, #tpu.memory_space<semaphore_mem>>)
      } else {
      }
      %sub3A_157 = arith.constant 1 : i32
      %sub3A_158 = arith.subi %sub3A_157, %while3A_86 : i32
      %select_n3A_159 = arith.select %reduce_or3A_153, %sub3A_158, %while3A_86 : i32
      %jit3A_160 = arith.constant 1 : i32
      %select_n3A_161 = arith.select %reduce_or3A_153, %jit3A_160, %while3A_87 : i32
      %reduce_max3A = arith.constant true
      %reduce_max3A_162 = vector.broadcast %reduce_max3A : i1 to vector<16xi1>
      %reduce_max3A_163 = arith.constant -2147483648 : i32
      %reduce_max3A_164 = vector.broadcast %reduce_max3A_163 : i32 to vector<16xi32>
      %reduce_max3A_165 = arith.xori %select_n3A_136, %reduce_max3A_164 : vector<16xi32>
      %reduce_max3A_166 = tpu.scan <max>, %reduce_max3A_165 masked %reduce_max3A_162 : vector<16xi32>, vector<16xi1> -> vector<16xi32>
      %reduce_max3A_167 = arith.xori %reduce_max3A_166, %reduce_max3A_164 : vector<16xi32>
      %reduce_max3A_168 = vector.extract %reduce_max3A_167[15] : i32 from vector<16xi32>
      %while3A_169:5 = scf.while (%while3A_170 = %while3A_83, %while3A_171 = %while3A_84, %while3A_172 = %while3A_85, %while3A_173 = %select_n3A_159, %while3A_174 = %select_n3A_161) : (i32, i32, i32, i32, i32) -> (i32, i32, i32, i32, i32) {
        %lt3A_175 = arith.cmpi slt, %while3A_170, %reduce_max3A_168 : i32
        scf.condition(%lt3A_175) %while3A_170, %while3A_171, %while3A_172, %while3A_173, %while3A_174 : i32, i32, i32, i32, i32
      } do {
      ^bb0(%while3A_170: i32, %while3A_171: i32, %while3A_172: i32, %while3A_173: i32, %while3A_174: i32):
        %gt3A = vector.broadcast %while3A_170 : i32 to vector<16xi32>
        %gt3A_175 = arith.cmpi sgt, %select_n3A_136, %gt3A : vector<16xi32>
        %jit3A_176 = arith.constant 1073741824 : i32
        %broadcast_in_dim3A_177 = vector.broadcast %jit3A_176 : i32 to vector<16xi32>
        %select_n3A_178 = arith.select %gt3A_175, %select_n3A_136, %broadcast_in_dim3A_177 : vector<16xi1>, vector<16xi32>
        %reduce_min3A = arith.constant true
        %reduce_min3A_179 = vector.broadcast %reduce_min3A : i1 to vector<16xi1>
        %reduce_min3A_180 = arith.constant -2147483648 : i32
        %reduce_min3A_181 = vector.broadcast %reduce_min3A_180 : i32 to vector<16xi32>
        %reduce_min3A_182 = arith.xori %select_n3A_178, %reduce_min3A_181 : vector<16xi32>
        %reduce_min3A_183 = tpu.scan <min>, %reduce_min3A_182 masked %reduce_min3A_179 : vector<16xi32>, vector<16xi1> -> vector<16xi32>
        %reduce_min3A_184 = arith.xori %reduce_min3A_183, %reduce_min3A_181 : vector<16xi32>
        %reduce_min3A_185 = vector.extract %reduce_min3A_184[15] : i32 from vector<16xi32>
        %eq3A_186 = arith.constant 1 : i32
        %eq3A_187 = arith.cmpi eq, %while3A_172, %eq3A_186 : i32
        %add3A_188 = arith.constant 1 : i32
        %add3A_189 = arith.addi %while3A_170, %add3A_188 : i32
        %eq3A_190 = arith.cmpi eq, %reduce_min3A_185, %add3A_189 : i32
        %and3A_191 = arith.andi %eq3A_187, %eq3A_190 : i1
        %eq3A_192 = arith.constant 1 : i32
        %eq3A_193 = arith.cmpi eq, %while3A_172, %eq3A_192 : i32
        %convert_element_type3A_194 = arith.extui %eq3A_193 : i1 to i32
        %cond3A_195 = arith.constant 0 : i32
        %cond3A_196 = arith.cmpi ne, %convert_element_type3A_194, %cond3A_195 : i32
        scf.if %cond3A_196 {
          %dma_wait3A = arith.constant 0 : i32
          %dma_wait3A_239 = arith.constant 0 : i32
          %dma_wait3A_240 = arith.constant 0 : i32
          %dma_wait3A_241 = tpu.memref_slice %arg9[%dma_wait3A, %dma_wait3A_239, %dma_wait3A_240] : memref<2x64x512xf32, #tpu.memory_space<vmem>> -> memref<1x64x512xf32, #tpu.memory_space<vmem>>
          %dma_wait3A_242 = tpu.memref_squeeze %dma_wait3A_241 : memref<1x64x512xf32, #tpu.memory_space<vmem>> -> memref<64x512xf32, #tpu.memory_space<vmem>>
          %dma_wait3A_243 = arith.constant 0 : i32
          %dma_wait3A_244 = arith.constant 0 : i32
          %dma_wait3A_245 = tpu.memref_slice %arg2[%dma_wait3A_243, %dma_wait3A_244] : memref<64x1000000xf32, #tpu.memory_space<hbm>> -> memref<64x512xf32, #tpu.memory_space<hbm>>
          %dma_wait3A_246 = arith.constant 0 : i32
          %dma_wait3A_247 = arith.constant 0 : i32
          %dma_wait3A_248 = tpu.memref_slice %arg9[%dma_wait3A, %dma_wait3A_246, %dma_wait3A_247] : memref<2x64x512xf32, #tpu.memory_space<vmem>> -> memref<1x64x512xf32, #tpu.memory_space<vmem>>
          %dma_wait3A_249 = tpu.memref_squeeze %dma_wait3A_248 : memref<1x64x512xf32, #tpu.memory_space<vmem>> -> memref<64x512xf32, #tpu.memory_space<vmem>>
          %dma_wait3A_250 = arith.constant 0 : i32
          %dma_wait3A_251 = arith.constant 0 : i32
          %dma_wait3A_252 = tpu.memref_slice %arg2[%dma_wait3A_250, %dma_wait3A_251] : memref<64x1000000xf32, #tpu.memory_space<hbm>> -> memref<64x512xf32, #tpu.memory_space<hbm>>
          tpu.wait_dma2 semaphore(%arg13 : memref<!tpu.dma_semaphore, #tpu.memory_space<semaphore_mem>>) src(%dma_wait3A_252 : memref<64x512xf32, #tpu.memory_space<hbm>>) dst(%dma_wait3A_249 : memref<64x512xf32, #tpu.memory_space<vmem>>)
        } else {
        }
        %sub3A_197 = arith.constant 1 : i32
        %sub3A_198 = arith.subi %sub3A_197, %while3A_171 : i32
        %not3A = arith.constant true
        %not3A_199 = arith.xori %and3A_191, %not3A : i1
        %convert_element_type3A_200 = arith.extui %not3A_199 : i1 to i32
        %cond3A_201 = arith.constant 0 : i32
        %cond3A_202 = arith.cmpi ne, %convert_element_type3A_200, %cond3A_201 : i32
        scf.if %cond3A_202 {
          %ge3A_239 = arith.constant 1953 : i32
          %ge3A_240 = arith.cmpi sge, %reduce_min3A_185, %ge3A_239 : i32
          %convert_element_type3A_241 = arith.extui %ge3A_240 : i1 to i32
          %cond3A_242 = arith.constant 0 : i32
          %cond3A_243 = arith.cmpi ne, %convert_element_type3A_241, %cond3A_242 : i32
          scf.if %cond3A_243 {
            %mul3A_249 = arith.constant 512 : i32
            %mul3A_250 = arith.muli %reduce_min3A_185, %mul3A_249 : i32
            %multiple_of3A = tpu.assume_multiple %mul3A_250, 128 : i32
            "tpu.region"() ({
              %run_scoped3A = tpu.sem_alloc : memref<!tpu.dma_semaphore, #tpu.memory_space<semaphore_mem>>
              %dma_start3A = arith.constant 0 : i32
              %dma_start3A_251 = arith.constant 0 : i32
              %dma_start3A_252 = tpu.memref_slice %arg9[%sub3A_198, %dma_start3A, %dma_start3A_251] : memref<2x64x512xf32, #tpu.memory_space<vmem>> -> memref<1x64x128xf32, #tpu.memory_space<vmem>>
              %dma_start3A_253 = tpu.memref_squeeze %dma_start3A_252 : memref<1x64x128xf32, #tpu.memory_space<vmem>> -> memref<64x128xf32, #tpu.memory_space<vmem>>
              %dma_start3A_254 = arith.constant 0 : i32
              %dma_start3A_255 = tpu.memref_slice %arg2[%dma_start3A_254, %multiple_of3A] : memref<64x1000000xf32, #tpu.memory_space<hbm>> -> memref<64x128xf32, #tpu.memory_space<hbm>>
              %dma_start3A_256 = arith.constant 0 : i32
              %dma_start3A_257 = arith.constant 0 : i32
              %dma_start3A_258 = tpu.memref_slice %arg9[%sub3A_198, %dma_start3A_256, %dma_start3A_257] : memref<2x64x512xf32, #tpu.memory_space<vmem>> -> memref<1x64x128xf32, #tpu.memory_space<vmem>>
              %dma_start3A_259 = tpu.memref_squeeze %dma_start3A_258 : memref<1x64x128xf32, #tpu.memory_space<vmem>> -> memref<64x128xf32, #tpu.memory_space<vmem>>
              %dma_start3A_260 = arith.constant 0 : i32
              %dma_start3A_261 = tpu.memref_slice %arg2[%dma_start3A_260, %multiple_of3A] : memref<64x1000000xf32, #tpu.memory_space<hbm>> -> memref<64x128xf32, #tpu.memory_space<hbm>>
              tpu.enqueue_dma source(%dma_start3A_261 : memref<64x128xf32, #tpu.memory_space<hbm>>) target(%dma_start3A_259 : memref<64x128xf32, #tpu.memory_space<vmem>>) target_semaphore(%run_scoped3A : memref<!tpu.dma_semaphore, #tpu.memory_space<semaphore_mem>>)
              %dma_wait3A = arith.constant 0 : i32
              %dma_wait3A_262 = arith.constant 0 : i32
              %dma_wait3A_263 = tpu.memref_slice %arg9[%sub3A_198, %dma_wait3A, %dma_wait3A_262] : memref<2x64x512xf32, #tpu.memory_space<vmem>> -> memref<1x64x128xf32, #tpu.memory_space<vmem>>
              %dma_wait3A_264 = tpu.memref_squeeze %dma_wait3A_263 : memref<1x64x128xf32, #tpu.memory_space<vmem>> -> memref<64x128xf32, #tpu.memory_space<vmem>>
              %dma_wait3A_265 = arith.constant 0 : i32
              %dma_wait3A_266 = tpu.memref_slice %arg2[%dma_wait3A_265, %multiple_of3A] : memref<64x1000000xf32, #tpu.memory_space<hbm>> -> memref<64x128xf32, #tpu.memory_space<hbm>>
              %dma_wait3A_267 = arith.constant 0 : i32
              %dma_wait3A_268 = arith.constant 0 : i32
              %dma_wait3A_269 = tpu.memref_slice %arg9[%sub3A_198, %dma_wait3A_267, %dma_wait3A_268] : memref<2x64x512xf32, #tpu.memory_space<vmem>> -> memref<1x64x128xf32, #tpu.memory_space<vmem>>
              %dma_wait3A_270 = tpu.memref_squeeze %dma_wait3A_269 : memref<1x64x128xf32, #tpu.memory_space<vmem>> -> memref<64x128xf32, #tpu.memory_space<vmem>>
              %dma_wait3A_271 = arith.constant 0 : i32
              %dma_wait3A_272 = tpu.memref_slice %arg2[%dma_wait3A_271, %multiple_of3A] : memref<64x1000000xf32, #tpu.memory_space<hbm>> -> memref<64x128xf32, #tpu.memory_space<hbm>>
              tpu.wait_dma2 semaphore(%run_scoped3A : memref<!tpu.dma_semaphore, #tpu.memory_space<semaphore_mem>>) src(%dma_wait3A_272 : memref<64x128xf32, #tpu.memory_space<hbm>>) dst(%dma_wait3A_270 : memref<64x128xf32, #tpu.memory_space<vmem>>)
              tpu.yield
            }) : () -> ()
          } else {
          }
          %lt3A_244 = arith.constant 1953 : i32
          %lt3A_245 = arith.cmpi slt, %reduce_min3A_185, %lt3A_244 : i32
          %convert_element_type3A_246 = arith.extui %lt3A_245 : i1 to i32
          %cond3A_247 = arith.constant 0 : i32
          %cond3A_248 = arith.cmpi ne, %convert_element_type3A_246, %cond3A_247 : i32
          scf.if %cond3A_248 {
            %mul3A_249 = arith.constant 512 : i32
            %mul3A_250 = arith.muli %reduce_min3A_185, %mul3A_249 : i32
            %multiple_of3A = tpu.assume_multiple %mul3A_250, 512 : i32
            "tpu.region"() ({
              %run_scoped3A = tpu.sem_alloc : memref<!tpu.dma_semaphore, #tpu.memory_space<semaphore_mem>>
              %dma_start3A = arith.constant 0 : i32
              %dma_start3A_251 = arith.constant 0 : i32
              %dma_start3A_252 = tpu.memref_slice %arg9[%sub3A_198, %dma_start3A, %dma_start3A_251] : memref<2x64x512xf32, #tpu.memory_space<vmem>> -> memref<1x64x512xf32, #tpu.memory_space<vmem>>
              %dma_start3A_253 = tpu.memref_squeeze %dma_start3A_252 : memref<1x64x512xf32, #tpu.memory_space<vmem>> -> memref<64x512xf32, #tpu.memory_space<vmem>>
              %dma_start3A_254 = arith.constant 0 : i32
              %dma_start3A_255 = tpu.memref_slice %arg2[%dma_start3A_254, %multiple_of3A] : memref<64x1000000xf32, #tpu.memory_space<hbm>> -> memref<64x512xf32, #tpu.memory_space<hbm>>
              %dma_start3A_256 = arith.constant 0 : i32
              %dma_start3A_257 = arith.constant 0 : i32
              %dma_start3A_258 = tpu.memref_slice %arg9[%sub3A_198, %dma_start3A_256, %dma_start3A_257] : memref<2x64x512xf32, #tpu.memory_space<vmem>> -> memref<1x64x512xf32, #tpu.memory_space<vmem>>
              %dma_start3A_259 = tpu.memref_squeeze %dma_start3A_258 : memref<1x64x512xf32, #tpu.memory_space<vmem>> -> memref<64x512xf32, #tpu.memory_space<vmem>>
              %dma_start3A_260 = arith.constant 0 : i32
              %dma_start3A_261 = tpu.memref_slice %arg2[%dma_start3A_260, %multiple_of3A] : memref<64x1000000xf32, #tpu.memory_space<hbm>> -> memref<64x512xf32, #tpu.memory_space<hbm>>
              tpu.enqueue_dma source(%dma_start3A_261 : memref<64x512xf32, #tpu.memory_space<hbm>>) target(%dma_start3A_259 : memref<64x512xf32, #tpu.memory_space<vmem>>) target_semaphore(%run_scoped3A : memref<!tpu.dma_semaphore, #tpu.memory_space<semaphore_mem>>)
              %dma_wait3A = arith.constant 0 : i32
              %dma_wait3A_262 = arith.constant 0 : i32
              %dma_wait3A_263 = tpu.memref_slice %arg9[%sub3A_198, %dma_wait3A, %dma_wait3A_262] : memref<2x64x512xf32, #tpu.memory_space<vmem>> -> memref<1x64x512xf32, #tpu.memory_space<vmem>>
              %dma_wait3A_264 = tpu.memref_squeeze %dma_wait3A_263 : memref<1x64x512xf32, #tpu.memory_space<vmem>> -> memref<64x512xf32, #tpu.memory_space<vmem>>
              %dma_wait3A_265 = arith.constant 0 : i32
              %dma_wait3A_266 = tpu.memref_slice %arg2[%dma_wait3A_265, %multiple_of3A] : memref<64x1000000xf32, #tpu.memory_space<hbm>> -> memref<64x512xf32, #tpu.memory_space<hbm>>
              %dma_wait3A_267 = arith.constant 0 : i32
              %dma_wait3A_268 = arith.constant 0 : i32
              %dma_wait3A_269 = tpu.memref_slice %arg9[%sub3A_198, %dma_wait3A_267, %dma_wait3A_268] : memref<2x64x512xf32, #tpu.memory_space<vmem>> -> memref<1x64x512xf32, #tpu.memory_space<vmem>>
              %dma_wait3A_270 = tpu.memref_squeeze %dma_wait3A_269 : memref<1x64x512xf32, #tpu.memory_space<vmem>> -> memref<64x512xf32, #tpu.memory_space<vmem>>
              %dma_wait3A_271 = arith.constant 0 : i32
              %dma_wait3A_272 = tpu.memref_slice %arg2[%dma_wait3A_271, %multiple_of3A] : memref<64x1000000xf32, #tpu.memory_space<hbm>> -> memref<64x512xf32, #tpu.memory_space<hbm>>
              tpu.wait_dma2 semaphore(%run_scoped3A : memref<!tpu.dma_semaphore, #tpu.memory_space<semaphore_mem>>) src(%dma_wait3A_272 : memref<64x512xf32, #tpu.memory_space<hbm>>) dst(%dma_wait3A_270 : memref<64x512xf32, #tpu.memory_space<vmem>>)
              tpu.yield
            }) : () -> ()
          } else {
          }
        } else {
        }
        %add3A_203 = arith.constant 1 : i32
        %add3A_204 = arith.addi %reduce_min3A_185, %add3A_203 : i32
        %lt3A_205 = arith.constant 1953 : i32
        %lt3A_206 = arith.cmpi slt, %add3A_204, %lt3A_205 : i32
        %convert_element_type3A_207 = arith.extui %lt3A_206 : i1 to i32
        %cond3A_208 = arith.constant 0 : i32
        %cond3A_209 = arith.cmpi ne, %convert_element_type3A_207, %cond3A_208 : i32
        scf.if %cond3A_209 {
          %add3A_239 = arith.constant 1 : i32
          %add3A_240 = arith.addi %reduce_min3A_185, %add3A_239 : i32
          %mul3A_241 = arith.constant 512 : i32
          %mul3A_242 = arith.muli %add3A_240, %mul3A_241 : i32
          %multiple_of3A = tpu.assume_multiple %mul3A_242, 512 : i32
          %dma_start3A = arith.constant 0 : i32
          %dma_start3A_243 = arith.constant 0 : i32
          %dma_start3A_244 = tpu.memref_slice %arg9[%while3A_171, %dma_start3A, %dma_start3A_243] : memref<2x64x512xf32, #tpu.memory_space<vmem>> -> memref<1x64x512xf32, #tpu.memory_space<vmem>>
          %dma_start3A_245 = tpu.memref_squeeze %dma_start3A_244 : memref<1x64x512xf32, #tpu.memory_space<vmem>> -> memref<64x512xf32, #tpu.memory_space<vmem>>
          %dma_start3A_246 = arith.constant 0 : i32
          %dma_start3A_247 = tpu.memref_slice %arg2[%dma_start3A_246, %multiple_of3A] : memref<64x1000000xf32, #tpu.memory_space<hbm>> -> memref<64x512xf32, #tpu.memory_space<hbm>>
          %dma_start3A_248 = arith.constant 0 : i32
          %dma_start3A_249 = arith.constant 0 : i32
          %dma_start3A_250 = tpu.memref_slice %arg9[%while3A_171, %dma_start3A_248, %dma_start3A_249] : memref<2x64x512xf32, #tpu.memory_space<vmem>> -> memref<1x64x512xf32, #tpu.memory_space<vmem>>
          %dma_start3A_251 = tpu.memref_squeeze %dma_start3A_250 : memref<1x64x512xf32, #tpu.memory_space<vmem>> -> memref<64x512xf32, #tpu.memory_space<vmem>>
          %dma_start3A_252 = arith.constant 0 : i32
          %dma_start3A_253 = tpu.memref_slice %arg2[%dma_start3A_252, %multiple_of3A] : memref<64x1000000xf32, #tpu.memory_space<hbm>> -> memref<64x512xf32, #tpu.memory_space<hbm>>
          tpu.enqueue_dma source(%dma_start3A_253 : memref<64x512xf32, #tpu.memory_space<hbm>>) target(%dma_start3A_251 : memref<64x512xf32, #tpu.memory_space<vmem>>) target_semaphore(%arg13 : memref<!tpu.dma_semaphore, #tpu.memory_space<semaphore_mem>>)
        } else {
        }
        %eq3A_210 = vector.broadcast %reduce_min3A_185 : i32 to vector<16xi32>
        %eq3A_211 = arith.cmpi eq, %select_n3A_136, %eq3A_210 : vector<16xi32>
        %and3A_212 = arith.andi %and3A_103, %eq3A_211 : vector<16xi1>
        %add3A_213 = arith.constant 16384 : i32
        %add3A_214 = arith.addi %add3A_213, %add3A : i32
        %broadcast_in_dim3A_215 = vector.broadcast %add3A_214 : i32 to vector<16xi32>
        %select_n3A_216 = arith.select %and3A_212, %get3A_95, %broadcast_in_dim3A_215 : vector<16xi1>, vector<16xi32>
        %reduce_or3A_217 = arith.constant 1.000000e+00 : f32
        %reduce_or3A_218 = arith.constant 0.000000e+00 : f32
        %reduce_or3A_219 = vector.broadcast %reduce_or3A_217 : f32 to vector<16xf32>
        %reduce_or3A_220 = vector.broadcast %reduce_or3A_218 : f32 to vector<16xf32>
        %reduce_or3A_221 = arith.select %and3A_212, %reduce_or3A_219, %reduce_or3A_220 : vector<16xi1>, vector<16xf32>
        %reduce_or3A_222 = arith.constant true
        %reduce_or3A_223 = vector.broadcast %reduce_or3A_222 : i1 to vector<16xi1>
        %reduce_or3A_224 = tpu.scan <max>, %reduce_or3A_221 masked %reduce_or3A_223 : vector<16xf32>, vector<16xi1> -> vector<16xf32>
        %reduce_or3A_225 = vector.extract %reduce_or3A_224[15] : f32 from vector<16xf32>
        %reduce_or3A_226 = arith.constant 0.000000e+00 : f32
        %reduce_or3A_227 = arith.cmpf ogt, %reduce_or3A_225, %reduce_or3A_226 : f32
        %convert_element_type3A_228 = arith.extui %reduce_or3A_227 : i1 to i32
        %cond3A_229 = arith.constant 0 : i32
        %cond3A_230 = arith.cmpi ne, %convert_element_type3A_228, %cond3A_229 : i32
        scf.if %cond3A_230 {
          %eq3A_239 = arith.constant 1 : i32
          %eq3A_240 = arith.cmpi eq, %while3A_174, %eq3A_239 : i32
          %convert_element_type3A_241 = arith.extui %eq3A_240 : i1 to i32
          %cond3A_242 = arith.constant 0 : i32
          %cond3A_243 = arith.cmpi ne, %convert_element_type3A_241, %cond3A_242 : i32
          scf.if %cond3A_243 {
            %dma_wait3A = arith.constant 0 : i32
            %dma_wait3A_1016 = arith.constant 0 : i32
            %dma_wait3A_1017 = tpu.memref_slice %arg10[%dma_wait3A, %dma_wait3A_1016] : memref<2x1024xf32, #tpu.memory_space<vmem>> -> memref<1x1024xf32, #tpu.memory_space<vmem>>
            %dma_wait3A_1018 = tpu.memref_squeeze %dma_wait3A_1017 : memref<1x1024xf32, #tpu.memory_space<vmem>> -> memref<1024xf32, #tpu.memory_space<vmem>>
            %dma_wait3A_1019 = arith.constant 0 : i32
            %dma_wait3A_1020 = tpu.memref_slice %arg6[%dma_wait3A_1019] : memref<1050624xf32, #tpu.memory_space<hbm>> -> memref<1024xf32, #tpu.memory_space<hbm>>
            %dma_wait3A_1021 = arith.constant 0 : i32
            %dma_wait3A_1022 = tpu.memref_slice %arg10[%dma_wait3A, %dma_wait3A_1021] : memref<2x1024xf32, #tpu.memory_space<vmem>> -> memref<1x1024xf32, #tpu.memory_space<vmem>>
            %dma_wait3A_1023 = tpu.memref_squeeze %dma_wait3A_1022 : memref<1x1024xf32, #tpu.memory_space<vmem>> -> memref<1024xf32, #tpu.memory_space<vmem>>
            %dma_wait3A_1024 = arith.constant 0 : i32
            %dma_wait3A_1025 = tpu.memref_slice %arg6[%dma_wait3A_1024] : memref<1050624xf32, #tpu.memory_space<hbm>> -> memref<1024xf32, #tpu.memory_space<hbm>>
            tpu.wait_dma2 semaphore(%arg12 : memref<!tpu.dma_semaphore, #tpu.memory_space<semaphore_mem>>) src(%dma_wait3A_1025 : memref<1024xf32, #tpu.memory_space<hbm>>) dst(%dma_wait3A_1023 : memref<1024xf32, #tpu.memory_space<vmem>>)
          } else {
          }
          %mul3A_244 = arith.constant 512 : i32
          %mul3A_245 = arith.muli %reduce_min3A_185, %mul3A_244 : i32
          %sub3A_246 = vector.broadcast %mul3A_245 : i32 to vector<16xi32>
          %sub3A_247 = arith.subi %get3A_91, %sub3A_246 : vector<16xi32>
          %jit3A_248 = arith.constant 0 : i32
          %jit3A_249 = arith.constant 511 : i32
          %max3A = vector.broadcast %jit3A_248 : i32 to vector<16xi32>
          %max3A_250 = arith.maxsi %max3A, %sub3A_247 : vector<16xi32>
          %min3A = vector.broadcast %jit3A_249 : i32 to vector<16xi32>
          %min3A_251 = arith.minsi %min3A, %max3A_250 : vector<16xi32>
          %slice3A_252 = vector.extract_strided_slice %min3A_251 {offsets = [0], sizes = [1], strides = [1]} : vector<16xi32> to vector<1xi32>
          %squeeze3A_253 = vector.extract %slice3A_252[0] : i32 from vector<1xi32>
          %broadcast_in_dim3A_254 = vector.broadcast %squeeze3A_253 : i32 to vector<16xi32>
          %gather3A = arith.constant 0 : i32
          %gather3A_255 = arith.constant 0 : i32
          %gather3A_256 = tpu.memref_slice %arg9[%sub3A_198, %gather3A, %gather3A_255] : memref<2x64x512xf32, #tpu.memory_space<vmem>> -> memref<1x64x512xf32, #tpu.memory_space<vmem>>
          %gather3A_257 = tpu.memref_squeeze %gather3A_256 : memref<1x64x512xf32, #tpu.memory_space<vmem>> -> memref<64x512xf32, #tpu.memory_space<vmem>>
          %gather3A_258 = tpu.vector_load_idx %gather3A_257[%add3A_6, %broadcast_in_dim3A_254] : memref<64x512xf32, #tpu.memory_space<vmem>>[vector<16xi32>, vector<16xi32>], vector<16xf32>,
          %swap3A = arith.index_cast %while3A_173 : i32 to index
          %swap3A_259 = arith.constant 0 : index
          %swap3A_260 = tpu.vector_load %arg10[%swap3A, %swap3A_259] {strides = array<i32>} : memref<2x1024xf32, #tpu.memory_space<vmem>>, vector<16xf32>,
          tpu.vector_store %arg10[%swap3A, %swap3A_259], %gather3A_258 {strides = array<i32>} : memref<2x1024xf32, #tpu.memory_space<vmem>>, vector<16xf32>,
          %gather3A_261 = arith.constant 0 : i32
          %gather3A_262 = arith.constant 0 : i32
          %gather3A_263 = tpu.memref_slice %arg9[%sub3A_198, %gather3A_261, %gather3A_262] : memref<2x64x512xf32, #tpu.memory_space<vmem>> -> memref<1x64x512xf32, #tpu.memory_space<vmem>>
          %gather3A_264 = tpu.memref_squeeze %gather3A_263 : memref<1x64x512xf32, #tpu.memory_space<vmem>> -> memref<64x512xf32, #tpu.memory_space<vmem>>
          %gather3A_265 = tpu.vector_load_idx %gather3A_264[%add3A_10, %broadcast_in_dim3A_254] : memref<64x512xf32, #tpu.memory_space<vmem>>[vector<16xi32>, vector<16xi32>], vector<16xf32>,
          %swap3A_266 = arith.index_cast %while3A_173 : i32 to index
          %swap3A_267 = arith.constant 16 : index
          %swap3A_268 = tpu.vector_load %arg10[%swap3A_266, %swap3A_267] {strides = array<i32>} : memref<2x1024xf32, #tpu.memory_space<vmem>>, vector<16xf32>,
          tpu.vector_store %arg10[%swap3A_266, %swap3A_267], %gather3A_265 {strides = array<i32>} : memref<2x1024xf32, #tpu.memory_space<vmem>>, vector<16xf32>,
          %gather3A_269 = arith.constant 0 : i32
          %gather3A_270 = arith.constant 0 : i32
          %gather3A_271 = tpu.memref_slice %arg9[%sub3A_198, %gather3A_269, %gather3A_270] : memref<2x64x512xf32, #tpu.memory_space<vmem>> -> memref<1x64x512xf32, #tpu.memory_space<vmem>>
          %gather3A_272 = tpu.memref_squeeze %gather3A_271 : memref<1x64x512xf32, #tpu.memory_space<vmem>> -> memref<64x512xf32, #tpu.memory_space<vmem>>
          %gather3A_273 = tpu.vector_load_idx %gather3A_272[%add3A_14, %broadcast_in_dim3A_254] : memref<64x512xf32, #tpu.memory_space<vmem>>[vector<16xi32>, vector<16xi32>], vector<16xf32>,
          %swap3A_274 = arith.index_cast %while3A_173 : i32 to index
          %swap3A_275 = arith.constant 32 : index
          %swap3A_276 = tpu.vector_load %arg10[%swap3A_274, %swap3A_275] {strides = array<i32>} : memref<2x1024xf32, #tpu.memory_space<vmem>>, vector<16xf32>,
          tpu.vector_store %arg10[%swap3A_274, %swap3A_275], %gather3A_273 {strides = array<i32>} : memref<2x1024xf32, #tpu.memory_space<vmem>>, vector<16xf32>,
          %gather3A_277 = arith.constant 0 : i32
          %gather3A_278 = arith.constant 0 : i32
          %gather3A_279 = tpu.memref_slice %arg9[%sub3A_198, %gather3A_277, %gather3A_278] : memref<2x64x512xf32, #tpu.memory_space<vmem>> -> memref<1x64x512xf32, #tpu.memory_space<vmem>>
          %gather3A_280 = tpu.memref_squeeze %gather3A_279 : memref<1x64x512xf32, #tpu.memory_space<vmem>> -> memref<64x512xf32, #tpu.memory_space<vmem>>
          %gather3A_281 = tpu.vector_load_idx %gather3A_280[%add3A_18, %broadcast_in_dim3A_254] : memref<64x512xf32, #tpu.memory_space<vmem>>[vector<16xi32>, vector<16xi32>], vector<16xf32>,
          %swap3A_282 = arith.index_cast %while3A_173 : i32 to index
          %swap3A_283 = arith.constant 48 : index
          %swap3A_284 = tpu.vector_load %arg10[%swap3A_282, %swap3A_283] {strides = array<i32>} : memref<2x1024xf32, #tpu.memory_space<vmem>>, vector<16xf32>,
          tpu.vector_store %arg10[%swap3A_282, %swap3A_283], %gather3A_281 {strides = array<i32>} : memref<2x1024xf32, #tpu.memory_space<vmem>>, vector<16xf32>,
          %slice3A_285 = vector.extract_strided_slice %select_n3A_216 {offsets = [0], sizes = [1], strides = [1]} : vector<16xi32> to vector<1xi32>
          %squeeze3A_286 = vector.extract %slice3A_285[0] : i32 from vector<1xi32>
          %mul3A_287 = arith.constant 64 : i32
          %mul3A_288 = arith.muli %squeeze3A_286, %mul3A_287 : i32
          %multiple_of3A = tpu.assume_multiple %mul3A_288, 64 : i32
          %dma_start3A = arith.constant 0 : i32
          %dma_start3A_289 = tpu.memref_slice %arg10[%while3A_173, %dma_start3A] : memref<2x1024xf32, #tpu.memory_space<vmem>> -> memref<1x64xf32, #tpu.memory_space<vmem>>
          %dma_start3A_290 = tpu.memref_squeeze %dma_start3A_289 : memref<1x64xf32, #tpu.memory_space<vmem>> -> memref<64xf32, #tpu.memory_space<vmem>>
          %dma_start3A_291 = tpu.memref_slice %arg6[%multiple_of3A] : memref<1050624xf32, #tpu.memory_space<hbm>> -> memref<64xf32, #tpu.memory_space<hbm>>
          %dma_start3A_292 = tpu.memref_slice %arg6[%multiple_of3A] : memref<1050624xf32, #tpu.memory_space<hbm>> -> memref<64xf32, #tpu.memory_space<hbm>>
          %dma_start3A_293 = arith.constant 0 : i32
          %dma_start3A_294 = tpu.memref_slice %arg10[%while3A_173, %dma_start3A_293] : memref<2x1024xf32, #tpu.memory_space<vmem>> -> memref<1x64xf32, #tpu.memory_space<vmem>>
          %dma_start3A_295 = tpu.memref_squeeze %dma_start3A_294 : memref<1x64xf32, #tpu.memory_space<vmem>> -> memref<64xf32, #tpu.memory_space<vmem>>
          tpu.enqueue_dma source(%dma_start3A_295 : memref<64xf32, #tpu.memory_space<vmem>>) target(%dma_start3A_292 : memref<64xf32, #tpu.memory_space<hbm>>) target_semaphore(%arg12 : memref<!tpu.dma_semaphore, #tpu.memory_space<semaphore_mem>>)
          %slice3A_296 = vector.extract_strided_slice %min3A_251 {offsets = [1], sizes = [1], strides = [1]} : vector<16xi32> to vector<1xi32>
          %squeeze3A_297 = vector.extract %slice3A_296[0] : i32 from vector<1xi32>
          %broadcast_in_dim3A_298 = vector.broadcast %squeeze3A_297 : i32 to vector<16xi32>
          %gather3A_299 = arith.constant 0 : i32
          %gather3A_300 = arith.constant 0 : i32
          %gather3A_301 = tpu.memref_slice %arg9[%sub3A_198, %gather3A_299, %gather3A_300] : memref<2x64x512xf32, #tpu.memory_space<vmem>> -> memref<1x64x512xf32, #tpu.memory_space<vmem>>
          %gather3A_302 = tpu.memref_squeeze %gather3A_301 : memref<1x64x512xf32, #tpu.memory_space<vmem>> -> memref<64x512xf32, #tpu.memory_space<vmem>>
          %gather3A_303 = tpu.vector_load_idx %gather3A_302[%add3A_6, %broadcast_in_dim3A_298] : memref<64x512xf32, #tpu.memory_space<vmem>>[vector<16xi32>, vector<16xi32>], vector<16xf32>,
          %swap3A_304 = arith.index_cast %while3A_173 : i32 to index
          %swap3A_305 = arith.constant 64 : index
          %swap3A_306 = tpu.vector_load %arg10[%swap3A_304, %swap3A_305] {strides = array<i32>} : memref<2x1024xf32, #tpu.memory_space<vmem>>, vector<16xf32>,
          tpu.vector_store %arg10[%swap3A_304, %swap3A_305], %gather3A_303 {strides = array<i32>} : memref<2x1024xf32, #tpu.memory_space<vmem>>, vector<16xf32>,
          %gather3A_307 = arith.constant 0 : i32
          %gather3A_308 = arith.constant 0 : i32
          %gather3A_309 = tpu.memref_slice %arg9[%sub3A_198, %gather3A_307, %gather3A_308] : memref<2x64x512xf32, #tpu.memory_space<vmem>> -> memref<1x64x512xf32, #tpu.memory_space<vmem>>
          %gather3A_310 = tpu.memref_squeeze %gather3A_309 : memref<1x64x512xf32, #tpu.memory_space<vmem>> -> memref<64x512xf32, #tpu.memory_space<vmem>>
          %gather3A_311 = tpu.vector_load_idx %gather3A_310[%add3A_10, %broadcast_in_dim3A_298] : memref<64x512xf32, #tpu.memory_space<vmem>>[vector<16xi32>, vector<16xi32>], vector<16xf32>,
          %swap3A_312 = arith.index_cast %while3A_173 : i32 to index
          %swap3A_313 = arith.constant 80 : index
          %swap3A_314 = tpu.vector_load %arg10[%swap3A_312, %swap3A_313] {strides = array<i32>} : memref<2x1024xf32, #tpu.memory_space<vmem>>, vector<16xf32>,
          tpu.vector_store %arg10[%swap3A_312, %swap3A_313], %gather3A_311 {strides = array<i32>} : memref<2x1024xf32, #tpu.memory_space<vmem>>, vector<16xf32>,
          %gather3A_315 = arith.constant 0 : i32
          %gather3A_316 = arith.constant 0 : i32
          %gather3A_317 = tpu.memref_slice %arg9[%sub3A_198, %gather3A_315, %gather3A_316] : memref<2x64x512xf32, #tpu.memory_space<vmem>> -> memref<1x64x512xf32, #tpu.memory_space<vmem>>
          %gather3A_318 = tpu.memref_squeeze %gather3A_317 : memref<1x64x512xf32, #tpu.memory_space<vmem>> -> memref<64x512xf32, #tpu.memory_space<vmem>>
          %gather3A_319 = tpu.vector_load_idx %gather3A_318[%add3A_14, %broadcast_in_dim3A_298] : memref<64x512xf32, #tpu.memory_space<vmem>>[vector<16xi32>, vector<16xi32>], vector<16xf32>,
          %swap3A_320 = arith.index_cast %while3A_173 : i32 to index
          %swap3A_321 = arith.constant 96 : index
          %swap3A_322 = tpu.vector_load %arg10[%swap3A_320, %swap3A_321] {strides = array<i32>} : memref<2x1024xf32, #tpu.memory_space<vmem>>, vector<16xf32>,
          tpu.vector_store %arg10[%swap3A_320, %swap3A_321], %gather3A_319 {strides = array<i32>} : memref<2x1024xf32, #tpu.memory_space<vmem>>, vector<16xf32>,
          %gather3A_323 = arith.constant 0 : i32
          %gather3A_324 = arith.constant 0 : i32
          %gather3A_325 = tpu.memref_slice %arg9[%sub3A_198, %gather3A_323, %gather3A_324] : memref<2x64x512xf32, #tpu.memory_space<vmem>> -> memref<1x64x512xf32, #tpu.memory_space<vmem>>
          %gather3A_326 = tpu.memref_squeeze %gather3A_325 : memref<1x64x512xf32, #tpu.memory_space<vmem>> -> memref<64x512xf32, #tpu.memory_space<vmem>>
          %gather3A_327 = tpu.vector_load_idx %gather3A_326[%add3A_18, %broadcast_in_dim3A_298] : memref<64x512xf32, #tpu.memory_space<vmem>>[vector<16xi32>, vector<16xi32>], vector<16xf32>,
          %swap3A_328 = arith.index_cast %while3A_173 : i32 to index
          %swap3A_329 = arith.constant 112 : index
          %swap3A_330 = tpu.vector_load %arg10[%swap3A_328, %swap3A_329] {strides = array<i32>} : memref<2x1024xf32, #tpu.memory_space<vmem>>, vector<16xf32>,
          tpu.vector_store %arg10[%swap3A_328, %swap3A_329], %gather3A_327 {strides = array<i32>} : memref<2x1024xf32, #tpu.memory_space<vmem>>, vector<16xf32>,
          %slice3A_331 = vector.extract_strided_slice %select_n3A_216 {offsets = [1], sizes = [1], strides = [1]} : vector<16xi32> to vector<1xi32>
          %squeeze3A_332 = vector.extract %slice3A_331[0] : i32 from vector<1xi32>
          %mul3A_333 = arith.constant 64 : i32
          %mul3A_334 = arith.muli %squeeze3A_332, %mul3A_333 : i32
          %multiple_of3A_335 = tpu.assume_multiple %mul3A_334, 64 : i32
          %dma_start3A_336 = arith.constant 64 : i32
          %dma_start3A_337 = tpu.memref_slice %arg10[%while3A_173, %dma_start3A_336] : memref<2x1024xf32, #tpu.memory_space<vmem>> -> memref<1x64xf32, #tpu.memory_space<vmem>>
          %dma_start3A_338 = tpu.memref_squeeze %dma_start3A_337 : memref<1x64xf32, #tpu.memory_space<vmem>> -> memref<64xf32, #tpu.memory_space<vmem>>
          %dma_start3A_339 = tpu.memref_slice %arg6[%multiple_of3A_335] : memref<1050624xf32, #tpu.memory_space<hbm>> -> memref<64xf32, #tpu.memory_space<hbm>>
          %dma_start3A_340 = tpu.memref_slice %arg6[%multiple_of3A_335] : memref<1050624xf32, #tpu.memory_space<hbm>> -> memref<64xf32, #tpu.memory_space<hbm>>
          %dma_start3A_341 = arith.constant 64 : i32
          %dma_start3A_342 = tpu.memref_slice %arg10[%while3A_173, %dma_start3A_341] : memref<2x1024xf32, #tpu.memory_space<vmem>> -> memref<1x64xf32, #tpu.memory_space<vmem>>
          %dma_start3A_343 = tpu.memref_squeeze %dma_start3A_342 : memref<1x64xf32, #tpu.memory_space<vmem>> -> memref<64xf32, #tpu.memory_space<vmem>>
          tpu.enqueue_dma source(%dma_start3A_343 : memref<64xf32, #tpu.memory_space<vmem>>) target(%dma_start3A_340 : memref<64xf32, #tpu.memory_space<hbm>>) target_semaphore(%arg12 : memref<!tpu.dma_semaphore, #tpu.memory_space<semaphore_mem>>)
          %slice3A_344 = vector.extract_strided_slice %min3A_251 {offsets = [2], sizes = [1], strides = [1]} : vector<16xi32> to vector<1xi32>
          %squeeze3A_345 = vector.extract %slice3A_344[0] : i32 from vector<1xi32>
          %broadcast_in_dim3A_346 = vector.broadcast %squeeze3A_345 : i32 to vector<16xi32>
          %gather3A_347 = arith.constant 0 : i32
          %gather3A_348 = arith.constant 0 : i32
          %gather3A_349 = tpu.memref_slice %arg9[%sub3A_198, %gather3A_347, %gather3A_348] : memref<2x64x512xf32, #tpu.memory_space<vmem>> -> memref<1x64x512xf32, #tpu.memory_space<vmem>>
          %gather3A_350 = tpu.memref_squeeze %gather3A_349 : memref<1x64x512xf32, #tpu.memory_space<vmem>> -> memref<64x512xf32, #tpu.memory_space<vmem>>
          %gather3A_351 = tpu.vector_load_idx %gather3A_350[%add3A_6, %broadcast_in_dim3A_346] : memref<64x512xf32, #tpu.memory_space<vmem>>[vector<16xi32>, vector<16xi32>], vector<16xf32>,
          %swap3A_352 = arith.index_cast %while3A_173 : i32 to index
          %swap3A_353 = arith.constant 128 : index
          %swap3A_354 = tpu.vector_load %arg10[%swap3A_352, %swap3A_353] {strides = array<i32>} : memref<2x1024xf32, #tpu.memory_space<vmem>>, vector<16xf32>,
          tpu.vector_store %arg10[%swap3A_352, %swap3A_353], %gather3A_351 {strides = array<i32>} : memref<2x1024xf32, #tpu.memory_space<vmem>>, vector<16xf32>,
          %gather3A_355 = arith.constant 0 : i32
          %gather3A_356 = arith.constant 0 : i32
          %gather3A_357 = tpu.memref_slice %arg9[%sub3A_198, %gather3A_355, %gather3A_356] : memref<2x64x512xf32, #tpu.memory_space<vmem>> -> memref<1x64x512xf32, #tpu.memory_space<vmem>>
          %gather3A_358 = tpu.memref_squeeze %gather3A_357 : memref<1x64x512xf32, #tpu.memory_space<vmem>> -> memref<64x512xf32, #tpu.memory_space<vmem>>
          %gather3A_359 = tpu.vector_load_idx %gather3A_358[%add3A_10, %broadcast_in_dim3A_346] : memref<64x512xf32, #tpu.memory_space<vmem>>[vector<16xi32>, vector<16xi32>], vector<16xf32>,
          %swap3A_360 = arith.index_cast %while3A_173 : i32 to index
          %swap3A_361 = arith.constant 144 : index
          %swap3A_362 = tpu.vector_load %arg10[%swap3A_360, %swap3A_361] {strides = array<i32>} : memref<2x1024xf32, #tpu.memory_space<vmem>>, vector<16xf32>,
          tpu.vector_store %arg10[%swap3A_360, %swap3A_361], %gather3A_359 {strides = array<i32>} : memref<2x1024xf32, #tpu.memory_space<vmem>>, vector<16xf32>,
          %gather3A_363 = arith.constant 0 : i32
          %gather3A_364 = arith.constant 0 : i32
          %gather3A_365 = tpu.memref_slice %arg9[%sub3A_198, %gather3A_363, %gather3A_364] : memref<2x64x512xf32, #tpu.memory_space<vmem>> -> memref<1x64x512xf32, #tpu.memory_space<vmem>>
          %gather3A_366 = tpu.memref_squeeze %gather3A_365 : memref<1x64x512xf32, #tpu.memory_space<vmem>> -> memref<64x512xf32, #tpu.memory_space<vmem>>
          %gather3A_367 = tpu.vector_load_idx %gather3A_366[%add3A_14, %broadcast_in_dim3A_346] : memref<64x512xf32, #tpu.memory_space<vmem>>[vector<16xi32>, vector<16xi32>], vector<16xf32>,
          %swap3A_368 = arith.index_cast %while3A_173 : i32 to index
          %swap3A_369 = arith.constant 160 : index
          %swap3A_370 = tpu.vector_load %arg10[%swap3A_368, %swap3A_369] {strides = array<i32>} : memref<2x1024xf32, #tpu.memory_space<vmem>>, vector<16xf32>,
          tpu.vector_store %arg10[%swap3A_368, %swap3A_369], %gather3A_367 {strides = array<i32>} : memref<2x1024xf32, #tpu.memory_space<vmem>>, vector<16xf32>,
          %gather3A_371 = arith.constant 0 : i32
          %gather3A_372 = arith.constant 0 : i32
          %gather3A_373 = tpu.memref_slice %arg9[%sub3A_198, %gather3A_371, %gather3A_372] : memref<2x64x512xf32, #tpu.memory_space<vmem>> -> memref<1x64x512xf32, #tpu.memory_space<vmem>>
          %gather3A_374 = tpu.memref_squeeze %gather3A_373 : memref<1x64x512xf32, #tpu.memory_space<vmem>> -> memref<64x512xf32, #tpu.memory_space<vmem>>
          %gather3A_375 = tpu.vector_load_idx %gather3A_374[%add3A_18, %broadcast_in_dim3A_346] : memref<64x512xf32, #tpu.memory_space<vmem>>[vector<16xi32>, vector<16xi32>], vector<16xf32>,
          %swap3A_376 = arith.index_cast %while3A_173 : i32 to index
          %swap3A_377 = arith.constant 176 : index
          %swap3A_378 = tpu.vector_load %arg10[%swap3A_376, %swap3A_377] {strides = array<i32>} : memref<2x1024xf32, #tpu.memory_space<vmem>>, vector<16xf32>,
          tpu.vector_store %arg10[%swap3A_376, %swap3A_377], %gather3A_375 {strides = array<i32>} : memref<2x1024xf32, #tpu.memory_space<vmem>>, vector<16xf32>,
          %slice3A_379 = vector.extract_strided_slice %select_n3A_216 {offsets = [2], sizes = [1], strides = [1]} : vector<16xi32> to vector<1xi32>
          %squeeze3A_380 = vector.extract %slice3A_379[0] : i32 from vector<1xi32>
          %mul3A_381 = arith.constant 64 : i32
          %mul3A_382 = arith.muli %squeeze3A_380, %mul3A_381 : i32
          %multiple_of3A_383 = tpu.assume_multiple %mul3A_382, 64 : i32
          %dma_start3A_384 = arith.constant 128 : i32
          %dma_start3A_385 = tpu.memref_slice %arg10[%while3A_173, %dma_start3A_384] : memref<2x1024xf32, #tpu.memory_space<vmem>> -> memref<1x64xf32, #tpu.memory_space<vmem>>
          %dma_start3A_386 = tpu.memref_squeeze %dma_start3A_385 : memref<1x64xf32, #tpu.memory_space<vmem>> -> memref<64xf32, #tpu.memory_space<vmem>>
          %dma_start3A_387 = tpu.memref_slice %arg6[%multiple_of3A_383] : memref<1050624xf32, #tpu.memory_space<hbm>> -> memref<64xf32, #tpu.memory_space<hbm>>
          %dma_start3A_388 = tpu.memref_slice %arg6[%multiple_of3A_383] : memref<1050624xf32, #tpu.memory_space<hbm>> -> memref<64xf32, #tpu.memory_space<hbm>>
          %dma_start3A_389 = arith.constant 128 : i32
          %dma_start3A_390 = tpu.memref_slice %arg10[%while3A_173, %dma_start3A_389] : memref<2x1024xf32, #tpu.memory_space<vmem>> -> memref<1x64xf32, #tpu.memory_space<vmem>>
          %dma_start3A_391 = tpu.memref_squeeze %dma_start3A_390 : memref<1x64xf32, #tpu.memory_space<vmem>> -> memref<64xf32, #tpu.memory_space<vmem>>
          tpu.enqueue_dma source(%dma_start3A_391 : memref<64xf32, #tpu.memory_space<vmem>>) target(%dma_start3A_388 : memref<64xf32, #tpu.memory_space<hbm>>) target_semaphore(%arg12 : memref<!tpu.dma_semaphore, #tpu.memory_space<semaphore_mem>>)
          %slice3A_392 = vector.extract_strided_slice %min3A_251 {offsets = [3], sizes = [1], strides = [1]} : vector<16xi32> to vector<1xi32>
          %squeeze3A_393 = vector.extract %slice3A_392[0] : i32 from vector<1xi32>
          %broadcast_in_dim3A_394 = vector.broadcast %squeeze3A_393 : i32 to vector<16xi32>
          %gather3A_395 = arith.constant 0 : i32
          %gather3A_396 = arith.constant 0 : i32
          %gather3A_397 = tpu.memref_slice %arg9[%sub3A_198, %gather3A_395, %gather3A_396] : memref<2x64x512xf32, #tpu.memory_space<vmem>> -> memref<1x64x512xf32, #tpu.memory_space<vmem>>
          %gather3A_398 = tpu.memref_squeeze %gather3A_397 : memref<1x64x512xf32, #tpu.memory_space<vmem>> -> memref<64x512xf32, #tpu.memory_space<vmem>>
          %gather3A_399 = tpu.vector_load_idx %gather3A_398[%add3A_6, %broadcast_in_dim3A_394] : memref<64x512xf32, #tpu.memory_space<vmem>>[vector<16xi32>, vector<16xi32>], vector<16xf32>,
          %swap3A_400 = arith.index_cast %while3A_173 : i32 to index
          %swap3A_401 = arith.constant 192 : index
          %swap3A_402 = tpu.vector_load %arg10[%swap3A_400, %swap3A_401] {strides = array<i32>} : memref<2x1024xf32, #tpu.memory_space<vmem>>, vector<16xf32>,
          tpu.vector_store %arg10[%swap3A_400, %swap3A_401], %gather3A_399 {strides = array<i32>} : memref<2x1024xf32, #tpu.memory_space<vmem>>, vector<16xf32>,
          %gather3A_403 = arith.constant 0 : i32
          %gather3A_404 = arith.constant 0 : i32
          %gather3A_405 = tpu.memref_slice %arg9[%sub3A_198, %gather3A_403, %gather3A_404] : memref<2x64x512xf32, #tpu.memory_space<vmem>> -> memref<1x64x512xf32, #tpu.memory_space<vmem>>
          %gather3A_406 = tpu.memref_squeeze %gather3A_405 : memref<1x64x512xf32, #tpu.memory_space<vmem>> -> memref<64x512xf32, #tpu.memory_space<vmem>>
          %gather3A_407 = tpu.vector_load_idx %gather3A_406[%add3A_10, %broadcast_in_dim3A_394] : memref<64x512xf32, #tpu.memory_space<vmem>>[vector<16xi32>, vector<16xi32>], vector<16xf32>,
          %swap3A_408 = arith.index_cast %while3A_173 : i32 to index
          %swap3A_409 = arith.constant 208 : index
          %swap3A_410 = tpu.vector_load %arg10[%swap3A_408, %swap3A_409] {strides = array<i32>} : memref<2x1024xf32, #tpu.memory_space<vmem>>, vector<16xf32>,
          tpu.vector_store %arg10[%swap3A_408, %swap3A_409], %gather3A_407 {strides = array<i32>} : memref<2x1024xf32, #tpu.memory_space<vmem>>, vector<16xf32>,
          %gather3A_411 = arith.constant 0 : i32
          %gather3A_412 = arith.constant 0 : i32
          %gather3A_413 = tpu.memref_slice %arg9[%sub3A_198, %gather3A_411, %gather3A_412] : memref<2x64x512xf32, #tpu.memory_space<vmem>> -> memref<1x64x512xf32, #tpu.memory_space<vmem>>
          %gather3A_414 = tpu.memref_squeeze %gather3A_413 : memref<1x64x512xf32, #tpu.memory_space<vmem>> -> memref<64x512xf32, #tpu.memory_space<vmem>>
          %gather3A_415 = tpu.vector_load_idx %gather3A_414[%add3A_14, %broadcast_in_dim3A_394] : memref<64x512xf32, #tpu.memory_space<vmem>>[vector<16xi32>, vector<16xi32>], vector<16xf32>,
          %swap3A_416 = arith.index_cast %while3A_173 : i32 to index
          %swap3A_417 = arith.constant 224 : index
          %swap3A_418 = tpu.vector_load %arg10[%swap3A_416, %swap3A_417] {strides = array<i32>} : memref<2x1024xf32, #tpu.memory_space<vmem>>, vector<16xf32>,
          tpu.vector_store %arg10[%swap3A_416, %swap3A_417], %gather3A_415 {strides = array<i32>} : memref<2x1024xf32, #tpu.memory_space<vmem>>, vector<16xf32>,
          %gather3A_419 = arith.constant 0 : i32
          %gather3A_420 = arith.constant 0 : i32
          %gather3A_421 = tpu.memref_slice %arg9[%sub3A_198, %gather3A_419, %gather3A_420] : memref<2x64x512xf32, #tpu.memory_space<vmem>> -> memref<1x64x512xf32, #tpu.memory_space<vmem>>
          %gather3A_422 = tpu.memref_squeeze %gather3A_421 : memref<1x64x512xf32, #tpu.memory_space<vmem>> -> memref<64x512xf32, #tpu.memory_space<vmem>>
          %gather3A_423 = tpu.vector_load_idx %gather3A_422[%add3A_18, %broadcast_in_dim3A_394] : memref<64x512xf32, #tpu.memory_space<vmem>>[vector<16xi32>, vector<16xi32>], vector<16xf32>,
          %swap3A_424 = arith.index_cast %while3A_173 : i32 to index
          %swap3A_425 = arith.constant 240 : index
          %swap3A_426 = tpu.vector_load %arg10[%swap3A_424, %swap3A_425] {strides = array<i32>} : memref<2x1024xf32, #tpu.memory_space<vmem>>, vector<16xf32>,
          tpu.vector_store %arg10[%swap3A_424, %swap3A_425], %gather3A_423 {strides = array<i32>} : memref<2x1024xf32, #tpu.memory_space<vmem>>, vector<16xf32>,
          %slice3A_427 = vector.extract_strided_slice %select_n3A_216 {offsets = [3], sizes = [1], strides = [1]} : vector<16xi32> to vector<1xi32>
          %squeeze3A_428 = vector.extract %slice3A_427[0] : i32 from vector<1xi32>
          %mul3A_429 = arith.constant 64 : i32
          %mul3A_430 = arith.muli %squeeze3A_428, %mul3A_429 : i32
          %multiple_of3A_431 = tpu.assume_multiple %mul3A_430, 64 : i32
          %dma_start3A_432 = arith.constant 192 : i32
          %dma_start3A_433 = tpu.memref_slice %arg10[%while3A_173, %dma_start3A_432] : memref<2x1024xf32, #tpu.memory_space<vmem>> -> memref<1x64xf32, #tpu.memory_space<vmem>>
          %dma_start3A_434 = tpu.memref_squeeze %dma_start3A_433 : memref<1x64xf32, #tpu.memory_space<vmem>> -> memref<64xf32, #tpu.memory_space<vmem>>
          %dma_start3A_435 = tpu.memref_slice %arg6[%multiple_of3A_431] : memref<1050624xf32, #tpu.memory_space<hbm>> -> memref<64xf32, #tpu.memory_space<hbm>>
          %dma_start3A_436 = tpu.memref_slice %arg6[%multiple_of3A_431] : memref<1050624xf32, #tpu.memory_space<hbm>> -> memref<64xf32, #tpu.memory_space<hbm>>
          %dma_start3A_437 = arith.constant 192 : i32
          %dma_start3A_438 = tpu.memref_slice %arg10[%while3A_173, %dma_start3A_437] : memref<2x1024xf32, #tpu.memory_space<vmem>> -> memref<1x64xf32, #tpu.memory_space<vmem>>
          %dma_start3A_439 = tpu.memref_squeeze %dma_start3A_438 : memref<1x64xf32, #tpu.memory_space<vmem>> -> memref<64xf32, #tpu.memory_space<vmem>>
          tpu.enqueue_dma source(%dma_start3A_439 : memref<64xf32, #tpu.memory_space<vmem>>) target(%dma_start3A_436 : memref<64xf32, #tpu.memory_space<hbm>>) target_semaphore(%arg12 : memref<!tpu.dma_semaphore, #tpu.memory_space<semaphore_mem>>)
          %slice3A_440 = vector.extract_strided_slice %min3A_251 {offsets = [4], sizes = [1], strides = [1]} : vector<16xi32> to vector<1xi32>
          %squeeze3A_441 = vector.extract %slice3A_440[0] : i32 from vector<1xi32>
          %broadcast_in_dim3A_442 = vector.broadcast %squeeze3A_441 : i32 to vector<16xi32>
          %gather3A_443 = arith.constant 0 : i32
          %gather3A_444 = arith.constant 0 : i32
          %gather3A_445 = tpu.memref_slice %arg9[%sub3A_198, %gather3A_443, %gather3A_444] : memref<2x64x512xf32, #tpu.memory_space<vmem>> -> memref<1x64x512xf32, #tpu.memory_space<vmem>>
          %gather3A_446 = tpu.memref_squeeze %gather3A_445 : memref<1x64x512xf32, #tpu.memory_space<vmem>> -> memref<64x512xf32, #tpu.memory_space<vmem>>
          %gather3A_447 = tpu.vector_load_idx %gather3A_446[%add3A_6, %broadcast_in_dim3A_442] : memref<64x512xf32, #tpu.memory_space<vmem>>[vector<16xi32>, vector<16xi32>], vector<16xf32>,
          %swap3A_448 = arith.index_cast %while3A_173 : i32 to index
          %swap3A_449 = arith.constant 256 : index
          %swap3A_450 = tpu.vector_load %arg10[%swap3A_448, %swap3A_449] {strides = array<i32>} : memref<2x1024xf32, #tpu.memory_space<vmem>>, vector<16xf32>,
          tpu.vector_store %arg10[%swap3A_448, %swap3A_449], %gather3A_447 {strides = array<i32>} : memref<2x1024xf32, #tpu.memory_space<vmem>>, vector<16xf32>,
          %gather3A_451 = arith.constant 0 : i32
          %gather3A_452 = arith.constant 0 : i32
          %gather3A_453 = tpu.memref_slice %arg9[%sub3A_198, %gather3A_451, %gather3A_452] : memref<2x64x512xf32, #tpu.memory_space<vmem>> -> memref<1x64x512xf32, #tpu.memory_space<vmem>>
          %gather3A_454 = tpu.memref_squeeze %gather3A_453 : memref<1x64x512xf32, #tpu.memory_space<vmem>> -> memref<64x512xf32, #tpu.memory_space<vmem>>
          %gather3A_455 = tpu.vector_load_idx %gather3A_454[%add3A_10, %broadcast_in_dim3A_442] : memref<64x512xf32, #tpu.memory_space<vmem>>[vector<16xi32>, vector<16xi32>], vector<16xf32>,
          %swap3A_456 = arith.index_cast %while3A_173 : i32 to index
          %swap3A_457 = arith.constant 272 : index
          %swap3A_458 = tpu.vector_load %arg10[%swap3A_456, %swap3A_457] {strides = array<i32>} : memref<2x1024xf32, #tpu.memory_space<vmem>>, vector<16xf32>,
          tpu.vector_store %arg10[%swap3A_456, %swap3A_457], %gather3A_455 {strides = array<i32>} : memref<2x1024xf32, #tpu.memory_space<vmem>>, vector<16xf32>,
          %gather3A_459 = arith.constant 0 : i32
          %gather3A_460 = arith.constant 0 : i32
          %gather3A_461 = tpu.memref_slice %arg9[%sub3A_198, %gather3A_459, %gather3A_460] : memref<2x64x512xf32, #tpu.memory_space<vmem>> -> memref<1x64x512xf32, #tpu.memory_space<vmem>>
          %gather3A_462 = tpu.memref_squeeze %gather3A_461 : memref<1x64x512xf32, #tpu.memory_space<vmem>> -> memref<64x512xf32, #tpu.memory_space<vmem>>
          %gather3A_463 = tpu.vector_load_idx %gather3A_462[%add3A_14, %broadcast_in_dim3A_442] : memref<64x512xf32, #tpu.memory_space<vmem>>[vector<16xi32>, vector<16xi32>], vector<16xf32>,
          %swap3A_464 = arith.index_cast %while3A_173 : i32 to index
          %swap3A_465 = arith.constant 288 : index
          %swap3A_466 = tpu.vector_load %arg10[%swap3A_464, %swap3A_465] {strides = array<i32>} : memref<2x1024xf32, #tpu.memory_space<vmem>>, vector<16xf32>,
          tpu.vector_store %arg10[%swap3A_464, %swap3A_465], %gather3A_463 {strides = array<i32>} : memref<2x1024xf32, #tpu.memory_space<vmem>>, vector<16xf32>,
          %gather3A_467 = arith.constant 0 : i32
          %gather3A_468 = arith.constant 0 : i32
          %gather3A_469 = tpu.memref_slice %arg9[%sub3A_198, %gather3A_467, %gather3A_468] : memref<2x64x512xf32, #tpu.memory_space<vmem>> -> memref<1x64x512xf32, #tpu.memory_space<vmem>>
          %gather3A_470 = tpu.memref_squeeze %gather3A_469 : memref<1x64x512xf32, #tpu.memory_space<vmem>> -> memref<64x512xf32, #tpu.memory_space<vmem>>
          %gather3A_471 = tpu.vector_load_idx %gather3A_470[%add3A_18, %broadcast_in_dim3A_442] : memref<64x512xf32, #tpu.memory_space<vmem>>[vector<16xi32>, vector<16xi32>], vector<16xf32>,
          %swap3A_472 = arith.index_cast %while3A_173 : i32 to index
          %swap3A_473 = arith.constant 304 : index
          %swap3A_474 = tpu.vector_load %arg10[%swap3A_472, %swap3A_473] {strides = array<i32>} : memref<2x1024xf32, #tpu.memory_space<vmem>>, vector<16xf32>,
          tpu.vector_store %arg10[%swap3A_472, %swap3A_473], %gather3A_471 {strides = array<i32>} : memref<2x1024xf32, #tpu.memory_space<vmem>>, vector<16xf32>,
          %slice3A_475 = vector.extract_strided_slice %select_n3A_216 {offsets = [4], sizes = [1], strides = [1]} : vector<16xi32> to vector<1xi32>
          %squeeze3A_476 = vector.extract %slice3A_475[0] : i32 from vector<1xi32>
          %mul3A_477 = arith.constant 64 : i32
          %mul3A_478 = arith.muli %squeeze3A_476, %mul3A_477 : i32
          %multiple_of3A_479 = tpu.assume_multiple %mul3A_478, 64 : i32
          %dma_start3A_480 = arith.constant 256 : i32
          %dma_start3A_481 = tpu.memref_slice %arg10[%while3A_173, %dma_start3A_480] : memref<2x1024xf32, #tpu.memory_space<vmem>> -> memref<1x64xf32, #tpu.memory_space<vmem>>
          %dma_start3A_482 = tpu.memref_squeeze %dma_start3A_481 : memref<1x64xf32, #tpu.memory_space<vmem>> -> memref<64xf32, #tpu.memory_space<vmem>>
          %dma_start3A_483 = tpu.memref_slice %arg6[%multiple_of3A_479] : memref<1050624xf32, #tpu.memory_space<hbm>> -> memref<64xf32, #tpu.memory_space<hbm>>
          %dma_start3A_484 = tpu.memref_slice %arg6[%multiple_of3A_479] : memref<1050624xf32, #tpu.memory_space<hbm>> -> memref<64xf32, #tpu.memory_space<hbm>>
          %dma_start3A_485 = arith.constant 256 : i32
          %dma_start3A_486 = tpu.memref_slice %arg10[%while3A_173, %dma_start3A_485] : memref<2x1024xf32, #tpu.memory_space<vmem>> -> memref<1x64xf32, #tpu.memory_space<vmem>>
          %dma_start3A_487 = tpu.memref_squeeze %dma_start3A_486 : memref<1x64xf32, #tpu.memory_space<vmem>> -> memref<64xf32, #tpu.memory_space<vmem>>
          tpu.enqueue_dma source(%dma_start3A_487 : memref<64xf32, #tpu.memory_space<vmem>>) target(%dma_start3A_484 : memref<64xf32, #tpu.memory_space<hbm>>) target_semaphore(%arg12 : memref<!tpu.dma_semaphore, #tpu.memory_space<semaphore_mem>>)
          %slice3A_488 = vector.extract_strided_slice %min3A_251 {offsets = [5], sizes = [1], strides = [1]} : vector<16xi32> to vector<1xi32>
          %squeeze3A_489 = vector.extract %slice3A_488[0] : i32 from vector<1xi32>
          %broadcast_in_dim3A_490 = vector.broadcast %squeeze3A_489 : i32 to vector<16xi32>
          %gather3A_491 = arith.constant 0 : i32
          %gather3A_492 = arith.constant 0 : i32
          %gather3A_493 = tpu.memref_slice %arg9[%sub3A_198, %gather3A_491, %gather3A_492] : memref<2x64x512xf32, #tpu.memory_space<vmem>> -> memref<1x64x512xf32, #tpu.memory_space<vmem>>
          %gather3A_494 = tpu.memref_squeeze %gather3A_493 : memref<1x64x512xf32, #tpu.memory_space<vmem>> -> memref<64x512xf32, #tpu.memory_space<vmem>>
          %gather3A_495 = tpu.vector_load_idx %gather3A_494[%add3A_6, %broadcast_in_dim3A_490] : memref<64x512xf32, #tpu.memory_space<vmem>>[vector<16xi32>, vector<16xi32>], vector<16xf32>,
          %swap3A_496 = arith.index_cast %while3A_173 : i32 to index
          %swap3A_497 = arith.constant 320 : index
          %swap3A_498 = tpu.vector_load %arg10[%swap3A_496, %swap3A_497] {strides = array<i32>} : memref<2x1024xf32, #tpu.memory_space<vmem>>, vector<16xf32>,
          tpu.vector_store %arg10[%swap3A_496, %swap3A_497], %gather3A_495 {strides = array<i32>} : memref<2x1024xf32, #tpu.memory_space<vmem>>, vector<16xf32>,
          %gather3A_499 = arith.constant 0 : i32
          %gather3A_500 = arith.constant 0 : i32
          %gather3A_501 = tpu.memref_slice %arg9[%sub3A_198, %gather3A_499, %gather3A_500] : memref<2x64x512xf32, #tpu.memory_space<vmem>> -> memref<1x64x512xf32, #tpu.memory_space<vmem>>
          %gather3A_502 = tpu.memref_squeeze %gather3A_501 : memref<1x64x512xf32, #tpu.memory_space<vmem>> -> memref<64x512xf32, #tpu.memory_space<vmem>>
          %gather3A_503 = tpu.vector_load_idx %gather3A_502[%add3A_10, %broadcast_in_dim3A_490] : memref<64x512xf32, #tpu.memory_space<vmem>>[vector<16xi32>, vector<16xi32>], vector<16xf32>,
          %swap3A_504 = arith.index_cast %while3A_173 : i32 to index
          %swap3A_505 = arith.constant 336 : index
          %swap3A_506 = tpu.vector_load %arg10[%swap3A_504, %swap3A_505] {strides = array<i32>} : memref<2x1024xf32, #tpu.memory_space<vmem>>, vector<16xf32>,
          tpu.vector_store %arg10[%swap3A_504, %swap3A_505], %gather3A_503 {strides = array<i32>} : memref<2x1024xf32, #tpu.memory_space<vmem>>, vector<16xf32>,
          %gather3A_507 = arith.constant 0 : i32
          %gather3A_508 = arith.constant 0 : i32
          %gather3A_509 = tpu.memref_slice %arg9[%sub3A_198, %gather3A_507, %gather3A_508] : memref<2x64x512xf32, #tpu.memory_space<vmem>> -> memref<1x64x512xf32, #tpu.memory_space<vmem>>
          %gather3A_510 = tpu.memref_squeeze %gather3A_509 : memref<1x64x512xf32, #tpu.memory_space<vmem>> -> memref<64x512xf32, #tpu.memory_space<vmem>>
          %gather3A_511 = tpu.vector_load_idx %gather3A_510[%add3A_14, %broadcast_in_dim3A_490] : memref<64x512xf32, #tpu.memory_space<vmem>>[vector<16xi32>, vector<16xi32>], vector<16xf32>,
          %swap3A_512 = arith.index_cast %while3A_173 : i32 to index
          %swap3A_513 = arith.constant 352 : index
          %swap3A_514 = tpu.vector_load %arg10[%swap3A_512, %swap3A_513] {strides = array<i32>} : memref<2x1024xf32, #tpu.memory_space<vmem>>, vector<16xf32>,
          tpu.vector_store %arg10[%swap3A_512, %swap3A_513], %gather3A_511 {strides = array<i32>} : memref<2x1024xf32, #tpu.memory_space<vmem>>, vector<16xf32>,
          %gather3A_515 = arith.constant 0 : i32
          %gather3A_516 = arith.constant 0 : i32
          %gather3A_517 = tpu.memref_slice %arg9[%sub3A_198, %gather3A_515, %gather3A_516] : memref<2x64x512xf32, #tpu.memory_space<vmem>> -> memref<1x64x512xf32, #tpu.memory_space<vmem>>
          %gather3A_518 = tpu.memref_squeeze %gather3A_517 : memref<1x64x512xf32, #tpu.memory_space<vmem>> -> memref<64x512xf32, #tpu.memory_space<vmem>>
          %gather3A_519 = tpu.vector_load_idx %gather3A_518[%add3A_18, %broadcast_in_dim3A_490] : memref<64x512xf32, #tpu.memory_space<vmem>>[vector<16xi32>, vector<16xi32>], vector<16xf32>,
          %swap3A_520 = arith.index_cast %while3A_173 : i32 to index
          %swap3A_521 = arith.constant 368 : index
          %swap3A_522 = tpu.vector_load %arg10[%swap3A_520, %swap3A_521] {strides = array<i32>} : memref<2x1024xf32, #tpu.memory_space<vmem>>, vector<16xf32>,
          tpu.vector_store %arg10[%swap3A_520, %swap3A_521], %gather3A_519 {strides = array<i32>} : memref<2x1024xf32, #tpu.memory_space<vmem>>, vector<16xf32>,
          %slice3A_523 = vector.extract_strided_slice %select_n3A_216 {offsets = [5], sizes = [1], strides = [1]} : vector<16xi32> to vector<1xi32>
          %squeeze3A_524 = vector.extract %slice3A_523[0] : i32 from vector<1xi32>
          %mul3A_525 = arith.constant 64 : i32
          %mul3A_526 = arith.muli %squeeze3A_524, %mul3A_525 : i32
          %multiple_of3A_527 = tpu.assume_multiple %mul3A_526, 64 : i32
          %dma_start3A_528 = arith.constant 320 : i32
          %dma_start3A_529 = tpu.memref_slice %arg10[%while3A_173, %dma_start3A_528] : memref<2x1024xf32, #tpu.memory_space<vmem>> -> memref<1x64xf32, #tpu.memory_space<vmem>>
          %dma_start3A_530 = tpu.memref_squeeze %dma_start3A_529 : memref<1x64xf32, #tpu.memory_space<vmem>> -> memref<64xf32, #tpu.memory_space<vmem>>
          %dma_start3A_531 = tpu.memref_slice %arg6[%multiple_of3A_527] : memref<1050624xf32, #tpu.memory_space<hbm>> -> memref<64xf32, #tpu.memory_space<hbm>>
          %dma_start3A_532 = tpu.memref_slice %arg6[%multiple_of3A_527] : memref<1050624xf32, #tpu.memory_space<hbm>> -> memref<64xf32, #tpu.memory_space<hbm>>
          %dma_start3A_533 = arith.constant 320 : i32
          %dma_start3A_534 = tpu.memref_slice %arg10[%while3A_173, %dma_start3A_533] : memref<2x1024xf32, #tpu.memory_space<vmem>> -> memref<1x64xf32, #tpu.memory_space<vmem>>
          %dma_start3A_535 = tpu.memref_squeeze %dma_start3A_534 : memref<1x64xf32, #tpu.memory_space<vmem>> -> memref<64xf32, #tpu.memory_space<vmem>>
          tpu.enqueue_dma source(%dma_start3A_535 : memref<64xf32, #tpu.memory_space<vmem>>) target(%dma_start3A_532 : memref<64xf32, #tpu.memory_space<hbm>>) target_semaphore(%arg12 : memref<!tpu.dma_semaphore, #tpu.memory_space<semaphore_mem>>)
          %slice3A_536 = vector.extract_strided_slice %min3A_251 {offsets = [6], sizes = [1], strides = [1]} : vector<16xi32> to vector<1xi32>
          %squeeze3A_537 = vector.extract %slice3A_536[0] : i32 from vector<1xi32>
          %broadcast_in_dim3A_538 = vector.broadcast %squeeze3A_537 : i32 to vector<16xi32>
          %gather3A_539 = arith.constant 0 : i32
          %gather3A_540 = arith.constant 0 : i32
          %gather3A_541 = tpu.memref_slice %arg9[%sub3A_198, %gather3A_539, %gather3A_540] : memref<2x64x512xf32, #tpu.memory_space<vmem>> -> memref<1x64x512xf32, #tpu.memory_space<vmem>>
          %gather3A_542 = tpu.memref_squeeze %gather3A_541 : memref<1x64x512xf32, #tpu.memory_space<vmem>> -> memref<64x512xf32, #tpu.memory_space<vmem>>
          %gather3A_543 = tpu.vector_load_idx %gather3A_542[%add3A_6, %broadcast_in_dim3A_538] : memref<64x512xf32, #tpu.memory_space<vmem>>[vector<16xi32>, vector<16xi32>], vector<16xf32>,
          %swap3A_544 = arith.index_cast %while3A_173 : i32 to index
          %swap3A_545 = arith.constant 384 : index
          %swap3A_546 = tpu.vector_load %arg10[%swap3A_544, %swap3A_545] {strides = array<i32>} : memref<2x1024xf32, #tpu.memory_space<vmem>>, vector<16xf32>,
          tpu.vector_store %arg10[%swap3A_544, %swap3A_545], %gather3A_543 {strides = array<i32>} : memref<2x1024xf32, #tpu.memory_space<vmem>>, vector<16xf32>,
          %gather3A_547 = arith.constant 0 : i32
          %gather3A_548 = arith.constant 0 : i32
          %gather3A_549 = tpu.memref_slice %arg9[%sub3A_198, %gather3A_547, %gather3A_548] : memref<2x64x512xf32, #tpu.memory_space<vmem>> -> memref<1x64x512xf32, #tpu.memory_space<vmem>>
          %gather3A_550 = tpu.memref_squeeze %gather3A_549 : memref<1x64x512xf32, #tpu.memory_space<vmem>> -> memref<64x512xf32, #tpu.memory_space<vmem>>
          %gather3A_551 = tpu.vector_load_idx %gather3A_550[%add3A_10, %broadcast_in_dim3A_538] : memref<64x512xf32, #tpu.memory_space<vmem>>[vector<16xi32>, vector<16xi32>], vector<16xf32>,
          %swap3A_552 = arith.index_cast %while3A_173 : i32 to index
          %swap3A_553 = arith.constant 400 : index
          %swap3A_554 = tpu.vector_load %arg10[%swap3A_552, %swap3A_553] {strides = array<i32>} : memref<2x1024xf32, #tpu.memory_space<vmem>>, vector<16xf32>,
          tpu.vector_store %arg10[%swap3A_552, %swap3A_553], %gather3A_551 {strides = array<i32>} : memref<2x1024xf32, #tpu.memory_space<vmem>>, vector<16xf32>,
          %gather3A_555 = arith.constant 0 : i32
          %gather3A_556 = arith.constant 0 : i32
          %gather3A_557 = tpu.memref_slice %arg9[%sub3A_198, %gather3A_555, %gather3A_556] : memref<2x64x512xf32, #tpu.memory_space<vmem>> -> memref<1x64x512xf32, #tpu.memory_space<vmem>>
          %gather3A_558 = tpu.memref_squeeze %gather3A_557 : memref<1x64x512xf32, #tpu.memory_space<vmem>> -> memref<64x512xf32, #tpu.memory_space<vmem>>
          %gather3A_559 = tpu.vector_load_idx %gather3A_558[%add3A_14, %broadcast_in_dim3A_538] : memref<64x512xf32, #tpu.memory_space<vmem>>[vector<16xi32>, vector<16xi32>], vector<16xf32>,
          %swap3A_560 = arith.index_cast %while3A_173 : i32 to index
          %swap3A_561 = arith.constant 416 : index
          %swap3A_562 = tpu.vector_load %arg10[%swap3A_560, %swap3A_561] {strides = array<i32>} : memref<2x1024xf32, #tpu.memory_space<vmem>>, vector<16xf32>,
          tpu.vector_store %arg10[%swap3A_560, %swap3A_561], %gather3A_559 {strides = array<i32>} : memref<2x1024xf32, #tpu.memory_space<vmem>>, vector<16xf32>,
          %gather3A_563 = arith.constant 0 : i32
          %gather3A_564 = arith.constant 0 : i32
          %gather3A_565 = tpu.memref_slice %arg9[%sub3A_198, %gather3A_563, %gather3A_564] : memref<2x64x512xf32, #tpu.memory_space<vmem>> -> memref<1x64x512xf32, #tpu.memory_space<vmem>>
          %gather3A_566 = tpu.memref_squeeze %gather3A_565 : memref<1x64x512xf32, #tpu.memory_space<vmem>> -> memref<64x512xf32, #tpu.memory_space<vmem>>
          %gather3A_567 = tpu.vector_load_idx %gather3A_566[%add3A_18, %broadcast_in_dim3A_538] : memref<64x512xf32, #tpu.memory_space<vmem>>[vector<16xi32>, vector<16xi32>], vector<16xf32>,
          %swap3A_568 = arith.index_cast %while3A_173 : i32 to index
          %swap3A_569 = arith.constant 432 : index
          %swap3A_570 = tpu.vector_load %arg10[%swap3A_568, %swap3A_569] {strides = array<i32>} : memref<2x1024xf32, #tpu.memory_space<vmem>>, vector<16xf32>,
          tpu.vector_store %arg10[%swap3A_568, %swap3A_569], %gather3A_567 {strides = array<i32>} : memref<2x1024xf32, #tpu.memory_space<vmem>>, vector<16xf32>,
          %slice3A_571 = vector.extract_strided_slice %select_n3A_216 {offsets = [6], sizes = [1], strides = [1]} : vector<16xi32> to vector<1xi32>
          %squeeze3A_572 = vector.extract %slice3A_571[0] : i32 from vector<1xi32>
          %mul3A_573 = arith.constant 64 : i32
          %mul3A_574 = arith.muli %squeeze3A_572, %mul3A_573 : i32
          %multiple_of3A_575 = tpu.assume_multiple %mul3A_574, 64 : i32
          %dma_start3A_576 = arith.constant 384 : i32
          %dma_start3A_577 = tpu.memref_slice %arg10[%while3A_173, %dma_start3A_576] : memref<2x1024xf32, #tpu.memory_space<vmem>> -> memref<1x64xf32, #tpu.memory_space<vmem>>
          %dma_start3A_578 = tpu.memref_squeeze %dma_start3A_577 : memref<1x64xf32, #tpu.memory_space<vmem>> -> memref<64xf32, #tpu.memory_space<vmem>>
          %dma_start3A_579 = tpu.memref_slice %arg6[%multiple_of3A_575] : memref<1050624xf32, #tpu.memory_space<hbm>> -> memref<64xf32, #tpu.memory_space<hbm>>
          %dma_start3A_580 = tpu.memref_slice %arg6[%multiple_of3A_575] : memref<1050624xf32, #tpu.memory_space<hbm>> -> memref<64xf32, #tpu.memory_space<hbm>>
          %dma_start3A_581 = arith.constant 384 : i32
          %dma_start3A_582 = tpu.memref_slice %arg10[%while3A_173, %dma_start3A_581] : memref<2x1024xf32, #tpu.memory_space<vmem>> -> memref<1x64xf32, #tpu.memory_space<vmem>>
          %dma_start3A_583 = tpu.memref_squeeze %dma_start3A_582 : memref<1x64xf32, #tpu.memory_space<vmem>> -> memref<64xf32, #tpu.memory_space<vmem>>
          tpu.enqueue_dma source(%dma_start3A_583 : memref<64xf32, #tpu.memory_space<vmem>>) target(%dma_start3A_580 : memref<64xf32, #tpu.memory_space<hbm>>) target_semaphore(%arg12 : memref<!tpu.dma_semaphore, #tpu.memory_space<semaphore_mem>>)
          %slice3A_584 = vector.extract_strided_slice %min3A_251 {offsets = [7], sizes = [1], strides = [1]} : vector<16xi32> to vector<1xi32>
          %squeeze3A_585 = vector.extract %slice3A_584[0] : i32 from vector<1xi32>
          %broadcast_in_dim3A_586 = vector.broadcast %squeeze3A_585 : i32 to vector<16xi32>
          %gather3A_587 = arith.constant 0 : i32
          %gather3A_588 = arith.constant 0 : i32
          %gather3A_589 = tpu.memref_slice %arg9[%sub3A_198, %gather3A_587, %gather3A_588] : memref<2x64x512xf32, #tpu.memory_space<vmem>> -> memref<1x64x512xf32, #tpu.memory_space<vmem>>
          %gather3A_590 = tpu.memref_squeeze %gather3A_589 : memref<1x64x512xf32, #tpu.memory_space<vmem>> -> memref<64x512xf32, #tpu.memory_space<vmem>>
          %gather3A_591 = tpu.vector_load_idx %gather3A_590[%add3A_6, %broadcast_in_dim3A_586] : memref<64x512xf32, #tpu.memory_space<vmem>>[vector<16xi32>, vector<16xi32>], vector<16xf32>,
          %swap3A_592 = arith.index_cast %while3A_173 : i32 to index
          %swap3A_593 = arith.constant 448 : index
          %swap3A_594 = tpu.vector_load %arg10[%swap3A_592, %swap3A_593] {strides = array<i32>} : memref<2x1024xf32, #tpu.memory_space<vmem>>, vector<16xf32>,
          tpu.vector_store %arg10[%swap3A_592, %swap3A_593], %gather3A_591 {strides = array<i32>} : memref<2x1024xf32, #tpu.memory_space<vmem>>, vector<16xf32>,
          %gather3A_595 = arith.constant 0 : i32
          %gather3A_596 = arith.constant 0 : i32
          %gather3A_597 = tpu.memref_slice %arg9[%sub3A_198, %gather3A_595, %gather3A_596] : memref<2x64x512xf32, #tpu.memory_space<vmem>> -> memref<1x64x512xf32, #tpu.memory_space<vmem>>
          %gather3A_598 = tpu.memref_squeeze %gather3A_597 : memref<1x64x512xf32, #tpu.memory_space<vmem>> -> memref<64x512xf32, #tpu.memory_space<vmem>>
          %gather3A_599 = tpu.vector_load_idx %gather3A_598[%add3A_10, %broadcast_in_dim3A_586] : memref<64x512xf32, #tpu.memory_space<vmem>>[vector<16xi32>, vector<16xi32>], vector<16xf32>,
          %swap3A_600 = arith.index_cast %while3A_173 : i32 to index
          %swap3A_601 = arith.constant 464 : index
          %swap3A_602 = tpu.vector_load %arg10[%swap3A_600, %swap3A_601] {strides = array<i32>} : memref<2x1024xf32, #tpu.memory_space<vmem>>, vector<16xf32>,
          tpu.vector_store %arg10[%swap3A_600, %swap3A_601], %gather3A_599 {strides = array<i32>} : memref<2x1024xf32, #tpu.memory_space<vmem>>, vector<16xf32>,
          %gather3A_603 = arith.constant 0 : i32
          %gather3A_604 = arith.constant 0 : i32
          %gather3A_605 = tpu.memref_slice %arg9[%sub3A_198, %gather3A_603, %gather3A_604] : memref<2x64x512xf32, #tpu.memory_space<vmem>> -> memref<1x64x512xf32, #tpu.memory_space<vmem>>
          %gather3A_606 = tpu.memref_squeeze %gather3A_605 : memref<1x64x512xf32, #tpu.memory_space<vmem>> -> memref<64x512xf32, #tpu.memory_space<vmem>>
          %gather3A_607 = tpu.vector_load_idx %gather3A_606[%add3A_14, %broadcast_in_dim3A_586] : memref<64x512xf32, #tpu.memory_space<vmem>>[vector<16xi32>, vector<16xi32>], vector<16xf32>,
          %swap3A_608 = arith.index_cast %while3A_173 : i32 to index
          %swap3A_609 = arith.constant 480 : index
          %swap3A_610 = tpu.vector_load %arg10[%swap3A_608, %swap3A_609] {strides = array<i32>} : memref<2x1024xf32, #tpu.memory_space<vmem>>, vector<16xf32>,
          tpu.vector_store %arg10[%swap3A_608, %swap3A_609], %gather3A_607 {strides = array<i32>} : memref<2x1024xf32, #tpu.memory_space<vmem>>, vector<16xf32>,
          %gather3A_611 = arith.constant 0 : i32
          %gather3A_612 = arith.constant 0 : i32
          %gather3A_613 = tpu.memref_slice %arg9[%sub3A_198, %gather3A_611, %gather3A_612] : memref<2x64x512xf32, #tpu.memory_space<vmem>> -> memref<1x64x512xf32, #tpu.memory_space<vmem>>
          %gather3A_614 = tpu.memref_squeeze %gather3A_613 : memref<1x64x512xf32, #tpu.memory_space<vmem>> -> memref<64x512xf32, #tpu.memory_space<vmem>>
          %gather3A_615 = tpu.vector_load_idx %gather3A_614[%add3A_18, %broadcast_in_dim3A_586] : memref<64x512xf32, #tpu.memory_space<vmem>>[vector<16xi32>, vector<16xi32>], vector<16xf32>,
          %swap3A_616 = arith.index_cast %while3A_173 : i32 to index
          %swap3A_617 = arith.constant 496 : index
          %swap3A_618 = tpu.vector_load %arg10[%swap3A_616, %swap3A_617] {strides = array<i32>} : memref<2x1024xf32, #tpu.memory_space<vmem>>, vector<16xf32>,
          tpu.vector_store %arg10[%swap3A_616, %swap3A_617], %gather3A_615 {strides = array<i32>} : memref<2x1024xf32, #tpu.memory_space<vmem>>, vector<16xf32>,
          %slice3A_619 = vector.extract_strided_slice %select_n3A_216 {offsets = [7], sizes = [1], strides = [1]} : vector<16xi32> to vector<1xi32>
          %squeeze3A_620 = vector.extract %slice3A_619[0] : i32 from vector<1xi32>
          %mul3A_621 = arith.constant 64 : i32
          %mul3A_622 = arith.muli %squeeze3A_620, %mul3A_621 : i32
          %multiple_of3A_623 = tpu.assume_multiple %mul3A_622, 64 : i32
          %dma_start3A_624 = arith.constant 448 : i32
          %dma_start3A_625 = tpu.memref_slice %arg10[%while3A_173, %dma_start3A_624] : memref<2x1024xf32, #tpu.memory_space<vmem>> -> memref<1x64xf32, #tpu.memory_space<vmem>>
          %dma_start3A_626 = tpu.memref_squeeze %dma_start3A_625 : memref<1x64xf32, #tpu.memory_space<vmem>> -> memref<64xf32, #tpu.memory_space<vmem>>
          %dma_start3A_627 = tpu.memref_slice %arg6[%multiple_of3A_623] : memref<1050624xf32, #tpu.memory_space<hbm>> -> memref<64xf32, #tpu.memory_space<hbm>>
          %dma_start3A_628 = tpu.memref_slice %arg6[%multiple_of3A_623] : memref<1050624xf32, #tpu.memory_space<hbm>> -> memref<64xf32, #tpu.memory_space<hbm>>
          %dma_start3A_629 = arith.constant 448 : i32
          %dma_start3A_630 = tpu.memref_slice %arg10[%while3A_173, %dma_start3A_629] : memref<2x1024xf32, #tpu.memory_space<vmem>> -> memref<1x64xf32, #tpu.memory_space<vmem>>
          %dma_start3A_631 = tpu.memref_squeeze %dma_start3A_630 : memref<1x64xf32, #tpu.memory_space<vmem>> -> memref<64xf32, #tpu.memory_space<vmem>>
          tpu.enqueue_dma source(%dma_start3A_631 : memref<64xf32, #tpu.memory_space<vmem>>) target(%dma_start3A_628 : memref<64xf32, #tpu.memory_space<hbm>>) target_semaphore(%arg12 : memref<!tpu.dma_semaphore, #tpu.memory_space<semaphore_mem>>)
          %slice3A_632 = vector.extract_strided_slice %min3A_251 {offsets = [8], sizes = [1], strides = [1]} : vector<16xi32> to vector<1xi32>
          %squeeze3A_633 = vector.extract %slice3A_632[0] : i32 from vector<1xi32>
          %broadcast_in_dim3A_634 = vector.broadcast %squeeze3A_633 : i32 to vector<16xi32>
          %gather3A_635 = arith.constant 0 : i32
          %gather3A_636 = arith.constant 0 : i32
          %gather3A_637 = tpu.memref_slice %arg9[%sub3A_198, %gather3A_635, %gather3A_636] : memref<2x64x512xf32, #tpu.memory_space<vmem>> -> memref<1x64x512xf32, #tpu.memory_space<vmem>>
          %gather3A_638 = tpu.memref_squeeze %gather3A_637 : memref<1x64x512xf32, #tpu.memory_space<vmem>> -> memref<64x512xf32, #tpu.memory_space<vmem>>
          %gather3A_639 = tpu.vector_load_idx %gather3A_638[%add3A_6, %broadcast_in_dim3A_634] : memref<64x512xf32, #tpu.memory_space<vmem>>[vector<16xi32>, vector<16xi32>], vector<16xf32>,
          %swap3A_640 = arith.index_cast %while3A_173 : i32 to index
          %swap3A_641 = arith.constant 512 : index
          %swap3A_642 = tpu.vector_load %arg10[%swap3A_640, %swap3A_641] {strides = array<i32>} : memref<2x1024xf32, #tpu.memory_space<vmem>>, vector<16xf32>,
          tpu.vector_store %arg10[%swap3A_640, %swap3A_641], %gather3A_639 {strides = array<i32>} : memref<2x1024xf32, #tpu.memory_space<vmem>>, vector<16xf32>,
          %gather3A_643 = arith.constant 0 : i32
          %gather3A_644 = arith.constant 0 : i32
          %gather3A_645 = tpu.memref_slice %arg9[%sub3A_198, %gather3A_643, %gather3A_644] : memref<2x64x512xf32, #tpu.memory_space<vmem>> -> memref<1x64x512xf32, #tpu.memory_space<vmem>>
          %gather3A_646 = tpu.memref_squeeze %gather3A_645 : memref<1x64x512xf32, #tpu.memory_space<vmem>> -> memref<64x512xf32, #tpu.memory_space<vmem>>
          %gather3A_647 = tpu.vector_load_idx %gather3A_646[%add3A_10, %broadcast_in_dim3A_634] : memref<64x512xf32, #tpu.memory_space<vmem>>[vector<16xi32>, vector<16xi32>], vector<16xf32>,
          %swap3A_648 = arith.index_cast %while3A_173 : i32 to index
          %swap3A_649 = arith.constant 528 : index
          %swap3A_650 = tpu.vector_load %arg10[%swap3A_648, %swap3A_649] {strides = array<i32>} : memref<2x1024xf32, #tpu.memory_space<vmem>>, vector<16xf32>,
          tpu.vector_store %arg10[%swap3A_648, %swap3A_649], %gather3A_647 {strides = array<i32>} : memref<2x1024xf32, #tpu.memory_space<vmem>>, vector<16xf32>,
          %gather3A_651 = arith.constant 0 : i32
          %gather3A_652 = arith.constant 0 : i32
          %gather3A_653 = tpu.memref_slice %arg9[%sub3A_198, %gather3A_651, %gather3A_652] : memref<2x64x512xf32, #tpu.memory_space<vmem>> -> memref<1x64x512xf32, #tpu.memory_space<vmem>>
          %gather3A_654 = tpu.memref_squeeze %gather3A_653 : memref<1x64x512xf32, #tpu.memory_space<vmem>> -> memref<64x512xf32, #tpu.memory_space<vmem>>
          %gather3A_655 = tpu.vector_load_idx %gather3A_654[%add3A_14, %broadcast_in_dim3A_634] : memref<64x512xf32, #tpu.memory_space<vmem>>[vector<16xi32>, vector<16xi32>], vector<16xf32>,
          %swap3A_656 = arith.index_cast %while3A_173 : i32 to index
          %swap3A_657 = arith.constant 544 : index
          %swap3A_658 = tpu.vector_load %arg10[%swap3A_656, %swap3A_657] {strides = array<i32>} : memref<2x1024xf32, #tpu.memory_space<vmem>>, vector<16xf32>,
          tpu.vector_store %arg10[%swap3A_656, %swap3A_657], %gather3A_655 {strides = array<i32>} : memref<2x1024xf32, #tpu.memory_space<vmem>>, vector<16xf32>,
          %gather3A_659 = arith.constant 0 : i32
          %gather3A_660 = arith.constant 0 : i32
          %gather3A_661 = tpu.memref_slice %arg9[%sub3A_198, %gather3A_659, %gather3A_660] : memref<2x64x512xf32, #tpu.memory_space<vmem>> -> memref<1x64x512xf32, #tpu.memory_space<vmem>>
          %gather3A_662 = tpu.memref_squeeze %gather3A_661 : memref<1x64x512xf32, #tpu.memory_space<vmem>> -> memref<64x512xf32, #tpu.memory_space<vmem>>
          %gather3A_663 = tpu.vector_load_idx %gather3A_662[%add3A_18, %broadcast_in_dim3A_634] : memref<64x512xf32, #tpu.memory_space<vmem>>[vector<16xi32>, vector<16xi32>], vector<16xf32>,
          %swap3A_664 = arith.index_cast %while3A_173 : i32 to index
          %swap3A_665 = arith.constant 560 : index
          %swap3A_666 = tpu.vector_load %arg10[%swap3A_664, %swap3A_665] {strides = array<i32>} : memref<2x1024xf32, #tpu.memory_space<vmem>>, vector<16xf32>,
          tpu.vector_store %arg10[%swap3A_664, %swap3A_665], %gather3A_663 {strides = array<i32>} : memref<2x1024xf32, #tpu.memory_space<vmem>>, vector<16xf32>,
          %slice3A_667 = vector.extract_strided_slice %select_n3A_216 {offsets = [8], sizes = [1], strides = [1]} : vector<16xi32> to vector<1xi32>
          %squeeze3A_668 = vector.extract %slice3A_667[0] : i32 from vector<1xi32>
          %mul3A_669 = arith.constant 64 : i32
          %mul3A_670 = arith.muli %squeeze3A_668, %mul3A_669 : i32
          %multiple_of3A_671 = tpu.assume_multiple %mul3A_670, 64 : i32
          %dma_start3A_672 = arith.constant 512 : i32
          %dma_start3A_673 = tpu.memref_slice %arg10[%while3A_173, %dma_start3A_672] : memref<2x1024xf32, #tpu.memory_space<vmem>> -> memref<1x64xf32, #tpu.memory_space<vmem>>
          %dma_start3A_674 = tpu.memref_squeeze %dma_start3A_673 : memref<1x64xf32, #tpu.memory_space<vmem>> -> memref<64xf32, #tpu.memory_space<vmem>>
          %dma_start3A_675 = tpu.memref_slice %arg6[%multiple_of3A_671] : memref<1050624xf32, #tpu.memory_space<hbm>> -> memref<64xf32, #tpu.memory_space<hbm>>
          %dma_start3A_676 = tpu.memref_slice %arg6[%multiple_of3A_671] : memref<1050624xf32, #tpu.memory_space<hbm>> -> memref<64xf32, #tpu.memory_space<hbm>>
          %dma_start3A_677 = arith.constant 512 : i32
          %dma_start3A_678 = tpu.memref_slice %arg10[%while3A_173, %dma_start3A_677] : memref<2x1024xf32, #tpu.memory_space<vmem>> -> memref<1x64xf32, #tpu.memory_space<vmem>>
          %dma_start3A_679 = tpu.memref_squeeze %dma_start3A_678 : memref<1x64xf32, #tpu.memory_space<vmem>> -> memref<64xf32, #tpu.memory_space<vmem>>
          tpu.enqueue_dma source(%dma_start3A_679 : memref<64xf32, #tpu.memory_space<vmem>>) target(%dma_start3A_676 : memref<64xf32, #tpu.memory_space<hbm>>) target_semaphore(%arg12 : memref<!tpu.dma_semaphore, #tpu.memory_space<semaphore_mem>>)
          %slice3A_680 = vector.extract_strided_slice %min3A_251 {offsets = [9], sizes = [1], strides = [1]} : vector<16xi32> to vector<1xi32>
          %squeeze3A_681 = vector.extract %slice3A_680[0] : i32 from vector<1xi32>
          %broadcast_in_dim3A_682 = vector.broadcast %squeeze3A_681 : i32 to vector<16xi32>
          %gather3A_683 = arith.constant 0 : i32
          %gather3A_684 = arith.constant 0 : i32
          %gather3A_685 = tpu.memref_slice %arg9[%sub3A_198, %gather3A_683, %gather3A_684] : memref<2x64x512xf32, #tpu.memory_space<vmem>> -> memref<1x64x512xf32, #tpu.memory_space<vmem>>
          %gather3A_686 = tpu.memref_squeeze %gather3A_685 : memref<1x64x512xf32, #tpu.memory_space<vmem>> -> memref<64x512xf32, #tpu.memory_space<vmem>>
          %gather3A_687 = tpu.vector_load_idx %gather3A_686[%add3A_6, %broadcast_in_dim3A_682] : memref<64x512xf32, #tpu.memory_space<vmem>>[vector<16xi32>, vector<16xi32>], vector<16xf32>,
          %swap3A_688 = arith.index_cast %while3A_173 : i32 to index
          %swap3A_689 = arith.constant 576 : index
          %swap3A_690 = tpu.vector_load %arg10[%swap3A_688, %swap3A_689] {strides = array<i32>} : memref<2x1024xf32, #tpu.memory_space<vmem>>, vector<16xf32>,
          tpu.vector_store %arg10[%swap3A_688, %swap3A_689], %gather3A_687 {strides = array<i32>} : memref<2x1024xf32, #tpu.memory_space<vmem>>, vector<16xf32>,
          %gather3A_691 = arith.constant 0 : i32
          %gather3A_692 = arith.constant 0 : i32
          %gather3A_693 = tpu.memref_slice %arg9[%sub3A_198, %gather3A_691, %gather3A_692] : memref<2x64x512xf32, #tpu.memory_space<vmem>> -> memref<1x64x512xf32, #tpu.memory_space<vmem>>
          %gather3A_694 = tpu.memref_squeeze %gather3A_693 : memref<1x64x512xf32, #tpu.memory_space<vmem>> -> memref<64x512xf32, #tpu.memory_space<vmem>>
          %gather3A_695 = tpu.vector_load_idx %gather3A_694[%add3A_10, %broadcast_in_dim3A_682] : memref<64x512xf32, #tpu.memory_space<vmem>>[vector<16xi32>, vector<16xi32>], vector<16xf32>,
          %swap3A_696 = arith.index_cast %while3A_173 : i32 to index
          %swap3A_697 = arith.constant 592 : index
          %swap3A_698 = tpu.vector_load %arg10[%swap3A_696, %swap3A_697] {strides = array<i32>} : memref<2x1024xf32, #tpu.memory_space<vmem>>, vector<16xf32>,
          tpu.vector_store %arg10[%swap3A_696, %swap3A_697], %gather3A_695 {strides = array<i32>} : memref<2x1024xf32, #tpu.memory_space<vmem>>, vector<16xf32>,
          %gather3A_699 = arith.constant 0 : i32
          %gather3A_700 = arith.constant 0 : i32
          %gather3A_701 = tpu.memref_slice %arg9[%sub3A_198, %gather3A_699, %gather3A_700] : memref<2x64x512xf32, #tpu.memory_space<vmem>> -> memref<1x64x512xf32, #tpu.memory_space<vmem>>
          %gather3A_702 = tpu.memref_squeeze %gather3A_701 : memref<1x64x512xf32, #tpu.memory_space<vmem>> -> memref<64x512xf32, #tpu.memory_space<vmem>>
          %gather3A_703 = tpu.vector_load_idx %gather3A_702[%add3A_14, %broadcast_in_dim3A_682] : memref<64x512xf32, #tpu.memory_space<vmem>>[vector<16xi32>, vector<16xi32>], vector<16xf32>,
          %swap3A_704 = arith.index_cast %while3A_173 : i32 to index
          %swap3A_705 = arith.constant 608 : index
          %swap3A_706 = tpu.vector_load %arg10[%swap3A_704, %swap3A_705] {strides = array<i32>} : memref<2x1024xf32, #tpu.memory_space<vmem>>, vector<16xf32>,
          tpu.vector_store %arg10[%swap3A_704, %swap3A_705], %gather3A_703 {strides = array<i32>} : memref<2x1024xf32, #tpu.memory_space<vmem>>, vector<16xf32>,
          %gather3A_707 = arith.constant 0 : i32
          %gather3A_708 = arith.constant 0 : i32
          %gather3A_709 = tpu.memref_slice %arg9[%sub3A_198, %gather3A_707, %gather3A_708] : memref<2x64x512xf32, #tpu.memory_space<vmem>> -> memref<1x64x512xf32, #tpu.memory_space<vmem>>
          %gather3A_710 = tpu.memref_squeeze %gather3A_709 : memref<1x64x512xf32, #tpu.memory_space<vmem>> -> memref<64x512xf32, #tpu.memory_space<vmem>>
          %gather3A_711 = tpu.vector_load_idx %gather3A_710[%add3A_18, %broadcast_in_dim3A_682] : memref<64x512xf32, #tpu.memory_space<vmem>>[vector<16xi32>, vector<16xi32>], vector<16xf32>,
          %swap3A_712 = arith.index_cast %while3A_173 : i32 to index
          %swap3A_713 = arith.constant 624 : index
          %swap3A_714 = tpu.vector_load %arg10[%swap3A_712, %swap3A_713] {strides = array<i32>} : memref<2x1024xf32, #tpu.memory_space<vmem>>, vector<16xf32>,
          tpu.vector_store %arg10[%swap3A_712, %swap3A_713], %gather3A_711 {strides = array<i32>} : memref<2x1024xf32, #tpu.memory_space<vmem>>, vector<16xf32>,
          %slice3A_715 = vector.extract_strided_slice %select_n3A_216 {offsets = [9], sizes = [1], strides = [1]} : vector<16xi32> to vector<1xi32>
          %squeeze3A_716 = vector.extract %slice3A_715[0] : i32 from vector<1xi32>
          %mul3A_717 = arith.constant 64 : i32
          %mul3A_718 = arith.muli %squeeze3A_716, %mul3A_717 : i32
          %multiple_of3A_719 = tpu.assume_multiple %mul3A_718, 64 : i32
          %dma_start3A_720 = arith.constant 576 : i32
          %dma_start3A_721 = tpu.memref_slice %arg10[%while3A_173, %dma_start3A_720] : memref<2x1024xf32, #tpu.memory_space<vmem>> -> memref<1x64xf32, #tpu.memory_space<vmem>>
          %dma_start3A_722 = tpu.memref_squeeze %dma_start3A_721 : memref<1x64xf32, #tpu.memory_space<vmem>> -> memref<64xf32, #tpu.memory_space<vmem>>
          %dma_start3A_723 = tpu.memref_slice %arg6[%multiple_of3A_719] : memref<1050624xf32, #tpu.memory_space<hbm>> -> memref<64xf32, #tpu.memory_space<hbm>>
          %dma_start3A_724 = tpu.memref_slice %arg6[%multiple_of3A_719] : memref<1050624xf32, #tpu.memory_space<hbm>> -> memref<64xf32, #tpu.memory_space<hbm>>
          %dma_start3A_725 = arith.constant 576 : i32
          %dma_start3A_726 = tpu.memref_slice %arg10[%while3A_173, %dma_start3A_725] : memref<2x1024xf32, #tpu.memory_space<vmem>> -> memref<1x64xf32, #tpu.memory_space<vmem>>
          %dma_start3A_727 = tpu.memref_squeeze %dma_start3A_726 : memref<1x64xf32, #tpu.memory_space<vmem>> -> memref<64xf32, #tpu.memory_space<vmem>>
          tpu.enqueue_dma source(%dma_start3A_727 : memref<64xf32, #tpu.memory_space<vmem>>) target(%dma_start3A_724 : memref<64xf32, #tpu.memory_space<hbm>>) target_semaphore(%arg12 : memref<!tpu.dma_semaphore, #tpu.memory_space<semaphore_mem>>)
          %slice3A_728 = vector.extract_strided_slice %min3A_251 {offsets = [10], sizes = [1], strides = [1]} : vector<16xi32> to vector<1xi32>
          %squeeze3A_729 = vector.extract %slice3A_728[0] : i32 from vector<1xi32>
          %broadcast_in_dim3A_730 = vector.broadcast %squeeze3A_729 : i32 to vector<16xi32>
          %gather3A_731 = arith.constant 0 : i32
          %gather3A_732 = arith.constant 0 : i32
          %gather3A_733 = tpu.memref_slice %arg9[%sub3A_198, %gather3A_731, %gather3A_732] : memref<2x64x512xf32, #tpu.memory_space<vmem>> -> memref<1x64x512xf32, #tpu.memory_space<vmem>>
          %gather3A_734 = tpu.memref_squeeze %gather3A_733 : memref<1x64x512xf32, #tpu.memory_space<vmem>> -> memref<64x512xf32, #tpu.memory_space<vmem>>
          %gather3A_735 = tpu.vector_load_idx %gather3A_734[%add3A_6, %broadcast_in_dim3A_730] : memref<64x512xf32, #tpu.memory_space<vmem>>[vector<16xi32>, vector<16xi32>], vector<16xf32>,
          %swap3A_736 = arith.index_cast %while3A_173 : i32 to index
          %swap3A_737 = arith.constant 640 : index
          %swap3A_738 = tpu.vector_load %arg10[%swap3A_736, %swap3A_737] {strides = array<i32>} : memref<2x1024xf32, #tpu.memory_space<vmem>>, vector<16xf32>,
          tpu.vector_store %arg10[%swap3A_736, %swap3A_737], %gather3A_735 {strides = array<i32>} : memref<2x1024xf32, #tpu.memory_space<vmem>>, vector<16xf32>,
          %gather3A_739 = arith.constant 0 : i32
          %gather3A_740 = arith.constant 0 : i32
          %gather3A_741 = tpu.memref_slice %arg9[%sub3A_198, %gather3A_739, %gather3A_740] : memref<2x64x512xf32, #tpu.memory_space<vmem>> -> memref<1x64x512xf32, #tpu.memory_space<vmem>>
          %gather3A_742 = tpu.memref_squeeze %gather3A_741 : memref<1x64x512xf32, #tpu.memory_space<vmem>> -> memref<64x512xf32, #tpu.memory_space<vmem>>
          %gather3A_743 = tpu.vector_load_idx %gather3A_742[%add3A_10, %broadcast_in_dim3A_730] : memref<64x512xf32, #tpu.memory_space<vmem>>[vector<16xi32>, vector<16xi32>], vector<16xf32>,
          %swap3A_744 = arith.index_cast %while3A_173 : i32 to index
          %swap3A_745 = arith.constant 656 : index
          %swap3A_746 = tpu.vector_load %arg10[%swap3A_744, %swap3A_745] {strides = array<i32>} : memref<2x1024xf32, #tpu.memory_space<vmem>>, vector<16xf32>,
          tpu.vector_store %arg10[%swap3A_744, %swap3A_745], %gather3A_743 {strides = array<i32>} : memref<2x1024xf32, #tpu.memory_space<vmem>>, vector<16xf32>,
          %gather3A_747 = arith.constant 0 : i32
          %gather3A_748 = arith.constant 0 : i32
          %gather3A_749 = tpu.memref_slice %arg9[%sub3A_198, %gather3A_747, %gather3A_748] : memref<2x64x512xf32, #tpu.memory_space<vmem>> -> memref<1x64x512xf32, #tpu.memory_space<vmem>>
          %gather3A_750 = tpu.memref_squeeze %gather3A_749 : memref<1x64x512xf32, #tpu.memory_space<vmem>> -> memref<64x512xf32, #tpu.memory_space<vmem>>
          %gather3A_751 = tpu.vector_load_idx %gather3A_750[%add3A_14, %broadcast_in_dim3A_730] : memref<64x512xf32, #tpu.memory_space<vmem>>[vector<16xi32>, vector<16xi32>], vector<16xf32>,
          %swap3A_752 = arith.index_cast %while3A_173 : i32 to index
          %swap3A_753 = arith.constant 672 : index
          %swap3A_754 = tpu.vector_load %arg10[%swap3A_752, %swap3A_753] {strides = array<i32>} : memref<2x1024xf32, #tpu.memory_space<vmem>>, vector<16xf32>,
          tpu.vector_store %arg10[%swap3A_752, %swap3A_753], %gather3A_751 {strides = array<i32>} : memref<2x1024xf32, #tpu.memory_space<vmem>>, vector<16xf32>,
          %gather3A_755 = arith.constant 0 : i32
          %gather3A_756 = arith.constant 0 : i32
          %gather3A_757 = tpu.memref_slice %arg9[%sub3A_198, %gather3A_755, %gather3A_756] : memref<2x64x512xf32, #tpu.memory_space<vmem>> -> memref<1x64x512xf32, #tpu.memory_space<vmem>>
          %gather3A_758 = tpu.memref_squeeze %gather3A_757 : memref<1x64x512xf32, #tpu.memory_space<vmem>> -> memref<64x512xf32, #tpu.memory_space<vmem>>
          %gather3A_759 = tpu.vector_load_idx %gather3A_758[%add3A_18, %broadcast_in_dim3A_730] : memref<64x512xf32, #tpu.memory_space<vmem>>[vector<16xi32>, vector<16xi32>], vector<16xf32>,
          %swap3A_760 = arith.index_cast %while3A_173 : i32 to index
          %swap3A_761 = arith.constant 688 : index
          %swap3A_762 = tpu.vector_load %arg10[%swap3A_760, %swap3A_761] {strides = array<i32>} : memref<2x1024xf32, #tpu.memory_space<vmem>>, vector<16xf32>,
          tpu.vector_store %arg10[%swap3A_760, %swap3A_761], %gather3A_759 {strides = array<i32>} : memref<2x1024xf32, #tpu.memory_space<vmem>>, vector<16xf32>,
          %slice3A_763 = vector.extract_strided_slice %select_n3A_216 {offsets = [10], sizes = [1], strides = [1]} : vector<16xi32> to vector<1xi32>
          %squeeze3A_764 = vector.extract %slice3A_763[0] : i32 from vector<1xi32>
          %mul3A_765 = arith.constant 64 : i32
          %mul3A_766 = arith.muli %squeeze3A_764, %mul3A_765 : i32
          %multiple_of3A_767 = tpu.assume_multiple %mul3A_766, 64 : i32
          %dma_start3A_768 = arith.constant 640 : i32
          %dma_start3A_769 = tpu.memref_slice %arg10[%while3A_173, %dma_start3A_768] : memref<2x1024xf32, #tpu.memory_space<vmem>> -> memref<1x64xf32, #tpu.memory_space<vmem>>
          %dma_start3A_770 = tpu.memref_squeeze %dma_start3A_769 : memref<1x64xf32, #tpu.memory_space<vmem>> -> memref<64xf32, #tpu.memory_space<vmem>>
          %dma_start3A_771 = tpu.memref_slice %arg6[%multiple_of3A_767] : memref<1050624xf32, #tpu.memory_space<hbm>> -> memref<64xf32, #tpu.memory_space<hbm>>
          %dma_start3A_772 = tpu.memref_slice %arg6[%multiple_of3A_767] : memref<1050624xf32, #tpu.memory_space<hbm>> -> memref<64xf32, #tpu.memory_space<hbm>>
          %dma_start3A_773 = arith.constant 640 : i32
          %dma_start3A_774 = tpu.memref_slice %arg10[%while3A_173, %dma_start3A_773] : memref<2x1024xf32, #tpu.memory_space<vmem>> -> memref<1x64xf32, #tpu.memory_space<vmem>>
          %dma_start3A_775 = tpu.memref_squeeze %dma_start3A_774 : memref<1x64xf32, #tpu.memory_space<vmem>> -> memref<64xf32, #tpu.memory_space<vmem>>
          tpu.enqueue_dma source(%dma_start3A_775 : memref<64xf32, #tpu.memory_space<vmem>>) target(%dma_start3A_772 : memref<64xf32, #tpu.memory_space<hbm>>) target_semaphore(%arg12 : memref<!tpu.dma_semaphore, #tpu.memory_space<semaphore_mem>>)
          %slice3A_776 = vector.extract_strided_slice %min3A_251 {offsets = [11], sizes = [1], strides = [1]} : vector<16xi32> to vector<1xi32>
          %squeeze3A_777 = vector.extract %slice3A_776[0] : i32 from vector<1xi32>
          %broadcast_in_dim3A_778 = vector.broadcast %squeeze3A_777 : i32 to vector<16xi32>
          %gather3A_779 = arith.constant 0 : i32
          %gather3A_780 = arith.constant 0 : i32
          %gather3A_781 = tpu.memref_slice %arg9[%sub3A_198, %gather3A_779, %gather3A_780] : memref<2x64x512xf32, #tpu.memory_space<vmem>> -> memref<1x64x512xf32, #tpu.memory_space<vmem>>
          %gather3A_782 = tpu.memref_squeeze %gather3A_781 : memref<1x64x512xf32, #tpu.memory_space<vmem>> -> memref<64x512xf32, #tpu.memory_space<vmem>>
          %gather3A_783 = tpu.vector_load_idx %gather3A_782[%add3A_6, %broadcast_in_dim3A_778] : memref<64x512xf32, #tpu.memory_space<vmem>>[vector<16xi32>, vector<16xi32>], vector<16xf32>,
          %swap3A_784 = arith.index_cast %while3A_173 : i32 to index
          %swap3A_785 = arith.constant 704 : index
          %swap3A_786 = tpu.vector_load %arg10[%swap3A_784, %swap3A_785] {strides = array<i32>} : memref<2x1024xf32, #tpu.memory_space<vmem>>, vector<16xf32>,
          tpu.vector_store %arg10[%swap3A_784, %swap3A_785], %gather3A_783 {strides = array<i32>} : memref<2x1024xf32, #tpu.memory_space<vmem>>, vector<16xf32>,
          %gather3A_787 = arith.constant 0 : i32
          %gather3A_788 = arith.constant 0 : i32
          %gather3A_789 = tpu.memref_slice %arg9[%sub3A_198, %gather3A_787, %gather3A_788] : memref<2x64x512xf32, #tpu.memory_space<vmem>> -> memref<1x64x512xf32, #tpu.memory_space<vmem>>
          %gather3A_790 = tpu.memref_squeeze %gather3A_789 : memref<1x64x512xf32, #tpu.memory_space<vmem>> -> memref<64x512xf32, #tpu.memory_space<vmem>>
          %gather3A_791 = tpu.vector_load_idx %gather3A_790[%add3A_10, %broadcast_in_dim3A_778] : memref<64x512xf32, #tpu.memory_space<vmem>>[vector<16xi32>, vector<16xi32>], vector<16xf32>,
          %swap3A_792 = arith.index_cast %while3A_173 : i32 to index
          %swap3A_793 = arith.constant 720 : index
          %swap3A_794 = tpu.vector_load %arg10[%swap3A_792, %swap3A_793] {strides = array<i32>} : memref<2x1024xf32, #tpu.memory_space<vmem>>, vector<16xf32>,
          tpu.vector_store %arg10[%swap3A_792, %swap3A_793], %gather3A_791 {strides = array<i32>} : memref<2x1024xf32, #tpu.memory_space<vmem>>, vector<16xf32>,
          %gather3A_795 = arith.constant 0 : i32
          %gather3A_796 = arith.constant 0 : i32
          %gather3A_797 = tpu.memref_slice %arg9[%sub3A_198, %gather3A_795, %gather3A_796] : memref<2x64x512xf32, #tpu.memory_space<vmem>> -> memref<1x64x512xf32, #tpu.memory_space<vmem>>
          %gather3A_798 = tpu.memref_squeeze %gather3A_797 : memref<1x64x512xf32, #tpu.memory_space<vmem>> -> memref<64x512xf32, #tpu.memory_space<vmem>>
          %gather3A_799 = tpu.vector_load_idx %gather3A_798[%add3A_14, %broadcast_in_dim3A_778] : memref<64x512xf32, #tpu.memory_space<vmem>>[vector<16xi32>, vector<16xi32>], vector<16xf32>,
          %swap3A_800 = arith.index_cast %while3A_173 : i32 to index
          %swap3A_801 = arith.constant 736 : index
          %swap3A_802 = tpu.vector_load %arg10[%swap3A_800, %swap3A_801] {strides = array<i32>} : memref<2x1024xf32, #tpu.memory_space<vmem>>, vector<16xf32>,
          tpu.vector_store %arg10[%swap3A_800, %swap3A_801], %gather3A_799 {strides = array<i32>} : memref<2x1024xf32, #tpu.memory_space<vmem>>, vector<16xf32>,
          %gather3A_803 = arith.constant 0 : i32
          %gather3A_804 = arith.constant 0 : i32
          %gather3A_805 = tpu.memref_slice %arg9[%sub3A_198, %gather3A_803, %gather3A_804] : memref<2x64x512xf32, #tpu.memory_space<vmem>> -> memref<1x64x512xf32, #tpu.memory_space<vmem>>
          %gather3A_806 = tpu.memref_squeeze %gather3A_805 : memref<1x64x512xf32, #tpu.memory_space<vmem>> -> memref<64x512xf32, #tpu.memory_space<vmem>>
          %gather3A_807 = tpu.vector_load_idx %gather3A_806[%add3A_18, %broadcast_in_dim3A_778] : memref<64x512xf32, #tpu.memory_space<vmem>>[vector<16xi32>, vector<16xi32>], vector<16xf32>,
          %swap3A_808 = arith.index_cast %while3A_173 : i32 to index
          %swap3A_809 = arith.constant 752 : index
          %swap3A_810 = tpu.vector_load %arg10[%swap3A_808, %swap3A_809] {strides = array<i32>} : memref<2x1024xf32, #tpu.memory_space<vmem>>, vector<16xf32>,
          tpu.vector_store %arg10[%swap3A_808, %swap3A_809], %gather3A_807 {strides = array<i32>} : memref<2x1024xf32, #tpu.memory_space<vmem>>, vector<16xf32>,
          %slice3A_811 = vector.extract_strided_slice %select_n3A_216 {offsets = [11], sizes = [1], strides = [1]} : vector<16xi32> to vector<1xi32>
          %squeeze3A_812 = vector.extract %slice3A_811[0] : i32 from vector<1xi32>
          %mul3A_813 = arith.constant 64 : i32
          %mul3A_814 = arith.muli %squeeze3A_812, %mul3A_813 : i32
          %multiple_of3A_815 = tpu.assume_multiple %mul3A_814, 64 : i32
          %dma_start3A_816 = arith.constant 704 : i32
          %dma_start3A_817 = tpu.memref_slice %arg10[%while3A_173, %dma_start3A_816] : memref<2x1024xf32, #tpu.memory_space<vmem>> -> memref<1x64xf32, #tpu.memory_space<vmem>>
          %dma_start3A_818 = tpu.memref_squeeze %dma_start3A_817 : memref<1x64xf32, #tpu.memory_space<vmem>> -> memref<64xf32, #tpu.memory_space<vmem>>
          %dma_start3A_819 = tpu.memref_slice %arg6[%multiple_of3A_815] : memref<1050624xf32, #tpu.memory_space<hbm>> -> memref<64xf32, #tpu.memory_space<hbm>>
          %dma_start3A_820 = tpu.memref_slice %arg6[%multiple_of3A_815] : memref<1050624xf32, #tpu.memory_space<hbm>> -> memref<64xf32, #tpu.memory_space<hbm>>
          %dma_start3A_821 = arith.constant 704 : i32
          %dma_start3A_822 = tpu.memref_slice %arg10[%while3A_173, %dma_start3A_821] : memref<2x1024xf32, #tpu.memory_space<vmem>> -> memref<1x64xf32, #tpu.memory_space<vmem>>
          %dma_start3A_823 = tpu.memref_squeeze %dma_start3A_822 : memref<1x64xf32, #tpu.memory_space<vmem>> -> memref<64xf32, #tpu.memory_space<vmem>>
          tpu.enqueue_dma source(%dma_start3A_823 : memref<64xf32, #tpu.memory_space<vmem>>) target(%dma_start3A_820 : memref<64xf32, #tpu.memory_space<hbm>>) target_semaphore(%arg12 : memref<!tpu.dma_semaphore, #tpu.memory_space<semaphore_mem>>)
          %slice3A_824 = vector.extract_strided_slice %min3A_251 {offsets = [12], sizes = [1], strides = [1]} : vector<16xi32> to vector<1xi32>
          %squeeze3A_825 = vector.extract %slice3A_824[0] : i32 from vector<1xi32>
          %broadcast_in_dim3A_826 = vector.broadcast %squeeze3A_825 : i32 to vector<16xi32>
          %gather3A_827 = arith.constant 0 : i32
          %gather3A_828 = arith.constant 0 : i32
          %gather3A_829 = tpu.memref_slice %arg9[%sub3A_198, %gather3A_827, %gather3A_828] : memref<2x64x512xf32, #tpu.memory_space<vmem>> -> memref<1x64x512xf32, #tpu.memory_space<vmem>>
          %gather3A_830 = tpu.memref_squeeze %gather3A_829 : memref<1x64x512xf32, #tpu.memory_space<vmem>> -> memref<64x512xf32, #tpu.memory_space<vmem>>
          %gather3A_831 = tpu.vector_load_idx %gather3A_830[%add3A_6, %broadcast_in_dim3A_826] : memref<64x512xf32, #tpu.memory_space<vmem>>[vector<16xi32>, vector<16xi32>], vector<16xf32>,
          %swap3A_832 = arith.index_cast %while3A_173 : i32 to index
          %swap3A_833 = arith.constant 768 : index
          %swap3A_834 = tpu.vector_load %arg10[%swap3A_832, %swap3A_833] {strides = array<i32>} : memref<2x1024xf32, #tpu.memory_space<vmem>>, vector<16xf32>,
          tpu.vector_store %arg10[%swap3A_832, %swap3A_833], %gather3A_831 {strides = array<i32>} : memref<2x1024xf32, #tpu.memory_space<vmem>>, vector<16xf32>,
          %gather3A_835 = arith.constant 0 : i32
          %gather3A_836 = arith.constant 0 : i32
          %gather3A_837 = tpu.memref_slice %arg9[%sub3A_198, %gather3A_835, %gather3A_836] : memref<2x64x512xf32, #tpu.memory_space<vmem>> -> memref<1x64x512xf32, #tpu.memory_space<vmem>>
          %gather3A_838 = tpu.memref_squeeze %gather3A_837 : memref<1x64x512xf32, #tpu.memory_space<vmem>> -> memref<64x512xf32, #tpu.memory_space<vmem>>
          %gather3A_839 = tpu.vector_load_idx %gather3A_838[%add3A_10, %broadcast_in_dim3A_826] : memref<64x512xf32, #tpu.memory_space<vmem>>[vector<16xi32>, vector<16xi32>], vector<16xf32>,
          %swap3A_840 = arith.index_cast %while3A_173 : i32 to index
          %swap3A_841 = arith.constant 784 : index
          %swap3A_842 = tpu.vector_load %arg10[%swap3A_840, %swap3A_841] {strides = array<i32>} : memref<2x1024xf32, #tpu.memory_space<vmem>>, vector<16xf32>,
          tpu.vector_store %arg10[%swap3A_840, %swap3A_841], %gather3A_839 {strides = array<i32>} : memref<2x1024xf32, #tpu.memory_space<vmem>>, vector<16xf32>,
          %gather3A_843 = arith.constant 0 : i32
          %gather3A_844 = arith.constant 0 : i32
          %gather3A_845 = tpu.memref_slice %arg9[%sub3A_198, %gather3A_843, %gather3A_844] : memref<2x64x512xf32, #tpu.memory_space<vmem>> -> memref<1x64x512xf32, #tpu.memory_space<vmem>>
          %gather3A_846 = tpu.memref_squeeze %gather3A_845 : memref<1x64x512xf32, #tpu.memory_space<vmem>> -> memref<64x512xf32, #tpu.memory_space<vmem>>
          %gather3A_847 = tpu.vector_load_idx %gather3A_846[%add3A_14, %broadcast_in_dim3A_826] : memref<64x512xf32, #tpu.memory_space<vmem>>[vector<16xi32>, vector<16xi32>], vector<16xf32>,
          %swap3A_848 = arith.index_cast %while3A_173 : i32 to index
          %swap3A_849 = arith.constant 800 : index
          %swap3A_850 = tpu.vector_load %arg10[%swap3A_848, %swap3A_849] {strides = array<i32>} : memref<2x1024xf32, #tpu.memory_space<vmem>>, vector<16xf32>,
          tpu.vector_store %arg10[%swap3A_848, %swap3A_849], %gather3A_847 {strides = array<i32>} : memref<2x1024xf32, #tpu.memory_space<vmem>>, vector<16xf32>,
          %gather3A_851 = arith.constant 0 : i32
          %gather3A_852 = arith.constant 0 : i32
          %gather3A_853 = tpu.memref_slice %arg9[%sub3A_198, %gather3A_851, %gather3A_852] : memref<2x64x512xf32, #tpu.memory_space<vmem>> -> memref<1x64x512xf32, #tpu.memory_space<vmem>>
          %gather3A_854 = tpu.memref_squeeze %gather3A_853 : memref<1x64x512xf32, #tpu.memory_space<vmem>> -> memref<64x512xf32, #tpu.memory_space<vmem>>
          %gather3A_855 = tpu.vector_load_idx %gather3A_854[%add3A_18, %broadcast_in_dim3A_826] : memref<64x512xf32, #tpu.memory_space<vmem>>[vector<16xi32>, vector<16xi32>], vector<16xf32>,
          %swap3A_856 = arith.index_cast %while3A_173 : i32 to index
          %swap3A_857 = arith.constant 816 : index
          %swap3A_858 = tpu.vector_load %arg10[%swap3A_856, %swap3A_857] {strides = array<i32>} : memref<2x1024xf32, #tpu.memory_space<vmem>>, vector<16xf32>,
          tpu.vector_store %arg10[%swap3A_856, %swap3A_857], %gather3A_855 {strides = array<i32>} : memref<2x1024xf32, #tpu.memory_space<vmem>>, vector<16xf32>,
          %slice3A_859 = vector.extract_strided_slice %select_n3A_216 {offsets = [12], sizes = [1], strides = [1]} : vector<16xi32> to vector<1xi32>
          %squeeze3A_860 = vector.extract %slice3A_859[0] : i32 from vector<1xi32>
          %mul3A_861 = arith.constant 64 : i32
          %mul3A_862 = arith.muli %squeeze3A_860, %mul3A_861 : i32
          %multiple_of3A_863 = tpu.assume_multiple %mul3A_862, 64 : i32
          %dma_start3A_864 = arith.constant 768 : i32
          %dma_start3A_865 = tpu.memref_slice %arg10[%while3A_173, %dma_start3A_864] : memref<2x1024xf32, #tpu.memory_space<vmem>> -> memref<1x64xf32, #tpu.memory_space<vmem>>
          %dma_start3A_866 = tpu.memref_squeeze %dma_start3A_865 : memref<1x64xf32, #tpu.memory_space<vmem>> -> memref<64xf32, #tpu.memory_space<vmem>>
          %dma_start3A_867 = tpu.memref_slice %arg6[%multiple_of3A_863] : memref<1050624xf32, #tpu.memory_space<hbm>> -> memref<64xf32, #tpu.memory_space<hbm>>
          %dma_start3A_868 = tpu.memref_slice %arg6[%multiple_of3A_863] : memref<1050624xf32, #tpu.memory_space<hbm>> -> memref<64xf32, #tpu.memory_space<hbm>>
          %dma_start3A_869 = arith.constant 768 : i32
          %dma_start3A_870 = tpu.memref_slice %arg10[%while3A_173, %dma_start3A_869] : memref<2x1024xf32, #tpu.memory_space<vmem>> -> memref<1x64xf32, #tpu.memory_space<vmem>>
          %dma_start3A_871 = tpu.memref_squeeze %dma_start3A_870 : memref<1x64xf32, #tpu.memory_space<vmem>> -> memref<64xf32, #tpu.memory_space<vmem>>
          tpu.enqueue_dma source(%dma_start3A_871 : memref<64xf32, #tpu.memory_space<vmem>>) target(%dma_start3A_868 : memref<64xf32, #tpu.memory_space<hbm>>) target_semaphore(%arg12 : memref<!tpu.dma_semaphore, #tpu.memory_space<semaphore_mem>>)
          %slice3A_872 = vector.extract_strided_slice %min3A_251 {offsets = [13], sizes = [1], strides = [1]} : vector<16xi32> to vector<1xi32>
          %squeeze3A_873 = vector.extract %slice3A_872[0] : i32 from vector<1xi32>
          %broadcast_in_dim3A_874 = vector.broadcast %squeeze3A_873 : i32 to vector<16xi32>
          %gather3A_875 = arith.constant 0 : i32
          %gather3A_876 = arith.constant 0 : i32
          %gather3A_877 = tpu.memref_slice %arg9[%sub3A_198, %gather3A_875, %gather3A_876] : memref<2x64x512xf32, #tpu.memory_space<vmem>> -> memref<1x64x512xf32, #tpu.memory_space<vmem>>
          %gather3A_878 = tpu.memref_squeeze %gather3A_877 : memref<1x64x512xf32, #tpu.memory_space<vmem>> -> memref<64x512xf32, #tpu.memory_space<vmem>>
          %gather3A_879 = tpu.vector_load_idx %gather3A_878[%add3A_6, %broadcast_in_dim3A_874] : memref<64x512xf32, #tpu.memory_space<vmem>>[vector<16xi32>, vector<16xi32>], vector<16xf32>,
          %swap3A_880 = arith.index_cast %while3A_173 : i32 to index
          %swap3A_881 = arith.constant 832 : index
          %swap3A_882 = tpu.vector_load %arg10[%swap3A_880, %swap3A_881] {strides = array<i32>} : memref<2x1024xf32, #tpu.memory_space<vmem>>, vector<16xf32>,
          tpu.vector_store %arg10[%swap3A_880, %swap3A_881], %gather3A_879 {strides = array<i32>} : memref<2x1024xf32, #tpu.memory_space<vmem>>, vector<16xf32>,
          %gather3A_883 = arith.constant 0 : i32
          %gather3A_884 = arith.constant 0 : i32
          %gather3A_885 = tpu.memref_slice %arg9[%sub3A_198, %gather3A_883, %gather3A_884] : memref<2x64x512xf32, #tpu.memory_space<vmem>> -> memref<1x64x512xf32, #tpu.memory_space<vmem>>
          %gather3A_886 = tpu.memref_squeeze %gather3A_885 : memref<1x64x512xf32, #tpu.memory_space<vmem>> -> memref<64x512xf32, #tpu.memory_space<vmem>>
          %gather3A_887 = tpu.vector_load_idx %gather3A_886[%add3A_10, %broadcast_in_dim3A_874] : memref<64x512xf32, #tpu.memory_space<vmem>>[vector<16xi32>, vector<16xi32>], vector<16xf32>,
          %swap3A_888 = arith.index_cast %while3A_173 : i32 to index
          %swap3A_889 = arith.constant 848 : index
          %swap3A_890 = tpu.vector_load %arg10[%swap3A_888, %swap3A_889] {strides = array<i32>} : memref<2x1024xf32, #tpu.memory_space<vmem>>, vector<16xf32>,
          tpu.vector_store %arg10[%swap3A_888, %swap3A_889], %gather3A_887 {strides = array<i32>} : memref<2x1024xf32, #tpu.memory_space<vmem>>, vector<16xf32>,
          %gather3A_891 = arith.constant 0 : i32
          %gather3A_892 = arith.constant 0 : i32
          %gather3A_893 = tpu.memref_slice %arg9[%sub3A_198, %gather3A_891, %gather3A_892] : memref<2x64x512xf32, #tpu.memory_space<vmem>> -> memref<1x64x512xf32, #tpu.memory_space<vmem>>
          %gather3A_894 = tpu.memref_squeeze %gather3A_893 : memref<1x64x512xf32, #tpu.memory_space<vmem>> -> memref<64x512xf32, #tpu.memory_space<vmem>>
          %gather3A_895 = tpu.vector_load_idx %gather3A_894[%add3A_14, %broadcast_in_dim3A_874] : memref<64x512xf32, #tpu.memory_space<vmem>>[vector<16xi32>, vector<16xi32>], vector<16xf32>,
          %swap3A_896 = arith.index_cast %while3A_173 : i32 to index
          %swap3A_897 = arith.constant 864 : index
          %swap3A_898 = tpu.vector_load %arg10[%swap3A_896, %swap3A_897] {strides = array<i32>} : memref<2x1024xf32, #tpu.memory_space<vmem>>, vector<16xf32>,
          tpu.vector_store %arg10[%swap3A_896, %swap3A_897], %gather3A_895 {strides = array<i32>} : memref<2x1024xf32, #tpu.memory_space<vmem>>, vector<16xf32>,
          %gather3A_899 = arith.constant 0 : i32
          %gather3A_900 = arith.constant 0 : i32
          %gather3A_901 = tpu.memref_slice %arg9[%sub3A_198, %gather3A_899, %gather3A_900] : memref<2x64x512xf32, #tpu.memory_space<vmem>> -> memref<1x64x512xf32, #tpu.memory_space<vmem>>
          %gather3A_902 = tpu.memref_squeeze %gather3A_901 : memref<1x64x512xf32, #tpu.memory_space<vmem>> -> memref<64x512xf32, #tpu.memory_space<vmem>>
          %gather3A_903 = tpu.vector_load_idx %gather3A_902[%add3A_18, %broadcast_in_dim3A_874] : memref<64x512xf32, #tpu.memory_space<vmem>>[vector<16xi32>, vector<16xi32>], vector<16xf32>,
          %swap3A_904 = arith.index_cast %while3A_173 : i32 to index
          %swap3A_905 = arith.constant 880 : index
          %swap3A_906 = tpu.vector_load %arg10[%swap3A_904, %swap3A_905] {strides = array<i32>} : memref<2x1024xf32, #tpu.memory_space<vmem>>, vector<16xf32>,
          tpu.vector_store %arg10[%swap3A_904, %swap3A_905], %gather3A_903 {strides = array<i32>} : memref<2x1024xf32, #tpu.memory_space<vmem>>, vector<16xf32>,
          %slice3A_907 = vector.extract_strided_slice %select_n3A_216 {offsets = [13], sizes = [1], strides = [1]} : vector<16xi32> to vector<1xi32>
          %squeeze3A_908 = vector.extract %slice3A_907[0] : i32 from vector<1xi32>
          %mul3A_909 = arith.constant 64 : i32
          %mul3A_910 = arith.muli %squeeze3A_908, %mul3A_909 : i32
          %multiple_of3A_911 = tpu.assume_multiple %mul3A_910, 64 : i32
          %dma_start3A_912 = arith.constant 832 : i32
          %dma_start3A_913 = tpu.memref_slice %arg10[%while3A_173, %dma_start3A_912] : memref<2x1024xf32, #tpu.memory_space<vmem>> -> memref<1x64xf32, #tpu.memory_space<vmem>>
          %dma_start3A_914 = tpu.memref_squeeze %dma_start3A_913 : memref<1x64xf32, #tpu.memory_space<vmem>> -> memref<64xf32, #tpu.memory_space<vmem>>
          %dma_start3A_915 = tpu.memref_slice %arg6[%multiple_of3A_911] : memref<1050624xf32, #tpu.memory_space<hbm>> -> memref<64xf32, #tpu.memory_space<hbm>>
          %dma_start3A_916 = tpu.memref_slice %arg6[%multiple_of3A_911] : memref<1050624xf32, #tpu.memory_space<hbm>> -> memref<64xf32, #tpu.memory_space<hbm>>
          %dma_start3A_917 = arith.constant 832 : i32
          %dma_start3A_918 = tpu.memref_slice %arg10[%while3A_173, %dma_start3A_917] : memref<2x1024xf32, #tpu.memory_space<vmem>> -> memref<1x64xf32, #tpu.memory_space<vmem>>
          %dma_start3A_919 = tpu.memref_squeeze %dma_start3A_918 : memref<1x64xf32, #tpu.memory_space<vmem>> -> memref<64xf32, #tpu.memory_space<vmem>>
          tpu.enqueue_dma source(%dma_start3A_919 : memref<64xf32, #tpu.memory_space<vmem>>) target(%dma_start3A_916 : memref<64xf32, #tpu.memory_space<hbm>>) target_semaphore(%arg12 : memref<!tpu.dma_semaphore, #tpu.memory_space<semaphore_mem>>)
          %slice3A_920 = vector.extract_strided_slice %min3A_251 {offsets = [14], sizes = [1], strides = [1]} : vector<16xi32> to vector<1xi32>
          %squeeze3A_921 = vector.extract %slice3A_920[0] : i32 from vector<1xi32>
          %broadcast_in_dim3A_922 = vector.broadcast %squeeze3A_921 : i32 to vector<16xi32>
          %gather3A_923 = arith.constant 0 : i32
          %gather3A_924 = arith.constant 0 : i32
          %gather3A_925 = tpu.memref_slice %arg9[%sub3A_198, %gather3A_923, %gather3A_924] : memref<2x64x512xf32, #tpu.memory_space<vmem>> -> memref<1x64x512xf32, #tpu.memory_space<vmem>>
          %gather3A_926 = tpu.memref_squeeze %gather3A_925 : memref<1x64x512xf32, #tpu.memory_space<vmem>> -> memref<64x512xf32, #tpu.memory_space<vmem>>
          %gather3A_927 = tpu.vector_load_idx %gather3A_926[%add3A_6, %broadcast_in_dim3A_922] : memref<64x512xf32, #tpu.memory_space<vmem>>[vector<16xi32>, vector<16xi32>], vector<16xf32>,
          %swap3A_928 = arith.index_cast %while3A_173 : i32 to index
          %swap3A_929 = arith.constant 896 : index
          %swap3A_930 = tpu.vector_load %arg10[%swap3A_928, %swap3A_929] {strides = array<i32>} : memref<2x1024xf32, #tpu.memory_space<vmem>>, vector<16xf32>,
          tpu.vector_store %arg10[%swap3A_928, %swap3A_929], %gather3A_927 {strides = array<i32>} : memref<2x1024xf32, #tpu.memory_space<vmem>>, vector<16xf32>,
          %gather3A_931 = arith.constant 0 : i32
          %gather3A_932 = arith.constant 0 : i32
          %gather3A_933 = tpu.memref_slice %arg9[%sub3A_198, %gather3A_931, %gather3A_932] : memref<2x64x512xf32, #tpu.memory_space<vmem>> -> memref<1x64x512xf32, #tpu.memory_space<vmem>>
          %gather3A_934 = tpu.memref_squeeze %gather3A_933 : memref<1x64x512xf32, #tpu.memory_space<vmem>> -> memref<64x512xf32, #tpu.memory_space<vmem>>
          %gather3A_935 = tpu.vector_load_idx %gather3A_934[%add3A_10, %broadcast_in_dim3A_922] : memref<64x512xf32, #tpu.memory_space<vmem>>[vector<16xi32>, vector<16xi32>], vector<16xf32>,
          %swap3A_936 = arith.index_cast %while3A_173 : i32 to index
          %swap3A_937 = arith.constant 912 : index
          %swap3A_938 = tpu.vector_load %arg10[%swap3A_936, %swap3A_937] {strides = array<i32>} : memref<2x1024xf32, #tpu.memory_space<vmem>>, vector<16xf32>,
          tpu.vector_store %arg10[%swap3A_936, %swap3A_937], %gather3A_935 {strides = array<i32>} : memref<2x1024xf32, #tpu.memory_space<vmem>>, vector<16xf32>,
          %gather3A_939 = arith.constant 0 : i32
          %gather3A_940 = arith.constant 0 : i32
          %gather3A_941 = tpu.memref_slice %arg9[%sub3A_198, %gather3A_939, %gather3A_940] : memref<2x64x512xf32, #tpu.memory_space<vmem>> -> memref<1x64x512xf32, #tpu.memory_space<vmem>>
          %gather3A_942 = tpu.memref_squeeze %gather3A_941 : memref<1x64x512xf32, #tpu.memory_space<vmem>> -> memref<64x512xf32, #tpu.memory_space<vmem>>
          %gather3A_943 = tpu.vector_load_idx %gather3A_942[%add3A_14, %broadcast_in_dim3A_922] : memref<64x512xf32, #tpu.memory_space<vmem>>[vector<16xi32>, vector<16xi32>], vector<16xf32>,
          %swap3A_944 = arith.index_cast %while3A_173 : i32 to index
          %swap3A_945 = arith.constant 928 : index
          %swap3A_946 = tpu.vector_load %arg10[%swap3A_944, %swap3A_945] {strides = array<i32>} : memref<2x1024xf32, #tpu.memory_space<vmem>>, vector<16xf32>,
          tpu.vector_store %arg10[%swap3A_944, %swap3A_945], %gather3A_943 {strides = array<i32>} : memref<2x1024xf32, #tpu.memory_space<vmem>>, vector<16xf32>,
          %gather3A_947 = arith.constant 0 : i32
          %gather3A_948 = arith.constant 0 : i32
          %gather3A_949 = tpu.memref_slice %arg9[%sub3A_198, %gather3A_947, %gather3A_948] : memref<2x64x512xf32, #tpu.memory_space<vmem>> -> memref<1x64x512xf32, #tpu.memory_space<vmem>>
          %gather3A_950 = tpu.memref_squeeze %gather3A_949 : memref<1x64x512xf32, #tpu.memory_space<vmem>> -> memref<64x512xf32, #tpu.memory_space<vmem>>
          %gather3A_951 = tpu.vector_load_idx %gather3A_950[%add3A_18, %broadcast_in_dim3A_922] : memref<64x512xf32, #tpu.memory_space<vmem>>[vector<16xi32>, vector<16xi32>], vector<16xf32>,
          %swap3A_952 = arith.index_cast %while3A_173 : i32 to index
          %swap3A_953 = arith.constant 944 : index
          %swap3A_954 = tpu.vector_load %arg10[%swap3A_952, %swap3A_953] {strides = array<i32>} : memref<2x1024xf32, #tpu.memory_space<vmem>>, vector<16xf32>,
          tpu.vector_store %arg10[%swap3A_952, %swap3A_953], %gather3A_951 {strides = array<i32>} : memref<2x1024xf32, #tpu.memory_space<vmem>>, vector<16xf32>,
          %slice3A_955 = vector.extract_strided_slice %select_n3A_216 {offsets = [14], sizes = [1], strides = [1]} : vector<16xi32> to vector<1xi32>
          %squeeze3A_956 = vector.extract %slice3A_955[0] : i32 from vector<1xi32>
          %mul3A_957 = arith.constant 64 : i32
          %mul3A_958 = arith.muli %squeeze3A_956, %mul3A_957 : i32
          %multiple_of3A_959 = tpu.assume_multiple %mul3A_958, 64 : i32
          %dma_start3A_960 = arith.constant 896 : i32
          %dma_start3A_961 = tpu.memref_slice %arg10[%while3A_173, %dma_start3A_960] : memref<2x1024xf32, #tpu.memory_space<vmem>> -> memref<1x64xf32, #tpu.memory_space<vmem>>
          %dma_start3A_962 = tpu.memref_squeeze %dma_start3A_961 : memref<1x64xf32, #tpu.memory_space<vmem>> -> memref<64xf32, #tpu.memory_space<vmem>>
          %dma_start3A_963 = tpu.memref_slice %arg6[%multiple_of3A_959] : memref<1050624xf32, #tpu.memory_space<hbm>> -> memref<64xf32, #tpu.memory_space<hbm>>
          %dma_start3A_964 = tpu.memref_slice %arg6[%multiple_of3A_959] : memref<1050624xf32, #tpu.memory_space<hbm>> -> memref<64xf32, #tpu.memory_space<hbm>>
          %dma_start3A_965 = arith.constant 896 : i32
          %dma_start3A_966 = tpu.memref_slice %arg10[%while3A_173, %dma_start3A_965] : memref<2x1024xf32, #tpu.memory_space<vmem>> -> memref<1x64xf32, #tpu.memory_space<vmem>>
          %dma_start3A_967 = tpu.memref_squeeze %dma_start3A_966 : memref<1x64xf32, #tpu.memory_space<vmem>> -> memref<64xf32, #tpu.memory_space<vmem>>
          tpu.enqueue_dma source(%dma_start3A_967 : memref<64xf32, #tpu.memory_space<vmem>>) target(%dma_start3A_964 : memref<64xf32, #tpu.memory_space<hbm>>) target_semaphore(%arg12 : memref<!tpu.dma_semaphore, #tpu.memory_space<semaphore_mem>>)
          %slice3A_968 = vector.extract_strided_slice %min3A_251 {offsets = [15], sizes = [1], strides = [1]} : vector<16xi32> to vector<1xi32>
          %squeeze3A_969 = vector.extract %slice3A_968[0] : i32 from vector<1xi32>
          %broadcast_in_dim3A_970 = vector.broadcast %squeeze3A_969 : i32 to vector<16xi32>
          %gather3A_971 = arith.constant 0 : i32
          %gather3A_972 = arith.constant 0 : i32
          %gather3A_973 = tpu.memref_slice %arg9[%sub3A_198, %gather3A_971, %gather3A_972] : memref<2x64x512xf32, #tpu.memory_space<vmem>> -> memref<1x64x512xf32, #tpu.memory_space<vmem>>
          %gather3A_974 = tpu.memref_squeeze %gather3A_973 : memref<1x64x512xf32, #tpu.memory_space<vmem>> -> memref<64x512xf32, #tpu.memory_space<vmem>>
          %gather3A_975 = tpu.vector_load_idx %gather3A_974[%add3A_6, %broadcast_in_dim3A_970] : memref<64x512xf32, #tpu.memory_space<vmem>>[vector<16xi32>, vector<16xi32>], vector<16xf32>,
          %swap3A_976 = arith.index_cast %while3A_173 : i32 to index
          %swap3A_977 = arith.constant 960 : index
          %swap3A_978 = tpu.vector_load %arg10[%swap3A_976, %swap3A_977] {strides = array<i32>} : memref<2x1024xf32, #tpu.memory_space<vmem>>, vector<16xf32>,
          tpu.vector_store %arg10[%swap3A_976, %swap3A_977], %gather3A_975 {strides = array<i32>} : memref<2x1024xf32, #tpu.memory_space<vmem>>, vector<16xf32>,
          %gather3A_979 = arith.constant 0 : i32
          %gather3A_980 = arith.constant 0 : i32
          %gather3A_981 = tpu.memref_slice %arg9[%sub3A_198, %gather3A_979, %gather3A_980] : memref<2x64x512xf32, #tpu.memory_space<vmem>> -> memref<1x64x512xf32, #tpu.memory_space<vmem>>
          %gather3A_982 = tpu.memref_squeeze %gather3A_981 : memref<1x64x512xf32, #tpu.memory_space<vmem>> -> memref<64x512xf32, #tpu.memory_space<vmem>>
          %gather3A_983 = tpu.vector_load_idx %gather3A_982[%add3A_10, %broadcast_in_dim3A_970] : memref<64x512xf32, #tpu.memory_space<vmem>>[vector<16xi32>, vector<16xi32>], vector<16xf32>,
          %swap3A_984 = arith.index_cast %while3A_173 : i32 to index
          %swap3A_985 = arith.constant 976 : index
          %swap3A_986 = tpu.vector_load %arg10[%swap3A_984, %swap3A_985] {strides = array<i32>} : memref<2x1024xf32, #tpu.memory_space<vmem>>, vector<16xf32>,
          tpu.vector_store %arg10[%swap3A_984, %swap3A_985], %gather3A_983 {strides = array<i32>} : memref<2x1024xf32, #tpu.memory_space<vmem>>, vector<16xf32>,
          %gather3A_987 = arith.constant 0 : i32
          %gather3A_988 = arith.constant 0 : i32
          %gather3A_989 = tpu.memref_slice %arg9[%sub3A_198, %gather3A_987, %gather3A_988] : memref<2x64x512xf32, #tpu.memory_space<vmem>> -> memref<1x64x512xf32, #tpu.memory_space<vmem>>
          %gather3A_990 = tpu.memref_squeeze %gather3A_989 : memref<1x64x512xf32, #tpu.memory_space<vmem>> -> memref<64x512xf32, #tpu.memory_space<vmem>>
          %gather3A_991 = tpu.vector_load_idx %gather3A_990[%add3A_14, %broadcast_in_dim3A_970] : memref<64x512xf32, #tpu.memory_space<vmem>>[vector<16xi32>, vector<16xi32>], vector<16xf32>,
          %swap3A_992 = arith.index_cast %while3A_173 : i32 to index
          %swap3A_993 = arith.constant 992 : index
          %swap3A_994 = tpu.vector_load %arg10[%swap3A_992, %swap3A_993] {strides = array<i32>} : memref<2x1024xf32, #tpu.memory_space<vmem>>, vector<16xf32>,
          tpu.vector_store %arg10[%swap3A_992, %swap3A_993], %gather3A_991 {strides = array<i32>} : memref<2x1024xf32, #tpu.memory_space<vmem>>, vector<16xf32>,
          %gather3A_995 = arith.constant 0 : i32
          %gather3A_996 = arith.constant 0 : i32
          %gather3A_997 = tpu.memref_slice %arg9[%sub3A_198, %gather3A_995, %gather3A_996] : memref<2x64x512xf32, #tpu.memory_space<vmem>> -> memref<1x64x512xf32, #tpu.memory_space<vmem>>
          %gather3A_998 = tpu.memref_squeeze %gather3A_997 : memref<1x64x512xf32, #tpu.memory_space<vmem>> -> memref<64x512xf32, #tpu.memory_space<vmem>>
          %gather3A_999 = tpu.vector_load_idx %gather3A_998[%add3A_18, %broadcast_in_dim3A_970] : memref<64x512xf32, #tpu.memory_space<vmem>>[vector<16xi32>, vector<16xi32>], vector<16xf32>,
          %swap3A_1000 = arith.index_cast %while3A_173 : i32 to index
          %swap3A_1001 = arith.constant 1008 : index
          %swap3A_1002 = tpu.vector_load %arg10[%swap3A_1000, %swap3A_1001] {strides = array<i32>} : memref<2x1024xf32, #tpu.memory_space<vmem>>, vector<16xf32>,
          tpu.vector_store %arg10[%swap3A_1000, %swap3A_1001], %gather3A_999 {strides = array<i32>} : memref<2x1024xf32, #tpu.memory_space<vmem>>, vector<16xf32>,
          %slice3A_1003 = vector.extract_strided_slice %select_n3A_216 {offsets = [15], sizes = [1], strides = [1]} : vector<16xi32> to vector<1xi32>
          %squeeze3A_1004 = vector.extract %slice3A_1003[0] : i32 from vector<1xi32>
          %mul3A_1005 = arith.constant 64 : i32
          %mul3A_1006 = arith.muli %squeeze3A_1004, %mul3A_1005 : i32
          %multiple_of3A_1007 = tpu.assume_multiple %mul3A_1006, 64 : i32
          %dma_start3A_1008 = arith.constant 960 : i32
          %dma_start3A_1009 = tpu.memref_slice %arg10[%while3A_173, %dma_start3A_1008] : memref<2x1024xf32, #tpu.memory_space<vmem>> -> memref<1x64xf32, #tpu.memory_space<vmem>>
          %dma_start3A_1010 = tpu.memref_squeeze %dma_start3A_1009 : memref<1x64xf32, #tpu.memory_space<vmem>> -> memref<64xf32, #tpu.memory_space<vmem>>
          %dma_start3A_1011 = tpu.memref_slice %arg6[%multiple_of3A_1007] : memref<1050624xf32, #tpu.memory_space<hbm>> -> memref<64xf32, #tpu.memory_space<hbm>>
          %dma_start3A_1012 = tpu.memref_slice %arg6[%multiple_of3A_1007] : memref<1050624xf32, #tpu.memory_space<hbm>> -> memref<64xf32, #tpu.memory_space<hbm>>
          %dma_start3A_1013 = arith.constant 960 : i32
          %dma_start3A_1014 = tpu.memref_slice %arg10[%while3A_173, %dma_start3A_1013] : memref<2x1024xf32, #tpu.memory_space<vmem>> -> memref<1x64xf32, #tpu.memory_space<vmem>>
          %dma_start3A_1015 = tpu.memref_squeeze %dma_start3A_1014 : memref<1x64xf32, #tpu.memory_space<vmem>> -> memref<64xf32, #tpu.memory_space<vmem>>
          tpu.enqueue_dma source(%dma_start3A_1015 : memref<64xf32, #tpu.memory_space<vmem>>) target(%dma_start3A_1012 : memref<64xf32, #tpu.memory_space<hbm>>) target_semaphore(%arg12 : memref<!tpu.dma_semaphore, #tpu.memory_space<semaphore_mem>>)
        } else {
        }
        %sub3A_231 = arith.constant 1 : i32
        %sub3A_232 = arith.subi %sub3A_231, %while3A_173 : i32
        %select_n3A_233 = arith.select %reduce_or3A_227, %sub3A_232, %while3A_173 : i32
        %jit3A_234 = arith.constant 1 : i32
        %select_n3A_235 = arith.select %reduce_or3A_227, %jit3A_234, %while3A_174 : i32
        %jit3A_236 = arith.constant 1 : i32
        %jit3A_237 = arith.constant 0 : i32
        %select_n3A_238 = arith.select %lt3A_206, %jit3A_236, %jit3A_237 : i32
        scf.yield %reduce_min3A_185, %sub3A_198, %select_n3A_238, %select_n3A_233, %select_n3A_235 : i32, i32, i32, i32, i32
      }
      scf.yield %while3A_169#0, %while3A_169#1, %while3A_169#2, %while3A_169#3, %while3A_169#4 : i32, i32, i32, i32, i32
    }
    %while3A_73 = arith.constant 1 : i32
    %while3A_74:5 = scf.for %while3A_82 = %while3A_70 to %while3A_66 step %while3A_73 iter_args(%while3A_83 = %while3A_72#0, %while3A_84 = %while3A_72#1, %while3A_85 = %while3A_72#2, %while3A_86 = %while3A_72#3, %while3A_87 = %while3A_72#4) -> (i32, i32, i32, i32, i32)  : i32 {
      %mul3A_88 = arith.constant 16 : i32
      %mul3A_89 = arith.muli %while3A_82, %mul3A_88 : i32
      %get3A_90 = arith.index_cast %mul3A_89 : i32 to index
      %get3A_91 = tpu.vector_load %arg7[%get3A_90] {strides = array<i32>} : memref<16384xi32, #tpu.memory_space<vmem>>, vector<16xi32>,
      %mul3A_92 = arith.constant 16 : i32
      %mul3A_93 = arith.muli %while3A_82, %mul3A_92 : i32
      %get3A_94 = arith.index_cast %mul3A_93 : i32 to index
      %get3A_95 = tpu.vector_load %arg8[%get3A_94] {strides = array<i32>} : memref<16384xi32, #tpu.memory_space<vmem>>, vector<16xi32>,
      %mul3A_96 = arith.constant 16 : i32
      %mul3A_97 = arith.muli %while3A_82, %mul3A_96 : i32
      %iota3A_98 = tpu.iota {dimensions = array<i32: 0>} : vector<16xi32>
      %add3A_99 = vector.broadcast %mul3A_97 : i32 to vector<16xi32>
      %add3A_100 = arith.addi %add3A_99, %iota3A_98 : vector<16xi32>
      %ge3A = vector.broadcast %squeeze3A : i32 to vector<16xi32>
      %ge3A_101 = arith.cmpi sge, %add3A_100, %ge3A : vector<16xi32>
      %lt3A = vector.broadcast %squeeze3A_3 : i32 to vector<16xi32>
      %lt3A_102 = arith.cmpi slt, %add3A_100, %lt3A : vector<16xi32>
      %and3A_103 = arith.andi %ge3A_101, %lt3A_102 : vector<16xi1>
      %jit3A_104 = arith.constant 512 : i32
      %div3A_105 = vector.broadcast %jit3A_104 : i32 to vector<16xi32>
      %div3A_106 = arith.divsi %get3A_91, %div3A_105 : vector<16xi32>
      %sign3A_107 = arith.constant 0 : i32
      %sign3A_108 = vector.broadcast %sign3A_107 : i32 to vector<16xi32>
      %sign3A_109 = arith.cmpi sgt, %get3A_91, %sign3A_108 : vector<16xi32>
      %sign3A_110 = arith.extui %sign3A_109 : vector<16xi1> to vector<16xi32>
      %sign3A_111 = arith.constant 0 : i32
      %sign3A_112 = vector.broadcast %sign3A_111 : i32 to vector<16xi32>
      %sign3A_113 = arith.cmpi slt, %get3A_91, %sign3A_112 : vector<16xi32>
      %sign3A_114 = arith.extui %sign3A_113 : vector<16xi1> to vector<16xi32>
      %sign3A_115 = arith.subi %sign3A_110, %sign3A_114 : vector<16xi32>
      %sign3A_116 = arith.constant 0 : i32
      %sign3A_117 = arith.cmpi sgt, %jit3A_104, %sign3A_116 : i32
      %sign3A_118 = arith.extui %sign3A_117 : i1 to i32
      %sign3A_119 = arith.constant 0 : i32
      %sign3A_120 = arith.cmpi slt, %jit3A_104, %sign3A_119 : i32
      %sign3A_121 = arith.extui %sign3A_120 : i1 to i32
      %sign3A_122 = arith.subi %sign3A_118, %sign3A_121 : i32
      %ne3A_123 = vector.broadcast %sign3A_122 : i32 to vector<16xi32>
      %ne3A_124 = arith.cmpi ne, %sign3A_115, %ne3A_123 : vector<16xi32>
      %rem3A_125 = vector.broadcast %jit3A_104 : i32 to vector<16xi32>
      %rem3A_126 = arith.remsi %get3A_91, %rem3A_125 : vector<16xi32>
      %ne3A_127 = arith.constant 0 : i32
      %ne3A_128 = vector.broadcast %ne3A_127 : i32 to vector<16xi32>
      %ne3A_129 = arith.cmpi ne, %rem3A_126, %ne3A_128 : vector<16xi32>
      %and3A_130 = arith.andi %ne3A_124, %ne3A_129 : vector<16xi1>
      %sub3A_131 = arith.constant 1 : i32
      %sub3A_132 = vector.broadcast %sub3A_131 : i32 to vector<16xi32>
      %sub3A_133 = arith.subi %div3A_106, %sub3A_132 : vector<16xi32>
      %select_n3A_134 = arith.select %and3A_130, %sub3A_133, %div3A_106 : vector<16xi1>, vector<16xi32>
      %jit3A_135 = arith.constant -1 : i32
      %broadcast_in_dim3A = vector.broadcast %jit3A_135 : i32 to vector<16xi32>
      %select_n3A_136 = arith.select %and3A_103, %select_n3A_134, %broadcast_in_dim3A : vector<16xi1>, vector<16xi32>
      %eq3A_137 = vector.broadcast %while3A_83 : i32 to vector<16xi32>
      %eq3A_138 = arith.cmpi eq, %select_n3A_136, %eq3A_137 : vector<16xi32>
      %and3A_139 = arith.andi %and3A_103, %eq3A_138 : vector<16xi1>
      %add3A_140 = arith.constant 16384 : i32
      %add3A_141 = arith.addi %add3A_140, %add3A : i32
      %broadcast_in_dim3A_142 = vector.broadcast %add3A_141 : i32 to vector<16xi32>
      %select_n3A_143 = arith.select %and3A_139, %get3A_95, %broadcast_in_dim3A_142 : vector<16xi1>, vector<16xi32>
      %reduce_or3A = arith.constant 1.000000e+00 : f32
      %reduce_or3A_144 = arith.constant 0.000000e+00 : f32
      %reduce_or3A_145 = vector.broadcast %reduce_or3A : f32 to vector<16xf32>
      %reduce_or3A_146 = vector.broadcast %reduce_or3A_144 : f32 to vector<16xf32>
      %reduce_or3A_147 = arith.select %and3A_139, %reduce_or3A_145, %reduce_or3A_146 : vector<16xi1>, vector<16xf32>
      %reduce_or3A_148 = arith.constant true
      %reduce_or3A_149 = vector.broadcast %reduce_or3A_148 : i1 to vector<16xi1>
      %reduce_or3A_150 = tpu.scan <max>, %reduce_or3A_147 masked %reduce_or3A_149 : vector<16xf32>, vector<16xi1> -> vector<16xf32>
      %reduce_or3A_151 = vector.extract %reduce_or3A_150[15] : f32 from vector<16xf32>
      %reduce_or3A_152 = arith.constant 0.000000e+00 : f32
      %reduce_or3A_153 = arith.cmpf ogt, %reduce_or3A_151, %reduce_or3A_152 : f32
      %convert_element_type3A_154 = arith.extui %reduce_or3A_153 : i1 to i32
      %cond3A_155 = arith.constant 0 : i32
      %cond3A_156 = arith.cmpi ne, %convert_element_type3A_154, %cond3A_155 : i32
      scf.if %cond3A_156 {
        %eq3A_170 = arith.constant 1 : i32
        %eq3A_171 = arith.cmpi eq, %while3A_87, %eq3A_170 : i32
        %convert_element_type3A_172 = arith.extui %eq3A_171 : i1 to i32
        %cond3A_173 = arith.constant 0 : i32
        %cond3A_174 = arith.cmpi ne, %convert_element_type3A_172, %cond3A_173 : i32
        scf.if %cond3A_174 {
          %dma_wait3A = arith.constant 0 : i32
          %dma_wait3A_947 = arith.constant 0 : i32
          %dma_wait3A_948 = tpu.memref_slice %arg10[%dma_wait3A, %dma_wait3A_947] : memref<2x1024xf32, #tpu.memory_space<vmem>> -> memref<1x1024xf32, #tpu.memory_space<vmem>>
          %dma_wait3A_949 = tpu.memref_squeeze %dma_wait3A_948 : memref<1x1024xf32, #tpu.memory_space<vmem>> -> memref<1024xf32, #tpu.memory_space<vmem>>
          %dma_wait3A_950 = arith.constant 0 : i32
          %dma_wait3A_951 = tpu.memref_slice %arg6[%dma_wait3A_950] : memref<1050624xf32, #tpu.memory_space<hbm>> -> memref<1024xf32, #tpu.memory_space<hbm>>
          %dma_wait3A_952 = arith.constant 0 : i32
          %dma_wait3A_953 = tpu.memref_slice %arg10[%dma_wait3A, %dma_wait3A_952] : memref<2x1024xf32, #tpu.memory_space<vmem>> -> memref<1x1024xf32, #tpu.memory_space<vmem>>
          %dma_wait3A_954 = tpu.memref_squeeze %dma_wait3A_953 : memref<1x1024xf32, #tpu.memory_space<vmem>> -> memref<1024xf32, #tpu.memory_space<vmem>>
          %dma_wait3A_955 = arith.constant 0 : i32
          %dma_wait3A_956 = tpu.memref_slice %arg6[%dma_wait3A_955] : memref<1050624xf32, #tpu.memory_space<hbm>> -> memref<1024xf32, #tpu.memory_space<hbm>>
          tpu.wait_dma2 semaphore(%arg12 : memref<!tpu.dma_semaphore, #tpu.memory_space<semaphore_mem>>) src(%dma_wait3A_956 : memref<1024xf32, #tpu.memory_space<hbm>>) dst(%dma_wait3A_954 : memref<1024xf32, #tpu.memory_space<vmem>>)
        } else {
        }
        %mul3A_175 = arith.constant 512 : i32
        %mul3A_176 = arith.muli %while3A_83, %mul3A_175 : i32
        %sub3A_177 = vector.broadcast %mul3A_176 : i32 to vector<16xi32>
        %sub3A_178 = arith.subi %get3A_91, %sub3A_177 : vector<16xi32>
        %jit3A_179 = arith.constant 0 : i32
        %jit3A_180 = arith.constant 511 : i32
        %max3A = vector.broadcast %jit3A_179 : i32 to vector<16xi32>
        %max3A_181 = arith.maxsi %max3A, %sub3A_178 : vector<16xi32>
        %min3A = vector.broadcast %jit3A_180 : i32 to vector<16xi32>
        %min3A_182 = arith.minsi %min3A, %max3A_181 : vector<16xi32>
        %slice3A_183 = vector.extract_strided_slice %min3A_182 {offsets = [0], sizes = [1], strides = [1]} : vector<16xi32> to vector<1xi32>
        %squeeze3A_184 = vector.extract %slice3A_183[0] : i32 from vector<1xi32>
        %broadcast_in_dim3A_185 = vector.broadcast %squeeze3A_184 : i32 to vector<16xi32>
        %gather3A = arith.constant 0 : i32
        %gather3A_186 = arith.constant 0 : i32
        %gather3A_187 = tpu.memref_slice %arg9[%while3A_84, %gather3A, %gather3A_186] : memref<2x64x512xf32, #tpu.memory_space<vmem>> -> memref<1x64x512xf32, #tpu.memory_space<vmem>>
        %gather3A_188 = tpu.memref_squeeze %gather3A_187 : memref<1x64x512xf32, #tpu.memory_space<vmem>> -> memref<64x512xf32, #tpu.memory_space<vmem>>
        %gather3A_189 = tpu.vector_load_idx %gather3A_188[%add3A_6, %broadcast_in_dim3A_185] : memref<64x512xf32, #tpu.memory_space<vmem>>[vector<16xi32>, vector<16xi32>], vector<16xf32>,
        %swap3A = arith.index_cast %while3A_86 : i32 to index
        %swap3A_190 = arith.constant 0 : index
        %swap3A_191 = tpu.vector_load %arg10[%swap3A, %swap3A_190] {strides = array<i32>} : memref<2x1024xf32, #tpu.memory_space<vmem>>, vector<16xf32>,
        tpu.vector_store %arg10[%swap3A, %swap3A_190], %gather3A_189 {strides = array<i32>} : memref<2x1024xf32, #tpu.memory_space<vmem>>, vector<16xf32>,
        %gather3A_192 = arith.constant 0 : i32
        %gather3A_193 = arith.constant 0 : i32
        %gather3A_194 = tpu.memref_slice %arg9[%while3A_84, %gather3A_192, %gather3A_193] : memref<2x64x512xf32, #tpu.memory_space<vmem>> -> memref<1x64x512xf32, #tpu.memory_space<vmem>>
        %gather3A_195 = tpu.memref_squeeze %gather3A_194 : memref<1x64x512xf32, #tpu.memory_space<vmem>> -> memref<64x512xf32, #tpu.memory_space<vmem>>
        %gather3A_196 = tpu.vector_load_idx %gather3A_195[%add3A_10, %broadcast_in_dim3A_185] : memref<64x512xf32, #tpu.memory_space<vmem>>[vector<16xi32>, vector<16xi32>], vector<16xf32>,
        %swap3A_197 = arith.index_cast %while3A_86 : i32 to index
        %swap3A_198 = arith.constant 16 : index
        %swap3A_199 = tpu.vector_load %arg10[%swap3A_197, %swap3A_198] {strides = array<i32>} : memref<2x1024xf32, #tpu.memory_space<vmem>>, vector<16xf32>,
        tpu.vector_store %arg10[%swap3A_197, %swap3A_198], %gather3A_196 {strides = array<i32>} : memref<2x1024xf32, #tpu.memory_space<vmem>>, vector<16xf32>,
        %gather3A_200 = arith.constant 0 : i32
        %gather3A_201 = arith.constant 0 : i32
        %gather3A_202 = tpu.memref_slice %arg9[%while3A_84, %gather3A_200, %gather3A_201] : memref<2x64x512xf32, #tpu.memory_space<vmem>> -> memref<1x64x512xf32, #tpu.memory_space<vmem>>
        %gather3A_203 = tpu.memref_squeeze %gather3A_202 : memref<1x64x512xf32, #tpu.memory_space<vmem>> -> memref<64x512xf32, #tpu.memory_space<vmem>>
        %gather3A_204 = tpu.vector_load_idx %gather3A_203[%add3A_14, %broadcast_in_dim3A_185] : memref<64x512xf32, #tpu.memory_space<vmem>>[vector<16xi32>, vector<16xi32>], vector<16xf32>,
        %swap3A_205 = arith.index_cast %while3A_86 : i32 to index
        %swap3A_206 = arith.constant 32 : index
        %swap3A_207 = tpu.vector_load %arg10[%swap3A_205, %swap3A_206] {strides = array<i32>} : memref<2x1024xf32, #tpu.memory_space<vmem>>, vector<16xf32>,
        tpu.vector_store %arg10[%swap3A_205, %swap3A_206], %gather3A_204 {strides = array<i32>} : memref<2x1024xf32, #tpu.memory_space<vmem>>, vector<16xf32>,
        %gather3A_208 = arith.constant 0 : i32
        %gather3A_209 = arith.constant 0 : i32
        %gather3A_210 = tpu.memref_slice %arg9[%while3A_84, %gather3A_208, %gather3A_209] : memref<2x64x512xf32, #tpu.memory_space<vmem>> -> memref<1x64x512xf32, #tpu.memory_space<vmem>>
        %gather3A_211 = tpu.memref_squeeze %gather3A_210 : memref<1x64x512xf32, #tpu.memory_space<vmem>> -> memref<64x512xf32, #tpu.memory_space<vmem>>
        %gather3A_212 = tpu.vector_load_idx %gather3A_211[%add3A_18, %broadcast_in_dim3A_185] : memref<64x512xf32, #tpu.memory_space<vmem>>[vector<16xi32>, vector<16xi32>], vector<16xf32>,
        %swap3A_213 = arith.index_cast %while3A_86 : i32 to index
        %swap3A_214 = arith.constant 48 : index
        %swap3A_215 = tpu.vector_load %arg10[%swap3A_213, %swap3A_214] {strides = array<i32>} : memref<2x1024xf32, #tpu.memory_space<vmem>>, vector<16xf32>,
        tpu.vector_store %arg10[%swap3A_213, %swap3A_214], %gather3A_212 {strides = array<i32>} : memref<2x1024xf32, #tpu.memory_space<vmem>>, vector<16xf32>,
        %slice3A_216 = vector.extract_strided_slice %select_n3A_143 {offsets = [0], sizes = [1], strides = [1]} : vector<16xi32> to vector<1xi32>
        %squeeze3A_217 = vector.extract %slice3A_216[0] : i32 from vector<1xi32>
        %mul3A_218 = arith.constant 64 : i32
        %mul3A_219 = arith.muli %squeeze3A_217, %mul3A_218 : i32
        %multiple_of3A = tpu.assume_multiple %mul3A_219, 64 : i32
        %dma_start3A = arith.constant 0 : i32
        %dma_start3A_220 = tpu.memref_slice %arg10[%while3A_86, %dma_start3A] : memref<2x1024xf32, #tpu.memory_space<vmem>> -> memref<1x64xf32, #tpu.memory_space<vmem>>
        %dma_start3A_221 = tpu.memref_squeeze %dma_start3A_220 : memref<1x64xf32, #tpu.memory_space<vmem>> -> memref<64xf32, #tpu.memory_space<vmem>>
        %dma_start3A_222 = tpu.memref_slice %arg6[%multiple_of3A] : memref<1050624xf32, #tpu.memory_space<hbm>> -> memref<64xf32, #tpu.memory_space<hbm>>
        %dma_start3A_223 = tpu.memref_slice %arg6[%multiple_of3A] : memref<1050624xf32, #tpu.memory_space<hbm>> -> memref<64xf32, #tpu.memory_space<hbm>>
        %dma_start3A_224 = arith.constant 0 : i32
        %dma_start3A_225 = tpu.memref_slice %arg10[%while3A_86, %dma_start3A_224] : memref<2x1024xf32, #tpu.memory_space<vmem>> -> memref<1x64xf32, #tpu.memory_space<vmem>>
        %dma_start3A_226 = tpu.memref_squeeze %dma_start3A_225 : memref<1x64xf32, #tpu.memory_space<vmem>> -> memref<64xf32, #tpu.memory_space<vmem>>
        tpu.enqueue_dma source(%dma_start3A_226 : memref<64xf32, #tpu.memory_space<vmem>>) target(%dma_start3A_223 : memref<64xf32, #tpu.memory_space<hbm>>) target_semaphore(%arg12 : memref<!tpu.dma_semaphore, #tpu.memory_space<semaphore_mem>>)
        %slice3A_227 = vector.extract_strided_slice %min3A_182 {offsets = [1], sizes = [1], strides = [1]} : vector<16xi32> to vector<1xi32>
        %squeeze3A_228 = vector.extract %slice3A_227[0] : i32 from vector<1xi32>
        %broadcast_in_dim3A_229 = vector.broadcast %squeeze3A_228 : i32 to vector<16xi32>
        %gather3A_230 = arith.constant 0 : i32
        %gather3A_231 = arith.constant 0 : i32
        %gather3A_232 = tpu.memref_slice %arg9[%while3A_84, %gather3A_230, %gather3A_231] : memref<2x64x512xf32, #tpu.memory_space<vmem>> -> memref<1x64x512xf32, #tpu.memory_space<vmem>>
        %gather3A_233 = tpu.memref_squeeze %gather3A_232 : memref<1x64x512xf32, #tpu.memory_space<vmem>> -> memref<64x512xf32, #tpu.memory_space<vmem>>
        %gather3A_234 = tpu.vector_load_idx %gather3A_233[%add3A_6, %broadcast_in_dim3A_229] : memref<64x512xf32, #tpu.memory_space<vmem>>[vector<16xi32>, vector<16xi32>], vector<16xf32>,
        %swap3A_235 = arith.index_cast %while3A_86 : i32 to index
        %swap3A_236 = arith.constant 64 : index
        %swap3A_237 = tpu.vector_load %arg10[%swap3A_235, %swap3A_236] {strides = array<i32>} : memref<2x1024xf32, #tpu.memory_space<vmem>>, vector<16xf32>,
        tpu.vector_store %arg10[%swap3A_235, %swap3A_236], %gather3A_234 {strides = array<i32>} : memref<2x1024xf32, #tpu.memory_space<vmem>>, vector<16xf32>,
        %gather3A_238 = arith.constant 0 : i32
        %gather3A_239 = arith.constant 0 : i32
        %gather3A_240 = tpu.memref_slice %arg9[%while3A_84, %gather3A_238, %gather3A_239] : memref<2x64x512xf32, #tpu.memory_space<vmem>> -> memref<1x64x512xf32, #tpu.memory_space<vmem>>
        %gather3A_241 = tpu.memref_squeeze %gather3A_240 : memref<1x64x512xf32, #tpu.memory_space<vmem>> -> memref<64x512xf32, #tpu.memory_space<vmem>>
        %gather3A_242 = tpu.vector_load_idx %gather3A_241[%add3A_10, %broadcast_in_dim3A_229] : memref<64x512xf32, #tpu.memory_space<vmem>>[vector<16xi32>, vector<16xi32>], vector<16xf32>,
        %swap3A_243 = arith.index_cast %while3A_86 : i32 to index
        %swap3A_244 = arith.constant 80 : index
        %swap3A_245 = tpu.vector_load %arg10[%swap3A_243, %swap3A_244] {strides = array<i32>} : memref<2x1024xf32, #tpu.memory_space<vmem>>, vector<16xf32>,
        tpu.vector_store %arg10[%swap3A_243, %swap3A_244], %gather3A_242 {strides = array<i32>} : memref<2x1024xf32, #tpu.memory_space<vmem>>, vector<16xf32>,
        %gather3A_246 = arith.constant 0 : i32
        %gather3A_247 = arith.constant 0 : i32
        %gather3A_248 = tpu.memref_slice %arg9[%while3A_84, %gather3A_246, %gather3A_247] : memref<2x64x512xf32, #tpu.memory_space<vmem>> -> memref<1x64x512xf32, #tpu.memory_space<vmem>>
        %gather3A_249 = tpu.memref_squeeze %gather3A_248 : memref<1x64x512xf32, #tpu.memory_space<vmem>> -> memref<64x512xf32, #tpu.memory_space<vmem>>
        %gather3A_250 = tpu.vector_load_idx %gather3A_249[%add3A_14, %broadcast_in_dim3A_229] : memref<64x512xf32, #tpu.memory_space<vmem>>[vector<16xi32>, vector<16xi32>], vector<16xf32>,
        %swap3A_251 = arith.index_cast %while3A_86 : i32 to index
        %swap3A_252 = arith.constant 96 : index
        %swap3A_253 = tpu.vector_load %arg10[%swap3A_251, %swap3A_252] {strides = array<i32>} : memref<2x1024xf32, #tpu.memory_space<vmem>>, vector<16xf32>,
        tpu.vector_store %arg10[%swap3A_251, %swap3A_252], %gather3A_250 {strides = array<i32>} : memref<2x1024xf32, #tpu.memory_space<vmem>>, vector<16xf32>,
        %gather3A_254 = arith.constant 0 : i32
        %gather3A_255 = arith.constant 0 : i32
        %gather3A_256 = tpu.memref_slice %arg9[%while3A_84, %gather3A_254, %gather3A_255] : memref<2x64x512xf32, #tpu.memory_space<vmem>> -> memref<1x64x512xf32, #tpu.memory_space<vmem>>
        %gather3A_257 = tpu.memref_squeeze %gather3A_256 : memref<1x64x512xf32, #tpu.memory_space<vmem>> -> memref<64x512xf32, #tpu.memory_space<vmem>>
        %gather3A_258 = tpu.vector_load_idx %gather3A_257[%add3A_18, %broadcast_in_dim3A_229] : memref<64x512xf32, #tpu.memory_space<vmem>>[vector<16xi32>, vector<16xi32>], vector<16xf32>,
        %swap3A_259 = arith.index_cast %while3A_86 : i32 to index
        %swap3A_260 = arith.constant 112 : index
        %swap3A_261 = tpu.vector_load %arg10[%swap3A_259, %swap3A_260] {strides = array<i32>} : memref<2x1024xf32, #tpu.memory_space<vmem>>, vector<16xf32>,
        tpu.vector_store %arg10[%swap3A_259, %swap3A_260], %gather3A_258 {strides = array<i32>} : memref<2x1024xf32, #tpu.memory_space<vmem>>, vector<16xf32>,
        %slice3A_262 = vector.extract_strided_slice %select_n3A_143 {offsets = [1], sizes = [1], strides = [1]} : vector<16xi32> to vector<1xi32>
        %squeeze3A_263 = vector.extract %slice3A_262[0] : i32 from vector<1xi32>
        %mul3A_264 = arith.constant 64 : i32
        %mul3A_265 = arith.muli %squeeze3A_263, %mul3A_264 : i32
        %multiple_of3A_266 = tpu.assume_multiple %mul3A_265, 64 : i32
        %dma_start3A_267 = arith.constant 64 : i32
        %dma_start3A_268 = tpu.memref_slice %arg10[%while3A_86, %dma_start3A_267] : memref<2x1024xf32, #tpu.memory_space<vmem>> -> memref<1x64xf32, #tpu.memory_space<vmem>>
        %dma_start3A_269 = tpu.memref_squeeze %dma_start3A_268 : memref<1x64xf32, #tpu.memory_space<vmem>> -> memref<64xf32, #tpu.memory_space<vmem>>
        %dma_start3A_270 = tpu.memref_slice %arg6[%multiple_of3A_266] : memref<1050624xf32, #tpu.memory_space<hbm>> -> memref<64xf32, #tpu.memory_space<hbm>>
        %dma_start3A_271 = tpu.memref_slice %arg6[%multiple_of3A_266] : memref<1050624xf32, #tpu.memory_space<hbm>> -> memref<64xf32, #tpu.memory_space<hbm>>
        %dma_start3A_272 = arith.constant 64 : i32
        %dma_start3A_273 = tpu.memref_slice %arg10[%while3A_86, %dma_start3A_272] : memref<2x1024xf32, #tpu.memory_space<vmem>> -> memref<1x64xf32, #tpu.memory_space<vmem>>
        %dma_start3A_274 = tpu.memref_squeeze %dma_start3A_273 : memref<1x64xf32, #tpu.memory_space<vmem>> -> memref<64xf32, #tpu.memory_space<vmem>>
        tpu.enqueue_dma source(%dma_start3A_274 : memref<64xf32, #tpu.memory_space<vmem>>) target(%dma_start3A_271 : memref<64xf32, #tpu.memory_space<hbm>>) target_semaphore(%arg12 : memref<!tpu.dma_semaphore, #tpu.memory_space<semaphore_mem>>)
        %slice3A_275 = vector.extract_strided_slice %min3A_182 {offsets = [2], sizes = [1], strides = [1]} : vector<16xi32> to vector<1xi32>
        %squeeze3A_276 = vector.extract %slice3A_275[0] : i32 from vector<1xi32>
        %broadcast_in_dim3A_277 = vector.broadcast %squeeze3A_276 : i32 to vector<16xi32>
        %gather3A_278 = arith.constant 0 : i32
        %gather3A_279 = arith.constant 0 : i32
        %gather3A_280 = tpu.memref_slice %arg9[%while3A_84, %gather3A_278, %gather3A_279] : memref<2x64x512xf32, #tpu.memory_space<vmem>> -> memref<1x64x512xf32, #tpu.memory_space<vmem>>
        %gather3A_281 = tpu.memref_squeeze %gather3A_280 : memref<1x64x512xf32, #tpu.memory_space<vmem>> -> memref<64x512xf32, #tpu.memory_space<vmem>>
        %gather3A_282 = tpu.vector_load_idx %gather3A_281[%add3A_6, %broadcast_in_dim3A_277] : memref<64x512xf32, #tpu.memory_space<vmem>>[vector<16xi32>, vector<16xi32>], vector<16xf32>,
        %swap3A_283 = arith.index_cast %while3A_86 : i32 to index
        %swap3A_284 = arith.constant 128 : index
        %swap3A_285 = tpu.vector_load %arg10[%swap3A_283, %swap3A_284] {strides = array<i32>} : memref<2x1024xf32, #tpu.memory_space<vmem>>, vector<16xf32>,
        tpu.vector_store %arg10[%swap3A_283, %swap3A_284], %gather3A_282 {strides = array<i32>} : memref<2x1024xf32, #tpu.memory_space<vmem>>, vector<16xf32>,
        %gather3A_286 = arith.constant 0 : i32
        %gather3A_287 = arith.constant 0 : i32
        %gather3A_288 = tpu.memref_slice %arg9[%while3A_84, %gather3A_286, %gather3A_287] : memref<2x64x512xf32, #tpu.memory_space<vmem>> -> memref<1x64x512xf32, #tpu.memory_space<vmem>>
        %gather3A_289 = tpu.memref_squeeze %gather3A_288 : memref<1x64x512xf32, #tpu.memory_space<vmem>> -> memref<64x512xf32, #tpu.memory_space<vmem>>
        %gather3A_290 = tpu.vector_load_idx %gather3A_289[%add3A_10, %broadcast_in_dim3A_277] : memref<64x512xf32, #tpu.memory_space<vmem>>[vector<16xi32>, vector<16xi32>], vector<16xf32>,
        %swap3A_291 = arith.index_cast %while3A_86 : i32 to index
        %swap3A_292 = arith.constant 144 : index
        %swap3A_293 = tpu.vector_load %arg10[%swap3A_291, %swap3A_292] {strides = array<i32>} : memref<2x1024xf32, #tpu.memory_space<vmem>>, vector<16xf32>,
        tpu.vector_store %arg10[%swap3A_291, %swap3A_292], %gather3A_290 {strides = array<i32>} : memref<2x1024xf32, #tpu.memory_space<vmem>>, vector<16xf32>,
        %gather3A_294 = arith.constant 0 : i32
        %gather3A_295 = arith.constant 0 : i32
        %gather3A_296 = tpu.memref_slice %arg9[%while3A_84, %gather3A_294, %gather3A_295] : memref<2x64x512xf32, #tpu.memory_space<vmem>> -> memref<1x64x512xf32, #tpu.memory_space<vmem>>
        %gather3A_297 = tpu.memref_squeeze %gather3A_296 : memref<1x64x512xf32, #tpu.memory_space<vmem>> -> memref<64x512xf32, #tpu.memory_space<vmem>>
        %gather3A_298 = tpu.vector_load_idx %gather3A_297[%add3A_14, %broadcast_in_dim3A_277] : memref<64x512xf32, #tpu.memory_space<vmem>>[vector<16xi32>, vector<16xi32>], vector<16xf32>,
        %swap3A_299 = arith.index_cast %while3A_86 : i32 to index
        %swap3A_300 = arith.constant 160 : index
        %swap3A_301 = tpu.vector_load %arg10[%swap3A_299, %swap3A_300] {strides = array<i32>} : memref<2x1024xf32, #tpu.memory_space<vmem>>, vector<16xf32>,
        tpu.vector_store %arg10[%swap3A_299, %swap3A_300], %gather3A_298 {strides = array<i32>} : memref<2x1024xf32, #tpu.memory_space<vmem>>, vector<16xf32>,
        %gather3A_302 = arith.constant 0 : i32
        %gather3A_303 = arith.constant 0 : i32
        %gather3A_304 = tpu.memref_slice %arg9[%while3A_84, %gather3A_302, %gather3A_303] : memref<2x64x512xf32, #tpu.memory_space<vmem>> -> memref<1x64x512xf32, #tpu.memory_space<vmem>>
        %gather3A_305 = tpu.memref_squeeze %gather3A_304 : memref<1x64x512xf32, #tpu.memory_space<vmem>> -> memref<64x512xf32, #tpu.memory_space<vmem>>
        %gather3A_306 = tpu.vector_load_idx %gather3A_305[%add3A_18, %broadcast_in_dim3A_277] : memref<64x512xf32, #tpu.memory_space<vmem>>[vector<16xi32>, vector<16xi32>], vector<16xf32>,
        %swap3A_307 = arith.index_cast %while3A_86 : i32 to index
        %swap3A_308 = arith.constant 176 : index
        %swap3A_309 = tpu.vector_load %arg10[%swap3A_307, %swap3A_308] {strides = array<i32>} : memref<2x1024xf32, #tpu.memory_space<vmem>>, vector<16xf32>,
        tpu.vector_store %arg10[%swap3A_307, %swap3A_308], %gather3A_306 {strides = array<i32>} : memref<2x1024xf32, #tpu.memory_space<vmem>>, vector<16xf32>,
        %slice3A_310 = vector.extract_strided_slice %select_n3A_143 {offsets = [2], sizes = [1], strides = [1]} : vector<16xi32> to vector<1xi32>
        %squeeze3A_311 = vector.extract %slice3A_310[0] : i32 from vector<1xi32>
        %mul3A_312 = arith.constant 64 : i32
        %mul3A_313 = arith.muli %squeeze3A_311, %mul3A_312 : i32
        %multiple_of3A_314 = tpu.assume_multiple %mul3A_313, 64 : i32
        %dma_start3A_315 = arith.constant 128 : i32
        %dma_start3A_316 = tpu.memref_slice %arg10[%while3A_86, %dma_start3A_315] : memref<2x1024xf32, #tpu.memory_space<vmem>> -> memref<1x64xf32, #tpu.memory_space<vmem>>
        %dma_start3A_317 = tpu.memref_squeeze %dma_start3A_316 : memref<1x64xf32, #tpu.memory_space<vmem>> -> memref<64xf32, #tpu.memory_space<vmem>>
        %dma_start3A_318 = tpu.memref_slice %arg6[%multiple_of3A_314] : memref<1050624xf32, #tpu.memory_space<hbm>> -> memref<64xf32, #tpu.memory_space<hbm>>
        %dma_start3A_319 = tpu.memref_slice %arg6[%multiple_of3A_314] : memref<1050624xf32, #tpu.memory_space<hbm>> -> memref<64xf32, #tpu.memory_space<hbm>>
        %dma_start3A_320 = arith.constant 128 : i32
        %dma_start3A_321 = tpu.memref_slice %arg10[%while3A_86, %dma_start3A_320] : memref<2x1024xf32, #tpu.memory_space<vmem>> -> memref<1x64xf32, #tpu.memory_space<vmem>>
        %dma_start3A_322 = tpu.memref_squeeze %dma_start3A_321 : memref<1x64xf32, #tpu.memory_space<vmem>> -> memref<64xf32, #tpu.memory_space<vmem>>
        tpu.enqueue_dma source(%dma_start3A_322 : memref<64xf32, #tpu.memory_space<vmem>>) target(%dma_start3A_319 : memref<64xf32, #tpu.memory_space<hbm>>) target_semaphore(%arg12 : memref<!tpu.dma_semaphore, #tpu.memory_space<semaphore_mem>>)
        %slice3A_323 = vector.extract_strided_slice %min3A_182 {offsets = [3], sizes = [1], strides = [1]} : vector<16xi32> to vector<1xi32>
        %squeeze3A_324 = vector.extract %slice3A_323[0] : i32 from vector<1xi32>
        %broadcast_in_dim3A_325 = vector.broadcast %squeeze3A_324 : i32 to vector<16xi32>
        %gather3A_326 = arith.constant 0 : i32
        %gather3A_327 = arith.constant 0 : i32
        %gather3A_328 = tpu.memref_slice %arg9[%while3A_84, %gather3A_326, %gather3A_327] : memref<2x64x512xf32, #tpu.memory_space<vmem>> -> memref<1x64x512xf32, #tpu.memory_space<vmem>>
        %gather3A_329 = tpu.memref_squeeze %gather3A_328 : memref<1x64x512xf32, #tpu.memory_space<vmem>> -> memref<64x512xf32, #tpu.memory_space<vmem>>
        %gather3A_330 = tpu.vector_load_idx %gather3A_329[%add3A_6, %broadcast_in_dim3A_325] : memref<64x512xf32, #tpu.memory_space<vmem>>[vector<16xi32>, vector<16xi32>], vector<16xf32>,
        %swap3A_331 = arith.index_cast %while3A_86 : i32 to index
        %swap3A_332 = arith.constant 192 : index
        %swap3A_333 = tpu.vector_load %arg10[%swap3A_331, %swap3A_332] {strides = array<i32>} : memref<2x1024xf32, #tpu.memory_space<vmem>>, vector<16xf32>,
        tpu.vector_store %arg10[%swap3A_331, %swap3A_332], %gather3A_330 {strides = array<i32>} : memref<2x1024xf32, #tpu.memory_space<vmem>>, vector<16xf32>,
        %gather3A_334 = arith.constant 0 : i32
        %gather3A_335 = arith.constant 0 : i32
        %gather3A_336 = tpu.memref_slice %arg9[%while3A_84, %gather3A_334, %gather3A_335] : memref<2x64x512xf32, #tpu.memory_space<vmem>> -> memref<1x64x512xf32, #tpu.memory_space<vmem>>
        %gather3A_337 = tpu.memref_squeeze %gather3A_336 : memref<1x64x512xf32, #tpu.memory_space<vmem>> -> memref<64x512xf32, #tpu.memory_space<vmem>>
        %gather3A_338 = tpu.vector_load_idx %gather3A_337[%add3A_10, %broadcast_in_dim3A_325] : memref<64x512xf32, #tpu.memory_space<vmem>>[vector<16xi32>, vector<16xi32>], vector<16xf32>,
        %swap3A_339 = arith.index_cast %while3A_86 : i32 to index
        %swap3A_340 = arith.constant 208 : index
        %swap3A_341 = tpu.vector_load %arg10[%swap3A_339, %swap3A_340] {strides = array<i32>} : memref<2x1024xf32, #tpu.memory_space<vmem>>, vector<16xf32>,
        tpu.vector_store %arg10[%swap3A_339, %swap3A_340], %gather3A_338 {strides = array<i32>} : memref<2x1024xf32, #tpu.memory_space<vmem>>, vector<16xf32>,
        %gather3A_342 = arith.constant 0 : i32
        %gather3A_343 = arith.constant 0 : i32
        %gather3A_344 = tpu.memref_slice %arg9[%while3A_84, %gather3A_342, %gather3A_343] : memref<2x64x512xf32, #tpu.memory_space<vmem>> -> memref<1x64x512xf32, #tpu.memory_space<vmem>>
        %gather3A_345 = tpu.memref_squeeze %gather3A_344 : memref<1x64x512xf32, #tpu.memory_space<vmem>> -> memref<64x512xf32, #tpu.memory_space<vmem>>
        %gather3A_346 = tpu.vector_load_idx %gather3A_345[%add3A_14, %broadcast_in_dim3A_325] : memref<64x512xf32, #tpu.memory_space<vmem>>[vector<16xi32>, vector<16xi32>], vector<16xf32>,
        %swap3A_347 = arith.index_cast %while3A_86 : i32 to index
        %swap3A_348 = arith.constant 224 : index
        %swap3A_349 = tpu.vector_load %arg10[%swap3A_347, %swap3A_348] {strides = array<i32>} : memref<2x1024xf32, #tpu.memory_space<vmem>>, vector<16xf32>,
        tpu.vector_store %arg10[%swap3A_347, %swap3A_348], %gather3A_346 {strides = array<i32>} : memref<2x1024xf32, #tpu.memory_space<vmem>>, vector<16xf32>,
        %gather3A_350 = arith.constant 0 : i32
        %gather3A_351 = arith.constant 0 : i32
        %gather3A_352 = tpu.memref_slice %arg9[%while3A_84, %gather3A_350, %gather3A_351] : memref<2x64x512xf32, #tpu.memory_space<vmem>> -> memref<1x64x512xf32, #tpu.memory_space<vmem>>
        %gather3A_353 = tpu.memref_squeeze %gather3A_352 : memref<1x64x512xf32, #tpu.memory_space<vmem>> -> memref<64x512xf32, #tpu.memory_space<vmem>>
        %gather3A_354 = tpu.vector_load_idx %gather3A_353[%add3A_18, %broadcast_in_dim3A_325] : memref<64x512xf32, #tpu.memory_space<vmem>>[vector<16xi32>, vector<16xi32>], vector<16xf32>,
        %swap3A_355 = arith.index_cast %while3A_86 : i32 to index
        %swap3A_356 = arith.constant 240 : index
        %swap3A_357 = tpu.vector_load %arg10[%swap3A_355, %swap3A_356] {strides = array<i32>} : memref<2x1024xf32, #tpu.memory_space<vmem>>, vector<16xf32>,
        tpu.vector_store %arg10[%swap3A_355, %swap3A_356], %gather3A_354 {strides = array<i32>} : memref<2x1024xf32, #tpu.memory_space<vmem>>, vector<16xf32>,
        %slice3A_358 = vector.extract_strided_slice %select_n3A_143 {offsets = [3], sizes = [1], strides = [1]} : vector<16xi32> to vector<1xi32>
        %squeeze3A_359 = vector.extract %slice3A_358[0] : i32 from vector<1xi32>
        %mul3A_360 = arith.constant 64 : i32
        %mul3A_361 = arith.muli %squeeze3A_359, %mul3A_360 : i32
        %multiple_of3A_362 = tpu.assume_multiple %mul3A_361, 64 : i32
        %dma_start3A_363 = arith.constant 192 : i32
        %dma_start3A_364 = tpu.memref_slice %arg10[%while3A_86, %dma_start3A_363] : memref<2x1024xf32, #tpu.memory_space<vmem>> -> memref<1x64xf32, #tpu.memory_space<vmem>>
        %dma_start3A_365 = tpu.memref_squeeze %dma_start3A_364 : memref<1x64xf32, #tpu.memory_space<vmem>> -> memref<64xf32, #tpu.memory_space<vmem>>
        %dma_start3A_366 = tpu.memref_slice %arg6[%multiple_of3A_362] : memref<1050624xf32, #tpu.memory_space<hbm>> -> memref<64xf32, #tpu.memory_space<hbm>>
        %dma_start3A_367 = tpu.memref_slice %arg6[%multiple_of3A_362] : memref<1050624xf32, #tpu.memory_space<hbm>> -> memref<64xf32, #tpu.memory_space<hbm>>
        %dma_start3A_368 = arith.constant 192 : i32
        %dma_start3A_369 = tpu.memref_slice %arg10[%while3A_86, %dma_start3A_368] : memref<2x1024xf32, #tpu.memory_space<vmem>> -> memref<1x64xf32, #tpu.memory_space<vmem>>
        %dma_start3A_370 = tpu.memref_squeeze %dma_start3A_369 : memref<1x64xf32, #tpu.memory_space<vmem>> -> memref<64xf32, #tpu.memory_space<vmem>>
        tpu.enqueue_dma source(%dma_start3A_370 : memref<64xf32, #tpu.memory_space<vmem>>) target(%dma_start3A_367 : memref<64xf32, #tpu.memory_space<hbm>>) target_semaphore(%arg12 : memref<!tpu.dma_semaphore, #tpu.memory_space<semaphore_mem>>)
        %slice3A_371 = vector.extract_strided_slice %min3A_182 {offsets = [4], sizes = [1], strides = [1]} : vector<16xi32> to vector<1xi32>
        %squeeze3A_372 = vector.extract %slice3A_371[0] : i32 from vector<1xi32>
        %broadcast_in_dim3A_373 = vector.broadcast %squeeze3A_372 : i32 to vector<16xi32>
        %gather3A_374 = arith.constant 0 : i32
        %gather3A_375 = arith.constant 0 : i32
        %gather3A_376 = tpu.memref_slice %arg9[%while3A_84, %gather3A_374, %gather3A_375] : memref<2x64x512xf32, #tpu.memory_space<vmem>> -> memref<1x64x512xf32, #tpu.memory_space<vmem>>
        %gather3A_377 = tpu.memref_squeeze %gather3A_376 : memref<1x64x512xf32, #tpu.memory_space<vmem>> -> memref<64x512xf32, #tpu.memory_space<vmem>>
        %gather3A_378 = tpu.vector_load_idx %gather3A_377[%add3A_6, %broadcast_in_dim3A_373] : memref<64x512xf32, #tpu.memory_space<vmem>>[vector<16xi32>, vector<16xi32>], vector<16xf32>,
        %swap3A_379 = arith.index_cast %while3A_86 : i32 to index
        %swap3A_380 = arith.constant 256 : index
        %swap3A_381 = tpu.vector_load %arg10[%swap3A_379, %swap3A_380] {strides = array<i32>} : memref<2x1024xf32, #tpu.memory_space<vmem>>, vector<16xf32>,
        tpu.vector_store %arg10[%swap3A_379, %swap3A_380], %gather3A_378 {strides = array<i32>} : memref<2x1024xf32, #tpu.memory_space<vmem>>, vector<16xf32>,
        %gather3A_382 = arith.constant 0 : i32
        %gather3A_383 = arith.constant 0 : i32
        %gather3A_384 = tpu.memref_slice %arg9[%while3A_84, %gather3A_382, %gather3A_383] : memref<2x64x512xf32, #tpu.memory_space<vmem>> -> memref<1x64x512xf32, #tpu.memory_space<vmem>>
        %gather3A_385 = tpu.memref_squeeze %gather3A_384 : memref<1x64x512xf32, #tpu.memory_space<vmem>> -> memref<64x512xf32, #tpu.memory_space<vmem>>
        %gather3A_386 = tpu.vector_load_idx %gather3A_385[%add3A_10, %broadcast_in_dim3A_373] : memref<64x512xf32, #tpu.memory_space<vmem>>[vector<16xi32>, vector<16xi32>], vector<16xf32>,
        %swap3A_387 = arith.index_cast %while3A_86 : i32 to index
        %swap3A_388 = arith.constant 272 : index
        %swap3A_389 = tpu.vector_load %arg10[%swap3A_387, %swap3A_388] {strides = array<i32>} : memref<2x1024xf32, #tpu.memory_space<vmem>>, vector<16xf32>,
        tpu.vector_store %arg10[%swap3A_387, %swap3A_388], %gather3A_386 {strides = array<i32>} : memref<2x1024xf32, #tpu.memory_space<vmem>>, vector<16xf32>,
        %gather3A_390 = arith.constant 0 : i32
        %gather3A_391 = arith.constant 0 : i32
        %gather3A_392 = tpu.memref_slice %arg9[%while3A_84, %gather3A_390, %gather3A_391] : memref<2x64x512xf32, #tpu.memory_space<vmem>> -> memref<1x64x512xf32, #tpu.memory_space<vmem>>
        %gather3A_393 = tpu.memref_squeeze %gather3A_392 : memref<1x64x512xf32, #tpu.memory_space<vmem>> -> memref<64x512xf32, #tpu.memory_space<vmem>>
        %gather3A_394 = tpu.vector_load_idx %gather3A_393[%add3A_14, %broadcast_in_dim3A_373] : memref<64x512xf32, #tpu.memory_space<vmem>>[vector<16xi32>, vector<16xi32>], vector<16xf32>,
        %swap3A_395 = arith.index_cast %while3A_86 : i32 to index
        %swap3A_396 = arith.constant 288 : index
        %swap3A_397 = tpu.vector_load %arg10[%swap3A_395, %swap3A_396] {strides = array<i32>} : memref<2x1024xf32, #tpu.memory_space<vmem>>, vector<16xf32>,
        tpu.vector_store %arg10[%swap3A_395, %swap3A_396], %gather3A_394 {strides = array<i32>} : memref<2x1024xf32, #tpu.memory_space<vmem>>, vector<16xf32>,
        %gather3A_398 = arith.constant 0 : i32
        %gather3A_399 = arith.constant 0 : i32
        %gather3A_400 = tpu.memref_slice %arg9[%while3A_84, %gather3A_398, %gather3A_399] : memref<2x64x512xf32, #tpu.memory_space<vmem>> -> memref<1x64x512xf32, #tpu.memory_space<vmem>>
        %gather3A_401 = tpu.memref_squeeze %gather3A_400 : memref<1x64x512xf32, #tpu.memory_space<vmem>> -> memref<64x512xf32, #tpu.memory_space<vmem>>
        %gather3A_402 = tpu.vector_load_idx %gather3A_401[%add3A_18, %broadcast_in_dim3A_373] : memref<64x512xf32, #tpu.memory_space<vmem>>[vector<16xi32>, vector<16xi32>], vector<16xf32>,
        %swap3A_403 = arith.index_cast %while3A_86 : i32 to index
        %swap3A_404 = arith.constant 304 : index
        %swap3A_405 = tpu.vector_load %arg10[%swap3A_403, %swap3A_404] {strides = array<i32>} : memref<2x1024xf32, #tpu.memory_space<vmem>>, vector<16xf32>,
        tpu.vector_store %arg10[%swap3A_403, %swap3A_404], %gather3A_402 {strides = array<i32>} : memref<2x1024xf32, #tpu.memory_space<vmem>>, vector<16xf32>,
        %slice3A_406 = vector.extract_strided_slice %select_n3A_143 {offsets = [4], sizes = [1], strides = [1]} : vector<16xi32> to vector<1xi32>
        %squeeze3A_407 = vector.extract %slice3A_406[0] : i32 from vector<1xi32>
        %mul3A_408 = arith.constant 64 : i32
        %mul3A_409 = arith.muli %squeeze3A_407, %mul3A_408 : i32
        %multiple_of3A_410 = tpu.assume_multiple %mul3A_409, 64 : i32
        %dma_start3A_411 = arith.constant 256 : i32
        %dma_start3A_412 = tpu.memref_slice %arg10[%while3A_86, %dma_start3A_411] : memref<2x1024xf32, #tpu.memory_space<vmem>> -> memref<1x64xf32, #tpu.memory_space<vmem>>
        %dma_start3A_413 = tpu.memref_squeeze %dma_start3A_412 : memref<1x64xf32, #tpu.memory_space<vmem>> -> memref<64xf32, #tpu.memory_space<vmem>>
        %dma_start3A_414 = tpu.memref_slice %arg6[%multiple_of3A_410] : memref<1050624xf32, #tpu.memory_space<hbm>> -> memref<64xf32, #tpu.memory_space<hbm>>
        %dma_start3A_415 = tpu.memref_slice %arg6[%multiple_of3A_410] : memref<1050624xf32, #tpu.memory_space<hbm>> -> memref<64xf32, #tpu.memory_space<hbm>>
        %dma_start3A_416 = arith.constant 256 : i32
        %dma_start3A_417 = tpu.memref_slice %arg10[%while3A_86, %dma_start3A_416] : memref<2x1024xf32, #tpu.memory_space<vmem>> -> memref<1x64xf32, #tpu.memory_space<vmem>>
        %dma_start3A_418 = tpu.memref_squeeze %dma_start3A_417 : memref<1x64xf32, #tpu.memory_space<vmem>> -> memref<64xf32, #tpu.memory_space<vmem>>
        tpu.enqueue_dma source(%dma_start3A_418 : memref<64xf32, #tpu.memory_space<vmem>>) target(%dma_start3A_415 : memref<64xf32, #tpu.memory_space<hbm>>) target_semaphore(%arg12 : memref<!tpu.dma_semaphore, #tpu.memory_space<semaphore_mem>>)
        %slice3A_419 = vector.extract_strided_slice %min3A_182 {offsets = [5], sizes = [1], strides = [1]} : vector<16xi32> to vector<1xi32>
        %squeeze3A_420 = vector.extract %slice3A_419[0] : i32 from vector<1xi32>
        %broadcast_in_dim3A_421 = vector.broadcast %squeeze3A_420 : i32 to vector<16xi32>
        %gather3A_422 = arith.constant 0 : i32
        %gather3A_423 = arith.constant 0 : i32
        %gather3A_424 = tpu.memref_slice %arg9[%while3A_84, %gather3A_422, %gather3A_423] : memref<2x64x512xf32, #tpu.memory_space<vmem>> -> memref<1x64x512xf32, #tpu.memory_space<vmem>>
        %gather3A_425 = tpu.memref_squeeze %gather3A_424 : memref<1x64x512xf32, #tpu.memory_space<vmem>> -> memref<64x512xf32, #tpu.memory_space<vmem>>
        %gather3A_426 = tpu.vector_load_idx %gather3A_425[%add3A_6, %broadcast_in_dim3A_421] : memref<64x512xf32, #tpu.memory_space<vmem>>[vector<16xi32>, vector<16xi32>], vector<16xf32>,
        %swap3A_427 = arith.index_cast %while3A_86 : i32 to index
        %swap3A_428 = arith.constant 320 : index
        %swap3A_429 = tpu.vector_load %arg10[%swap3A_427, %swap3A_428] {strides = array<i32>} : memref<2x1024xf32, #tpu.memory_space<vmem>>, vector<16xf32>,
        tpu.vector_store %arg10[%swap3A_427, %swap3A_428], %gather3A_426 {strides = array<i32>} : memref<2x1024xf32, #tpu.memory_space<vmem>>, vector<16xf32>,
        %gather3A_430 = arith.constant 0 : i32
        %gather3A_431 = arith.constant 0 : i32
        %gather3A_432 = tpu.memref_slice %arg9[%while3A_84, %gather3A_430, %gather3A_431] : memref<2x64x512xf32, #tpu.memory_space<vmem>> -> memref<1x64x512xf32, #tpu.memory_space<vmem>>
        %gather3A_433 = tpu.memref_squeeze %gather3A_432 : memref<1x64x512xf32, #tpu.memory_space<vmem>> -> memref<64x512xf32, #tpu.memory_space<vmem>>
        %gather3A_434 = tpu.vector_load_idx %gather3A_433[%add3A_10, %broadcast_in_dim3A_421] : memref<64x512xf32, #tpu.memory_space<vmem>>[vector<16xi32>, vector<16xi32>], vector<16xf32>,
        %swap3A_435 = arith.index_cast %while3A_86 : i32 to index
        %swap3A_436 = arith.constant 336 : index
        %swap3A_437 = tpu.vector_load %arg10[%swap3A_435, %swap3A_436] {strides = array<i32>} : memref<2x1024xf32, #tpu.memory_space<vmem>>, vector<16xf32>,
        tpu.vector_store %arg10[%swap3A_435, %swap3A_436], %gather3A_434 {strides = array<i32>} : memref<2x1024xf32, #tpu.memory_space<vmem>>, vector<16xf32>,
        %gather3A_438 = arith.constant 0 : i32
        %gather3A_439 = arith.constant 0 : i32
        %gather3A_440 = tpu.memref_slice %arg9[%while3A_84, %gather3A_438, %gather3A_439] : memref<2x64x512xf32, #tpu.memory_space<vmem>> -> memref<1x64x512xf32, #tpu.memory_space<vmem>>
        %gather3A_441 = tpu.memref_squeeze %gather3A_440 : memref<1x64x512xf32, #tpu.memory_space<vmem>> -> memref<64x512xf32, #tpu.memory_space<vmem>>
        %gather3A_442 = tpu.vector_load_idx %gather3A_441[%add3A_14, %broadcast_in_dim3A_421] : memref<64x512xf32, #tpu.memory_space<vmem>>[vector<16xi32>, vector<16xi32>], vector<16xf32>,
        %swap3A_443 = arith.index_cast %while3A_86 : i32 to index
        %swap3A_444 = arith.constant 352 : index
        %swap3A_445 = tpu.vector_load %arg10[%swap3A_443, %swap3A_444] {strides = array<i32>} : memref<2x1024xf32, #tpu.memory_space<vmem>>, vector<16xf32>,
        tpu.vector_store %arg10[%swap3A_443, %swap3A_444], %gather3A_442 {strides = array<i32>} : memref<2x1024xf32, #tpu.memory_space<vmem>>, vector<16xf32>,
        %gather3A_446 = arith.constant 0 : i32
        %gather3A_447 = arith.constant 0 : i32
        %gather3A_448 = tpu.memref_slice %arg9[%while3A_84, %gather3A_446, %gather3A_447] : memref<2x64x512xf32, #tpu.memory_space<vmem>> -> memref<1x64x512xf32, #tpu.memory_space<vmem>>
        %gather3A_449 = tpu.memref_squeeze %gather3A_448 : memref<1x64x512xf32, #tpu.memory_space<vmem>> -> memref<64x512xf32, #tpu.memory_space<vmem>>
        %gather3A_450 = tpu.vector_load_idx %gather3A_449[%add3A_18, %broadcast_in_dim3A_421] : memref<64x512xf32, #tpu.memory_space<vmem>>[vector<16xi32>, vector<16xi32>], vector<16xf32>,
        %swap3A_451 = arith.index_cast %while3A_86 : i32 to index
        %swap3A_452 = arith.constant 368 : index
        %swap3A_453 = tpu.vector_load %arg10[%swap3A_451, %swap3A_452] {strides = array<i32>} : memref<2x1024xf32, #tpu.memory_space<vmem>>, vector<16xf32>,
        tpu.vector_store %arg10[%swap3A_451, %swap3A_452], %gather3A_450 {strides = array<i32>} : memref<2x1024xf32, #tpu.memory_space<vmem>>, vector<16xf32>,
        %slice3A_454 = vector.extract_strided_slice %select_n3A_143 {offsets = [5], sizes = [1], strides = [1]} : vector<16xi32> to vector<1xi32>
        %squeeze3A_455 = vector.extract %slice3A_454[0] : i32 from vector<1xi32>
        %mul3A_456 = arith.constant 64 : i32
        %mul3A_457 = arith.muli %squeeze3A_455, %mul3A_456 : i32
        %multiple_of3A_458 = tpu.assume_multiple %mul3A_457, 64 : i32
        %dma_start3A_459 = arith.constant 320 : i32
        %dma_start3A_460 = tpu.memref_slice %arg10[%while3A_86, %dma_start3A_459] : memref<2x1024xf32, #tpu.memory_space<vmem>> -> memref<1x64xf32, #tpu.memory_space<vmem>>
        %dma_start3A_461 = tpu.memref_squeeze %dma_start3A_460 : memref<1x64xf32, #tpu.memory_space<vmem>> -> memref<64xf32, #tpu.memory_space<vmem>>
        %dma_start3A_462 = tpu.memref_slice %arg6[%multiple_of3A_458] : memref<1050624xf32, #tpu.memory_space<hbm>> -> memref<64xf32, #tpu.memory_space<hbm>>
        %dma_start3A_463 = tpu.memref_slice %arg6[%multiple_of3A_458] : memref<1050624xf32, #tpu.memory_space<hbm>> -> memref<64xf32, #tpu.memory_space<hbm>>
        %dma_start3A_464 = arith.constant 320 : i32
        %dma_start3A_465 = tpu.memref_slice %arg10[%while3A_86, %dma_start3A_464] : memref<2x1024xf32, #tpu.memory_space<vmem>> -> memref<1x64xf32, #tpu.memory_space<vmem>>
        %dma_start3A_466 = tpu.memref_squeeze %dma_start3A_465 : memref<1x64xf32, #tpu.memory_space<vmem>> -> memref<64xf32, #tpu.memory_space<vmem>>
        tpu.enqueue_dma source(%dma_start3A_466 : memref<64xf32, #tpu.memory_space<vmem>>) target(%dma_start3A_463 : memref<64xf32, #tpu.memory_space<hbm>>) target_semaphore(%arg12 : memref<!tpu.dma_semaphore, #tpu.memory_space<semaphore_mem>>)
        %slice3A_467 = vector.extract_strided_slice %min3A_182 {offsets = [6], sizes = [1], strides = [1]} : vector<16xi32> to vector<1xi32>
        %squeeze3A_468 = vector.extract %slice3A_467[0] : i32 from vector<1xi32>
        %broadcast_in_dim3A_469 = vector.broadcast %squeeze3A_468 : i32 to vector<16xi32>
        %gather3A_470 = arith.constant 0 : i32
        %gather3A_471 = arith.constant 0 : i32
        %gather3A_472 = tpu.memref_slice %arg9[%while3A_84, %gather3A_470, %gather3A_471] : memref<2x64x512xf32, #tpu.memory_space<vmem>> -> memref<1x64x512xf32, #tpu.memory_space<vmem>>
        %gather3A_473 = tpu.memref_squeeze %gather3A_472 : memref<1x64x512xf32, #tpu.memory_space<vmem>> -> memref<64x512xf32, #tpu.memory_space<vmem>>
        %gather3A_474 = tpu.vector_load_idx %gather3A_473[%add3A_6, %broadcast_in_dim3A_469] : memref<64x512xf32, #tpu.memory_space<vmem>>[vector<16xi32>, vector<16xi32>], vector<16xf32>,
        %swap3A_475 = arith.index_cast %while3A_86 : i32 to index
        %swap3A_476 = arith.constant 384 : index
        %swap3A_477 = tpu.vector_load %arg10[%swap3A_475, %swap3A_476] {strides = array<i32>} : memref<2x1024xf32, #tpu.memory_space<vmem>>, vector<16xf32>,
        tpu.vector_store %arg10[%swap3A_475, %swap3A_476], %gather3A_474 {strides = array<i32>} : memref<2x1024xf32, #tpu.memory_space<vmem>>, vector<16xf32>,
        %gather3A_478 = arith.constant 0 : i32
        %gather3A_479 = arith.constant 0 : i32
        %gather3A_480 = tpu.memref_slice %arg9[%while3A_84, %gather3A_478, %gather3A_479] : memref<2x64x512xf32, #tpu.memory_space<vmem>> -> memref<1x64x512xf32, #tpu.memory_space<vmem>>
        %gather3A_481 = tpu.memref_squeeze %gather3A_480 : memref<1x64x512xf32, #tpu.memory_space<vmem>> -> memref<64x512xf32, #tpu.memory_space<vmem>>
        %gather3A_482 = tpu.vector_load_idx %gather3A_481[%add3A_10, %broadcast_in_dim3A_469] : memref<64x512xf32, #tpu.memory_space<vmem>>[vector<16xi32>, vector<16xi32>], vector<16xf32>,
        %swap3A_483 = arith.index_cast %while3A_86 : i32 to index
        %swap3A_484 = arith.constant 400 : index
        %swap3A_485 = tpu.vector_load %arg10[%swap3A_483, %swap3A_484] {strides = array<i32>} : memref<2x1024xf32, #tpu.memory_space<vmem>>, vector<16xf32>,
        tpu.vector_store %arg10[%swap3A_483, %swap3A_484], %gather3A_482 {strides = array<i32>} : memref<2x1024xf32, #tpu.memory_space<vmem>>, vector<16xf32>,
        %gather3A_486 = arith.constant 0 : i32
        %gather3A_487 = arith.constant 0 : i32
        %gather3A_488 = tpu.memref_slice %arg9[%while3A_84, %gather3A_486, %gather3A_487] : memref<2x64x512xf32, #tpu.memory_space<vmem>> -> memref<1x64x512xf32, #tpu.memory_space<vmem>>
        %gather3A_489 = tpu.memref_squeeze %gather3A_488 : memref<1x64x512xf32, #tpu.memory_space<vmem>> -> memref<64x512xf32, #tpu.memory_space<vmem>>
        %gather3A_490 = tpu.vector_load_idx %gather3A_489[%add3A_14, %broadcast_in_dim3A_469] : memref<64x512xf32, #tpu.memory_space<vmem>>[vector<16xi32>, vector<16xi32>], vector<16xf32>,
        %swap3A_491 = arith.index_cast %while3A_86 : i32 to index
        %swap3A_492 = arith.constant 416 : index
        %swap3A_493 = tpu.vector_load %arg10[%swap3A_491, %swap3A_492] {strides = array<i32>} : memref<2x1024xf32, #tpu.memory_space<vmem>>, vector<16xf32>,
        tpu.vector_store %arg10[%swap3A_491, %swap3A_492], %gather3A_490 {strides = array<i32>} : memref<2x1024xf32, #tpu.memory_space<vmem>>, vector<16xf32>,
        %gather3A_494 = arith.constant 0 : i32
        %gather3A_495 = arith.constant 0 : i32
        %gather3A_496 = tpu.memref_slice %arg9[%while3A_84, %gather3A_494, %gather3A_495] : memref<2x64x512xf32, #tpu.memory_space<vmem>> -> memref<1x64x512xf32, #tpu.memory_space<vmem>>
        %gather3A_497 = tpu.memref_squeeze %gather3A_496 : memref<1x64x512xf32, #tpu.memory_space<vmem>> -> memref<64x512xf32, #tpu.memory_space<vmem>>
        %gather3A_498 = tpu.vector_load_idx %gather3A_497[%add3A_18, %broadcast_in_dim3A_469] : memref<64x512xf32, #tpu.memory_space<vmem>>[vector<16xi32>, vector<16xi32>], vector<16xf32>,
        %swap3A_499 = arith.index_cast %while3A_86 : i32 to index
        %swap3A_500 = arith.constant 432 : index
        %swap3A_501 = tpu.vector_load %arg10[%swap3A_499, %swap3A_500] {strides = array<i32>} : memref<2x1024xf32, #tpu.memory_space<vmem>>, vector<16xf32>,
        tpu.vector_store %arg10[%swap3A_499, %swap3A_500], %gather3A_498 {strides = array<i32>} : memref<2x1024xf32, #tpu.memory_space<vmem>>, vector<16xf32>,
        %slice3A_502 = vector.extract_strided_slice %select_n3A_143 {offsets = [6], sizes = [1], strides = [1]} : vector<16xi32> to vector<1xi32>
        %squeeze3A_503 = vector.extract %slice3A_502[0] : i32 from vector<1xi32>
        %mul3A_504 = arith.constant 64 : i32
        %mul3A_505 = arith.muli %squeeze3A_503, %mul3A_504 : i32
        %multiple_of3A_506 = tpu.assume_multiple %mul3A_505, 64 : i32
        %dma_start3A_507 = arith.constant 384 : i32
        %dma_start3A_508 = tpu.memref_slice %arg10[%while3A_86, %dma_start3A_507] : memref<2x1024xf32, #tpu.memory_space<vmem>> -> memref<1x64xf32, #tpu.memory_space<vmem>>
        %dma_start3A_509 = tpu.memref_squeeze %dma_start3A_508 : memref<1x64xf32, #tpu.memory_space<vmem>> -> memref<64xf32, #tpu.memory_space<vmem>>
        %dma_start3A_510 = tpu.memref_slice %arg6[%multiple_of3A_506] : memref<1050624xf32, #tpu.memory_space<hbm>> -> memref<64xf32, #tpu.memory_space<hbm>>
        %dma_start3A_511 = tpu.memref_slice %arg6[%multiple_of3A_506] : memref<1050624xf32, #tpu.memory_space<hbm>> -> memref<64xf32, #tpu.memory_space<hbm>>
        %dma_start3A_512 = arith.constant 384 : i32
        %dma_start3A_513 = tpu.memref_slice %arg10[%while3A_86, %dma_start3A_512] : memref<2x1024xf32, #tpu.memory_space<vmem>> -> memref<1x64xf32, #tpu.memory_space<vmem>>
        %dma_start3A_514 = tpu.memref_squeeze %dma_start3A_513 : memref<1x64xf32, #tpu.memory_space<vmem>> -> memref<64xf32, #tpu.memory_space<vmem>>
        tpu.enqueue_dma source(%dma_start3A_514 : memref<64xf32, #tpu.memory_space<vmem>>) target(%dma_start3A_511 : memref<64xf32, #tpu.memory_space<hbm>>) target_semaphore(%arg12 : memref<!tpu.dma_semaphore, #tpu.memory_space<semaphore_mem>>)
        %slice3A_515 = vector.extract_strided_slice %min3A_182 {offsets = [7], sizes = [1], strides = [1]} : vector<16xi32> to vector<1xi32>
        %squeeze3A_516 = vector.extract %slice3A_515[0] : i32 from vector<1xi32>
        %broadcast_in_dim3A_517 = vector.broadcast %squeeze3A_516 : i32 to vector<16xi32>
        %gather3A_518 = arith.constant 0 : i32
        %gather3A_519 = arith.constant 0 : i32
        %gather3A_520 = tpu.memref_slice %arg9[%while3A_84, %gather3A_518, %gather3A_519] : memref<2x64x512xf32, #tpu.memory_space<vmem>> -> memref<1x64x512xf32, #tpu.memory_space<vmem>>
        %gather3A_521 = tpu.memref_squeeze %gather3A_520 : memref<1x64x512xf32, #tpu.memory_space<vmem>> -> memref<64x512xf32, #tpu.memory_space<vmem>>
        %gather3A_522 = tpu.vector_load_idx %gather3A_521[%add3A_6, %broadcast_in_dim3A_517] : memref<64x512xf32, #tpu.memory_space<vmem>>[vector<16xi32>, vector<16xi32>], vector<16xf32>,
        %swap3A_523 = arith.index_cast %while3A_86 : i32 to index
        %swap3A_524 = arith.constant 448 : index
        %swap3A_525 = tpu.vector_load %arg10[%swap3A_523, %swap3A_524] {strides = array<i32>} : memref<2x1024xf32, #tpu.memory_space<vmem>>, vector<16xf32>,
        tpu.vector_store %arg10[%swap3A_523, %swap3A_524], %gather3A_522 {strides = array<i32>} : memref<2x1024xf32, #tpu.memory_space<vmem>>, vector<16xf32>,
        %gather3A_526 = arith.constant 0 : i32
        %gather3A_527 = arith.constant 0 : i32
        %gather3A_528 = tpu.memref_slice %arg9[%while3A_84, %gather3A_526, %gather3A_527] : memref<2x64x512xf32, #tpu.memory_space<vmem>> -> memref<1x64x512xf32, #tpu.memory_space<vmem>>
        %gather3A_529 = tpu.memref_squeeze %gather3A_528 : memref<1x64x512xf32, #tpu.memory_space<vmem>> -> memref<64x512xf32, #tpu.memory_space<vmem>>
        %gather3A_530 = tpu.vector_load_idx %gather3A_529[%add3A_10, %broadcast_in_dim3A_517] : memref<64x512xf32, #tpu.memory_space<vmem>>[vector<16xi32>, vector<16xi32>], vector<16xf32>,
        %swap3A_531 = arith.index_cast %while3A_86 : i32 to index
        %swap3A_532 = arith.constant 464 : index
        %swap3A_533 = tpu.vector_load %arg10[%swap3A_531, %swap3A_532] {strides = array<i32>} : memref<2x1024xf32, #tpu.memory_space<vmem>>, vector<16xf32>,
        tpu.vector_store %arg10[%swap3A_531, %swap3A_532], %gather3A_530 {strides = array<i32>} : memref<2x1024xf32, #tpu.memory_space<vmem>>, vector<16xf32>,
        %gather3A_534 = arith.constant 0 : i32
        %gather3A_535 = arith.constant 0 : i32
        %gather3A_536 = tpu.memref_slice %arg9[%while3A_84, %gather3A_534, %gather3A_535] : memref<2x64x512xf32, #tpu.memory_space<vmem>> -> memref<1x64x512xf32, #tpu.memory_space<vmem>>
        %gather3A_537 = tpu.memref_squeeze %gather3A_536 : memref<1x64x512xf32, #tpu.memory_space<vmem>> -> memref<64x512xf32, #tpu.memory_space<vmem>>
        %gather3A_538 = tpu.vector_load_idx %gather3A_537[%add3A_14, %broadcast_in_dim3A_517] : memref<64x512xf32, #tpu.memory_space<vmem>>[vector<16xi32>, vector<16xi32>], vector<16xf32>,
        %swap3A_539 = arith.index_cast %while3A_86 : i32 to index
        %swap3A_540 = arith.constant 480 : index
        %swap3A_541 = tpu.vector_load %arg10[%swap3A_539, %swap3A_540] {strides = array<i32>} : memref<2x1024xf32, #tpu.memory_space<vmem>>, vector<16xf32>,
        tpu.vector_store %arg10[%swap3A_539, %swap3A_540], %gather3A_538 {strides = array<i32>} : memref<2x1024xf32, #tpu.memory_space<vmem>>, vector<16xf32>,
        %gather3A_542 = arith.constant 0 : i32
        %gather3A_543 = arith.constant 0 : i32
        %gather3A_544 = tpu.memref_slice %arg9[%while3A_84, %gather3A_542, %gather3A_543] : memref<2x64x512xf32, #tpu.memory_space<vmem>> -> memref<1x64x512xf32, #tpu.memory_space<vmem>>
        %gather3A_545 = tpu.memref_squeeze %gather3A_544 : memref<1x64x512xf32, #tpu.memory_space<vmem>> -> memref<64x512xf32, #tpu.memory_space<vmem>>
        %gather3A_546 = tpu.vector_load_idx %gather3A_545[%add3A_18, %broadcast_in_dim3A_517] : memref<64x512xf32, #tpu.memory_space<vmem>>[vector<16xi32>, vector<16xi32>], vector<16xf32>,
        %swap3A_547 = arith.index_cast %while3A_86 : i32 to index
        %swap3A_548 = arith.constant 496 : index
        %swap3A_549 = tpu.vector_load %arg10[%swap3A_547, %swap3A_548] {strides = array<i32>} : memref<2x1024xf32, #tpu.memory_space<vmem>>, vector<16xf32>,
        tpu.vector_store %arg10[%swap3A_547, %swap3A_548], %gather3A_546 {strides = array<i32>} : memref<2x1024xf32, #tpu.memory_space<vmem>>, vector<16xf32>,
        %slice3A_550 = vector.extract_strided_slice %select_n3A_143 {offsets = [7], sizes = [1], strides = [1]} : vector<16xi32> to vector<1xi32>
        %squeeze3A_551 = vector.extract %slice3A_550[0] : i32 from vector<1xi32>
        %mul3A_552 = arith.constant 64 : i32
        %mul3A_553 = arith.muli %squeeze3A_551, %mul3A_552 : i32
        %multiple_of3A_554 = tpu.assume_multiple %mul3A_553, 64 : i32
        %dma_start3A_555 = arith.constant 448 : i32
        %dma_start3A_556 = tpu.memref_slice %arg10[%while3A_86, %dma_start3A_555] : memref<2x1024xf32, #tpu.memory_space<vmem>> -> memref<1x64xf32, #tpu.memory_space<vmem>>
        %dma_start3A_557 = tpu.memref_squeeze %dma_start3A_556 : memref<1x64xf32, #tpu.memory_space<vmem>> -> memref<64xf32, #tpu.memory_space<vmem>>
        %dma_start3A_558 = tpu.memref_slice %arg6[%multiple_of3A_554] : memref<1050624xf32, #tpu.memory_space<hbm>> -> memref<64xf32, #tpu.memory_space<hbm>>
        %dma_start3A_559 = tpu.memref_slice %arg6[%multiple_of3A_554] : memref<1050624xf32, #tpu.memory_space<hbm>> -> memref<64xf32, #tpu.memory_space<hbm>>
        %dma_start3A_560 = arith.constant 448 : i32
        %dma_start3A_561 = tpu.memref_slice %arg10[%while3A_86, %dma_start3A_560] : memref<2x1024xf32, #tpu.memory_space<vmem>> -> memref<1x64xf32, #tpu.memory_space<vmem>>
        %dma_start3A_562 = tpu.memref_squeeze %dma_start3A_561 : memref<1x64xf32, #tpu.memory_space<vmem>> -> memref<64xf32, #tpu.memory_space<vmem>>
        tpu.enqueue_dma source(%dma_start3A_562 : memref<64xf32, #tpu.memory_space<vmem>>) target(%dma_start3A_559 : memref<64xf32, #tpu.memory_space<hbm>>) target_semaphore(%arg12 : memref<!tpu.dma_semaphore, #tpu.memory_space<semaphore_mem>>)
        %slice3A_563 = vector.extract_strided_slice %min3A_182 {offsets = [8], sizes = [1], strides = [1]} : vector<16xi32> to vector<1xi32>
        %squeeze3A_564 = vector.extract %slice3A_563[0] : i32 from vector<1xi32>
        %broadcast_in_dim3A_565 = vector.broadcast %squeeze3A_564 : i32 to vector<16xi32>
        %gather3A_566 = arith.constant 0 : i32
        %gather3A_567 = arith.constant 0 : i32
        %gather3A_568 = tpu.memref_slice %arg9[%while3A_84, %gather3A_566, %gather3A_567] : memref<2x64x512xf32, #tpu.memory_space<vmem>> -> memref<1x64x512xf32, #tpu.memory_space<vmem>>
        %gather3A_569 = tpu.memref_squeeze %gather3A_568 : memref<1x64x512xf32, #tpu.memory_space<vmem>> -> memref<64x512xf32, #tpu.memory_space<vmem>>
        %gather3A_570 = tpu.vector_load_idx %gather3A_569[%add3A_6, %broadcast_in_dim3A_565] : memref<64x512xf32, #tpu.memory_space<vmem>>[vector<16xi32>, vector<16xi32>], vector<16xf32>,
        %swap3A_571 = arith.index_cast %while3A_86 : i32 to index
        %swap3A_572 = arith.constant 512 : index
        %swap3A_573 = tpu.vector_load %arg10[%swap3A_571, %swap3A_572] {strides = array<i32>} : memref<2x1024xf32, #tpu.memory_space<vmem>>, vector<16xf32>,
        tpu.vector_store %arg10[%swap3A_571, %swap3A_572], %gather3A_570 {strides = array<i32>} : memref<2x1024xf32, #tpu.memory_space<vmem>>, vector<16xf32>,
        %gather3A_574 = arith.constant 0 : i32
        %gather3A_575 = arith.constant 0 : i32
        %gather3A_576 = tpu.memref_slice %arg9[%while3A_84, %gather3A_574, %gather3A_575] : memref<2x64x512xf32, #tpu.memory_space<vmem>> -> memref<1x64x512xf32, #tpu.memory_space<vmem>>
        %gather3A_577 = tpu.memref_squeeze %gather3A_576 : memref<1x64x512xf32, #tpu.memory_space<vmem>> -> memref<64x512xf32, #tpu.memory_space<vmem>>
        %gather3A_578 = tpu.vector_load_idx %gather3A_577[%add3A_10, %broadcast_in_dim3A_565] : memref<64x512xf32, #tpu.memory_space<vmem>>[vector<16xi32>, vector<16xi32>], vector<16xf32>,
        %swap3A_579 = arith.index_cast %while3A_86 : i32 to index
        %swap3A_580 = arith.constant 528 : index
        %swap3A_581 = tpu.vector_load %arg10[%swap3A_579, %swap3A_580] {strides = array<i32>} : memref<2x1024xf32, #tpu.memory_space<vmem>>, vector<16xf32>,
        tpu.vector_store %arg10[%swap3A_579, %swap3A_580], %gather3A_578 {strides = array<i32>} : memref<2x1024xf32, #tpu.memory_space<vmem>>, vector<16xf32>,
        %gather3A_582 = arith.constant 0 : i32
        %gather3A_583 = arith.constant 0 : i32
        %gather3A_584 = tpu.memref_slice %arg9[%while3A_84, %gather3A_582, %gather3A_583] : memref<2x64x512xf32, #tpu.memory_space<vmem>> -> memref<1x64x512xf32, #tpu.memory_space<vmem>>
        %gather3A_585 = tpu.memref_squeeze %gather3A_584 : memref<1x64x512xf32, #tpu.memory_space<vmem>> -> memref<64x512xf32, #tpu.memory_space<vmem>>
        %gather3A_586 = tpu.vector_load_idx %gather3A_585[%add3A_14, %broadcast_in_dim3A_565] : memref<64x512xf32, #tpu.memory_space<vmem>>[vector<16xi32>, vector<16xi32>], vector<16xf32>,
        %swap3A_587 = arith.index_cast %while3A_86 : i32 to index
        %swap3A_588 = arith.constant 544 : index
        %swap3A_589 = tpu.vector_load %arg10[%swap3A_587, %swap3A_588] {strides = array<i32>} : memref<2x1024xf32, #tpu.memory_space<vmem>>, vector<16xf32>,
        tpu.vector_store %arg10[%swap3A_587, %swap3A_588], %gather3A_586 {strides = array<i32>} : memref<2x1024xf32, #tpu.memory_space<vmem>>, vector<16xf32>,
        %gather3A_590 = arith.constant 0 : i32
        %gather3A_591 = arith.constant 0 : i32
        %gather3A_592 = tpu.memref_slice %arg9[%while3A_84, %gather3A_590, %gather3A_591] : memref<2x64x512xf32, #tpu.memory_space<vmem>> -> memref<1x64x512xf32, #tpu.memory_space<vmem>>
        %gather3A_593 = tpu.memref_squeeze %gather3A_592 : memref<1x64x512xf32, #tpu.memory_space<vmem>> -> memref<64x512xf32, #tpu.memory_space<vmem>>
        %gather3A_594 = tpu.vector_load_idx %gather3A_593[%add3A_18, %broadcast_in_dim3A_565] : memref<64x512xf32, #tpu.memory_space<vmem>>[vector<16xi32>, vector<16xi32>], vector<16xf32>,
        %swap3A_595 = arith.index_cast %while3A_86 : i32 to index
        %swap3A_596 = arith.constant 560 : index
        %swap3A_597 = tpu.vector_load %arg10[%swap3A_595, %swap3A_596] {strides = array<i32>} : memref<2x1024xf32, #tpu.memory_space<vmem>>, vector<16xf32>,
        tpu.vector_store %arg10[%swap3A_595, %swap3A_596], %gather3A_594 {strides = array<i32>} : memref<2x1024xf32, #tpu.memory_space<vmem>>, vector<16xf32>,
        %slice3A_598 = vector.extract_strided_slice %select_n3A_143 {offsets = [8], sizes = [1], strides = [1]} : vector<16xi32> to vector<1xi32>
        %squeeze3A_599 = vector.extract %slice3A_598[0] : i32 from vector<1xi32>
        %mul3A_600 = arith.constant 64 : i32
        %mul3A_601 = arith.muli %squeeze3A_599, %mul3A_600 : i32
        %multiple_of3A_602 = tpu.assume_multiple %mul3A_601, 64 : i32
        %dma_start3A_603 = arith.constant 512 : i32
        %dma_start3A_604 = tpu.memref_slice %arg10[%while3A_86, %dma_start3A_603] : memref<2x1024xf32, #tpu.memory_space<vmem>> -> memref<1x64xf32, #tpu.memory_space<vmem>>
        %dma_start3A_605 = tpu.memref_squeeze %dma_start3A_604 : memref<1x64xf32, #tpu.memory_space<vmem>> -> memref<64xf32, #tpu.memory_space<vmem>>
        %dma_start3A_606 = tpu.memref_slice %arg6[%multiple_of3A_602] : memref<1050624xf32, #tpu.memory_space<hbm>> -> memref<64xf32, #tpu.memory_space<hbm>>
        %dma_start3A_607 = tpu.memref_slice %arg6[%multiple_of3A_602] : memref<1050624xf32, #tpu.memory_space<hbm>> -> memref<64xf32, #tpu.memory_space<hbm>>
        %dma_start3A_608 = arith.constant 512 : i32
        %dma_start3A_609 = tpu.memref_slice %arg10[%while3A_86, %dma_start3A_608] : memref<2x1024xf32, #tpu.memory_space<vmem>> -> memref<1x64xf32, #tpu.memory_space<vmem>>
        %dma_start3A_610 = tpu.memref_squeeze %dma_start3A_609 : memref<1x64xf32, #tpu.memory_space<vmem>> -> memref<64xf32, #tpu.memory_space<vmem>>
        tpu.enqueue_dma source(%dma_start3A_610 : memref<64xf32, #tpu.memory_space<vmem>>) target(%dma_start3A_607 : memref<64xf32, #tpu.memory_space<hbm>>) target_semaphore(%arg12 : memref<!tpu.dma_semaphore, #tpu.memory_space<semaphore_mem>>)
        %slice3A_611 = vector.extract_strided_slice %min3A_182 {offsets = [9], sizes = [1], strides = [1]} : vector<16xi32> to vector<1xi32>
        %squeeze3A_612 = vector.extract %slice3A_611[0] : i32 from vector<1xi32>
        %broadcast_in_dim3A_613 = vector.broadcast %squeeze3A_612 : i32 to vector<16xi32>
        %gather3A_614 = arith.constant 0 : i32
        %gather3A_615 = arith.constant 0 : i32
        %gather3A_616 = tpu.memref_slice %arg9[%while3A_84, %gather3A_614, %gather3A_615] : memref<2x64x512xf32, #tpu.memory_space<vmem>> -> memref<1x64x512xf32, #tpu.memory_space<vmem>>
        %gather3A_617 = tpu.memref_squeeze %gather3A_616 : memref<1x64x512xf32, #tpu.memory_space<vmem>> -> memref<64x512xf32, #tpu.memory_space<vmem>>
        %gather3A_618 = tpu.vector_load_idx %gather3A_617[%add3A_6, %broadcast_in_dim3A_613] : memref<64x512xf32, #tpu.memory_space<vmem>>[vector<16xi32>, vector<16xi32>], vector<16xf32>,
        %swap3A_619 = arith.index_cast %while3A_86 : i32 to index
        %swap3A_620 = arith.constant 576 : index
        %swap3A_621 = tpu.vector_load %arg10[%swap3A_619, %swap3A_620] {strides = array<i32>} : memref<2x1024xf32, #tpu.memory_space<vmem>>, vector<16xf32>,
        tpu.vector_store %arg10[%swap3A_619, %swap3A_620], %gather3A_618 {strides = array<i32>} : memref<2x1024xf32, #tpu.memory_space<vmem>>, vector<16xf32>,
        %gather3A_622 = arith.constant 0 : i32
        %gather3A_623 = arith.constant 0 : i32
        %gather3A_624 = tpu.memref_slice %arg9[%while3A_84, %gather3A_622, %gather3A_623] : memref<2x64x512xf32, #tpu.memory_space<vmem>> -> memref<1x64x512xf32, #tpu.memory_space<vmem>>
        %gather3A_625 = tpu.memref_squeeze %gather3A_624 : memref<1x64x512xf32, #tpu.memory_space<vmem>> -> memref<64x512xf32, #tpu.memory_space<vmem>>
        %gather3A_626 = tpu.vector_load_idx %gather3A_625[%add3A_10, %broadcast_in_dim3A_613] : memref<64x512xf32, #tpu.memory_space<vmem>>[vector<16xi32>, vector<16xi32>], vector<16xf32>,
        %swap3A_627 = arith.index_cast %while3A_86 : i32 to index
        %swap3A_628 = arith.constant 592 : index
        %swap3A_629 = tpu.vector_load %arg10[%swap3A_627, %swap3A_628] {strides = array<i32>} : memref<2x1024xf32, #tpu.memory_space<vmem>>, vector<16xf32>,
        tpu.vector_store %arg10[%swap3A_627, %swap3A_628], %gather3A_626 {strides = array<i32>} : memref<2x1024xf32, #tpu.memory_space<vmem>>, vector<16xf32>,
        %gather3A_630 = arith.constant 0 : i32
        %gather3A_631 = arith.constant 0 : i32
        %gather3A_632 = tpu.memref_slice %arg9[%while3A_84, %gather3A_630, %gather3A_631] : memref<2x64x512xf32, #tpu.memory_space<vmem>> -> memref<1x64x512xf32, #tpu.memory_space<vmem>>
        %gather3A_633 = tpu.memref_squeeze %gather3A_632 : memref<1x64x512xf32, #tpu.memory_space<vmem>> -> memref<64x512xf32, #tpu.memory_space<vmem>>
        %gather3A_634 = tpu.vector_load_idx %gather3A_633[%add3A_14, %broadcast_in_dim3A_613] : memref<64x512xf32, #tpu.memory_space<vmem>>[vector<16xi32>, vector<16xi32>], vector<16xf32>,
        %swap3A_635 = arith.index_cast %while3A_86 : i32 to index
        %swap3A_636 = arith.constant 608 : index
        %swap3A_637 = tpu.vector_load %arg10[%swap3A_635, %swap3A_636] {strides = array<i32>} : memref<2x1024xf32, #tpu.memory_space<vmem>>, vector<16xf32>,
        tpu.vector_store %arg10[%swap3A_635, %swap3A_636], %gather3A_634 {strides = array<i32>} : memref<2x1024xf32, #tpu.memory_space<vmem>>, vector<16xf32>,
        %gather3A_638 = arith.constant 0 : i32
        %gather3A_639 = arith.constant 0 : i32
        %gather3A_640 = tpu.memref_slice %arg9[%while3A_84, %gather3A_638, %gather3A_639] : memref<2x64x512xf32, #tpu.memory_space<vmem>> -> memref<1x64x512xf32, #tpu.memory_space<vmem>>
        %gather3A_641 = tpu.memref_squeeze %gather3A_640 : memref<1x64x512xf32, #tpu.memory_space<vmem>> -> memref<64x512xf32, #tpu.memory_space<vmem>>
        %gather3A_642 = tpu.vector_load_idx %gather3A_641[%add3A_18, %broadcast_in_dim3A_613] : memref<64x512xf32, #tpu.memory_space<vmem>>[vector<16xi32>, vector<16xi32>], vector<16xf32>,
        %swap3A_643 = arith.index_cast %while3A_86 : i32 to index
        %swap3A_644 = arith.constant 624 : index
        %swap3A_645 = tpu.vector_load %arg10[%swap3A_643, %swap3A_644] {strides = array<i32>} : memref<2x1024xf32, #tpu.memory_space<vmem>>, vector<16xf32>,
        tpu.vector_store %arg10[%swap3A_643, %swap3A_644], %gather3A_642 {strides = array<i32>} : memref<2x1024xf32, #tpu.memory_space<vmem>>, vector<16xf32>,
        %slice3A_646 = vector.extract_strided_slice %select_n3A_143 {offsets = [9], sizes = [1], strides = [1]} : vector<16xi32> to vector<1xi32>
        %squeeze3A_647 = vector.extract %slice3A_646[0] : i32 from vector<1xi32>
        %mul3A_648 = arith.constant 64 : i32
        %mul3A_649 = arith.muli %squeeze3A_647, %mul3A_648 : i32
        %multiple_of3A_650 = tpu.assume_multiple %mul3A_649, 64 : i32
        %dma_start3A_651 = arith.constant 576 : i32
        %dma_start3A_652 = tpu.memref_slice %arg10[%while3A_86, %dma_start3A_651] : memref<2x1024xf32, #tpu.memory_space<vmem>> -> memref<1x64xf32, #tpu.memory_space<vmem>>
        %dma_start3A_653 = tpu.memref_squeeze %dma_start3A_652 : memref<1x64xf32, #tpu.memory_space<vmem>> -> memref<64xf32, #tpu.memory_space<vmem>>
        %dma_start3A_654 = tpu.memref_slice %arg6[%multiple_of3A_650] : memref<1050624xf32, #tpu.memory_space<hbm>> -> memref<64xf32, #tpu.memory_space<hbm>>
        %dma_start3A_655 = tpu.memref_slice %arg6[%multiple_of3A_650] : memref<1050624xf32, #tpu.memory_space<hbm>> -> memref<64xf32, #tpu.memory_space<hbm>>
        %dma_start3A_656 = arith.constant 576 : i32
        %dma_start3A_657 = tpu.memref_slice %arg10[%while3A_86, %dma_start3A_656] : memref<2x1024xf32, #tpu.memory_space<vmem>> -> memref<1x64xf32, #tpu.memory_space<vmem>>
        %dma_start3A_658 = tpu.memref_squeeze %dma_start3A_657 : memref<1x64xf32, #tpu.memory_space<vmem>> -> memref<64xf32, #tpu.memory_space<vmem>>
        tpu.enqueue_dma source(%dma_start3A_658 : memref<64xf32, #tpu.memory_space<vmem>>) target(%dma_start3A_655 : memref<64xf32, #tpu.memory_space<hbm>>) target_semaphore(%arg12 : memref<!tpu.dma_semaphore, #tpu.memory_space<semaphore_mem>>)
        %slice3A_659 = vector.extract_strided_slice %min3A_182 {offsets = [10], sizes = [1], strides = [1]} : vector<16xi32> to vector<1xi32>
        %squeeze3A_660 = vector.extract %slice3A_659[0] : i32 from vector<1xi32>
        %broadcast_in_dim3A_661 = vector.broadcast %squeeze3A_660 : i32 to vector<16xi32>
        %gather3A_662 = arith.constant 0 : i32
        %gather3A_663 = arith.constant 0 : i32
        %gather3A_664 = tpu.memref_slice %arg9[%while3A_84, %gather3A_662, %gather3A_663] : memref<2x64x512xf32, #tpu.memory_space<vmem>> -> memref<1x64x512xf32, #tpu.memory_space<vmem>>
        %gather3A_665 = tpu.memref_squeeze %gather3A_664 : memref<1x64x512xf32, #tpu.memory_space<vmem>> -> memref<64x512xf32, #tpu.memory_space<vmem>>
        %gather3A_666 = tpu.vector_load_idx %gather3A_665[%add3A_6, %broadcast_in_dim3A_661] : memref<64x512xf32, #tpu.memory_space<vmem>>[vector<16xi32>, vector<16xi32>], vector<16xf32>,
        %swap3A_667 = arith.index_cast %while3A_86 : i32 to index
        %swap3A_668 = arith.constant 640 : index
        %swap3A_669 = tpu.vector_load %arg10[%swap3A_667, %swap3A_668] {strides = array<i32>} : memref<2x1024xf32, #tpu.memory_space<vmem>>, vector<16xf32>,
        tpu.vector_store %arg10[%swap3A_667, %swap3A_668], %gather3A_666 {strides = array<i32>} : memref<2x1024xf32, #tpu.memory_space<vmem>>, vector<16xf32>,
        %gather3A_670 = arith.constant 0 : i32
        %gather3A_671 = arith.constant 0 : i32
        %gather3A_672 = tpu.memref_slice %arg9[%while3A_84, %gather3A_670, %gather3A_671] : memref<2x64x512xf32, #tpu.memory_space<vmem>> -> memref<1x64x512xf32, #tpu.memory_space<vmem>>
        %gather3A_673 = tpu.memref_squeeze %gather3A_672 : memref<1x64x512xf32, #tpu.memory_space<vmem>> -> memref<64x512xf32, #tpu.memory_space<vmem>>
        %gather3A_674 = tpu.vector_load_idx %gather3A_673[%add3A_10, %broadcast_in_dim3A_661] : memref<64x512xf32, #tpu.memory_space<vmem>>[vector<16xi32>, vector<16xi32>], vector<16xf32>,
        %swap3A_675 = arith.index_cast %while3A_86 : i32 to index
        %swap3A_676 = arith.constant 656 : index
        %swap3A_677 = tpu.vector_load %arg10[%swap3A_675, %swap3A_676] {strides = array<i32>} : memref<2x1024xf32, #tpu.memory_space<vmem>>, vector<16xf32>,
        tpu.vector_store %arg10[%swap3A_675, %swap3A_676], %gather3A_674 {strides = array<i32>} : memref<2x1024xf32, #tpu.memory_space<vmem>>, vector<16xf32>,
        %gather3A_678 = arith.constant 0 : i32
        %gather3A_679 = arith.constant 0 : i32
        %gather3A_680 = tpu.memref_slice %arg9[%while3A_84, %gather3A_678, %gather3A_679] : memref<2x64x512xf32, #tpu.memory_space<vmem>> -> memref<1x64x512xf32, #tpu.memory_space<vmem>>
        %gather3A_681 = tpu.memref_squeeze %gather3A_680 : memref<1x64x512xf32, #tpu.memory_space<vmem>> -> memref<64x512xf32, #tpu.memory_space<vmem>>
        %gather3A_682 = tpu.vector_load_idx %gather3A_681[%add3A_14, %broadcast_in_dim3A_661] : memref<64x512xf32, #tpu.memory_space<vmem>>[vector<16xi32>, vector<16xi32>], vector<16xf32>,
        %swap3A_683 = arith.index_cast %while3A_86 : i32 to index
        %swap3A_684 = arith.constant 672 : index
        %swap3A_685 = tpu.vector_load %arg10[%swap3A_683, %swap3A_684] {strides = array<i32>} : memref<2x1024xf32, #tpu.memory_space<vmem>>, vector<16xf32>,
        tpu.vector_store %arg10[%swap3A_683, %swap3A_684], %gather3A_682 {strides = array<i32>} : memref<2x1024xf32, #tpu.memory_space<vmem>>, vector<16xf32>,
        %gather3A_686 = arith.constant 0 : i32
        %gather3A_687 = arith.constant 0 : i32
        %gather3A_688 = tpu.memref_slice %arg9[%while3A_84, %gather3A_686, %gather3A_687] : memref<2x64x512xf32, #tpu.memory_space<vmem>> -> memref<1x64x512xf32, #tpu.memory_space<vmem>>
        %gather3A_689 = tpu.memref_squeeze %gather3A_688 : memref<1x64x512xf32, #tpu.memory_space<vmem>> -> memref<64x512xf32, #tpu.memory_space<vmem>>
        %gather3A_690 = tpu.vector_load_idx %gather3A_689[%add3A_18, %broadcast_in_dim3A_661] : memref<64x512xf32, #tpu.memory_space<vmem>>[vector<16xi32>, vector<16xi32>], vector<16xf32>,
        %swap3A_691 = arith.index_cast %while3A_86 : i32 to index
        %swap3A_692 = arith.constant 688 : index
        %swap3A_693 = tpu.vector_load %arg10[%swap3A_691, %swap3A_692] {strides = array<i32>} : memref<2x1024xf32, #tpu.memory_space<vmem>>, vector<16xf32>,
        tpu.vector_store %arg10[%swap3A_691, %swap3A_692], %gather3A_690 {strides = array<i32>} : memref<2x1024xf32, #tpu.memory_space<vmem>>, vector<16xf32>,
        %slice3A_694 = vector.extract_strided_slice %select_n3A_143 {offsets = [10], sizes = [1], strides = [1]} : vector<16xi32> to vector<1xi32>
        %squeeze3A_695 = vector.extract %slice3A_694[0] : i32 from vector<1xi32>
        %mul3A_696 = arith.constant 64 : i32
        %mul3A_697 = arith.muli %squeeze3A_695, %mul3A_696 : i32
        %multiple_of3A_698 = tpu.assume_multiple %mul3A_697, 64 : i32
        %dma_start3A_699 = arith.constant 640 : i32
        %dma_start3A_700 = tpu.memref_slice %arg10[%while3A_86, %dma_start3A_699] : memref<2x1024xf32, #tpu.memory_space<vmem>> -> memref<1x64xf32, #tpu.memory_space<vmem>>
        %dma_start3A_701 = tpu.memref_squeeze %dma_start3A_700 : memref<1x64xf32, #tpu.memory_space<vmem>> -> memref<64xf32, #tpu.memory_space<vmem>>
        %dma_start3A_702 = tpu.memref_slice %arg6[%multiple_of3A_698] : memref<1050624xf32, #tpu.memory_space<hbm>> -> memref<64xf32, #tpu.memory_space<hbm>>
        %dma_start3A_703 = tpu.memref_slice %arg6[%multiple_of3A_698] : memref<1050624xf32, #tpu.memory_space<hbm>> -> memref<64xf32, #tpu.memory_space<hbm>>
        %dma_start3A_704 = arith.constant 640 : i32
        %dma_start3A_705 = tpu.memref_slice %arg10[%while3A_86, %dma_start3A_704] : memref<2x1024xf32, #tpu.memory_space<vmem>> -> memref<1x64xf32, #tpu.memory_space<vmem>>
        %dma_start3A_706 = tpu.memref_squeeze %dma_start3A_705 : memref<1x64xf32, #tpu.memory_space<vmem>> -> memref<64xf32, #tpu.memory_space<vmem>>
        tpu.enqueue_dma source(%dma_start3A_706 : memref<64xf32, #tpu.memory_space<vmem>>) target(%dma_start3A_703 : memref<64xf32, #tpu.memory_space<hbm>>) target_semaphore(%arg12 : memref<!tpu.dma_semaphore, #tpu.memory_space<semaphore_mem>>)
        %slice3A_707 = vector.extract_strided_slice %min3A_182 {offsets = [11], sizes = [1], strides = [1]} : vector<16xi32> to vector<1xi32>
        %squeeze3A_708 = vector.extract %slice3A_707[0] : i32 from vector<1xi32>
        %broadcast_in_dim3A_709 = vector.broadcast %squeeze3A_708 : i32 to vector<16xi32>
        %gather3A_710 = arith.constant 0 : i32
        %gather3A_711 = arith.constant 0 : i32
        %gather3A_712 = tpu.memref_slice %arg9[%while3A_84, %gather3A_710, %gather3A_711] : memref<2x64x512xf32, #tpu.memory_space<vmem>> -> memref<1x64x512xf32, #tpu.memory_space<vmem>>
        %gather3A_713 = tpu.memref_squeeze %gather3A_712 : memref<1x64x512xf32, #tpu.memory_space<vmem>> -> memref<64x512xf32, #tpu.memory_space<vmem>>
        %gather3A_714 = tpu.vector_load_idx %gather3A_713[%add3A_6, %broadcast_in_dim3A_709] : memref<64x512xf32, #tpu.memory_space<vmem>>[vector<16xi32>, vector<16xi32>], vector<16xf32>,
        %swap3A_715 = arith.index_cast %while3A_86 : i32 to index
        %swap3A_716 = arith.constant 704 : index
        %swap3A_717 = tpu.vector_load %arg10[%swap3A_715, %swap3A_716] {strides = array<i32>} : memref<2x1024xf32, #tpu.memory_space<vmem>>, vector<16xf32>,
        tpu.vector_store %arg10[%swap3A_715, %swap3A_716], %gather3A_714 {strides = array<i32>} : memref<2x1024xf32, #tpu.memory_space<vmem>>, vector<16xf32>,
        %gather3A_718 = arith.constant 0 : i32
        %gather3A_719 = arith.constant 0 : i32
        %gather3A_720 = tpu.memref_slice %arg9[%while3A_84, %gather3A_718, %gather3A_719] : memref<2x64x512xf32, #tpu.memory_space<vmem>> -> memref<1x64x512xf32, #tpu.memory_space<vmem>>
        %gather3A_721 = tpu.memref_squeeze %gather3A_720 : memref<1x64x512xf32, #tpu.memory_space<vmem>> -> memref<64x512xf32, #tpu.memory_space<vmem>>
        %gather3A_722 = tpu.vector_load_idx %gather3A_721[%add3A_10, %broadcast_in_dim3A_709] : memref<64x512xf32, #tpu.memory_space<vmem>>[vector<16xi32>, vector<16xi32>], vector<16xf32>,
        %swap3A_723 = arith.index_cast %while3A_86 : i32 to index
        %swap3A_724 = arith.constant 720 : index
        %swap3A_725 = tpu.vector_load %arg10[%swap3A_723, %swap3A_724] {strides = array<i32>} : memref<2x1024xf32, #tpu.memory_space<vmem>>, vector<16xf32>,
        tpu.vector_store %arg10[%swap3A_723, %swap3A_724], %gather3A_722 {strides = array<i32>} : memref<2x1024xf32, #tpu.memory_space<vmem>>, vector<16xf32>,
        %gather3A_726 = arith.constant 0 : i32
        %gather3A_727 = arith.constant 0 : i32
        %gather3A_728 = tpu.memref_slice %arg9[%while3A_84, %gather3A_726, %gather3A_727] : memref<2x64x512xf32, #tpu.memory_space<vmem>> -> memref<1x64x512xf32, #tpu.memory_space<vmem>>
        %gather3A_729 = tpu.memref_squeeze %gather3A_728 : memref<1x64x512xf32, #tpu.memory_space<vmem>> -> memref<64x512xf32, #tpu.memory_space<vmem>>
        %gather3A_730 = tpu.vector_load_idx %gather3A_729[%add3A_14, %broadcast_in_dim3A_709] : memref<64x512xf32, #tpu.memory_space<vmem>>[vector<16xi32>, vector<16xi32>], vector<16xf32>,
        %swap3A_731 = arith.index_cast %while3A_86 : i32 to index
        %swap3A_732 = arith.constant 736 : index
        %swap3A_733 = tpu.vector_load %arg10[%swap3A_731, %swap3A_732] {strides = array<i32>} : memref<2x1024xf32, #tpu.memory_space<vmem>>, vector<16xf32>,
        tpu.vector_store %arg10[%swap3A_731, %swap3A_732], %gather3A_730 {strides = array<i32>} : memref<2x1024xf32, #tpu.memory_space<vmem>>, vector<16xf32>,
        %gather3A_734 = arith.constant 0 : i32
        %gather3A_735 = arith.constant 0 : i32
        %gather3A_736 = tpu.memref_slice %arg9[%while3A_84, %gather3A_734, %gather3A_735] : memref<2x64x512xf32, #tpu.memory_space<vmem>> -> memref<1x64x512xf32, #tpu.memory_space<vmem>>
        %gather3A_737 = tpu.memref_squeeze %gather3A_736 : memref<1x64x512xf32, #tpu.memory_space<vmem>> -> memref<64x512xf32, #tpu.memory_space<vmem>>
        %gather3A_738 = tpu.vector_load_idx %gather3A_737[%add3A_18, %broadcast_in_dim3A_709] : memref<64x512xf32, #tpu.memory_space<vmem>>[vector<16xi32>, vector<16xi32>], vector<16xf32>,
        %swap3A_739 = arith.index_cast %while3A_86 : i32 to index
        %swap3A_740 = arith.constant 752 : index
        %swap3A_741 = tpu.vector_load %arg10[%swap3A_739, %swap3A_740] {strides = array<i32>} : memref<2x1024xf32, #tpu.memory_space<vmem>>, vector<16xf32>,
        tpu.vector_store %arg10[%swap3A_739, %swap3A_740], %gather3A_738 {strides = array<i32>} : memref<2x1024xf32, #tpu.memory_space<vmem>>, vector<16xf32>,
        %slice3A_742 = vector.extract_strided_slice %select_n3A_143 {offsets = [11], sizes = [1], strides = [1]} : vector<16xi32> to vector<1xi32>
        %squeeze3A_743 = vector.extract %slice3A_742[0] : i32 from vector<1xi32>
        %mul3A_744 = arith.constant 64 : i32
        %mul3A_745 = arith.muli %squeeze3A_743, %mul3A_744 : i32
        %multiple_of3A_746 = tpu.assume_multiple %mul3A_745, 64 : i32
        %dma_start3A_747 = arith.constant 704 : i32
        %dma_start3A_748 = tpu.memref_slice %arg10[%while3A_86, %dma_start3A_747] : memref<2x1024xf32, #tpu.memory_space<vmem>> -> memref<1x64xf32, #tpu.memory_space<vmem>>
        %dma_start3A_749 = tpu.memref_squeeze %dma_start3A_748 : memref<1x64xf32, #tpu.memory_space<vmem>> -> memref<64xf32, #tpu.memory_space<vmem>>
        %dma_start3A_750 = tpu.memref_slice %arg6[%multiple_of3A_746] : memref<1050624xf32, #tpu.memory_space<hbm>> -> memref<64xf32, #tpu.memory_space<hbm>>
        %dma_start3A_751 = tpu.memref_slice %arg6[%multiple_of3A_746] : memref<1050624xf32, #tpu.memory_space<hbm>> -> memref<64xf32, #tpu.memory_space<hbm>>
        %dma_start3A_752 = arith.constant 704 : i32
        %dma_start3A_753 = tpu.memref_slice %arg10[%while3A_86, %dma_start3A_752] : memref<2x1024xf32, #tpu.memory_space<vmem>> -> memref<1x64xf32, #tpu.memory_space<vmem>>
        %dma_start3A_754 = tpu.memref_squeeze %dma_start3A_753 : memref<1x64xf32, #tpu.memory_space<vmem>> -> memref<64xf32, #tpu.memory_space<vmem>>
        tpu.enqueue_dma source(%dma_start3A_754 : memref<64xf32, #tpu.memory_space<vmem>>) target(%dma_start3A_751 : memref<64xf32, #tpu.memory_space<hbm>>) target_semaphore(%arg12 : memref<!tpu.dma_semaphore, #tpu.memory_space<semaphore_mem>>)
        %slice3A_755 = vector.extract_strided_slice %min3A_182 {offsets = [12], sizes = [1], strides = [1]} : vector<16xi32> to vector<1xi32>
        %squeeze3A_756 = vector.extract %slice3A_755[0] : i32 from vector<1xi32>
        %broadcast_in_dim3A_757 = vector.broadcast %squeeze3A_756 : i32 to vector<16xi32>
        %gather3A_758 = arith.constant 0 : i32
        %gather3A_759 = arith.constant 0 : i32
        %gather3A_760 = tpu.memref_slice %arg9[%while3A_84, %gather3A_758, %gather3A_759] : memref<2x64x512xf32, #tpu.memory_space<vmem>> -> memref<1x64x512xf32, #tpu.memory_space<vmem>>
        %gather3A_761 = tpu.memref_squeeze %gather3A_760 : memref<1x64x512xf32, #tpu.memory_space<vmem>> -> memref<64x512xf32, #tpu.memory_space<vmem>>
        %gather3A_762 = tpu.vector_load_idx %gather3A_761[%add3A_6, %broadcast_in_dim3A_757] : memref<64x512xf32, #tpu.memory_space<vmem>>[vector<16xi32>, vector<16xi32>], vector<16xf32>,
        %swap3A_763 = arith.index_cast %while3A_86 : i32 to index
        %swap3A_764 = arith.constant 768 : index
        %swap3A_765 = tpu.vector_load %arg10[%swap3A_763, %swap3A_764] {strides = array<i32>} : memref<2x1024xf32, #tpu.memory_space<vmem>>, vector<16xf32>,
        tpu.vector_store %arg10[%swap3A_763, %swap3A_764], %gather3A_762 {strides = array<i32>} : memref<2x1024xf32, #tpu.memory_space<vmem>>, vector<16xf32>,
        %gather3A_766 = arith.constant 0 : i32
        %gather3A_767 = arith.constant 0 : i32
        %gather3A_768 = tpu.memref_slice %arg9[%while3A_84, %gather3A_766, %gather3A_767] : memref<2x64x512xf32, #tpu.memory_space<vmem>> -> memref<1x64x512xf32, #tpu.memory_space<vmem>>
        %gather3A_769 = tpu.memref_squeeze %gather3A_768 : memref<1x64x512xf32, #tpu.memory_space<vmem>> -> memref<64x512xf32, #tpu.memory_space<vmem>>
        %gather3A_770 = tpu.vector_load_idx %gather3A_769[%add3A_10, %broadcast_in_dim3A_757] : memref<64x512xf32, #tpu.memory_space<vmem>>[vector<16xi32>, vector<16xi32>], vector<16xf32>,
        %swap3A_771 = arith.index_cast %while3A_86 : i32 to index
        %swap3A_772 = arith.constant 784 : index
        %swap3A_773 = tpu.vector_load %arg10[%swap3A_771, %swap3A_772] {strides = array<i32>} : memref<2x1024xf32, #tpu.memory_space<vmem>>, vector<16xf32>,
        tpu.vector_store %arg10[%swap3A_771, %swap3A_772], %gather3A_770 {strides = array<i32>} : memref<2x1024xf32, #tpu.memory_space<vmem>>, vector<16xf32>,
        %gather3A_774 = arith.constant 0 : i32
        %gather3A_775 = arith.constant 0 : i32
        %gather3A_776 = tpu.memref_slice %arg9[%while3A_84, %gather3A_774, %gather3A_775] : memref<2x64x512xf32, #tpu.memory_space<vmem>> -> memref<1x64x512xf32, #tpu.memory_space<vmem>>
        %gather3A_777 = tpu.memref_squeeze %gather3A_776 : memref<1x64x512xf32, #tpu.memory_space<vmem>> -> memref<64x512xf32, #tpu.memory_space<vmem>>
        %gather3A_778 = tpu.vector_load_idx %gather3A_777[%add3A_14, %broadcast_in_dim3A_757] : memref<64x512xf32, #tpu.memory_space<vmem>>[vector<16xi32>, vector<16xi32>], vector<16xf32>,
        %swap3A_779 = arith.index_cast %while3A_86 : i32 to index
        %swap3A_780 = arith.constant 800 : index
        %swap3A_781 = tpu.vector_load %arg10[%swap3A_779, %swap3A_780] {strides = array<i32>} : memref<2x1024xf32, #tpu.memory_space<vmem>>, vector<16xf32>,
        tpu.vector_store %arg10[%swap3A_779, %swap3A_780], %gather3A_778 {strides = array<i32>} : memref<2x1024xf32, #tpu.memory_space<vmem>>, vector<16xf32>,
        %gather3A_782 = arith.constant 0 : i32
        %gather3A_783 = arith.constant 0 : i32
        %gather3A_784 = tpu.memref_slice %arg9[%while3A_84, %gather3A_782, %gather3A_783] : memref<2x64x512xf32, #tpu.memory_space<vmem>> -> memref<1x64x512xf32, #tpu.memory_space<vmem>>
        %gather3A_785 = tpu.memref_squeeze %gather3A_784 : memref<1x64x512xf32, #tpu.memory_space<vmem>> -> memref<64x512xf32, #tpu.memory_space<vmem>>
        %gather3A_786 = tpu.vector_load_idx %gather3A_785[%add3A_18, %broadcast_in_dim3A_757] : memref<64x512xf32, #tpu.memory_space<vmem>>[vector<16xi32>, vector<16xi32>], vector<16xf32>,
        %swap3A_787 = arith.index_cast %while3A_86 : i32 to index
        %swap3A_788 = arith.constant 816 : index
        %swap3A_789 = tpu.vector_load %arg10[%swap3A_787, %swap3A_788] {strides = array<i32>} : memref<2x1024xf32, #tpu.memory_space<vmem>>, vector<16xf32>,
        tpu.vector_store %arg10[%swap3A_787, %swap3A_788], %gather3A_786 {strides = array<i32>} : memref<2x1024xf32, #tpu.memory_space<vmem>>, vector<16xf32>,
        %slice3A_790 = vector.extract_strided_slice %select_n3A_143 {offsets = [12], sizes = [1], strides = [1]} : vector<16xi32> to vector<1xi32>
        %squeeze3A_791 = vector.extract %slice3A_790[0] : i32 from vector<1xi32>
        %mul3A_792 = arith.constant 64 : i32
        %mul3A_793 = arith.muli %squeeze3A_791, %mul3A_792 : i32
        %multiple_of3A_794 = tpu.assume_multiple %mul3A_793, 64 : i32
        %dma_start3A_795 = arith.constant 768 : i32
        %dma_start3A_796 = tpu.memref_slice %arg10[%while3A_86, %dma_start3A_795] : memref<2x1024xf32, #tpu.memory_space<vmem>> -> memref<1x64xf32, #tpu.memory_space<vmem>>
        %dma_start3A_797 = tpu.memref_squeeze %dma_start3A_796 : memref<1x64xf32, #tpu.memory_space<vmem>> -> memref<64xf32, #tpu.memory_space<vmem>>
        %dma_start3A_798 = tpu.memref_slice %arg6[%multiple_of3A_794] : memref<1050624xf32, #tpu.memory_space<hbm>> -> memref<64xf32, #tpu.memory_space<hbm>>
        %dma_start3A_799 = tpu.memref_slice %arg6[%multiple_of3A_794] : memref<1050624xf32, #tpu.memory_space<hbm>> -> memref<64xf32, #tpu.memory_space<hbm>>
        %dma_start3A_800 = arith.constant 768 : i32
        %dma_start3A_801 = tpu.memref_slice %arg10[%while3A_86, %dma_start3A_800] : memref<2x1024xf32, #tpu.memory_space<vmem>> -> memref<1x64xf32, #tpu.memory_space<vmem>>
        %dma_start3A_802 = tpu.memref_squeeze %dma_start3A_801 : memref<1x64xf32, #tpu.memory_space<vmem>> -> memref<64xf32, #tpu.memory_space<vmem>>
        tpu.enqueue_dma source(%dma_start3A_802 : memref<64xf32, #tpu.memory_space<vmem>>) target(%dma_start3A_799 : memref<64xf32, #tpu.memory_space<hbm>>) target_semaphore(%arg12 : memref<!tpu.dma_semaphore, #tpu.memory_space<semaphore_mem>>)
        %slice3A_803 = vector.extract_strided_slice %min3A_182 {offsets = [13], sizes = [1], strides = [1]} : vector<16xi32> to vector<1xi32>
        %squeeze3A_804 = vector.extract %slice3A_803[0] : i32 from vector<1xi32>
        %broadcast_in_dim3A_805 = vector.broadcast %squeeze3A_804 : i32 to vector<16xi32>
        %gather3A_806 = arith.constant 0 : i32
        %gather3A_807 = arith.constant 0 : i32
        %gather3A_808 = tpu.memref_slice %arg9[%while3A_84, %gather3A_806, %gather3A_807] : memref<2x64x512xf32, #tpu.memory_space<vmem>> -> memref<1x64x512xf32, #tpu.memory_space<vmem>>
        %gather3A_809 = tpu.memref_squeeze %gather3A_808 : memref<1x64x512xf32, #tpu.memory_space<vmem>> -> memref<64x512xf32, #tpu.memory_space<vmem>>
        %gather3A_810 = tpu.vector_load_idx %gather3A_809[%add3A_6, %broadcast_in_dim3A_805] : memref<64x512xf32, #tpu.memory_space<vmem>>[vector<16xi32>, vector<16xi32>], vector<16xf32>,
        %swap3A_811 = arith.index_cast %while3A_86 : i32 to index
        %swap3A_812 = arith.constant 832 : index
        %swap3A_813 = tpu.vector_load %arg10[%swap3A_811, %swap3A_812] {strides = array<i32>} : memref<2x1024xf32, #tpu.memory_space<vmem>>, vector<16xf32>,
        tpu.vector_store %arg10[%swap3A_811, %swap3A_812], %gather3A_810 {strides = array<i32>} : memref<2x1024xf32, #tpu.memory_space<vmem>>, vector<16xf32>,
        %gather3A_814 = arith.constant 0 : i32
        %gather3A_815 = arith.constant 0 : i32
        %gather3A_816 = tpu.memref_slice %arg9[%while3A_84, %gather3A_814, %gather3A_815] : memref<2x64x512xf32, #tpu.memory_space<vmem>> -> memref<1x64x512xf32, #tpu.memory_space<vmem>>
        %gather3A_817 = tpu.memref_squeeze %gather3A_816 : memref<1x64x512xf32, #tpu.memory_space<vmem>> -> memref<64x512xf32, #tpu.memory_space<vmem>>
        %gather3A_818 = tpu.vector_load_idx %gather3A_817[%add3A_10, %broadcast_in_dim3A_805] : memref<64x512xf32, #tpu.memory_space<vmem>>[vector<16xi32>, vector<16xi32>], vector<16xf32>,
        %swap3A_819 = arith.index_cast %while3A_86 : i32 to index
        %swap3A_820 = arith.constant 848 : index
        %swap3A_821 = tpu.vector_load %arg10[%swap3A_819, %swap3A_820] {strides = array<i32>} : memref<2x1024xf32, #tpu.memory_space<vmem>>, vector<16xf32>,
        tpu.vector_store %arg10[%swap3A_819, %swap3A_820], %gather3A_818 {strides = array<i32>} : memref<2x1024xf32, #tpu.memory_space<vmem>>, vector<16xf32>,
        %gather3A_822 = arith.constant 0 : i32
        %gather3A_823 = arith.constant 0 : i32
        %gather3A_824 = tpu.memref_slice %arg9[%while3A_84, %gather3A_822, %gather3A_823] : memref<2x64x512xf32, #tpu.memory_space<vmem>> -> memref<1x64x512xf32, #tpu.memory_space<vmem>>
        %gather3A_825 = tpu.memref_squeeze %gather3A_824 : memref<1x64x512xf32, #tpu.memory_space<vmem>> -> memref<64x512xf32, #tpu.memory_space<vmem>>
        %gather3A_826 = tpu.vector_load_idx %gather3A_825[%add3A_14, %broadcast_in_dim3A_805] : memref<64x512xf32, #tpu.memory_space<vmem>>[vector<16xi32>, vector<16xi32>], vector<16xf32>,
        %swap3A_827 = arith.index_cast %while3A_86 : i32 to index
        %swap3A_828 = arith.constant 864 : index
        %swap3A_829 = tpu.vector_load %arg10[%swap3A_827, %swap3A_828] {strides = array<i32>} : memref<2x1024xf32, #tpu.memory_space<vmem>>, vector<16xf32>,
        tpu.vector_store %arg10[%swap3A_827, %swap3A_828], %gather3A_826 {strides = array<i32>} : memref<2x1024xf32, #tpu.memory_space<vmem>>, vector<16xf32>,
        %gather3A_830 = arith.constant 0 : i32
        %gather3A_831 = arith.constant 0 : i32
        %gather3A_832 = tpu.memref_slice %arg9[%while3A_84, %gather3A_830, %gather3A_831] : memref<2x64x512xf32, #tpu.memory_space<vmem>> -> memref<1x64x512xf32, #tpu.memory_space<vmem>>
        %gather3A_833 = tpu.memref_squeeze %gather3A_832 : memref<1x64x512xf32, #tpu.memory_space<vmem>> -> memref<64x512xf32, #tpu.memory_space<vmem>>
        %gather3A_834 = tpu.vector_load_idx %gather3A_833[%add3A_18, %broadcast_in_dim3A_805] : memref<64x512xf32, #tpu.memory_space<vmem>>[vector<16xi32>, vector<16xi32>], vector<16xf32>,
        %swap3A_835 = arith.index_cast %while3A_86 : i32 to index
        %swap3A_836 = arith.constant 880 : index
        %swap3A_837 = tpu.vector_load %arg10[%swap3A_835, %swap3A_836] {strides = array<i32>} : memref<2x1024xf32, #tpu.memory_space<vmem>>, vector<16xf32>,
        tpu.vector_store %arg10[%swap3A_835, %swap3A_836], %gather3A_834 {strides = array<i32>} : memref<2x1024xf32, #tpu.memory_space<vmem>>, vector<16xf32>,
        %slice3A_838 = vector.extract_strided_slice %select_n3A_143 {offsets = [13], sizes = [1], strides = [1]} : vector<16xi32> to vector<1xi32>
        %squeeze3A_839 = vector.extract %slice3A_838[0] : i32 from vector<1xi32>
        %mul3A_840 = arith.constant 64 : i32
        %mul3A_841 = arith.muli %squeeze3A_839, %mul3A_840 : i32
        %multiple_of3A_842 = tpu.assume_multiple %mul3A_841, 64 : i32
        %dma_start3A_843 = arith.constant 832 : i32
        %dma_start3A_844 = tpu.memref_slice %arg10[%while3A_86, %dma_start3A_843] : memref<2x1024xf32, #tpu.memory_space<vmem>> -> memref<1x64xf32, #tpu.memory_space<vmem>>
        %dma_start3A_845 = tpu.memref_squeeze %dma_start3A_844 : memref<1x64xf32, #tpu.memory_space<vmem>> -> memref<64xf32, #tpu.memory_space<vmem>>
        %dma_start3A_846 = tpu.memref_slice %arg6[%multiple_of3A_842] : memref<1050624xf32, #tpu.memory_space<hbm>> -> memref<64xf32, #tpu.memory_space<hbm>>
        %dma_start3A_847 = tpu.memref_slice %arg6[%multiple_of3A_842] : memref<1050624xf32, #tpu.memory_space<hbm>> -> memref<64xf32, #tpu.memory_space<hbm>>
        %dma_start3A_848 = arith.constant 832 : i32
        %dma_start3A_849 = tpu.memref_slice %arg10[%while3A_86, %dma_start3A_848] : memref<2x1024xf32, #tpu.memory_space<vmem>> -> memref<1x64xf32, #tpu.memory_space<vmem>>
        %dma_start3A_850 = tpu.memref_squeeze %dma_start3A_849 : memref<1x64xf32, #tpu.memory_space<vmem>> -> memref<64xf32, #tpu.memory_space<vmem>>
        tpu.enqueue_dma source(%dma_start3A_850 : memref<64xf32, #tpu.memory_space<vmem>>) target(%dma_start3A_847 : memref<64xf32, #tpu.memory_space<hbm>>) target_semaphore(%arg12 : memref<!tpu.dma_semaphore, #tpu.memory_space<semaphore_mem>>)
        %slice3A_851 = vector.extract_strided_slice %min3A_182 {offsets = [14], sizes = [1], strides = [1]} : vector<16xi32> to vector<1xi32>
        %squeeze3A_852 = vector.extract %slice3A_851[0] : i32 from vector<1xi32>
        %broadcast_in_dim3A_853 = vector.broadcast %squeeze3A_852 : i32 to vector<16xi32>
        %gather3A_854 = arith.constant 0 : i32
        %gather3A_855 = arith.constant 0 : i32
        %gather3A_856 = tpu.memref_slice %arg9[%while3A_84, %gather3A_854, %gather3A_855] : memref<2x64x512xf32, #tpu.memory_space<vmem>> -> memref<1x64x512xf32, #tpu.memory_space<vmem>>
        %gather3A_857 = tpu.memref_squeeze %gather3A_856 : memref<1x64x512xf32, #tpu.memory_space<vmem>> -> memref<64x512xf32, #tpu.memory_space<vmem>>
        %gather3A_858 = tpu.vector_load_idx %gather3A_857[%add3A_6, %broadcast_in_dim3A_853] : memref<64x512xf32, #tpu.memory_space<vmem>>[vector<16xi32>, vector<16xi32>], vector<16xf32>,
        %swap3A_859 = arith.index_cast %while3A_86 : i32 to index
        %swap3A_860 = arith.constant 896 : index
        %swap3A_861 = tpu.vector_load %arg10[%swap3A_859, %swap3A_860] {strides = array<i32>} : memref<2x1024xf32, #tpu.memory_space<vmem>>, vector<16xf32>,
        tpu.vector_store %arg10[%swap3A_859, %swap3A_860], %gather3A_858 {strides = array<i32>} : memref<2x1024xf32, #tpu.memory_space<vmem>>, vector<16xf32>,
        %gather3A_862 = arith.constant 0 : i32
        %gather3A_863 = arith.constant 0 : i32
        %gather3A_864 = tpu.memref_slice %arg9[%while3A_84, %gather3A_862, %gather3A_863] : memref<2x64x512xf32, #tpu.memory_space<vmem>> -> memref<1x64x512xf32, #tpu.memory_space<vmem>>
        %gather3A_865 = tpu.memref_squeeze %gather3A_864 : memref<1x64x512xf32, #tpu.memory_space<vmem>> -> memref<64x512xf32, #tpu.memory_space<vmem>>
        %gather3A_866 = tpu.vector_load_idx %gather3A_865[%add3A_10, %broadcast_in_dim3A_853] : memref<64x512xf32, #tpu.memory_space<vmem>>[vector<16xi32>, vector<16xi32>], vector<16xf32>,
        %swap3A_867 = arith.index_cast %while3A_86 : i32 to index
        %swap3A_868 = arith.constant 912 : index
        %swap3A_869 = tpu.vector_load %arg10[%swap3A_867, %swap3A_868] {strides = array<i32>} : memref<2x1024xf32, #tpu.memory_space<vmem>>, vector<16xf32>,
        tpu.vector_store %arg10[%swap3A_867, %swap3A_868], %gather3A_866 {strides = array<i32>} : memref<2x1024xf32, #tpu.memory_space<vmem>>, vector<16xf32>,
        %gather3A_870 = arith.constant 0 : i32
        %gather3A_871 = arith.constant 0 : i32
        %gather3A_872 = tpu.memref_slice %arg9[%while3A_84, %gather3A_870, %gather3A_871] : memref<2x64x512xf32, #tpu.memory_space<vmem>> -> memref<1x64x512xf32, #tpu.memory_space<vmem>>
        %gather3A_873 = tpu.memref_squeeze %gather3A_872 : memref<1x64x512xf32, #tpu.memory_space<vmem>> -> memref<64x512xf32, #tpu.memory_space<vmem>>
        %gather3A_874 = tpu.vector_load_idx %gather3A_873[%add3A_14, %broadcast_in_dim3A_853] : memref<64x512xf32, #tpu.memory_space<vmem>>[vector<16xi32>, vector<16xi32>], vector<16xf32>,
        %swap3A_875 = arith.index_cast %while3A_86 : i32 to index
        %swap3A_876 = arith.constant 928 : index
        %swap3A_877 = tpu.vector_load %arg10[%swap3A_875, %swap3A_876] {strides = array<i32>} : memref<2x1024xf32, #tpu.memory_space<vmem>>, vector<16xf32>,
        tpu.vector_store %arg10[%swap3A_875, %swap3A_876], %gather3A_874 {strides = array<i32>} : memref<2x1024xf32, #tpu.memory_space<vmem>>, vector<16xf32>,
        %gather3A_878 = arith.constant 0 : i32
        %gather3A_879 = arith.constant 0 : i32
        %gather3A_880 = tpu.memref_slice %arg9[%while3A_84, %gather3A_878, %gather3A_879] : memref<2x64x512xf32, #tpu.memory_space<vmem>> -> memref<1x64x512xf32, #tpu.memory_space<vmem>>
        %gather3A_881 = tpu.memref_squeeze %gather3A_880 : memref<1x64x512xf32, #tpu.memory_space<vmem>> -> memref<64x512xf32, #tpu.memory_space<vmem>>
        %gather3A_882 = tpu.vector_load_idx %gather3A_881[%add3A_18, %broadcast_in_dim3A_853] : memref<64x512xf32, #tpu.memory_space<vmem>>[vector<16xi32>, vector<16xi32>], vector<16xf32>,
        %swap3A_883 = arith.index_cast %while3A_86 : i32 to index
        %swap3A_884 = arith.constant 944 : index
        %swap3A_885 = tpu.vector_load %arg10[%swap3A_883, %swap3A_884] {strides = array<i32>} : memref<2x1024xf32, #tpu.memory_space<vmem>>, vector<16xf32>,
        tpu.vector_store %arg10[%swap3A_883, %swap3A_884], %gather3A_882 {strides = array<i32>} : memref<2x1024xf32, #tpu.memory_space<vmem>>, vector<16xf32>,
        %slice3A_886 = vector.extract_strided_slice %select_n3A_143 {offsets = [14], sizes = [1], strides = [1]} : vector<16xi32> to vector<1xi32>
        %squeeze3A_887 = vector.extract %slice3A_886[0] : i32 from vector<1xi32>
        %mul3A_888 = arith.constant 64 : i32
        %mul3A_889 = arith.muli %squeeze3A_887, %mul3A_888 : i32
        %multiple_of3A_890 = tpu.assume_multiple %mul3A_889, 64 : i32
        %dma_start3A_891 = arith.constant 896 : i32
        %dma_start3A_892 = tpu.memref_slice %arg10[%while3A_86, %dma_start3A_891] : memref<2x1024xf32, #tpu.memory_space<vmem>> -> memref<1x64xf32, #tpu.memory_space<vmem>>
        %dma_start3A_893 = tpu.memref_squeeze %dma_start3A_892 : memref<1x64xf32, #tpu.memory_space<vmem>> -> memref<64xf32, #tpu.memory_space<vmem>>
        %dma_start3A_894 = tpu.memref_slice %arg6[%multiple_of3A_890] : memref<1050624xf32, #tpu.memory_space<hbm>> -> memref<64xf32, #tpu.memory_space<hbm>>
        %dma_start3A_895 = tpu.memref_slice %arg6[%multiple_of3A_890] : memref<1050624xf32, #tpu.memory_space<hbm>> -> memref<64xf32, #tpu.memory_space<hbm>>
        %dma_start3A_896 = arith.constant 896 : i32
        %dma_start3A_897 = tpu.memref_slice %arg10[%while3A_86, %dma_start3A_896] : memref<2x1024xf32, #tpu.memory_space<vmem>> -> memref<1x64xf32, #tpu.memory_space<vmem>>
        %dma_start3A_898 = tpu.memref_squeeze %dma_start3A_897 : memref<1x64xf32, #tpu.memory_space<vmem>> -> memref<64xf32, #tpu.memory_space<vmem>>
        tpu.enqueue_dma source(%dma_start3A_898 : memref<64xf32, #tpu.memory_space<vmem>>) target(%dma_start3A_895 : memref<64xf32, #tpu.memory_space<hbm>>) target_semaphore(%arg12 : memref<!tpu.dma_semaphore, #tpu.memory_space<semaphore_mem>>)
        %slice3A_899 = vector.extract_strided_slice %min3A_182 {offsets = [15], sizes = [1], strides = [1]} : vector<16xi32> to vector<1xi32>
        %squeeze3A_900 = vector.extract %slice3A_899[0] : i32 from vector<1xi32>
        %broadcast_in_dim3A_901 = vector.broadcast %squeeze3A_900 : i32 to vector<16xi32>
        %gather3A_902 = arith.constant 0 : i32
        %gather3A_903 = arith.constant 0 : i32
        %gather3A_904 = tpu.memref_slice %arg9[%while3A_84, %gather3A_902, %gather3A_903] : memref<2x64x512xf32, #tpu.memory_space<vmem>> -> memref<1x64x512xf32, #tpu.memory_space<vmem>>
        %gather3A_905 = tpu.memref_squeeze %gather3A_904 : memref<1x64x512xf32, #tpu.memory_space<vmem>> -> memref<64x512xf32, #tpu.memory_space<vmem>>
        %gather3A_906 = tpu.vector_load_idx %gather3A_905[%add3A_6, %broadcast_in_dim3A_901] : memref<64x512xf32, #tpu.memory_space<vmem>>[vector<16xi32>, vector<16xi32>], vector<16xf32>,
        %swap3A_907 = arith.index_cast %while3A_86 : i32 to index
        %swap3A_908 = arith.constant 960 : index
        %swap3A_909 = tpu.vector_load %arg10[%swap3A_907, %swap3A_908] {strides = array<i32>} : memref<2x1024xf32, #tpu.memory_space<vmem>>, vector<16xf32>,
        tpu.vector_store %arg10[%swap3A_907, %swap3A_908], %gather3A_906 {strides = array<i32>} : memref<2x1024xf32, #tpu.memory_space<vmem>>, vector<16xf32>,
        %gather3A_910 = arith.constant 0 : i32
        %gather3A_911 = arith.constant 0 : i32
        %gather3A_912 = tpu.memref_slice %arg9[%while3A_84, %gather3A_910, %gather3A_911] : memref<2x64x512xf32, #tpu.memory_space<vmem>> -> memref<1x64x512xf32, #tpu.memory_space<vmem>>
        %gather3A_913 = tpu.memref_squeeze %gather3A_912 : memref<1x64x512xf32, #tpu.memory_space<vmem>> -> memref<64x512xf32, #tpu.memory_space<vmem>>
        %gather3A_914 = tpu.vector_load_idx %gather3A_913[%add3A_10, %broadcast_in_dim3A_901] : memref<64x512xf32, #tpu.memory_space<vmem>>[vector<16xi32>, vector<16xi32>], vector<16xf32>,
        %swap3A_915 = arith.index_cast %while3A_86 : i32 to index
        %swap3A_916 = arith.constant 976 : index
        %swap3A_917 = tpu.vector_load %arg10[%swap3A_915, %swap3A_916] {strides = array<i32>} : memref<2x1024xf32, #tpu.memory_space<vmem>>, vector<16xf32>,
        tpu.vector_store %arg10[%swap3A_915, %swap3A_916], %gather3A_914 {strides = array<i32>} : memref<2x1024xf32, #tpu.memory_space<vmem>>, vector<16xf32>,
        %gather3A_918 = arith.constant 0 : i32
        %gather3A_919 = arith.constant 0 : i32
        %gather3A_920 = tpu.memref_slice %arg9[%while3A_84, %gather3A_918, %gather3A_919] : memref<2x64x512xf32, #tpu.memory_space<vmem>> -> memref<1x64x512xf32, #tpu.memory_space<vmem>>
        %gather3A_921 = tpu.memref_squeeze %gather3A_920 : memref<1x64x512xf32, #tpu.memory_space<vmem>> -> memref<64x512xf32, #tpu.memory_space<vmem>>
        %gather3A_922 = tpu.vector_load_idx %gather3A_921[%add3A_14, %broadcast_in_dim3A_901] : memref<64x512xf32, #tpu.memory_space<vmem>>[vector<16xi32>, vector<16xi32>], vector<16xf32>,
        %swap3A_923 = arith.index_cast %while3A_86 : i32 to index
        %swap3A_924 = arith.constant 992 : index
        %swap3A_925 = tpu.vector_load %arg10[%swap3A_923, %swap3A_924] {strides = array<i32>} : memref<2x1024xf32, #tpu.memory_space<vmem>>, vector<16xf32>,
        tpu.vector_store %arg10[%swap3A_923, %swap3A_924], %gather3A_922 {strides = array<i32>} : memref<2x1024xf32, #tpu.memory_space<vmem>>, vector<16xf32>,
        %gather3A_926 = arith.constant 0 : i32
        %gather3A_927 = arith.constant 0 : i32
        %gather3A_928 = tpu.memref_slice %arg9[%while3A_84, %gather3A_926, %gather3A_927] : memref<2x64x512xf32, #tpu.memory_space<vmem>> -> memref<1x64x512xf32, #tpu.memory_space<vmem>>
        %gather3A_929 = tpu.memref_squeeze %gather3A_928 : memref<1x64x512xf32, #tpu.memory_space<vmem>> -> memref<64x512xf32, #tpu.memory_space<vmem>>
        %gather3A_930 = tpu.vector_load_idx %gather3A_929[%add3A_18, %broadcast_in_dim3A_901] : memref<64x512xf32, #tpu.memory_space<vmem>>[vector<16xi32>, vector<16xi32>], vector<16xf32>,
        %swap3A_931 = arith.index_cast %while3A_86 : i32 to index
        %swap3A_932 = arith.constant 1008 : index
        %swap3A_933 = tpu.vector_load %arg10[%swap3A_931, %swap3A_932] {strides = array<i32>} : memref<2x1024xf32, #tpu.memory_space<vmem>>, vector<16xf32>,
        tpu.vector_store %arg10[%swap3A_931, %swap3A_932], %gather3A_930 {strides = array<i32>} : memref<2x1024xf32, #tpu.memory_space<vmem>>, vector<16xf32>,
        %slice3A_934 = vector.extract_strided_slice %select_n3A_143 {offsets = [15], sizes = [1], strides = [1]} : vector<16xi32> to vector<1xi32>
        %squeeze3A_935 = vector.extract %slice3A_934[0] : i32 from vector<1xi32>
        %mul3A_936 = arith.constant 64 : i32
        %mul3A_937 = arith.muli %squeeze3A_935, %mul3A_936 : i32
        %multiple_of3A_938 = tpu.assume_multiple %mul3A_937, 64 : i32
        %dma_start3A_939 = arith.constant 960 : i32
        %dma_start3A_940 = tpu.memref_slice %arg10[%while3A_86, %dma_start3A_939] : memref<2x1024xf32, #tpu.memory_space<vmem>> -> memref<1x64xf32, #tpu.memory_space<vmem>>
        %dma_start3A_941 = tpu.memref_squeeze %dma_start3A_940 : memref<1x64xf32, #tpu.memory_space<vmem>> -> memref<64xf32, #tpu.memory_space<vmem>>
        %dma_start3A_942 = tpu.memref_slice %arg6[%multiple_of3A_938] : memref<1050624xf32, #tpu.memory_space<hbm>> -> memref<64xf32, #tpu.memory_space<hbm>>
        %dma_start3A_943 = tpu.memref_slice %arg6[%multiple_of3A_938] : memref<1050624xf32, #tpu.memory_space<hbm>> -> memref<64xf32, #tpu.memory_space<hbm>>
        %dma_start3A_944 = arith.constant 960 : i32
        %dma_start3A_945 = tpu.memref_slice %arg10[%while3A_86, %dma_start3A_944] : memref<2x1024xf32, #tpu.memory_space<vmem>> -> memref<1x64xf32, #tpu.memory_space<vmem>>
        %dma_start3A_946 = tpu.memref_squeeze %dma_start3A_945 : memref<1x64xf32, #tpu.memory_space<vmem>> -> memref<64xf32, #tpu.memory_space<vmem>>
        tpu.enqueue_dma source(%dma_start3A_946 : memref<64xf32, #tpu.memory_space<vmem>>) target(%dma_start3A_943 : memref<64xf32, #tpu.memory_space<hbm>>) target_semaphore(%arg12 : memref<!tpu.dma_semaphore, #tpu.memory_space<semaphore_mem>>)
      } else {
      }
      %sub3A_157 = arith.constant 1 : i32
      %sub3A_158 = arith.subi %sub3A_157, %while3A_86 : i32
      %select_n3A_159 = arith.select %reduce_or3A_153, %sub3A_158, %while3A_86 : i32
      %jit3A_160 = arith.constant 1 : i32
      %select_n3A_161 = arith.select %reduce_or3A_153, %jit3A_160, %while3A_87 : i32
      %reduce_max3A = arith.constant true
      %reduce_max3A_162 = vector.broadcast %reduce_max3A : i1 to vector<16xi1>
      %reduce_max3A_163 = arith.constant -2147483648 : i32
      %reduce_max3A_164 = vector.broadcast %reduce_max3A_163 : i32 to vector<16xi32>
      %reduce_max3A_165 = arith.xori %select_n3A_136, %reduce_max3A_164 : vector<16xi32>
      %reduce_max3A_166 = tpu.scan <max>, %reduce_max3A_165 masked %reduce_max3A_162 : vector<16xi32>, vector<16xi1> -> vector<16xi32>
      %reduce_max3A_167 = arith.xori %reduce_max3A_166, %reduce_max3A_164 : vector<16xi32>
      %reduce_max3A_168 = vector.extract %reduce_max3A_167[15] : i32 from vector<16xi32>
      %while3A_169:5 = scf.while (%while3A_170 = %while3A_83, %while3A_171 = %while3A_84, %while3A_172 = %while3A_85, %while3A_173 = %select_n3A_159, %while3A_174 = %select_n3A_161) : (i32, i32, i32, i32, i32) -> (i32, i32, i32, i32, i32) {
        %lt3A_175 = arith.cmpi slt, %while3A_170, %reduce_max3A_168 : i32
        scf.condition(%lt3A_175) %while3A_170, %while3A_171, %while3A_172, %while3A_173, %while3A_174 : i32, i32, i32, i32, i32
      } do {
      ^bb0(%while3A_170: i32, %while3A_171: i32, %while3A_172: i32, %while3A_173: i32, %while3A_174: i32):
        %gt3A = vector.broadcast %while3A_170 : i32 to vector<16xi32>
        %gt3A_175 = arith.cmpi sgt, %select_n3A_136, %gt3A : vector<16xi32>
        %jit3A_176 = arith.constant 1073741824 : i32
        %broadcast_in_dim3A_177 = vector.broadcast %jit3A_176 : i32 to vector<16xi32>
        %select_n3A_178 = arith.select %gt3A_175, %select_n3A_136, %broadcast_in_dim3A_177 : vector<16xi1>, vector<16xi32>
        %reduce_min3A = arith.constant true
        %reduce_min3A_179 = vector.broadcast %reduce_min3A : i1 to vector<16xi1>
        %reduce_min3A_180 = arith.constant -2147483648 : i32
        %reduce_min3A_181 = vector.broadcast %reduce_min3A_180 : i32 to vector<16xi32>
        %reduce_min3A_182 = arith.xori %select_n3A_178, %reduce_min3A_181 : vector<16xi32>
        %reduce_min3A_183 = tpu.scan <min>, %reduce_min3A_182 masked %reduce_min3A_179 : vector<16xi32>, vector<16xi1> -> vector<16xi32>
        %reduce_min3A_184 = arith.xori %reduce_min3A_183, %reduce_min3A_181 : vector<16xi32>
        %reduce_min3A_185 = vector.extract %reduce_min3A_184[15] : i32 from vector<16xi32>
        %eq3A_186 = arith.constant 1 : i32
        %eq3A_187 = arith.cmpi eq, %while3A_172, %eq3A_186 : i32
        %add3A_188 = arith.constant 1 : i32
        %add3A_189 = arith.addi %while3A_170, %add3A_188 : i32
        %eq3A_190 = arith.cmpi eq, %reduce_min3A_185, %add3A_189 : i32
        %and3A_191 = arith.andi %eq3A_187, %eq3A_190 : i1
        %eq3A_192 = arith.constant 1 : i32
        %eq3A_193 = arith.cmpi eq, %while3A_172, %eq3A_192 : i32
        %convert_element_type3A_194 = arith.extui %eq3A_193 : i1 to i32
        %cond3A_195 = arith.constant 0 : i32
        %cond3A_196 = arith.cmpi ne, %convert_element_type3A_194, %cond3A_195 : i32
        scf.if %cond3A_196 {
          %dma_wait3A = arith.constant 0 : i32
          %dma_wait3A_239 = arith.constant 0 : i32
          %dma_wait3A_240 = arith.constant 0 : i32
          %dma_wait3A_241 = tpu.memref_slice %arg9[%dma_wait3A, %dma_wait3A_239, %dma_wait3A_240] : memref<2x64x512xf32, #tpu.memory_space<vmem>> -> memref<1x64x512xf32, #tpu.memory_space<vmem>>
          %dma_wait3A_242 = tpu.memref_squeeze %dma_wait3A_241 : memref<1x64x512xf32, #tpu.memory_space<vmem>> -> memref<64x512xf32, #tpu.memory_space<vmem>>
          %dma_wait3A_243 = arith.constant 0 : i32
          %dma_wait3A_244 = arith.constant 0 : i32
          %dma_wait3A_245 = tpu.memref_slice %arg2[%dma_wait3A_243, %dma_wait3A_244] : memref<64x1000000xf32, #tpu.memory_space<hbm>> -> memref<64x512xf32, #tpu.memory_space<hbm>>
          %dma_wait3A_246 = arith.constant 0 : i32
          %dma_wait3A_247 = arith.constant 0 : i32
          %dma_wait3A_248 = tpu.memref_slice %arg9[%dma_wait3A, %dma_wait3A_246, %dma_wait3A_247] : memref<2x64x512xf32, #tpu.memory_space<vmem>> -> memref<1x64x512xf32, #tpu.memory_space<vmem>>
          %dma_wait3A_249 = tpu.memref_squeeze %dma_wait3A_248 : memref<1x64x512xf32, #tpu.memory_space<vmem>> -> memref<64x512xf32, #tpu.memory_space<vmem>>
          %dma_wait3A_250 = arith.constant 0 : i32
          %dma_wait3A_251 = arith.constant 0 : i32
          %dma_wait3A_252 = tpu.memref_slice %arg2[%dma_wait3A_250, %dma_wait3A_251] : memref<64x1000000xf32, #tpu.memory_space<hbm>> -> memref<64x512xf32, #tpu.memory_space<hbm>>
          tpu.wait_dma2 semaphore(%arg13 : memref<!tpu.dma_semaphore, #tpu.memory_space<semaphore_mem>>) src(%dma_wait3A_252 : memref<64x512xf32, #tpu.memory_space<hbm>>) dst(%dma_wait3A_249 : memref<64x512xf32, #tpu.memory_space<vmem>>)
        } else {
        }
        %sub3A_197 = arith.constant 1 : i32
        %sub3A_198 = arith.subi %sub3A_197, %while3A_171 : i32
        %not3A = arith.constant true
        %not3A_199 = arith.xori %and3A_191, %not3A : i1
        %convert_element_type3A_200 = arith.extui %not3A_199 : i1 to i32
        %cond3A_201 = arith.constant 0 : i32
        %cond3A_202 = arith.cmpi ne, %convert_element_type3A_200, %cond3A_201 : i32
        scf.if %cond3A_202 {
          %ge3A_239 = arith.constant 1953 : i32
          %ge3A_240 = arith.cmpi sge, %reduce_min3A_185, %ge3A_239 : i32
          %convert_element_type3A_241 = arith.extui %ge3A_240 : i1 to i32
          %cond3A_242 = arith.constant 0 : i32
          %cond3A_243 = arith.cmpi ne, %convert_element_type3A_241, %cond3A_242 : i32
          scf.if %cond3A_243 {
            %mul3A_249 = arith.constant 512 : i32
            %mul3A_250 = arith.muli %reduce_min3A_185, %mul3A_249 : i32
            %multiple_of3A = tpu.assume_multiple %mul3A_250, 128 : i32
            "tpu.region"() ({
              %run_scoped3A = tpu.sem_alloc : memref<!tpu.dma_semaphore, #tpu.memory_space<semaphore_mem>>
              %dma_start3A = arith.constant 0 : i32
              %dma_start3A_251 = arith.constant 0 : i32
              %dma_start3A_252 = tpu.memref_slice %arg9[%sub3A_198, %dma_start3A, %dma_start3A_251] : memref<2x64x512xf32, #tpu.memory_space<vmem>> -> memref<1x64x128xf32, #tpu.memory_space<vmem>>
              %dma_start3A_253 = tpu.memref_squeeze %dma_start3A_252 : memref<1x64x128xf32, #tpu.memory_space<vmem>> -> memref<64x128xf32, #tpu.memory_space<vmem>>
              %dma_start3A_254 = arith.constant 0 : i32
              %dma_start3A_255 = tpu.memref_slice %arg2[%dma_start3A_254, %multiple_of3A] : memref<64x1000000xf32, #tpu.memory_space<hbm>> -> memref<64x128xf32, #tpu.memory_space<hbm>>
              %dma_start3A_256 = arith.constant 0 : i32
              %dma_start3A_257 = arith.constant 0 : i32
              %dma_start3A_258 = tpu.memref_slice %arg9[%sub3A_198, %dma_start3A_256, %dma_start3A_257] : memref<2x64x512xf32, #tpu.memory_space<vmem>> -> memref<1x64x128xf32, #tpu.memory_space<vmem>>
              %dma_start3A_259 = tpu.memref_squeeze %dma_start3A_258 : memref<1x64x128xf32, #tpu.memory_space<vmem>> -> memref<64x128xf32, #tpu.memory_space<vmem>>
              %dma_start3A_260 = arith.constant 0 : i32
              %dma_start3A_261 = tpu.memref_slice %arg2[%dma_start3A_260, %multiple_of3A] : memref<64x1000000xf32, #tpu.memory_space<hbm>> -> memref<64x128xf32, #tpu.memory_space<hbm>>
              tpu.enqueue_dma source(%dma_start3A_261 : memref<64x128xf32, #tpu.memory_space<hbm>>) target(%dma_start3A_259 : memref<64x128xf32, #tpu.memory_space<vmem>>) target_semaphore(%run_scoped3A : memref<!tpu.dma_semaphore, #tpu.memory_space<semaphore_mem>>)
              %dma_wait3A = arith.constant 0 : i32
              %dma_wait3A_262 = arith.constant 0 : i32
              %dma_wait3A_263 = tpu.memref_slice %arg9[%sub3A_198, %dma_wait3A, %dma_wait3A_262] : memref<2x64x512xf32, #tpu.memory_space<vmem>> -> memref<1x64x128xf32, #tpu.memory_space<vmem>>
              %dma_wait3A_264 = tpu.memref_squeeze %dma_wait3A_263 : memref<1x64x128xf32, #tpu.memory_space<vmem>> -> memref<64x128xf32, #tpu.memory_space<vmem>>
              %dma_wait3A_265 = arith.constant 0 : i32
              %dma_wait3A_266 = tpu.memref_slice %arg2[%dma_wait3A_265, %multiple_of3A] : memref<64x1000000xf32, #tpu.memory_space<hbm>> -> memref<64x128xf32, #tpu.memory_space<hbm>>
              %dma_wait3A_267 = arith.constant 0 : i32
              %dma_wait3A_268 = arith.constant 0 : i32
              %dma_wait3A_269 = tpu.memref_slice %arg9[%sub3A_198, %dma_wait3A_267, %dma_wait3A_268] : memref<2x64x512xf32, #tpu.memory_space<vmem>> -> memref<1x64x128xf32, #tpu.memory_space<vmem>>
              %dma_wait3A_270 = tpu.memref_squeeze %dma_wait3A_269 : memref<1x64x128xf32, #tpu.memory_space<vmem>> -> memref<64x128xf32, #tpu.memory_space<vmem>>
              %dma_wait3A_271 = arith.constant 0 : i32
              %dma_wait3A_272 = tpu.memref_slice %arg2[%dma_wait3A_271, %multiple_of3A] : memref<64x1000000xf32, #tpu.memory_space<hbm>> -> memref<64x128xf32, #tpu.memory_space<hbm>>
              tpu.wait_dma2 semaphore(%run_scoped3A : memref<!tpu.dma_semaphore, #tpu.memory_space<semaphore_mem>>) src(%dma_wait3A_272 : memref<64x128xf32, #tpu.memory_space<hbm>>) dst(%dma_wait3A_270 : memref<64x128xf32, #tpu.memory_space<vmem>>)
              tpu.yield
            }) : () -> ()
          } else {
          }
          %lt3A_244 = arith.constant 1953 : i32
          %lt3A_245 = arith.cmpi slt, %reduce_min3A_185, %lt3A_244 : i32
          %convert_element_type3A_246 = arith.extui %lt3A_245 : i1 to i32
          %cond3A_247 = arith.constant 0 : i32
          %cond3A_248 = arith.cmpi ne, %convert_element_type3A_246, %cond3A_247 : i32
          scf.if %cond3A_248 {
            %mul3A_249 = arith.constant 512 : i32
            %mul3A_250 = arith.muli %reduce_min3A_185, %mul3A_249 : i32
            %multiple_of3A = tpu.assume_multiple %mul3A_250, 512 : i32
            "tpu.region"() ({
              %run_scoped3A = tpu.sem_alloc : memref<!tpu.dma_semaphore, #tpu.memory_space<semaphore_mem>>
              %dma_start3A = arith.constant 0 : i32
              %dma_start3A_251 = arith.constant 0 : i32
              %dma_start3A_252 = tpu.memref_slice %arg9[%sub3A_198, %dma_start3A, %dma_start3A_251] : memref<2x64x512xf32, #tpu.memory_space<vmem>> -> memref<1x64x512xf32, #tpu.memory_space<vmem>>
              %dma_start3A_253 = tpu.memref_squeeze %dma_start3A_252 : memref<1x64x512xf32, #tpu.memory_space<vmem>> -> memref<64x512xf32, #tpu.memory_space<vmem>>
              %dma_start3A_254 = arith.constant 0 : i32
              %dma_start3A_255 = tpu.memref_slice %arg2[%dma_start3A_254, %multiple_of3A] : memref<64x1000000xf32, #tpu.memory_space<hbm>> -> memref<64x512xf32, #tpu.memory_space<hbm>>
              %dma_start3A_256 = arith.constant 0 : i32
              %dma_start3A_257 = arith.constant 0 : i32
              %dma_start3A_258 = tpu.memref_slice %arg9[%sub3A_198, %dma_start3A_256, %dma_start3A_257] : memref<2x64x512xf32, #tpu.memory_space<vmem>> -> memref<1x64x512xf32, #tpu.memory_space<vmem>>
              %dma_start3A_259 = tpu.memref_squeeze %dma_start3A_258 : memref<1x64x512xf32, #tpu.memory_space<vmem>> -> memref<64x512xf32, #tpu.memory_space<vmem>>
              %dma_start3A_260 = arith.constant 0 : i32
              %dma_start3A_261 = tpu.memref_slice %arg2[%dma_start3A_260, %multiple_of3A] : memref<64x1000000xf32, #tpu.memory_space<hbm>> -> memref<64x512xf32, #tpu.memory_space<hbm>>
              tpu.enqueue_dma source(%dma_start3A_261 : memref<64x512xf32, #tpu.memory_space<hbm>>) target(%dma_start3A_259 : memref<64x512xf32, #tpu.memory_space<vmem>>) target_semaphore(%run_scoped3A : memref<!tpu.dma_semaphore, #tpu.memory_space<semaphore_mem>>)
              %dma_wait3A = arith.constant 0 : i32
              %dma_wait3A_262 = arith.constant 0 : i32
              %dma_wait3A_263 = tpu.memref_slice %arg9[%sub3A_198, %dma_wait3A, %dma_wait3A_262] : memref<2x64x512xf32, #tpu.memory_space<vmem>> -> memref<1x64x512xf32, #tpu.memory_space<vmem>>
              %dma_wait3A_264 = tpu.memref_squeeze %dma_wait3A_263 : memref<1x64x512xf32, #tpu.memory_space<vmem>> -> memref<64x512xf32, #tpu.memory_space<vmem>>
              %dma_wait3A_265 = arith.constant 0 : i32
              %dma_wait3A_266 = tpu.memref_slice %arg2[%dma_wait3A_265, %multiple_of3A] : memref<64x1000000xf32, #tpu.memory_space<hbm>> -> memref<64x512xf32, #tpu.memory_space<hbm>>
              %dma_wait3A_267 = arith.constant 0 : i32
              %dma_wait3A_268 = arith.constant 0 : i32
              %dma_wait3A_269 = tpu.memref_slice %arg9[%sub3A_198, %dma_wait3A_267, %dma_wait3A_268] : memref<2x64x512xf32, #tpu.memory_space<vmem>> -> memref<1x64x512xf32, #tpu.memory_space<vmem>>
              %dma_wait3A_270 = tpu.memref_squeeze %dma_wait3A_269 : memref<1x64x512xf32, #tpu.memory_space<vmem>> -> memref<64x512xf32, #tpu.memory_space<vmem>>
              %dma_wait3A_271 = arith.constant 0 : i32
              %dma_wait3A_272 = tpu.memref_slice %arg2[%dma_wait3A_271, %multiple_of3A] : memref<64x1000000xf32, #tpu.memory_space<hbm>> -> memref<64x512xf32, #tpu.memory_space<hbm>>
              tpu.wait_dma2 semaphore(%run_scoped3A : memref<!tpu.dma_semaphore, #tpu.memory_space<semaphore_mem>>) src(%dma_wait3A_272 : memref<64x512xf32, #tpu.memory_space<hbm>>) dst(%dma_wait3A_270 : memref<64x512xf32, #tpu.memory_space<vmem>>)
              tpu.yield
            }) : () -> ()
          } else {
          }
        } else {
        }
        %add3A_203 = arith.constant 1 : i32
        %add3A_204 = arith.addi %reduce_min3A_185, %add3A_203 : i32
        %lt3A_205 = arith.constant 1953 : i32
        %lt3A_206 = arith.cmpi slt, %add3A_204, %lt3A_205 : i32
        %convert_element_type3A_207 = arith.extui %lt3A_206 : i1 to i32
        %cond3A_208 = arith.constant 0 : i32
        %cond3A_209 = arith.cmpi ne, %convert_element_type3A_207, %cond3A_208 : i32
        scf.if %cond3A_209 {
          %add3A_239 = arith.constant 1 : i32
          %add3A_240 = arith.addi %reduce_min3A_185, %add3A_239 : i32
          %mul3A_241 = arith.constant 512 : i32
          %mul3A_242 = arith.muli %add3A_240, %mul3A_241 : i32
          %multiple_of3A = tpu.assume_multiple %mul3A_242, 512 : i32
          %dma_start3A = arith.constant 0 : i32
          %dma_start3A_243 = arith.constant 0 : i32
          %dma_start3A_244 = tpu.memref_slice %arg9[%while3A_171, %dma_start3A, %dma_start3A_243] : memref<2x64x512xf32, #tpu.memory_space<vmem>> -> memref<1x64x512xf32, #tpu.memory_space<vmem>>
          %dma_start3A_245 = tpu.memref_squeeze %dma_start3A_244 : memref<1x64x512xf32, #tpu.memory_space<vmem>> -> memref<64x512xf32, #tpu.memory_space<vmem>>
          %dma_start3A_246 = arith.constant 0 : i32
          %dma_start3A_247 = tpu.memref_slice %arg2[%dma_start3A_246, %multiple_of3A] : memref<64x1000000xf32, #tpu.memory_space<hbm>> -> memref<64x512xf32, #tpu.memory_space<hbm>>
          %dma_start3A_248 = arith.constant 0 : i32
          %dma_start3A_249 = arith.constant 0 : i32
          %dma_start3A_250 = tpu.memref_slice %arg9[%while3A_171, %dma_start3A_248, %dma_start3A_249] : memref<2x64x512xf32, #tpu.memory_space<vmem>> -> memref<1x64x512xf32, #tpu.memory_space<vmem>>
          %dma_start3A_251 = tpu.memref_squeeze %dma_start3A_250 : memref<1x64x512xf32, #tpu.memory_space<vmem>> -> memref<64x512xf32, #tpu.memory_space<vmem>>
          %dma_start3A_252 = arith.constant 0 : i32
          %dma_start3A_253 = tpu.memref_slice %arg2[%dma_start3A_252, %multiple_of3A] : memref<64x1000000xf32, #tpu.memory_space<hbm>> -> memref<64x512xf32, #tpu.memory_space<hbm>>
          tpu.enqueue_dma source(%dma_start3A_253 : memref<64x512xf32, #tpu.memory_space<hbm>>) target(%dma_start3A_251 : memref<64x512xf32, #tpu.memory_space<vmem>>) target_semaphore(%arg13 : memref<!tpu.dma_semaphore, #tpu.memory_space<semaphore_mem>>)
        } else {
        }
        %eq3A_210 = vector.broadcast %reduce_min3A_185 : i32 to vector<16xi32>
        %eq3A_211 = arith.cmpi eq, %select_n3A_136, %eq3A_210 : vector<16xi32>
        %and3A_212 = arith.andi %and3A_103, %eq3A_211 : vector<16xi1>
        %add3A_213 = arith.constant 16384 : i32
        %add3A_214 = arith.addi %add3A_213, %add3A : i32
        %broadcast_in_dim3A_215 = vector.broadcast %add3A_214 : i32 to vector<16xi32>
        %select_n3A_216 = arith.select %and3A_212, %get3A_95, %broadcast_in_dim3A_215 : vector<16xi1>, vector<16xi32>
        %reduce_or3A_217 = arith.constant 1.000000e+00 : f32
        %reduce_or3A_218 = arith.constant 0.000000e+00 : f32
        %reduce_or3A_219 = vector.broadcast %reduce_or3A_217 : f32 to vector<16xf32>
        %reduce_or3A_220 = vector.broadcast %reduce_or3A_218 : f32 to vector<16xf32>
        %reduce_or3A_221 = arith.select %and3A_212, %reduce_or3A_219, %reduce_or3A_220 : vector<16xi1>, vector<16xf32>
        %reduce_or3A_222 = arith.constant true
        %reduce_or3A_223 = vector.broadcast %reduce_or3A_222 : i1 to vector<16xi1>
        %reduce_or3A_224 = tpu.scan <max>, %reduce_or3A_221 masked %reduce_or3A_223 : vector<16xf32>, vector<16xi1> -> vector<16xf32>
        %reduce_or3A_225 = vector.extract %reduce_or3A_224[15] : f32 from vector<16xf32>
        %reduce_or3A_226 = arith.constant 0.000000e+00 : f32
        %reduce_or3A_227 = arith.cmpf ogt, %reduce_or3A_225, %reduce_or3A_226 : f32
        %convert_element_type3A_228 = arith.extui %reduce_or3A_227 : i1 to i32
        %cond3A_229 = arith.constant 0 : i32
        %cond3A_230 = arith.cmpi ne, %convert_element_type3A_228, %cond3A_229 : i32
        scf.if %cond3A_230 {
          %eq3A_239 = arith.constant 1 : i32
          %eq3A_240 = arith.cmpi eq, %while3A_174, %eq3A_239 : i32
          %convert_element_type3A_241 = arith.extui %eq3A_240 : i1 to i32
          %cond3A_242 = arith.constant 0 : i32
          %cond3A_243 = arith.cmpi ne, %convert_element_type3A_241, %cond3A_242 : i32
          scf.if %cond3A_243 {
            %dma_wait3A = arith.constant 0 : i32
            %dma_wait3A_1016 = arith.constant 0 : i32
            %dma_wait3A_1017 = tpu.memref_slice %arg10[%dma_wait3A, %dma_wait3A_1016] : memref<2x1024xf32, #tpu.memory_space<vmem>> -> memref<1x1024xf32, #tpu.memory_space<vmem>>
            %dma_wait3A_1018 = tpu.memref_squeeze %dma_wait3A_1017 : memref<1x1024xf32, #tpu.memory_space<vmem>> -> memref<1024xf32, #tpu.memory_space<vmem>>
            %dma_wait3A_1019 = arith.constant 0 : i32
            %dma_wait3A_1020 = tpu.memref_slice %arg6[%dma_wait3A_1019] : memref<1050624xf32, #tpu.memory_space<hbm>> -> memref<1024xf32, #tpu.memory_space<hbm>>
            %dma_wait3A_1021 = arith.constant 0 : i32
            %dma_wait3A_1022 = tpu.memref_slice %arg10[%dma_wait3A, %dma_wait3A_1021] : memref<2x1024xf32, #tpu.memory_space<vmem>> -> memref<1x1024xf32, #tpu.memory_space<vmem>>
            %dma_wait3A_1023 = tpu.memref_squeeze %dma_wait3A_1022 : memref<1x1024xf32, #tpu.memory_space<vmem>> -> memref<1024xf32, #tpu.memory_space<vmem>>
            %dma_wait3A_1024 = arith.constant 0 : i32
            %dma_wait3A_1025 = tpu.memref_slice %arg6[%dma_wait3A_1024] : memref<1050624xf32, #tpu.memory_space<hbm>> -> memref<1024xf32, #tpu.memory_space<hbm>>
            tpu.wait_dma2 semaphore(%arg12 : memref<!tpu.dma_semaphore, #tpu.memory_space<semaphore_mem>>) src(%dma_wait3A_1025 : memref<1024xf32, #tpu.memory_space<hbm>>) dst(%dma_wait3A_1023 : memref<1024xf32, #tpu.memory_space<vmem>>)
          } else {
          }
          %mul3A_244 = arith.constant 512 : i32
          %mul3A_245 = arith.muli %reduce_min3A_185, %mul3A_244 : i32
          %sub3A_246 = vector.broadcast %mul3A_245 : i32 to vector<16xi32>
          %sub3A_247 = arith.subi %get3A_91, %sub3A_246 : vector<16xi32>
          %jit3A_248 = arith.constant 0 : i32
          %jit3A_249 = arith.constant 511 : i32
          %max3A = vector.broadcast %jit3A_248 : i32 to vector<16xi32>
          %max3A_250 = arith.maxsi %max3A, %sub3A_247 : vector<16xi32>
          %min3A = vector.broadcast %jit3A_249 : i32 to vector<16xi32>
          %min3A_251 = arith.minsi %min3A, %max3A_250 : vector<16xi32>
          %slice3A_252 = vector.extract_strided_slice %min3A_251 {offsets = [0], sizes = [1], strides = [1]} : vector<16xi32> to vector<1xi32>
          %squeeze3A_253 = vector.extract %slice3A_252[0] : i32 from vector<1xi32>
          %broadcast_in_dim3A_254 = vector.broadcast %squeeze3A_253 : i32 to vector<16xi32>
          %gather3A = arith.constant 0 : i32
          %gather3A_255 = arith.constant 0 : i32
          %gather3A_256 = tpu.memref_slice %arg9[%sub3A_198, %gather3A, %gather3A_255] : memref<2x64x512xf32, #tpu.memory_space<vmem>> -> memref<1x64x512xf32, #tpu.memory_space<vmem>>
          %gather3A_257 = tpu.memref_squeeze %gather3A_256 : memref<1x64x512xf32, #tpu.memory_space<vmem>> -> memref<64x512xf32, #tpu.memory_space<vmem>>
          %gather3A_258 = tpu.vector_load_idx %gather3A_257[%add3A_6, %broadcast_in_dim3A_254] : memref<64x512xf32, #tpu.memory_space<vmem>>[vector<16xi32>, vector<16xi32>], vector<16xf32>,
          %swap3A = arith.index_cast %while3A_173 : i32 to index
          %swap3A_259 = arith.constant 0 : index
          %swap3A_260 = tpu.vector_load %arg10[%swap3A, %swap3A_259] {strides = array<i32>} : memref<2x1024xf32, #tpu.memory_space<vmem>>, vector<16xf32>,
          tpu.vector_store %arg10[%swap3A, %swap3A_259], %gather3A_258 {strides = array<i32>} : memref<2x1024xf32, #tpu.memory_space<vmem>>, vector<16xf32>,
          %gather3A_261 = arith.constant 0 : i32
          %gather3A_262 = arith.constant 0 : i32
          %gather3A_263 = tpu.memref_slice %arg9[%sub3A_198, %gather3A_261, %gather3A_262] : memref<2x64x512xf32, #tpu.memory_space<vmem>> -> memref<1x64x512xf32, #tpu.memory_space<vmem>>
          %gather3A_264 = tpu.memref_squeeze %gather3A_263 : memref<1x64x512xf32, #tpu.memory_space<vmem>> -> memref<64x512xf32, #tpu.memory_space<vmem>>
          %gather3A_265 = tpu.vector_load_idx %gather3A_264[%add3A_10, %broadcast_in_dim3A_254] : memref<64x512xf32, #tpu.memory_space<vmem>>[vector<16xi32>, vector<16xi32>], vector<16xf32>,
          %swap3A_266 = arith.index_cast %while3A_173 : i32 to index
          %swap3A_267 = arith.constant 16 : index
          %swap3A_268 = tpu.vector_load %arg10[%swap3A_266, %swap3A_267] {strides = array<i32>} : memref<2x1024xf32, #tpu.memory_space<vmem>>, vector<16xf32>,
          tpu.vector_store %arg10[%swap3A_266, %swap3A_267], %gather3A_265 {strides = array<i32>} : memref<2x1024xf32, #tpu.memory_space<vmem>>, vector<16xf32>,
          %gather3A_269 = arith.constant 0 : i32
          %gather3A_270 = arith.constant 0 : i32
          %gather3A_271 = tpu.memref_slice %arg9[%sub3A_198, %gather3A_269, %gather3A_270] : memref<2x64x512xf32, #tpu.memory_space<vmem>> -> memref<1x64x512xf32, #tpu.memory_space<vmem>>
          %gather3A_272 = tpu.memref_squeeze %gather3A_271 : memref<1x64x512xf32, #tpu.memory_space<vmem>> -> memref<64x512xf32, #tpu.memory_space<vmem>>
          %gather3A_273 = tpu.vector_load_idx %gather3A_272[%add3A_14, %broadcast_in_dim3A_254] : memref<64x512xf32, #tpu.memory_space<vmem>>[vector<16xi32>, vector<16xi32>], vector<16xf32>,
          %swap3A_274 = arith.index_cast %while3A_173 : i32 to index
          %swap3A_275 = arith.constant 32 : index
          %swap3A_276 = tpu.vector_load %arg10[%swap3A_274, %swap3A_275] {strides = array<i32>} : memref<2x1024xf32, #tpu.memory_space<vmem>>, vector<16xf32>,
          tpu.vector_store %arg10[%swap3A_274, %swap3A_275], %gather3A_273 {strides = array<i32>} : memref<2x1024xf32, #tpu.memory_space<vmem>>, vector<16xf32>,
          %gather3A_277 = arith.constant 0 : i32
          %gather3A_278 = arith.constant 0 : i32
          %gather3A_279 = tpu.memref_slice %arg9[%sub3A_198, %gather3A_277, %gather3A_278] : memref<2x64x512xf32, #tpu.memory_space<vmem>> -> memref<1x64x512xf32, #tpu.memory_space<vmem>>
          %gather3A_280 = tpu.memref_squeeze %gather3A_279 : memref<1x64x512xf32, #tpu.memory_space<vmem>> -> memref<64x512xf32, #tpu.memory_space<vmem>>
          %gather3A_281 = tpu.vector_load_idx %gather3A_280[%add3A_18, %broadcast_in_dim3A_254] : memref<64x512xf32, #tpu.memory_space<vmem>>[vector<16xi32>, vector<16xi32>], vector<16xf32>,
          %swap3A_282 = arith.index_cast %while3A_173 : i32 to index
          %swap3A_283 = arith.constant 48 : index
          %swap3A_284 = tpu.vector_load %arg10[%swap3A_282, %swap3A_283] {strides = array<i32>} : memref<2x1024xf32, #tpu.memory_space<vmem>>, vector<16xf32>,
          tpu.vector_store %arg10[%swap3A_282, %swap3A_283], %gather3A_281 {strides = array<i32>} : memref<2x1024xf32, #tpu.memory_space<vmem>>, vector<16xf32>,
          %slice3A_285 = vector.extract_strided_slice %select_n3A_216 {offsets = [0], sizes = [1], strides = [1]} : vector<16xi32> to vector<1xi32>
          %squeeze3A_286 = vector.extract %slice3A_285[0] : i32 from vector<1xi32>
          %mul3A_287 = arith.constant 64 : i32
          %mul3A_288 = arith.muli %squeeze3A_286, %mul3A_287 : i32
          %multiple_of3A = tpu.assume_multiple %mul3A_288, 64 : i32
          %dma_start3A = arith.constant 0 : i32
          %dma_start3A_289 = tpu.memref_slice %arg10[%while3A_173, %dma_start3A] : memref<2x1024xf32, #tpu.memory_space<vmem>> -> memref<1x64xf32, #tpu.memory_space<vmem>>
          %dma_start3A_290 = tpu.memref_squeeze %dma_start3A_289 : memref<1x64xf32, #tpu.memory_space<vmem>> -> memref<64xf32, #tpu.memory_space<vmem>>
          %dma_start3A_291 = tpu.memref_slice %arg6[%multiple_of3A] : memref<1050624xf32, #tpu.memory_space<hbm>> -> memref<64xf32, #tpu.memory_space<hbm>>
          %dma_start3A_292 = tpu.memref_slice %arg6[%multiple_of3A] : memref<1050624xf32, #tpu.memory_space<hbm>> -> memref<64xf32, #tpu.memory_space<hbm>>
          %dma_start3A_293 = arith.constant 0 : i32
          %dma_start3A_294 = tpu.memref_slice %arg10[%while3A_173, %dma_start3A_293] : memref<2x1024xf32, #tpu.memory_space<vmem>> -> memref<1x64xf32, #tpu.memory_space<vmem>>
          %dma_start3A_295 = tpu.memref_squeeze %dma_start3A_294 : memref<1x64xf32, #tpu.memory_space<vmem>> -> memref<64xf32, #tpu.memory_space<vmem>>
          tpu.enqueue_dma source(%dma_start3A_295 : memref<64xf32, #tpu.memory_space<vmem>>) target(%dma_start3A_292 : memref<64xf32, #tpu.memory_space<hbm>>) target_semaphore(%arg12 : memref<!tpu.dma_semaphore, #tpu.memory_space<semaphore_mem>>)
          %slice3A_296 = vector.extract_strided_slice %min3A_251 {offsets = [1], sizes = [1], strides = [1]} : vector<16xi32> to vector<1xi32>
          %squeeze3A_297 = vector.extract %slice3A_296[0] : i32 from vector<1xi32>
          %broadcast_in_dim3A_298 = vector.broadcast %squeeze3A_297 : i32 to vector<16xi32>
          %gather3A_299 = arith.constant 0 : i32
          %gather3A_300 = arith.constant 0 : i32
          %gather3A_301 = tpu.memref_slice %arg9[%sub3A_198, %gather3A_299, %gather3A_300] : memref<2x64x512xf32, #tpu.memory_space<vmem>> -> memref<1x64x512xf32, #tpu.memory_space<vmem>>
          %gather3A_302 = tpu.memref_squeeze %gather3A_301 : memref<1x64x512xf32, #tpu.memory_space<vmem>> -> memref<64x512xf32, #tpu.memory_space<vmem>>
          %gather3A_303 = tpu.vector_load_idx %gather3A_302[%add3A_6, %broadcast_in_dim3A_298] : memref<64x512xf32, #tpu.memory_space<vmem>>[vector<16xi32>, vector<16xi32>], vector<16xf32>,
          %swap3A_304 = arith.index_cast %while3A_173 : i32 to index
          %swap3A_305 = arith.constant 64 : index
          %swap3A_306 = tpu.vector_load %arg10[%swap3A_304, %swap3A_305] {strides = array<i32>} : memref<2x1024xf32, #tpu.memory_space<vmem>>, vector<16xf32>,
          tpu.vector_store %arg10[%swap3A_304, %swap3A_305], %gather3A_303 {strides = array<i32>} : memref<2x1024xf32, #tpu.memory_space<vmem>>, vector<16xf32>,
          %gather3A_307 = arith.constant 0 : i32
          %gather3A_308 = arith.constant 0 : i32
          %gather3A_309 = tpu.memref_slice %arg9[%sub3A_198, %gather3A_307, %gather3A_308] : memref<2x64x512xf32, #tpu.memory_space<vmem>> -> memref<1x64x512xf32, #tpu.memory_space<vmem>>
          %gather3A_310 = tpu.memref_squeeze %gather3A_309 : memref<1x64x512xf32, #tpu.memory_space<vmem>> -> memref<64x512xf32, #tpu.memory_space<vmem>>
          %gather3A_311 = tpu.vector_load_idx %gather3A_310[%add3A_10, %broadcast_in_dim3A_298] : memref<64x512xf32, #tpu.memory_space<vmem>>[vector<16xi32>, vector<16xi32>], vector<16xf32>,
          %swap3A_312 = arith.index_cast %while3A_173 : i32 to index
          %swap3A_313 = arith.constant 80 : index
          %swap3A_314 = tpu.vector_load %arg10[%swap3A_312, %swap3A_313] {strides = array<i32>} : memref<2x1024xf32, #tpu.memory_space<vmem>>, vector<16xf32>,
          tpu.vector_store %arg10[%swap3A_312, %swap3A_313], %gather3A_311 {strides = array<i32>} : memref<2x1024xf32, #tpu.memory_space<vmem>>, vector<16xf32>,
          %gather3A_315 = arith.constant 0 : i32
          %gather3A_316 = arith.constant 0 : i32
          %gather3A_317 = tpu.memref_slice %arg9[%sub3A_198, %gather3A_315, %gather3A_316] : memref<2x64x512xf32, #tpu.memory_space<vmem>> -> memref<1x64x512xf32, #tpu.memory_space<vmem>>
          %gather3A_318 = tpu.memref_squeeze %gather3A_317 : memref<1x64x512xf32, #tpu.memory_space<vmem>> -> memref<64x512xf32, #tpu.memory_space<vmem>>
          %gather3A_319 = tpu.vector_load_idx %gather3A_318[%add3A_14, %broadcast_in_dim3A_298] : memref<64x512xf32, #tpu.memory_space<vmem>>[vector<16xi32>, vector<16xi32>], vector<16xf32>,
          %swap3A_320 = arith.index_cast %while3A_173 : i32 to index
          %swap3A_321 = arith.constant 96 : index
          %swap3A_322 = tpu.vector_load %arg10[%swap3A_320, %swap3A_321] {strides = array<i32>} : memref<2x1024xf32, #tpu.memory_space<vmem>>, vector<16xf32>,
          tpu.vector_store %arg10[%swap3A_320, %swap3A_321], %gather3A_319 {strides = array<i32>} : memref<2x1024xf32, #tpu.memory_space<vmem>>, vector<16xf32>,
          %gather3A_323 = arith.constant 0 : i32
          %gather3A_324 = arith.constant 0 : i32
          %gather3A_325 = tpu.memref_slice %arg9[%sub3A_198, %gather3A_323, %gather3A_324] : memref<2x64x512xf32, #tpu.memory_space<vmem>> -> memref<1x64x512xf32, #tpu.memory_space<vmem>>
          %gather3A_326 = tpu.memref_squeeze %gather3A_325 : memref<1x64x512xf32, #tpu.memory_space<vmem>> -> memref<64x512xf32, #tpu.memory_space<vmem>>
          %gather3A_327 = tpu.vector_load_idx %gather3A_326[%add3A_18, %broadcast_in_dim3A_298] : memref<64x512xf32, #tpu.memory_space<vmem>>[vector<16xi32>, vector<16xi32>], vector<16xf32>,
          %swap3A_328 = arith.index_cast %while3A_173 : i32 to index
          %swap3A_329 = arith.constant 112 : index
          %swap3A_330 = tpu.vector_load %arg10[%swap3A_328, %swap3A_329] {strides = array<i32>} : memref<2x1024xf32, #tpu.memory_space<vmem>>, vector<16xf32>,
          tpu.vector_store %arg10[%swap3A_328, %swap3A_329], %gather3A_327 {strides = array<i32>} : memref<2x1024xf32, #tpu.memory_space<vmem>>, vector<16xf32>,
          %slice3A_331 = vector.extract_strided_slice %select_n3A_216 {offsets = [1], sizes = [1], strides = [1]} : vector<16xi32> to vector<1xi32>
          %squeeze3A_332 = vector.extract %slice3A_331[0] : i32 from vector<1xi32>
          %mul3A_333 = arith.constant 64 : i32
          %mul3A_334 = arith.muli %squeeze3A_332, %mul3A_333 : i32
          %multiple_of3A_335 = tpu.assume_multiple %mul3A_334, 64 : i32
          %dma_start3A_336 = arith.constant 64 : i32
          %dma_start3A_337 = tpu.memref_slice %arg10[%while3A_173, %dma_start3A_336] : memref<2x1024xf32, #tpu.memory_space<vmem>> -> memref<1x64xf32, #tpu.memory_space<vmem>>
          %dma_start3A_338 = tpu.memref_squeeze %dma_start3A_337 : memref<1x64xf32, #tpu.memory_space<vmem>> -> memref<64xf32, #tpu.memory_space<vmem>>
          %dma_start3A_339 = tpu.memref_slice %arg6[%multiple_of3A_335] : memref<1050624xf32, #tpu.memory_space<hbm>> -> memref<64xf32, #tpu.memory_space<hbm>>
          %dma_start3A_340 = tpu.memref_slice %arg6[%multiple_of3A_335] : memref<1050624xf32, #tpu.memory_space<hbm>> -> memref<64xf32, #tpu.memory_space<hbm>>
          %dma_start3A_341 = arith.constant 64 : i32
          %dma_start3A_342 = tpu.memref_slice %arg10[%while3A_173, %dma_start3A_341] : memref<2x1024xf32, #tpu.memory_space<vmem>> -> memref<1x64xf32, #tpu.memory_space<vmem>>
          %dma_start3A_343 = tpu.memref_squeeze %dma_start3A_342 : memref<1x64xf32, #tpu.memory_space<vmem>> -> memref<64xf32, #tpu.memory_space<vmem>>
          tpu.enqueue_dma source(%dma_start3A_343 : memref<64xf32, #tpu.memory_space<vmem>>) target(%dma_start3A_340 : memref<64xf32, #tpu.memory_space<hbm>>) target_semaphore(%arg12 : memref<!tpu.dma_semaphore, #tpu.memory_space<semaphore_mem>>)
          %slice3A_344 = vector.extract_strided_slice %min3A_251 {offsets = [2], sizes = [1], strides = [1]} : vector<16xi32> to vector<1xi32>
          %squeeze3A_345 = vector.extract %slice3A_344[0] : i32 from vector<1xi32>
          %broadcast_in_dim3A_346 = vector.broadcast %squeeze3A_345 : i32 to vector<16xi32>
          %gather3A_347 = arith.constant 0 : i32
          %gather3A_348 = arith.constant 0 : i32
          %gather3A_349 = tpu.memref_slice %arg9[%sub3A_198, %gather3A_347, %gather3A_348] : memref<2x64x512xf32, #tpu.memory_space<vmem>> -> memref<1x64x512xf32, #tpu.memory_space<vmem>>
          %gather3A_350 = tpu.memref_squeeze %gather3A_349 : memref<1x64x512xf32, #tpu.memory_space<vmem>> -> memref<64x512xf32, #tpu.memory_space<vmem>>
          %gather3A_351 = tpu.vector_load_idx %gather3A_350[%add3A_6, %broadcast_in_dim3A_346] : memref<64x512xf32, #tpu.memory_space<vmem>>[vector<16xi32>, vector<16xi32>], vector<16xf32>,
          %swap3A_352 = arith.index_cast %while3A_173 : i32 to index
          %swap3A_353 = arith.constant 128 : index
          %swap3A_354 = tpu.vector_load %arg10[%swap3A_352, %swap3A_353] {strides = array<i32>} : memref<2x1024xf32, #tpu.memory_space<vmem>>, vector<16xf32>,
          tpu.vector_store %arg10[%swap3A_352, %swap3A_353], %gather3A_351 {strides = array<i32>} : memref<2x1024xf32, #tpu.memory_space<vmem>>, vector<16xf32>,
          %gather3A_355 = arith.constant 0 : i32
          %gather3A_356 = arith.constant 0 : i32
          %gather3A_357 = tpu.memref_slice %arg9[%sub3A_198, %gather3A_355, %gather3A_356] : memref<2x64x512xf32, #tpu.memory_space<vmem>> -> memref<1x64x512xf32, #tpu.memory_space<vmem>>
          %gather3A_358 = tpu.memref_squeeze %gather3A_357 : memref<1x64x512xf32, #tpu.memory_space<vmem>> -> memref<64x512xf32, #tpu.memory_space<vmem>>
          %gather3A_359 = tpu.vector_load_idx %gather3A_358[%add3A_10, %broadcast_in_dim3A_346] : memref<64x512xf32, #tpu.memory_space<vmem>>[vector<16xi32>, vector<16xi32>], vector<16xf32>,
          %swap3A_360 = arith.index_cast %while3A_173 : i32 to index
          %swap3A_361 = arith.constant 144 : index
          %swap3A_362 = tpu.vector_load %arg10[%swap3A_360, %swap3A_361] {strides = array<i32>} : memref<2x1024xf32, #tpu.memory_space<vmem>>, vector<16xf32>,
          tpu.vector_store %arg10[%swap3A_360, %swap3A_361], %gather3A_359 {strides = array<i32>} : memref<2x1024xf32, #tpu.memory_space<vmem>>, vector<16xf32>,
          %gather3A_363 = arith.constant 0 : i32
          %gather3A_364 = arith.constant 0 : i32
          %gather3A_365 = tpu.memref_slice %arg9[%sub3A_198, %gather3A_363, %gather3A_364] : memref<2x64x512xf32, #tpu.memory_space<vmem>> -> memref<1x64x512xf32, #tpu.memory_space<vmem>>
          %gather3A_366 = tpu.memref_squeeze %gather3A_365 : memref<1x64x512xf32, #tpu.memory_space<vmem>> -> memref<64x512xf32, #tpu.memory_space<vmem>>
          %gather3A_367 = tpu.vector_load_idx %gather3A_366[%add3A_14, %broadcast_in_dim3A_346] : memref<64x512xf32, #tpu.memory_space<vmem>>[vector<16xi32>, vector<16xi32>], vector<16xf32>,
          %swap3A_368 = arith.index_cast %while3A_173 : i32 to index
          %swap3A_369 = arith.constant 160 : index
          %swap3A_370 = tpu.vector_load %arg10[%swap3A_368, %swap3A_369] {strides = array<i32>} : memref<2x1024xf32, #tpu.memory_space<vmem>>, vector<16xf32>,
          tpu.vector_store %arg10[%swap3A_368, %swap3A_369], %gather3A_367 {strides = array<i32>} : memref<2x1024xf32, #tpu.memory_space<vmem>>, vector<16xf32>,
          %gather3A_371 = arith.constant 0 : i32
          %gather3A_372 = arith.constant 0 : i32
          %gather3A_373 = tpu.memref_slice %arg9[%sub3A_198, %gather3A_371, %gather3A_372] : memref<2x64x512xf32, #tpu.memory_space<vmem>> -> memref<1x64x512xf32, #tpu.memory_space<vmem>>
          %gather3A_374 = tpu.memref_squeeze %gather3A_373 : memref<1x64x512xf32, #tpu.memory_space<vmem>> -> memref<64x512xf32, #tpu.memory_space<vmem>>
          %gather3A_375 = tpu.vector_load_idx %gather3A_374[%add3A_18, %broadcast_in_dim3A_346] : memref<64x512xf32, #tpu.memory_space<vmem>>[vector<16xi32>, vector<16xi32>], vector<16xf32>,
          %swap3A_376 = arith.index_cast %while3A_173 : i32 to index
          %swap3A_377 = arith.constant 176 : index
          %swap3A_378 = tpu.vector_load %arg10[%swap3A_376, %swap3A_377] {strides = array<i32>} : memref<2x1024xf32, #tpu.memory_space<vmem>>, vector<16xf32>,
          tpu.vector_store %arg10[%swap3A_376, %swap3A_377], %gather3A_375 {strides = array<i32>} : memref<2x1024xf32, #tpu.memory_space<vmem>>, vector<16xf32>,
          %slice3A_379 = vector.extract_strided_slice %select_n3A_216 {offsets = [2], sizes = [1], strides = [1]} : vector<16xi32> to vector<1xi32>
          %squeeze3A_380 = vector.extract %slice3A_379[0] : i32 from vector<1xi32>
          %mul3A_381 = arith.constant 64 : i32
          %mul3A_382 = arith.muli %squeeze3A_380, %mul3A_381 : i32
          %multiple_of3A_383 = tpu.assume_multiple %mul3A_382, 64 : i32
          %dma_start3A_384 = arith.constant 128 : i32
          %dma_start3A_385 = tpu.memref_slice %arg10[%while3A_173, %dma_start3A_384] : memref<2x1024xf32, #tpu.memory_space<vmem>> -> memref<1x64xf32, #tpu.memory_space<vmem>>
          %dma_start3A_386 = tpu.memref_squeeze %dma_start3A_385 : memref<1x64xf32, #tpu.memory_space<vmem>> -> memref<64xf32, #tpu.memory_space<vmem>>
          %dma_start3A_387 = tpu.memref_slice %arg6[%multiple_of3A_383] : memref<1050624xf32, #tpu.memory_space<hbm>> -> memref<64xf32, #tpu.memory_space<hbm>>
          %dma_start3A_388 = tpu.memref_slice %arg6[%multiple_of3A_383] : memref<1050624xf32, #tpu.memory_space<hbm>> -> memref<64xf32, #tpu.memory_space<hbm>>
          %dma_start3A_389 = arith.constant 128 : i32
          %dma_start3A_390 = tpu.memref_slice %arg10[%while3A_173, %dma_start3A_389] : memref<2x1024xf32, #tpu.memory_space<vmem>> -> memref<1x64xf32, #tpu.memory_space<vmem>>
          %dma_start3A_391 = tpu.memref_squeeze %dma_start3A_390 : memref<1x64xf32, #tpu.memory_space<vmem>> -> memref<64xf32, #tpu.memory_space<vmem>>
          tpu.enqueue_dma source(%dma_start3A_391 : memref<64xf32, #tpu.memory_space<vmem>>) target(%dma_start3A_388 : memref<64xf32, #tpu.memory_space<hbm>>) target_semaphore(%arg12 : memref<!tpu.dma_semaphore, #tpu.memory_space<semaphore_mem>>)
          %slice3A_392 = vector.extract_strided_slice %min3A_251 {offsets = [3], sizes = [1], strides = [1]} : vector<16xi32> to vector<1xi32>
          %squeeze3A_393 = vector.extract %slice3A_392[0] : i32 from vector<1xi32>
          %broadcast_in_dim3A_394 = vector.broadcast %squeeze3A_393 : i32 to vector<16xi32>
          %gather3A_395 = arith.constant 0 : i32
          %gather3A_396 = arith.constant 0 : i32
          %gather3A_397 = tpu.memref_slice %arg9[%sub3A_198, %gather3A_395, %gather3A_396] : memref<2x64x512xf32, #tpu.memory_space<vmem>> -> memref<1x64x512xf32, #tpu.memory_space<vmem>>
          %gather3A_398 = tpu.memref_squeeze %gather3A_397 : memref<1x64x512xf32, #tpu.memory_space<vmem>> -> memref<64x512xf32, #tpu.memory_space<vmem>>
          %gather3A_399 = tpu.vector_load_idx %gather3A_398[%add3A_6, %broadcast_in_dim3A_394] : memref<64x512xf32, #tpu.memory_space<vmem>>[vector<16xi32>, vector<16xi32>], vector<16xf32>,
          %swap3A_400 = arith.index_cast %while3A_173 : i32 to index
          %swap3A_401 = arith.constant 192 : index
          %swap3A_402 = tpu.vector_load %arg10[%swap3A_400, %swap3A_401] {strides = array<i32>} : memref<2x1024xf32, #tpu.memory_space<vmem>>, vector<16xf32>,
          tpu.vector_store %arg10[%swap3A_400, %swap3A_401], %gather3A_399 {strides = array<i32>} : memref<2x1024xf32, #tpu.memory_space<vmem>>, vector<16xf32>,
          %gather3A_403 = arith.constant 0 : i32
          %gather3A_404 = arith.constant 0 : i32
          %gather3A_405 = tpu.memref_slice %arg9[%sub3A_198, %gather3A_403, %gather3A_404] : memref<2x64x512xf32, #tpu.memory_space<vmem>> -> memref<1x64x512xf32, #tpu.memory_space<vmem>>
          %gather3A_406 = tpu.memref_squeeze %gather3A_405 : memref<1x64x512xf32, #tpu.memory_space<vmem>> -> memref<64x512xf32, #tpu.memory_space<vmem>>
          %gather3A_407 = tpu.vector_load_idx %gather3A_406[%add3A_10, %broadcast_in_dim3A_394] : memref<64x512xf32, #tpu.memory_space<vmem>>[vector<16xi32>, vector<16xi32>], vector<16xf32>,
          %swap3A_408 = arith.index_cast %while3A_173 : i32 to index
          %swap3A_409 = arith.constant 208 : index
          %swap3A_410 = tpu.vector_load %arg10[%swap3A_408, %swap3A_409] {strides = array<i32>} : memref<2x1024xf32, #tpu.memory_space<vmem>>, vector<16xf32>,
          tpu.vector_store %arg10[%swap3A_408, %swap3A_409], %gather3A_407 {strides = array<i32>} : memref<2x1024xf32, #tpu.memory_space<vmem>>, vector<16xf32>,
          %gather3A_411 = arith.constant 0 : i32
          %gather3A_412 = arith.constant 0 : i32
          %gather3A_413 = tpu.memref_slice %arg9[%sub3A_198, %gather3A_411, %gather3A_412] : memref<2x64x512xf32, #tpu.memory_space<vmem>> -> memref<1x64x512xf32, #tpu.memory_space<vmem>>
          %gather3A_414 = tpu.memref_squeeze %gather3A_413 : memref<1x64x512xf32, #tpu.memory_space<vmem>> -> memref<64x512xf32, #tpu.memory_space<vmem>>
          %gather3A_415 = tpu.vector_load_idx %gather3A_414[%add3A_14, %broadcast_in_dim3A_394] : memref<64x512xf32, #tpu.memory_space<vmem>>[vector<16xi32>, vector<16xi32>], vector<16xf32>,
          %swap3A_416 = arith.index_cast %while3A_173 : i32 to index
          %swap3A_417 = arith.constant 224 : index
          %swap3A_418 = tpu.vector_load %arg10[%swap3A_416, %swap3A_417] {strides = array<i32>} : memref<2x1024xf32, #tpu.memory_space<vmem>>, vector<16xf32>,
          tpu.vector_store %arg10[%swap3A_416, %swap3A_417], %gather3A_415 {strides = array<i32>} : memref<2x1024xf32, #tpu.memory_space<vmem>>, vector<16xf32>,
          %gather3A_419 = arith.constant 0 : i32
          %gather3A_420 = arith.constant 0 : i32
          %gather3A_421 = tpu.memref_slice %arg9[%sub3A_198, %gather3A_419, %gather3A_420] : memref<2x64x512xf32, #tpu.memory_space<vmem>> -> memref<1x64x512xf32, #tpu.memory_space<vmem>>
          %gather3A_422 = tpu.memref_squeeze %gather3A_421 : memref<1x64x512xf32, #tpu.memory_space<vmem>> -> memref<64x512xf32, #tpu.memory_space<vmem>>
          %gather3A_423 = tpu.vector_load_idx %gather3A_422[%add3A_18, %broadcast_in_dim3A_394] : memref<64x512xf32, #tpu.memory_space<vmem>>[vector<16xi32>, vector<16xi32>], vector<16xf32>,
          %swap3A_424 = arith.index_cast %while3A_173 : i32 to index
          %swap3A_425 = arith.constant 240 : index
          %swap3A_426 = tpu.vector_load %arg10[%swap3A_424, %swap3A_425] {strides = array<i32>} : memref<2x1024xf32, #tpu.memory_space<vmem>>, vector<16xf32>,
          tpu.vector_store %arg10[%swap3A_424, %swap3A_425], %gather3A_423 {strides = array<i32>} : memref<2x1024xf32, #tpu.memory_space<vmem>>, vector<16xf32>,
          %slice3A_427 = vector.extract_strided_slice %select_n3A_216 {offsets = [3], sizes = [1], strides = [1]} : vector<16xi32> to vector<1xi32>
          %squeeze3A_428 = vector.extract %slice3A_427[0] : i32 from vector<1xi32>
          %mul3A_429 = arith.constant 64 : i32
          %mul3A_430 = arith.muli %squeeze3A_428, %mul3A_429 : i32
          %multiple_of3A_431 = tpu.assume_multiple %mul3A_430, 64 : i32
          %dma_start3A_432 = arith.constant 192 : i32
          %dma_start3A_433 = tpu.memref_slice %arg10[%while3A_173, %dma_start3A_432] : memref<2x1024xf32, #tpu.memory_space<vmem>> -> memref<1x64xf32, #tpu.memory_space<vmem>>
          %dma_start3A_434 = tpu.memref_squeeze %dma_start3A_433 : memref<1x64xf32, #tpu.memory_space<vmem>> -> memref<64xf32, #tpu.memory_space<vmem>>
          %dma_start3A_435 = tpu.memref_slice %arg6[%multiple_of3A_431] : memref<1050624xf32, #tpu.memory_space<hbm>> -> memref<64xf32, #tpu.memory_space<hbm>>
          %dma_start3A_436 = tpu.memref_slice %arg6[%multiple_of3A_431] : memref<1050624xf32, #tpu.memory_space<hbm>> -> memref<64xf32, #tpu.memory_space<hbm>>
          %dma_start3A_437 = arith.constant 192 : i32
          %dma_start3A_438 = tpu.memref_slice %arg10[%while3A_173, %dma_start3A_437] : memref<2x1024xf32, #tpu.memory_space<vmem>> -> memref<1x64xf32, #tpu.memory_space<vmem>>
          %dma_start3A_439 = tpu.memref_squeeze %dma_start3A_438 : memref<1x64xf32, #tpu.memory_space<vmem>> -> memref<64xf32, #tpu.memory_space<vmem>>
          tpu.enqueue_dma source(%dma_start3A_439 : memref<64xf32, #tpu.memory_space<vmem>>) target(%dma_start3A_436 : memref<64xf32, #tpu.memory_space<hbm>>) target_semaphore(%arg12 : memref<!tpu.dma_semaphore, #tpu.memory_space<semaphore_mem>>)
          %slice3A_440 = vector.extract_strided_slice %min3A_251 {offsets = [4], sizes = [1], strides = [1]} : vector<16xi32> to vector<1xi32>
          %squeeze3A_441 = vector.extract %slice3A_440[0] : i32 from vector<1xi32>
          %broadcast_in_dim3A_442 = vector.broadcast %squeeze3A_441 : i32 to vector<16xi32>
          %gather3A_443 = arith.constant 0 : i32
          %gather3A_444 = arith.constant 0 : i32
          %gather3A_445 = tpu.memref_slice %arg9[%sub3A_198, %gather3A_443, %gather3A_444] : memref<2x64x512xf32, #tpu.memory_space<vmem>> -> memref<1x64x512xf32, #tpu.memory_space<vmem>>
          %gather3A_446 = tpu.memref_squeeze %gather3A_445 : memref<1x64x512xf32, #tpu.memory_space<vmem>> -> memref<64x512xf32, #tpu.memory_space<vmem>>
          %gather3A_447 = tpu.vector_load_idx %gather3A_446[%add3A_6, %broadcast_in_dim3A_442] : memref<64x512xf32, #tpu.memory_space<vmem>>[vector<16xi32>, vector<16xi32>], vector<16xf32>,
          %swap3A_448 = arith.index_cast %while3A_173 : i32 to index
          %swap3A_449 = arith.constant 256 : index
          %swap3A_450 = tpu.vector_load %arg10[%swap3A_448, %swap3A_449] {strides = array<i32>} : memref<2x1024xf32, #tpu.memory_space<vmem>>, vector<16xf32>,
          tpu.vector_store %arg10[%swap3A_448, %swap3A_449], %gather3A_447 {strides = array<i32>} : memref<2x1024xf32, #tpu.memory_space<vmem>>, vector<16xf32>,
          %gather3A_451 = arith.constant 0 : i32
          %gather3A_452 = arith.constant 0 : i32
          %gather3A_453 = tpu.memref_slice %arg9[%sub3A_198, %gather3A_451, %gather3A_452] : memref<2x64x512xf32, #tpu.memory_space<vmem>> -> memref<1x64x512xf32, #tpu.memory_space<vmem>>
          %gather3A_454 = tpu.memref_squeeze %gather3A_453 : memref<1x64x512xf32, #tpu.memory_space<vmem>> -> memref<64x512xf32, #tpu.memory_space<vmem>>
          %gather3A_455 = tpu.vector_load_idx %gather3A_454[%add3A_10, %broadcast_in_dim3A_442] : memref<64x512xf32, #tpu.memory_space<vmem>>[vector<16xi32>, vector<16xi32>], vector<16xf32>,
          %swap3A_456 = arith.index_cast %while3A_173 : i32 to index
          %swap3A_457 = arith.constant 272 : index
          %swap3A_458 = tpu.vector_load %arg10[%swap3A_456, %swap3A_457] {strides = array<i32>} : memref<2x1024xf32, #tpu.memory_space<vmem>>, vector<16xf32>,
          tpu.vector_store %arg10[%swap3A_456, %swap3A_457], %gather3A_455 {strides = array<i32>} : memref<2x1024xf32, #tpu.memory_space<vmem>>, vector<16xf32>,
          %gather3A_459 = arith.constant 0 : i32
          %gather3A_460 = arith.constant 0 : i32
          %gather3A_461 = tpu.memref_slice %arg9[%sub3A_198, %gather3A_459, %gather3A_460] : memref<2x64x512xf32, #tpu.memory_space<vmem>> -> memref<1x64x512xf32, #tpu.memory_space<vmem>>
          %gather3A_462 = tpu.memref_squeeze %gather3A_461 : memref<1x64x512xf32, #tpu.memory_space<vmem>> -> memref<64x512xf32, #tpu.memory_space<vmem>>
          %gather3A_463 = tpu.vector_load_idx %gather3A_462[%add3A_14, %broadcast_in_dim3A_442] : memref<64x512xf32, #tpu.memory_space<vmem>>[vector<16xi32>, vector<16xi32>], vector<16xf32>,
          %swap3A_464 = arith.index_cast %while3A_173 : i32 to index
          %swap3A_465 = arith.constant 288 : index
          %swap3A_466 = tpu.vector_load %arg10[%swap3A_464, %swap3A_465] {strides = array<i32>} : memref<2x1024xf32, #tpu.memory_space<vmem>>, vector<16xf32>,
          tpu.vector_store %arg10[%swap3A_464, %swap3A_465], %gather3A_463 {strides = array<i32>} : memref<2x1024xf32, #tpu.memory_space<vmem>>, vector<16xf32>,
          %gather3A_467 = arith.constant 0 : i32
          %gather3A_468 = arith.constant 0 : i32
          %gather3A_469 = tpu.memref_slice %arg9[%sub3A_198, %gather3A_467, %gather3A_468] : memref<2x64x512xf32, #tpu.memory_space<vmem>> -> memref<1x64x512xf32, #tpu.memory_space<vmem>>
          %gather3A_470 = tpu.memref_squeeze %gather3A_469 : memref<1x64x512xf32, #tpu.memory_space<vmem>> -> memref<64x512xf32, #tpu.memory_space<vmem>>
          %gather3A_471 = tpu.vector_load_idx %gather3A_470[%add3A_18, %broadcast_in_dim3A_442] : memref<64x512xf32, #tpu.memory_space<vmem>>[vector<16xi32>, vector<16xi32>], vector<16xf32>,
          %swap3A_472 = arith.index_cast %while3A_173 : i32 to index
          %swap3A_473 = arith.constant 304 : index
          %swap3A_474 = tpu.vector_load %arg10[%swap3A_472, %swap3A_473] {strides = array<i32>} : memref<2x1024xf32, #tpu.memory_space<vmem>>, vector<16xf32>,
          tpu.vector_store %arg10[%swap3A_472, %swap3A_473], %gather3A_471 {strides = array<i32>} : memref<2x1024xf32, #tpu.memory_space<vmem>>, vector<16xf32>,
          %slice3A_475 = vector.extract_strided_slice %select_n3A_216 {offsets = [4], sizes = [1], strides = [1]} : vector<16xi32> to vector<1xi32>
          %squeeze3A_476 = vector.extract %slice3A_475[0] : i32 from vector<1xi32>
          %mul3A_477 = arith.constant 64 : i32
          %mul3A_478 = arith.muli %squeeze3A_476, %mul3A_477 : i32
          %multiple_of3A_479 = tpu.assume_multiple %mul3A_478, 64 : i32
          %dma_start3A_480 = arith.constant 256 : i32
          %dma_start3A_481 = tpu.memref_slice %arg10[%while3A_173, %dma_start3A_480] : memref<2x1024xf32, #tpu.memory_space<vmem>> -> memref<1x64xf32, #tpu.memory_space<vmem>>
          %dma_start3A_482 = tpu.memref_squeeze %dma_start3A_481 : memref<1x64xf32, #tpu.memory_space<vmem>> -> memref<64xf32, #tpu.memory_space<vmem>>
          %dma_start3A_483 = tpu.memref_slice %arg6[%multiple_of3A_479] : memref<1050624xf32, #tpu.memory_space<hbm>> -> memref<64xf32, #tpu.memory_space<hbm>>
          %dma_start3A_484 = tpu.memref_slice %arg6[%multiple_of3A_479] : memref<1050624xf32, #tpu.memory_space<hbm>> -> memref<64xf32, #tpu.memory_space<hbm>>
          %dma_start3A_485 = arith.constant 256 : i32
          %dma_start3A_486 = tpu.memref_slice %arg10[%while3A_173, %dma_start3A_485] : memref<2x1024xf32, #tpu.memory_space<vmem>> -> memref<1x64xf32, #tpu.memory_space<vmem>>
          %dma_start3A_487 = tpu.memref_squeeze %dma_start3A_486 : memref<1x64xf32, #tpu.memory_space<vmem>> -> memref<64xf32, #tpu.memory_space<vmem>>
          tpu.enqueue_dma source(%dma_start3A_487 : memref<64xf32, #tpu.memory_space<vmem>>) target(%dma_start3A_484 : memref<64xf32, #tpu.memory_space<hbm>>) target_semaphore(%arg12 : memref<!tpu.dma_semaphore, #tpu.memory_space<semaphore_mem>>)
          %slice3A_488 = vector.extract_strided_slice %min3A_251 {offsets = [5], sizes = [1], strides = [1]} : vector<16xi32> to vector<1xi32>
          %squeeze3A_489 = vector.extract %slice3A_488[0] : i32 from vector<1xi32>
          %broadcast_in_dim3A_490 = vector.broadcast %squeeze3A_489 : i32 to vector<16xi32>
          %gather3A_491 = arith.constant 0 : i32
          %gather3A_492 = arith.constant 0 : i32
          %gather3A_493 = tpu.memref_slice %arg9[%sub3A_198, %gather3A_491, %gather3A_492] : memref<2x64x512xf32, #tpu.memory_space<vmem>> -> memref<1x64x512xf32, #tpu.memory_space<vmem>>
          %gather3A_494 = tpu.memref_squeeze %gather3A_493 : memref<1x64x512xf32, #tpu.memory_space<vmem>> -> memref<64x512xf32, #tpu.memory_space<vmem>>
          %gather3A_495 = tpu.vector_load_idx %gather3A_494[%add3A_6, %broadcast_in_dim3A_490] : memref<64x512xf32, #tpu.memory_space<vmem>>[vector<16xi32>, vector<16xi32>], vector<16xf32>,
          %swap3A_496 = arith.index_cast %while3A_173 : i32 to index
          %swap3A_497 = arith.constant 320 : index
          %swap3A_498 = tpu.vector_load %arg10[%swap3A_496, %swap3A_497] {strides = array<i32>} : memref<2x1024xf32, #tpu.memory_space<vmem>>, vector<16xf32>,
          tpu.vector_store %arg10[%swap3A_496, %swap3A_497], %gather3A_495 {strides = array<i32>} : memref<2x1024xf32, #tpu.memory_space<vmem>>, vector<16xf32>,
          %gather3A_499 = arith.constant 0 : i32
          %gather3A_500 = arith.constant 0 : i32
          %gather3A_501 = tpu.memref_slice %arg9[%sub3A_198, %gather3A_499, %gather3A_500] : memref<2x64x512xf32, #tpu.memory_space<vmem>> -> memref<1x64x512xf32, #tpu.memory_space<vmem>>
          %gather3A_502 = tpu.memref_squeeze %gather3A_501 : memref<1x64x512xf32, #tpu.memory_space<vmem>> -> memref<64x512xf32, #tpu.memory_space<vmem>>
          %gather3A_503 = tpu.vector_load_idx %gather3A_502[%add3A_10, %broadcast_in_dim3A_490] : memref<64x512xf32, #tpu.memory_space<vmem>>[vector<16xi32>, vector<16xi32>], vector<16xf32>,
          %swap3A_504 = arith.index_cast %while3A_173 : i32 to index
          %swap3A_505 = arith.constant 336 : index
          %swap3A_506 = tpu.vector_load %arg10[%swap3A_504, %swap3A_505] {strides = array<i32>} : memref<2x1024xf32, #tpu.memory_space<vmem>>, vector<16xf32>,
          tpu.vector_store %arg10[%swap3A_504, %swap3A_505], %gather3A_503 {strides = array<i32>} : memref<2x1024xf32, #tpu.memory_space<vmem>>, vector<16xf32>,
          %gather3A_507 = arith.constant 0 : i32
          %gather3A_508 = arith.constant 0 : i32
          %gather3A_509 = tpu.memref_slice %arg9[%sub3A_198, %gather3A_507, %gather3A_508] : memref<2x64x512xf32, #tpu.memory_space<vmem>> -> memref<1x64x512xf32, #tpu.memory_space<vmem>>
          %gather3A_510 = tpu.memref_squeeze %gather3A_509 : memref<1x64x512xf32, #tpu.memory_space<vmem>> -> memref<64x512xf32, #tpu.memory_space<vmem>>
          %gather3A_511 = tpu.vector_load_idx %gather3A_510[%add3A_14, %broadcast_in_dim3A_490] : memref<64x512xf32, #tpu.memory_space<vmem>>[vector<16xi32>, vector<16xi32>], vector<16xf32>,
          %swap3A_512 = arith.index_cast %while3A_173 : i32 to index
          %swap3A_513 = arith.constant 352 : index
          %swap3A_514 = tpu.vector_load %arg10[%swap3A_512, %swap3A_513] {strides = array<i32>} : memref<2x1024xf32, #tpu.memory_space<vmem>>, vector<16xf32>,
          tpu.vector_store %arg10[%swap3A_512, %swap3A_513], %gather3A_511 {strides = array<i32>} : memref<2x1024xf32, #tpu.memory_space<vmem>>, vector<16xf32>,
          %gather3A_515 = arith.constant 0 : i32
          %gather3A_516 = arith.constant 0 : i32
          %gather3A_517 = tpu.memref_slice %arg9[%sub3A_198, %gather3A_515, %gather3A_516] : memref<2x64x512xf32, #tpu.memory_space<vmem>> -> memref<1x64x512xf32, #tpu.memory_space<vmem>>
          %gather3A_518 = tpu.memref_squeeze %gather3A_517 : memref<1x64x512xf32, #tpu.memory_space<vmem>> -> memref<64x512xf32, #tpu.memory_space<vmem>>
          %gather3A_519 = tpu.vector_load_idx %gather3A_518[%add3A_18, %broadcast_in_dim3A_490] : memref<64x512xf32, #tpu.memory_space<vmem>>[vector<16xi32>, vector<16xi32>], vector<16xf32>,
          %swap3A_520 = arith.index_cast %while3A_173 : i32 to index
          %swap3A_521 = arith.constant 368 : index
          %swap3A_522 = tpu.vector_load %arg10[%swap3A_520, %swap3A_521] {strides = array<i32>} : memref<2x1024xf32, #tpu.memory_space<vmem>>, vector<16xf32>,
          tpu.vector_store %arg10[%swap3A_520, %swap3A_521], %gather3A_519 {strides = array<i32>} : memref<2x1024xf32, #tpu.memory_space<vmem>>, vector<16xf32>,
          %slice3A_523 = vector.extract_strided_slice %select_n3A_216 {offsets = [5], sizes = [1], strides = [1]} : vector<16xi32> to vector<1xi32>
          %squeeze3A_524 = vector.extract %slice3A_523[0] : i32 from vector<1xi32>
          %mul3A_525 = arith.constant 64 : i32
          %mul3A_526 = arith.muli %squeeze3A_524, %mul3A_525 : i32
          %multiple_of3A_527 = tpu.assume_multiple %mul3A_526, 64 : i32
          %dma_start3A_528 = arith.constant 320 : i32
          %dma_start3A_529 = tpu.memref_slice %arg10[%while3A_173, %dma_start3A_528] : memref<2x1024xf32, #tpu.memory_space<vmem>> -> memref<1x64xf32, #tpu.memory_space<vmem>>
          %dma_start3A_530 = tpu.memref_squeeze %dma_start3A_529 : memref<1x64xf32, #tpu.memory_space<vmem>> -> memref<64xf32, #tpu.memory_space<vmem>>
          %dma_start3A_531 = tpu.memref_slice %arg6[%multiple_of3A_527] : memref<1050624xf32, #tpu.memory_space<hbm>> -> memref<64xf32, #tpu.memory_space<hbm>>
          %dma_start3A_532 = tpu.memref_slice %arg6[%multiple_of3A_527] : memref<1050624xf32, #tpu.memory_space<hbm>> -> memref<64xf32, #tpu.memory_space<hbm>>
          %dma_start3A_533 = arith.constant 320 : i32
          %dma_start3A_534 = tpu.memref_slice %arg10[%while3A_173, %dma_start3A_533] : memref<2x1024xf32, #tpu.memory_space<vmem>> -> memref<1x64xf32, #tpu.memory_space<vmem>>
          %dma_start3A_535 = tpu.memref_squeeze %dma_start3A_534 : memref<1x64xf32, #tpu.memory_space<vmem>> -> memref<64xf32, #tpu.memory_space<vmem>>
          tpu.enqueue_dma source(%dma_start3A_535 : memref<64xf32, #tpu.memory_space<vmem>>) target(%dma_start3A_532 : memref<64xf32, #tpu.memory_space<hbm>>) target_semaphore(%arg12 : memref<!tpu.dma_semaphore, #tpu.memory_space<semaphore_mem>>)
          %slice3A_536 = vector.extract_strided_slice %min3A_251 {offsets = [6], sizes = [1], strides = [1]} : vector<16xi32> to vector<1xi32>
          %squeeze3A_537 = vector.extract %slice3A_536[0] : i32 from vector<1xi32>
          %broadcast_in_dim3A_538 = vector.broadcast %squeeze3A_537 : i32 to vector<16xi32>
          %gather3A_539 = arith.constant 0 : i32
          %gather3A_540 = arith.constant 0 : i32
          %gather3A_541 = tpu.memref_slice %arg9[%sub3A_198, %gather3A_539, %gather3A_540] : memref<2x64x512xf32, #tpu.memory_space<vmem>> -> memref<1x64x512xf32, #tpu.memory_space<vmem>>
          %gather3A_542 = tpu.memref_squeeze %gather3A_541 : memref<1x64x512xf32, #tpu.memory_space<vmem>> -> memref<64x512xf32, #tpu.memory_space<vmem>>
          %gather3A_543 = tpu.vector_load_idx %gather3A_542[%add3A_6, %broadcast_in_dim3A_538] : memref<64x512xf32, #tpu.memory_space<vmem>>[vector<16xi32>, vector<16xi32>], vector<16xf32>,
          %swap3A_544 = arith.index_cast %while3A_173 : i32 to index
          %swap3A_545 = arith.constant 384 : index
          %swap3A_546 = tpu.vector_load %arg10[%swap3A_544, %swap3A_545] {strides = array<i32>} : memref<2x1024xf32, #tpu.memory_space<vmem>>, vector<16xf32>,
          tpu.vector_store %arg10[%swap3A_544, %swap3A_545], %gather3A_543 {strides = array<i32>} : memref<2x1024xf32, #tpu.memory_space<vmem>>, vector<16xf32>,
          %gather3A_547 = arith.constant 0 : i32
          %gather3A_548 = arith.constant 0 : i32
          %gather3A_549 = tpu.memref_slice %arg9[%sub3A_198, %gather3A_547, %gather3A_548] : memref<2x64x512xf32, #tpu.memory_space<vmem>> -> memref<1x64x512xf32, #tpu.memory_space<vmem>>
          %gather3A_550 = tpu.memref_squeeze %gather3A_549 : memref<1x64x512xf32, #tpu.memory_space<vmem>> -> memref<64x512xf32, #tpu.memory_space<vmem>>
          %gather3A_551 = tpu.vector_load_idx %gather3A_550[%add3A_10, %broadcast_in_dim3A_538] : memref<64x512xf32, #tpu.memory_space<vmem>>[vector<16xi32>, vector<16xi32>], vector<16xf32>,
          %swap3A_552 = arith.index_cast %while3A_173 : i32 to index
          %swap3A_553 = arith.constant 400 : index
          %swap3A_554 = tpu.vector_load %arg10[%swap3A_552, %swap3A_553] {strides = array<i32>} : memref<2x1024xf32, #tpu.memory_space<vmem>>, vector<16xf32>,
          tpu.vector_store %arg10[%swap3A_552, %swap3A_553], %gather3A_551 {strides = array<i32>} : memref<2x1024xf32, #tpu.memory_space<vmem>>, vector<16xf32>,
          %gather3A_555 = arith.constant 0 : i32
          %gather3A_556 = arith.constant 0 : i32
          %gather3A_557 = tpu.memref_slice %arg9[%sub3A_198, %gather3A_555, %gather3A_556] : memref<2x64x512xf32, #tpu.memory_space<vmem>> -> memref<1x64x512xf32, #tpu.memory_space<vmem>>
          %gather3A_558 = tpu.memref_squeeze %gather3A_557 : memref<1x64x512xf32, #tpu.memory_space<vmem>> -> memref<64x512xf32, #tpu.memory_space<vmem>>
          %gather3A_559 = tpu.vector_load_idx %gather3A_558[%add3A_14, %broadcast_in_dim3A_538] : memref<64x512xf32, #tpu.memory_space<vmem>>[vector<16xi32>, vector<16xi32>], vector<16xf32>,
          %swap3A_560 = arith.index_cast %while3A_173 : i32 to index
          %swap3A_561 = arith.constant 416 : index
          %swap3A_562 = tpu.vector_load %arg10[%swap3A_560, %swap3A_561] {strides = array<i32>} : memref<2x1024xf32, #tpu.memory_space<vmem>>, vector<16xf32>,
          tpu.vector_store %arg10[%swap3A_560, %swap3A_561], %gather3A_559 {strides = array<i32>} : memref<2x1024xf32, #tpu.memory_space<vmem>>, vector<16xf32>,
          %gather3A_563 = arith.constant 0 : i32
          %gather3A_564 = arith.constant 0 : i32
          %gather3A_565 = tpu.memref_slice %arg9[%sub3A_198, %gather3A_563, %gather3A_564] : memref<2x64x512xf32, #tpu.memory_space<vmem>> -> memref<1x64x512xf32, #tpu.memory_space<vmem>>
          %gather3A_566 = tpu.memref_squeeze %gather3A_565 : memref<1x64x512xf32, #tpu.memory_space<vmem>> -> memref<64x512xf32, #tpu.memory_space<vmem>>
          %gather3A_567 = tpu.vector_load_idx %gather3A_566[%add3A_18, %broadcast_in_dim3A_538] : memref<64x512xf32, #tpu.memory_space<vmem>>[vector<16xi32>, vector<16xi32>], vector<16xf32>,
          %swap3A_568 = arith.index_cast %while3A_173 : i32 to index
          %swap3A_569 = arith.constant 432 : index
          %swap3A_570 = tpu.vector_load %arg10[%swap3A_568, %swap3A_569] {strides = array<i32>} : memref<2x1024xf32, #tpu.memory_space<vmem>>, vector<16xf32>,
          tpu.vector_store %arg10[%swap3A_568, %swap3A_569], %gather3A_567 {strides = array<i32>} : memref<2x1024xf32, #tpu.memory_space<vmem>>, vector<16xf32>,
          %slice3A_571 = vector.extract_strided_slice %select_n3A_216 {offsets = [6], sizes = [1], strides = [1]} : vector<16xi32> to vector<1xi32>
          %squeeze3A_572 = vector.extract %slice3A_571[0] : i32 from vector<1xi32>
          %mul3A_573 = arith.constant 64 : i32
          %mul3A_574 = arith.muli %squeeze3A_572, %mul3A_573 : i32
          %multiple_of3A_575 = tpu.assume_multiple %mul3A_574, 64 : i32
          %dma_start3A_576 = arith.constant 384 : i32
          %dma_start3A_577 = tpu.memref_slice %arg10[%while3A_173, %dma_start3A_576] : memref<2x1024xf32, #tpu.memory_space<vmem>> -> memref<1x64xf32, #tpu.memory_space<vmem>>
          %dma_start3A_578 = tpu.memref_squeeze %dma_start3A_577 : memref<1x64xf32, #tpu.memory_space<vmem>> -> memref<64xf32, #tpu.memory_space<vmem>>
          %dma_start3A_579 = tpu.memref_slice %arg6[%multiple_of3A_575] : memref<1050624xf32, #tpu.memory_space<hbm>> -> memref<64xf32, #tpu.memory_space<hbm>>
          %dma_start3A_580 = tpu.memref_slice %arg6[%multiple_of3A_575] : memref<1050624xf32, #tpu.memory_space<hbm>> -> memref<64xf32, #tpu.memory_space<hbm>>
          %dma_start3A_581 = arith.constant 384 : i32
          %dma_start3A_582 = tpu.memref_slice %arg10[%while3A_173, %dma_start3A_581] : memref<2x1024xf32, #tpu.memory_space<vmem>> -> memref<1x64xf32, #tpu.memory_space<vmem>>
          %dma_start3A_583 = tpu.memref_squeeze %dma_start3A_582 : memref<1x64xf32, #tpu.memory_space<vmem>> -> memref<64xf32, #tpu.memory_space<vmem>>
          tpu.enqueue_dma source(%dma_start3A_583 : memref<64xf32, #tpu.memory_space<vmem>>) target(%dma_start3A_580 : memref<64xf32, #tpu.memory_space<hbm>>) target_semaphore(%arg12 : memref<!tpu.dma_semaphore, #tpu.memory_space<semaphore_mem>>)
          %slice3A_584 = vector.extract_strided_slice %min3A_251 {offsets = [7], sizes = [1], strides = [1]} : vector<16xi32> to vector<1xi32>
          %squeeze3A_585 = vector.extract %slice3A_584[0] : i32 from vector<1xi32>
          %broadcast_in_dim3A_586 = vector.broadcast %squeeze3A_585 : i32 to vector<16xi32>
          %gather3A_587 = arith.constant 0 : i32
          %gather3A_588 = arith.constant 0 : i32
          %gather3A_589 = tpu.memref_slice %arg9[%sub3A_198, %gather3A_587, %gather3A_588] : memref<2x64x512xf32, #tpu.memory_space<vmem>> -> memref<1x64x512xf32, #tpu.memory_space<vmem>>
          %gather3A_590 = tpu.memref_squeeze %gather3A_589 : memref<1x64x512xf32, #tpu.memory_space<vmem>> -> memref<64x512xf32, #tpu.memory_space<vmem>>
          %gather3A_591 = tpu.vector_load_idx %gather3A_590[%add3A_6, %broadcast_in_dim3A_586] : memref<64x512xf32, #tpu.memory_space<vmem>>[vector<16xi32>, vector<16xi32>], vector<16xf32>,
          %swap3A_592 = arith.index_cast %while3A_173 : i32 to index
          %swap3A_593 = arith.constant 448 : index
          %swap3A_594 = tpu.vector_load %arg10[%swap3A_592, %swap3A_593] {strides = array<i32>} : memref<2x1024xf32, #tpu.memory_space<vmem>>, vector<16xf32>,
          tpu.vector_store %arg10[%swap3A_592, %swap3A_593], %gather3A_591 {strides = array<i32>} : memref<2x1024xf32, #tpu.memory_space<vmem>>, vector<16xf32>,
          %gather3A_595 = arith.constant 0 : i32
          %gather3A_596 = arith.constant 0 : i32
          %gather3A_597 = tpu.memref_slice %arg9[%sub3A_198, %gather3A_595, %gather3A_596] : memref<2x64x512xf32, #tpu.memory_space<vmem>> -> memref<1x64x512xf32, #tpu.memory_space<vmem>>
          %gather3A_598 = tpu.memref_squeeze %gather3A_597 : memref<1x64x512xf32, #tpu.memory_space<vmem>> -> memref<64x512xf32, #tpu.memory_space<vmem>>
          %gather3A_599 = tpu.vector_load_idx %gather3A_598[%add3A_10, %broadcast_in_dim3A_586] : memref<64x512xf32, #tpu.memory_space<vmem>>[vector<16xi32>, vector<16xi32>], vector<16xf32>,
          %swap3A_600 = arith.index_cast %while3A_173 : i32 to index
          %swap3A_601 = arith.constant 464 : index
          %swap3A_602 = tpu.vector_load %arg10[%swap3A_600, %swap3A_601] {strides = array<i32>} : memref<2x1024xf32, #tpu.memory_space<vmem>>, vector<16xf32>,
          tpu.vector_store %arg10[%swap3A_600, %swap3A_601], %gather3A_599 {strides = array<i32>} : memref<2x1024xf32, #tpu.memory_space<vmem>>, vector<16xf32>,
          %gather3A_603 = arith.constant 0 : i32
          %gather3A_604 = arith.constant 0 : i32
          %gather3A_605 = tpu.memref_slice %arg9[%sub3A_198, %gather3A_603, %gather3A_604] : memref<2x64x512xf32, #tpu.memory_space<vmem>> -> memref<1x64x512xf32, #tpu.memory_space<vmem>>
          %gather3A_606 = tpu.memref_squeeze %gather3A_605 : memref<1x64x512xf32, #tpu.memory_space<vmem>> -> memref<64x512xf32, #tpu.memory_space<vmem>>
          %gather3A_607 = tpu.vector_load_idx %gather3A_606[%add3A_14, %broadcast_in_dim3A_586] : memref<64x512xf32, #tpu.memory_space<vmem>>[vector<16xi32>, vector<16xi32>], vector<16xf32>,
          %swap3A_608 = arith.index_cast %while3A_173 : i32 to index
          %swap3A_609 = arith.constant 480 : index
          %swap3A_610 = tpu.vector_load %arg10[%swap3A_608, %swap3A_609] {strides = array<i32>} : memref<2x1024xf32, #tpu.memory_space<vmem>>, vector<16xf32>,
          tpu.vector_store %arg10[%swap3A_608, %swap3A_609], %gather3A_607 {strides = array<i32>} : memref<2x1024xf32, #tpu.memory_space<vmem>>, vector<16xf32>,
          %gather3A_611 = arith.constant 0 : i32
          %gather3A_612 = arith.constant 0 : i32
          %gather3A_613 = tpu.memref_slice %arg9[%sub3A_198, %gather3A_611, %gather3A_612] : memref<2x64x512xf32, #tpu.memory_space<vmem>> -> memref<1x64x512xf32, #tpu.memory_space<vmem>>
          %gather3A_614 = tpu.memref_squeeze %gather3A_613 : memref<1x64x512xf32, #tpu.memory_space<vmem>> -> memref<64x512xf32, #tpu.memory_space<vmem>>
          %gather3A_615 = tpu.vector_load_idx %gather3A_614[%add3A_18, %broadcast_in_dim3A_586] : memref<64x512xf32, #tpu.memory_space<vmem>>[vector<16xi32>, vector<16xi32>], vector<16xf32>,
          %swap3A_616 = arith.index_cast %while3A_173 : i32 to index
          %swap3A_617 = arith.constant 496 : index
          %swap3A_618 = tpu.vector_load %arg10[%swap3A_616, %swap3A_617] {strides = array<i32>} : memref<2x1024xf32, #tpu.memory_space<vmem>>, vector<16xf32>,
          tpu.vector_store %arg10[%swap3A_616, %swap3A_617], %gather3A_615 {strides = array<i32>} : memref<2x1024xf32, #tpu.memory_space<vmem>>, vector<16xf32>,
          %slice3A_619 = vector.extract_strided_slice %select_n3A_216 {offsets = [7], sizes = [1], strides = [1]} : vector<16xi32> to vector<1xi32>
          %squeeze3A_620 = vector.extract %slice3A_619[0] : i32 from vector<1xi32>
          %mul3A_621 = arith.constant 64 : i32
          %mul3A_622 = arith.muli %squeeze3A_620, %mul3A_621 : i32
          %multiple_of3A_623 = tpu.assume_multiple %mul3A_622, 64 : i32
          %dma_start3A_624 = arith.constant 448 : i32
          %dma_start3A_625 = tpu.memref_slice %arg10[%while3A_173, %dma_start3A_624] : memref<2x1024xf32, #tpu.memory_space<vmem>> -> memref<1x64xf32, #tpu.memory_space<vmem>>
          %dma_start3A_626 = tpu.memref_squeeze %dma_start3A_625 : memref<1x64xf32, #tpu.memory_space<vmem>> -> memref<64xf32, #tpu.memory_space<vmem>>
          %dma_start3A_627 = tpu.memref_slice %arg6[%multiple_of3A_623] : memref<1050624xf32, #tpu.memory_space<hbm>> -> memref<64xf32, #tpu.memory_space<hbm>>
          %dma_start3A_628 = tpu.memref_slice %arg6[%multiple_of3A_623] : memref<1050624xf32, #tpu.memory_space<hbm>> -> memref<64xf32, #tpu.memory_space<hbm>>
          %dma_start3A_629 = arith.constant 448 : i32
          %dma_start3A_630 = tpu.memref_slice %arg10[%while3A_173, %dma_start3A_629] : memref<2x1024xf32, #tpu.memory_space<vmem>> -> memref<1x64xf32, #tpu.memory_space<vmem>>
          %dma_start3A_631 = tpu.memref_squeeze %dma_start3A_630 : memref<1x64xf32, #tpu.memory_space<vmem>> -> memref<64xf32, #tpu.memory_space<vmem>>
          tpu.enqueue_dma source(%dma_start3A_631 : memref<64xf32, #tpu.memory_space<vmem>>) target(%dma_start3A_628 : memref<64xf32, #tpu.memory_space<hbm>>) target_semaphore(%arg12 : memref<!tpu.dma_semaphore, #tpu.memory_space<semaphore_mem>>)
          %slice3A_632 = vector.extract_strided_slice %min3A_251 {offsets = [8], sizes = [1], strides = [1]} : vector<16xi32> to vector<1xi32>
          %squeeze3A_633 = vector.extract %slice3A_632[0] : i32 from vector<1xi32>
          %broadcast_in_dim3A_634 = vector.broadcast %squeeze3A_633 : i32 to vector<16xi32>
          %gather3A_635 = arith.constant 0 : i32
          %gather3A_636 = arith.constant 0 : i32
          %gather3A_637 = tpu.memref_slice %arg9[%sub3A_198, %gather3A_635, %gather3A_636] : memref<2x64x512xf32, #tpu.memory_space<vmem>> -> memref<1x64x512xf32, #tpu.memory_space<vmem>>
          %gather3A_638 = tpu.memref_squeeze %gather3A_637 : memref<1x64x512xf32, #tpu.memory_space<vmem>> -> memref<64x512xf32, #tpu.memory_space<vmem>>
          %gather3A_639 = tpu.vector_load_idx %gather3A_638[%add3A_6, %broadcast_in_dim3A_634] : memref<64x512xf32, #tpu.memory_space<vmem>>[vector<16xi32>, vector<16xi32>], vector<16xf32>,
          %swap3A_640 = arith.index_cast %while3A_173 : i32 to index
          %swap3A_641 = arith.constant 512 : index
          %swap3A_642 = tpu.vector_load %arg10[%swap3A_640, %swap3A_641] {strides = array<i32>} : memref<2x1024xf32, #tpu.memory_space<vmem>>, vector<16xf32>,
          tpu.vector_store %arg10[%swap3A_640, %swap3A_641], %gather3A_639 {strides = array<i32>} : memref<2x1024xf32, #tpu.memory_space<vmem>>, vector<16xf32>,
          %gather3A_643 = arith.constant 0 : i32
          %gather3A_644 = arith.constant 0 : i32
          %gather3A_645 = tpu.memref_slice %arg9[%sub3A_198, %gather3A_643, %gather3A_644] : memref<2x64x512xf32, #tpu.memory_space<vmem>> -> memref<1x64x512xf32, #tpu.memory_space<vmem>>
          %gather3A_646 = tpu.memref_squeeze %gather3A_645 : memref<1x64x512xf32, #tpu.memory_space<vmem>> -> memref<64x512xf32, #tpu.memory_space<vmem>>
          %gather3A_647 = tpu.vector_load_idx %gather3A_646[%add3A_10, %broadcast_in_dim3A_634] : memref<64x512xf32, #tpu.memory_space<vmem>>[vector<16xi32>, vector<16xi32>], vector<16xf32>,
          %swap3A_648 = arith.index_cast %while3A_173 : i32 to index
          %swap3A_649 = arith.constant 528 : index
          %swap3A_650 = tpu.vector_load %arg10[%swap3A_648, %swap3A_649] {strides = array<i32>} : memref<2x1024xf32, #tpu.memory_space<vmem>>, vector<16xf32>,
          tpu.vector_store %arg10[%swap3A_648, %swap3A_649], %gather3A_647 {strides = array<i32>} : memref<2x1024xf32, #tpu.memory_space<vmem>>, vector<16xf32>,
          %gather3A_651 = arith.constant 0 : i32
          %gather3A_652 = arith.constant 0 : i32
          %gather3A_653 = tpu.memref_slice %arg9[%sub3A_198, %gather3A_651, %gather3A_652] : memref<2x64x512xf32, #tpu.memory_space<vmem>> -> memref<1x64x512xf32, #tpu.memory_space<vmem>>
          %gather3A_654 = tpu.memref_squeeze %gather3A_653 : memref<1x64x512xf32, #tpu.memory_space<vmem>> -> memref<64x512xf32, #tpu.memory_space<vmem>>
          %gather3A_655 = tpu.vector_load_idx %gather3A_654[%add3A_14, %broadcast_in_dim3A_634] : memref<64x512xf32, #tpu.memory_space<vmem>>[vector<16xi32>, vector<16xi32>], vector<16xf32>,
          %swap3A_656 = arith.index_cast %while3A_173 : i32 to index
          %swap3A_657 = arith.constant 544 : index
          %swap3A_658 = tpu.vector_load %arg10[%swap3A_656, %swap3A_657] {strides = array<i32>} : memref<2x1024xf32, #tpu.memory_space<vmem>>, vector<16xf32>,
          tpu.vector_store %arg10[%swap3A_656, %swap3A_657], %gather3A_655 {strides = array<i32>} : memref<2x1024xf32, #tpu.memory_space<vmem>>, vector<16xf32>,
          %gather3A_659 = arith.constant 0 : i32
          %gather3A_660 = arith.constant 0 : i32
          %gather3A_661 = tpu.memref_slice %arg9[%sub3A_198, %gather3A_659, %gather3A_660] : memref<2x64x512xf32, #tpu.memory_space<vmem>> -> memref<1x64x512xf32, #tpu.memory_space<vmem>>
          %gather3A_662 = tpu.memref_squeeze %gather3A_661 : memref<1x64x512xf32, #tpu.memory_space<vmem>> -> memref<64x512xf32, #tpu.memory_space<vmem>>
          %gather3A_663 = tpu.vector_load_idx %gather3A_662[%add3A_18, %broadcast_in_dim3A_634] : memref<64x512xf32, #tpu.memory_space<vmem>>[vector<16xi32>, vector<16xi32>], vector<16xf32>,
          %swap3A_664 = arith.index_cast %while3A_173 : i32 to index
          %swap3A_665 = arith.constant 560 : index
          %swap3A_666 = tpu.vector_load %arg10[%swap3A_664, %swap3A_665] {strides = array<i32>} : memref<2x1024xf32, #tpu.memory_space<vmem>>, vector<16xf32>,
          tpu.vector_store %arg10[%swap3A_664, %swap3A_665], %gather3A_663 {strides = array<i32>} : memref<2x1024xf32, #tpu.memory_space<vmem>>, vector<16xf32>,
          %slice3A_667 = vector.extract_strided_slice %select_n3A_216 {offsets = [8], sizes = [1], strides = [1]} : vector<16xi32> to vector<1xi32>
          %squeeze3A_668 = vector.extract %slice3A_667[0] : i32 from vector<1xi32>
          %mul3A_669 = arith.constant 64 : i32
          %mul3A_670 = arith.muli %squeeze3A_668, %mul3A_669 : i32
          %multiple_of3A_671 = tpu.assume_multiple %mul3A_670, 64 : i32
          %dma_start3A_672 = arith.constant 512 : i32
          %dma_start3A_673 = tpu.memref_slice %arg10[%while3A_173, %dma_start3A_672] : memref<2x1024xf32, #tpu.memory_space<vmem>> -> memref<1x64xf32, #tpu.memory_space<vmem>>
          %dma_start3A_674 = tpu.memref_squeeze %dma_start3A_673 : memref<1x64xf32, #tpu.memory_space<vmem>> -> memref<64xf32, #tpu.memory_space<vmem>>
          %dma_start3A_675 = tpu.memref_slice %arg6[%multiple_of3A_671] : memref<1050624xf32, #tpu.memory_space<hbm>> -> memref<64xf32, #tpu.memory_space<hbm>>
          %dma_start3A_676 = tpu.memref_slice %arg6[%multiple_of3A_671] : memref<1050624xf32, #tpu.memory_space<hbm>> -> memref<64xf32, #tpu.memory_space<hbm>>
          %dma_start3A_677 = arith.constant 512 : i32
          %dma_start3A_678 = tpu.memref_slice %arg10[%while3A_173, %dma_start3A_677] : memref<2x1024xf32, #tpu.memory_space<vmem>> -> memref<1x64xf32, #tpu.memory_space<vmem>>
          %dma_start3A_679 = tpu.memref_squeeze %dma_start3A_678 : memref<1x64xf32, #tpu.memory_space<vmem>> -> memref<64xf32, #tpu.memory_space<vmem>>
          tpu.enqueue_dma source(%dma_start3A_679 : memref<64xf32, #tpu.memory_space<vmem>>) target(%dma_start3A_676 : memref<64xf32, #tpu.memory_space<hbm>>) target_semaphore(%arg12 : memref<!tpu.dma_semaphore, #tpu.memory_space<semaphore_mem>>)
          %slice3A_680 = vector.extract_strided_slice %min3A_251 {offsets = [9], sizes = [1], strides = [1]} : vector<16xi32> to vector<1xi32>
          %squeeze3A_681 = vector.extract %slice3A_680[0] : i32 from vector<1xi32>
          %broadcast_in_dim3A_682 = vector.broadcast %squeeze3A_681 : i32 to vector<16xi32>
          %gather3A_683 = arith.constant 0 : i32
          %gather3A_684 = arith.constant 0 : i32
          %gather3A_685 = tpu.memref_slice %arg9[%sub3A_198, %gather3A_683, %gather3A_684] : memref<2x64x512xf32, #tpu.memory_space<vmem>> -> memref<1x64x512xf32, #tpu.memory_space<vmem>>
          %gather3A_686 = tpu.memref_squeeze %gather3A_685 : memref<1x64x512xf32, #tpu.memory_space<vmem>> -> memref<64x512xf32, #tpu.memory_space<vmem>>
          %gather3A_687 = tpu.vector_load_idx %gather3A_686[%add3A_6, %broadcast_in_dim3A_682] : memref<64x512xf32, #tpu.memory_space<vmem>>[vector<16xi32>, vector<16xi32>], vector<16xf32>,
          %swap3A_688 = arith.index_cast %while3A_173 : i32 to index
          %swap3A_689 = arith.constant 576 : index
          %swap3A_690 = tpu.vector_load %arg10[%swap3A_688, %swap3A_689] {strides = array<i32>} : memref<2x1024xf32, #tpu.memory_space<vmem>>, vector<16xf32>,
          tpu.vector_store %arg10[%swap3A_688, %swap3A_689], %gather3A_687 {strides = array<i32>} : memref<2x1024xf32, #tpu.memory_space<vmem>>, vector<16xf32>,
          %gather3A_691 = arith.constant 0 : i32
          %gather3A_692 = arith.constant 0 : i32
          %gather3A_693 = tpu.memref_slice %arg9[%sub3A_198, %gather3A_691, %gather3A_692] : memref<2x64x512xf32, #tpu.memory_space<vmem>> -> memref<1x64x512xf32, #tpu.memory_space<vmem>>
          %gather3A_694 = tpu.memref_squeeze %gather3A_693 : memref<1x64x512xf32, #tpu.memory_space<vmem>> -> memref<64x512xf32, #tpu.memory_space<vmem>>
          %gather3A_695 = tpu.vector_load_idx %gather3A_694[%add3A_10, %broadcast_in_dim3A_682] : memref<64x512xf32, #tpu.memory_space<vmem>>[vector<16xi32>, vector<16xi32>], vector<16xf32>,
          %swap3A_696 = arith.index_cast %while3A_173 : i32 to index
          %swap3A_697 = arith.constant 592 : index
          %swap3A_698 = tpu.vector_load %arg10[%swap3A_696, %swap3A_697] {strides = array<i32>} : memref<2x1024xf32, #tpu.memory_space<vmem>>, vector<16xf32>,
          tpu.vector_store %arg10[%swap3A_696, %swap3A_697], %gather3A_695 {strides = array<i32>} : memref<2x1024xf32, #tpu.memory_space<vmem>>, vector<16xf32>,
          %gather3A_699 = arith.constant 0 : i32
          %gather3A_700 = arith.constant 0 : i32
          %gather3A_701 = tpu.memref_slice %arg9[%sub3A_198, %gather3A_699, %gather3A_700] : memref<2x64x512xf32, #tpu.memory_space<vmem>> -> memref<1x64x512xf32, #tpu.memory_space<vmem>>
          %gather3A_702 = tpu.memref_squeeze %gather3A_701 : memref<1x64x512xf32, #tpu.memory_space<vmem>> -> memref<64x512xf32, #tpu.memory_space<vmem>>
          %gather3A_703 = tpu.vector_load_idx %gather3A_702[%add3A_14, %broadcast_in_dim3A_682] : memref<64x512xf32, #tpu.memory_space<vmem>>[vector<16xi32>, vector<16xi32>], vector<16xf32>,
          %swap3A_704 = arith.index_cast %while3A_173 : i32 to index
          %swap3A_705 = arith.constant 608 : index
          %swap3A_706 = tpu.vector_load %arg10[%swap3A_704, %swap3A_705] {strides = array<i32>} : memref<2x1024xf32, #tpu.memory_space<vmem>>, vector<16xf32>,
          tpu.vector_store %arg10[%swap3A_704, %swap3A_705], %gather3A_703 {strides = array<i32>} : memref<2x1024xf32, #tpu.memory_space<vmem>>, vector<16xf32>,
          %gather3A_707 = arith.constant 0 : i32
          %gather3A_708 = arith.constant 0 : i32
          %gather3A_709 = tpu.memref_slice %arg9[%sub3A_198, %gather3A_707, %gather3A_708] : memref<2x64x512xf32, #tpu.memory_space<vmem>> -> memref<1x64x512xf32, #tpu.memory_space<vmem>>
          %gather3A_710 = tpu.memref_squeeze %gather3A_709 : memref<1x64x512xf32, #tpu.memory_space<vmem>> -> memref<64x512xf32, #tpu.memory_space<vmem>>
          %gather3A_711 = tpu.vector_load_idx %gather3A_710[%add3A_18, %broadcast_in_dim3A_682] : memref<64x512xf32, #tpu.memory_space<vmem>>[vector<16xi32>, vector<16xi32>], vector<16xf32>,
          %swap3A_712 = arith.index_cast %while3A_173 : i32 to index
          %swap3A_713 = arith.constant 624 : index
          %swap3A_714 = tpu.vector_load %arg10[%swap3A_712, %swap3A_713] {strides = array<i32>} : memref<2x1024xf32, #tpu.memory_space<vmem>>, vector<16xf32>,
          tpu.vector_store %arg10[%swap3A_712, %swap3A_713], %gather3A_711 {strides = array<i32>} : memref<2x1024xf32, #tpu.memory_space<vmem>>, vector<16xf32>,
          %slice3A_715 = vector.extract_strided_slice %select_n3A_216 {offsets = [9], sizes = [1], strides = [1]} : vector<16xi32> to vector<1xi32>
          %squeeze3A_716 = vector.extract %slice3A_715[0] : i32 from vector<1xi32>
          %mul3A_717 = arith.constant 64 : i32
          %mul3A_718 = arith.muli %squeeze3A_716, %mul3A_717 : i32
          %multiple_of3A_719 = tpu.assume_multiple %mul3A_718, 64 : i32
          %dma_start3A_720 = arith.constant 576 : i32
          %dma_start3A_721 = tpu.memref_slice %arg10[%while3A_173, %dma_start3A_720] : memref<2x1024xf32, #tpu.memory_space<vmem>> -> memref<1x64xf32, #tpu.memory_space<vmem>>
          %dma_start3A_722 = tpu.memref_squeeze %dma_start3A_721 : memref<1x64xf32, #tpu.memory_space<vmem>> -> memref<64xf32, #tpu.memory_space<vmem>>
          %dma_start3A_723 = tpu.memref_slice %arg6[%multiple_of3A_719] : memref<1050624xf32, #tpu.memory_space<hbm>> -> memref<64xf32, #tpu.memory_space<hbm>>
          %dma_start3A_724 = tpu.memref_slice %arg6[%multiple_of3A_719] : memref<1050624xf32, #tpu.memory_space<hbm>> -> memref<64xf32, #tpu.memory_space<hbm>>
          %dma_start3A_725 = arith.constant 576 : i32
          %dma_start3A_726 = tpu.memref_slice %arg10[%while3A_173, %dma_start3A_725] : memref<2x1024xf32, #tpu.memory_space<vmem>> -> memref<1x64xf32, #tpu.memory_space<vmem>>
          %dma_start3A_727 = tpu.memref_squeeze %dma_start3A_726 : memref<1x64xf32, #tpu.memory_space<vmem>> -> memref<64xf32, #tpu.memory_space<vmem>>
          tpu.enqueue_dma source(%dma_start3A_727 : memref<64xf32, #tpu.memory_space<vmem>>) target(%dma_start3A_724 : memref<64xf32, #tpu.memory_space<hbm>>) target_semaphore(%arg12 : memref<!tpu.dma_semaphore, #tpu.memory_space<semaphore_mem>>)
          %slice3A_728 = vector.extract_strided_slice %min3A_251 {offsets = [10], sizes = [1], strides = [1]} : vector<16xi32> to vector<1xi32>
          %squeeze3A_729 = vector.extract %slice3A_728[0] : i32 from vector<1xi32>
          %broadcast_in_dim3A_730 = vector.broadcast %squeeze3A_729 : i32 to vector<16xi32>
          %gather3A_731 = arith.constant 0 : i32
          %gather3A_732 = arith.constant 0 : i32
          %gather3A_733 = tpu.memref_slice %arg9[%sub3A_198, %gather3A_731, %gather3A_732] : memref<2x64x512xf32, #tpu.memory_space<vmem>> -> memref<1x64x512xf32, #tpu.memory_space<vmem>>
          %gather3A_734 = tpu.memref_squeeze %gather3A_733 : memref<1x64x512xf32, #tpu.memory_space<vmem>> -> memref<64x512xf32, #tpu.memory_space<vmem>>
          %gather3A_735 = tpu.vector_load_idx %gather3A_734[%add3A_6, %broadcast_in_dim3A_730] : memref<64x512xf32, #tpu.memory_space<vmem>>[vector<16xi32>, vector<16xi32>], vector<16xf32>,
          %swap3A_736 = arith.index_cast %while3A_173 : i32 to index
          %swap3A_737 = arith.constant 640 : index
          %swap3A_738 = tpu.vector_load %arg10[%swap3A_736, %swap3A_737] {strides = array<i32>} : memref<2x1024xf32, #tpu.memory_space<vmem>>, vector<16xf32>,
          tpu.vector_store %arg10[%swap3A_736, %swap3A_737], %gather3A_735 {strides = array<i32>} : memref<2x1024xf32, #tpu.memory_space<vmem>>, vector<16xf32>,
          %gather3A_739 = arith.constant 0 : i32
          %gather3A_740 = arith.constant 0 : i32
          %gather3A_741 = tpu.memref_slice %arg9[%sub3A_198, %gather3A_739, %gather3A_740] : memref<2x64x512xf32, #tpu.memory_space<vmem>> -> memref<1x64x512xf32, #tpu.memory_space<vmem>>
          %gather3A_742 = tpu.memref_squeeze %gather3A_741 : memref<1x64x512xf32, #tpu.memory_space<vmem>> -> memref<64x512xf32, #tpu.memory_space<vmem>>
          %gather3A_743 = tpu.vector_load_idx %gather3A_742[%add3A_10, %broadcast_in_dim3A_730] : memref<64x512xf32, #tpu.memory_space<vmem>>[vector<16xi32>, vector<16xi32>], vector<16xf32>,
          %swap3A_744 = arith.index_cast %while3A_173 : i32 to index
          %swap3A_745 = arith.constant 656 : index
          %swap3A_746 = tpu.vector_load %arg10[%swap3A_744, %swap3A_745] {strides = array<i32>} : memref<2x1024xf32, #tpu.memory_space<vmem>>, vector<16xf32>,
          tpu.vector_store %arg10[%swap3A_744, %swap3A_745], %gather3A_743 {strides = array<i32>} : memref<2x1024xf32, #tpu.memory_space<vmem>>, vector<16xf32>,
          %gather3A_747 = arith.constant 0 : i32
          %gather3A_748 = arith.constant 0 : i32
          %gather3A_749 = tpu.memref_slice %arg9[%sub3A_198, %gather3A_747, %gather3A_748] : memref<2x64x512xf32, #tpu.memory_space<vmem>> -> memref<1x64x512xf32, #tpu.memory_space<vmem>>
          %gather3A_750 = tpu.memref_squeeze %gather3A_749 : memref<1x64x512xf32, #tpu.memory_space<vmem>> -> memref<64x512xf32, #tpu.memory_space<vmem>>
          %gather3A_751 = tpu.vector_load_idx %gather3A_750[%add3A_14, %broadcast_in_dim3A_730] : memref<64x512xf32, #tpu.memory_space<vmem>>[vector<16xi32>, vector<16xi32>], vector<16xf32>,
          %swap3A_752 = arith.index_cast %while3A_173 : i32 to index
          %swap3A_753 = arith.constant 672 : index
          %swap3A_754 = tpu.vector_load %arg10[%swap3A_752, %swap3A_753] {strides = array<i32>} : memref<2x1024xf32, #tpu.memory_space<vmem>>, vector<16xf32>,
          tpu.vector_store %arg10[%swap3A_752, %swap3A_753], %gather3A_751 {strides = array<i32>} : memref<2x1024xf32, #tpu.memory_space<vmem>>, vector<16xf32>,
          %gather3A_755 = arith.constant 0 : i32
          %gather3A_756 = arith.constant 0 : i32
          %gather3A_757 = tpu.memref_slice %arg9[%sub3A_198, %gather3A_755, %gather3A_756] : memref<2x64x512xf32, #tpu.memory_space<vmem>> -> memref<1x64x512xf32, #tpu.memory_space<vmem>>
          %gather3A_758 = tpu.memref_squeeze %gather3A_757 : memref<1x64x512xf32, #tpu.memory_space<vmem>> -> memref<64x512xf32, #tpu.memory_space<vmem>>
          %gather3A_759 = tpu.vector_load_idx %gather3A_758[%add3A_18, %broadcast_in_dim3A_730] : memref<64x512xf32, #tpu.memory_space<vmem>>[vector<16xi32>, vector<16xi32>], vector<16xf32>,
          %swap3A_760 = arith.index_cast %while3A_173 : i32 to index
          %swap3A_761 = arith.constant 688 : index
          %swap3A_762 = tpu.vector_load %arg10[%swap3A_760, %swap3A_761] {strides = array<i32>} : memref<2x1024xf32, #tpu.memory_space<vmem>>, vector<16xf32>,
          tpu.vector_store %arg10[%swap3A_760, %swap3A_761], %gather3A_759 {strides = array<i32>} : memref<2x1024xf32, #tpu.memory_space<vmem>>, vector<16xf32>,
          %slice3A_763 = vector.extract_strided_slice %select_n3A_216 {offsets = [10], sizes = [1], strides = [1]} : vector<16xi32> to vector<1xi32>
          %squeeze3A_764 = vector.extract %slice3A_763[0] : i32 from vector<1xi32>
          %mul3A_765 = arith.constant 64 : i32
          %mul3A_766 = arith.muli %squeeze3A_764, %mul3A_765 : i32
          %multiple_of3A_767 = tpu.assume_multiple %mul3A_766, 64 : i32
          %dma_start3A_768 = arith.constant 640 : i32
          %dma_start3A_769 = tpu.memref_slice %arg10[%while3A_173, %dma_start3A_768] : memref<2x1024xf32, #tpu.memory_space<vmem>> -> memref<1x64xf32, #tpu.memory_space<vmem>>
          %dma_start3A_770 = tpu.memref_squeeze %dma_start3A_769 : memref<1x64xf32, #tpu.memory_space<vmem>> -> memref<64xf32, #tpu.memory_space<vmem>>
          %dma_start3A_771 = tpu.memref_slice %arg6[%multiple_of3A_767] : memref<1050624xf32, #tpu.memory_space<hbm>> -> memref<64xf32, #tpu.memory_space<hbm>>
          %dma_start3A_772 = tpu.memref_slice %arg6[%multiple_of3A_767] : memref<1050624xf32, #tpu.memory_space<hbm>> -> memref<64xf32, #tpu.memory_space<hbm>>
          %dma_start3A_773 = arith.constant 640 : i32
          %dma_start3A_774 = tpu.memref_slice %arg10[%while3A_173, %dma_start3A_773] : memref<2x1024xf32, #tpu.memory_space<vmem>> -> memref<1x64xf32, #tpu.memory_space<vmem>>
          %dma_start3A_775 = tpu.memref_squeeze %dma_start3A_774 : memref<1x64xf32, #tpu.memory_space<vmem>> -> memref<64xf32, #tpu.memory_space<vmem>>
          tpu.enqueue_dma source(%dma_start3A_775 : memref<64xf32, #tpu.memory_space<vmem>>) target(%dma_start3A_772 : memref<64xf32, #tpu.memory_space<hbm>>) target_semaphore(%arg12 : memref<!tpu.dma_semaphore, #tpu.memory_space<semaphore_mem>>)
          %slice3A_776 = vector.extract_strided_slice %min3A_251 {offsets = [11], sizes = [1], strides = [1]} : vector<16xi32> to vector<1xi32>
          %squeeze3A_777 = vector.extract %slice3A_776[0] : i32 from vector<1xi32>
          %broadcast_in_dim3A_778 = vector.broadcast %squeeze3A_777 : i32 to vector<16xi32>
          %gather3A_779 = arith.constant 0 : i32
          %gather3A_780 = arith.constant 0 : i32
          %gather3A_781 = tpu.memref_slice %arg9[%sub3A_198, %gather3A_779, %gather3A_780] : memref<2x64x512xf32, #tpu.memory_space<vmem>> -> memref<1x64x512xf32, #tpu.memory_space<vmem>>
          %gather3A_782 = tpu.memref_squeeze %gather3A_781 : memref<1x64x512xf32, #tpu.memory_space<vmem>> -> memref<64x512xf32, #tpu.memory_space<vmem>>
          %gather3A_783 = tpu.vector_load_idx %gather3A_782[%add3A_6, %broadcast_in_dim3A_778] : memref<64x512xf32, #tpu.memory_space<vmem>>[vector<16xi32>, vector<16xi32>], vector<16xf32>,
          %swap3A_784 = arith.index_cast %while3A_173 : i32 to index
          %swap3A_785 = arith.constant 704 : index
          %swap3A_786 = tpu.vector_load %arg10[%swap3A_784, %swap3A_785] {strides = array<i32>} : memref<2x1024xf32, #tpu.memory_space<vmem>>, vector<16xf32>,
          tpu.vector_store %arg10[%swap3A_784, %swap3A_785], %gather3A_783 {strides = array<i32>} : memref<2x1024xf32, #tpu.memory_space<vmem>>, vector<16xf32>,
          %gather3A_787 = arith.constant 0 : i32
          %gather3A_788 = arith.constant 0 : i32
          %gather3A_789 = tpu.memref_slice %arg9[%sub3A_198, %gather3A_787, %gather3A_788] : memref<2x64x512xf32, #tpu.memory_space<vmem>> -> memref<1x64x512xf32, #tpu.memory_space<vmem>>
          %gather3A_790 = tpu.memref_squeeze %gather3A_789 : memref<1x64x512xf32, #tpu.memory_space<vmem>> -> memref<64x512xf32, #tpu.memory_space<vmem>>
          %gather3A_791 = tpu.vector_load_idx %gather3A_790[%add3A_10, %broadcast_in_dim3A_778] : memref<64x512xf32, #tpu.memory_space<vmem>>[vector<16xi32>, vector<16xi32>], vector<16xf32>,
          %swap3A_792 = arith.index_cast %while3A_173 : i32 to index
          %swap3A_793 = arith.constant 720 : index
          %swap3A_794 = tpu.vector_load %arg10[%swap3A_792, %swap3A_793] {strides = array<i32>} : memref<2x1024xf32, #tpu.memory_space<vmem>>, vector<16xf32>,
          tpu.vector_store %arg10[%swap3A_792, %swap3A_793], %gather3A_791 {strides = array<i32>} : memref<2x1024xf32, #tpu.memory_space<vmem>>, vector<16xf32>,
          %gather3A_795 = arith.constant 0 : i32
          %gather3A_796 = arith.constant 0 : i32
          %gather3A_797 = tpu.memref_slice %arg9[%sub3A_198, %gather3A_795, %gather3A_796] : memref<2x64x512xf32, #tpu.memory_space<vmem>> -> memref<1x64x512xf32, #tpu.memory_space<vmem>>
          %gather3A_798 = tpu.memref_squeeze %gather3A_797 : memref<1x64x512xf32, #tpu.memory_space<vmem>> -> memref<64x512xf32, #tpu.memory_space<vmem>>
          %gather3A_799 = tpu.vector_load_idx %gather3A_798[%add3A_14, %broadcast_in_dim3A_778] : memref<64x512xf32, #tpu.memory_space<vmem>>[vector<16xi32>, vector<16xi32>], vector<16xf32>,
          %swap3A_800 = arith.index_cast %while3A_173 : i32 to index
          %swap3A_801 = arith.constant 736 : index
          %swap3A_802 = tpu.vector_load %arg10[%swap3A_800, %swap3A_801] {strides = array<i32>} : memref<2x1024xf32, #tpu.memory_space<vmem>>, vector<16xf32>,
          tpu.vector_store %arg10[%swap3A_800, %swap3A_801], %gather3A_799 {strides = array<i32>} : memref<2x1024xf32, #tpu.memory_space<vmem>>, vector<16xf32>,
          %gather3A_803 = arith.constant 0 : i32
          %gather3A_804 = arith.constant 0 : i32
          %gather3A_805 = tpu.memref_slice %arg9[%sub3A_198, %gather3A_803, %gather3A_804] : memref<2x64x512xf32, #tpu.memory_space<vmem>> -> memref<1x64x512xf32, #tpu.memory_space<vmem>>
          %gather3A_806 = tpu.memref_squeeze %gather3A_805 : memref<1x64x512xf32, #tpu.memory_space<vmem>> -> memref<64x512xf32, #tpu.memory_space<vmem>>
          %gather3A_807 = tpu.vector_load_idx %gather3A_806[%add3A_18, %broadcast_in_dim3A_778] : memref<64x512xf32, #tpu.memory_space<vmem>>[vector<16xi32>, vector<16xi32>], vector<16xf32>,
          %swap3A_808 = arith.index_cast %while3A_173 : i32 to index
          %swap3A_809 = arith.constant 752 : index
          %swap3A_810 = tpu.vector_load %arg10[%swap3A_808, %swap3A_809] {strides = array<i32>} : memref<2x1024xf32, #tpu.memory_space<vmem>>, vector<16xf32>,
          tpu.vector_store %arg10[%swap3A_808, %swap3A_809], %gather3A_807 {strides = array<i32>} : memref<2x1024xf32, #tpu.memory_space<vmem>>, vector<16xf32>,
          %slice3A_811 = vector.extract_strided_slice %select_n3A_216 {offsets = [11], sizes = [1], strides = [1]} : vector<16xi32> to vector<1xi32>
          %squeeze3A_812 = vector.extract %slice3A_811[0] : i32 from vector<1xi32>
          %mul3A_813 = arith.constant 64 : i32
          %mul3A_814 = arith.muli %squeeze3A_812, %mul3A_813 : i32
          %multiple_of3A_815 = tpu.assume_multiple %mul3A_814, 64 : i32
          %dma_start3A_816 = arith.constant 704 : i32
          %dma_start3A_817 = tpu.memref_slice %arg10[%while3A_173, %dma_start3A_816] : memref<2x1024xf32, #tpu.memory_space<vmem>> -> memref<1x64xf32, #tpu.memory_space<vmem>>
          %dma_start3A_818 = tpu.memref_squeeze %dma_start3A_817 : memref<1x64xf32, #tpu.memory_space<vmem>> -> memref<64xf32, #tpu.memory_space<vmem>>
          %dma_start3A_819 = tpu.memref_slice %arg6[%multiple_of3A_815] : memref<1050624xf32, #tpu.memory_space<hbm>> -> memref<64xf32, #tpu.memory_space<hbm>>
          %dma_start3A_820 = tpu.memref_slice %arg6[%multiple_of3A_815] : memref<1050624xf32, #tpu.memory_space<hbm>> -> memref<64xf32, #tpu.memory_space<hbm>>
          %dma_start3A_821 = arith.constant 704 : i32
          %dma_start3A_822 = tpu.memref_slice %arg10[%while3A_173, %dma_start3A_821] : memref<2x1024xf32, #tpu.memory_space<vmem>> -> memref<1x64xf32, #tpu.memory_space<vmem>>
          %dma_start3A_823 = tpu.memref_squeeze %dma_start3A_822 : memref<1x64xf32, #tpu.memory_space<vmem>> -> memref<64xf32, #tpu.memory_space<vmem>>
          tpu.enqueue_dma source(%dma_start3A_823 : memref<64xf32, #tpu.memory_space<vmem>>) target(%dma_start3A_820 : memref<64xf32, #tpu.memory_space<hbm>>) target_semaphore(%arg12 : memref<!tpu.dma_semaphore, #tpu.memory_space<semaphore_mem>>)
          %slice3A_824 = vector.extract_strided_slice %min3A_251 {offsets = [12], sizes = [1], strides = [1]} : vector<16xi32> to vector<1xi32>
          %squeeze3A_825 = vector.extract %slice3A_824[0] : i32 from vector<1xi32>
          %broadcast_in_dim3A_826 = vector.broadcast %squeeze3A_825 : i32 to vector<16xi32>
          %gather3A_827 = arith.constant 0 : i32
          %gather3A_828 = arith.constant 0 : i32
          %gather3A_829 = tpu.memref_slice %arg9[%sub3A_198, %gather3A_827, %gather3A_828] : memref<2x64x512xf32, #tpu.memory_space<vmem>> -> memref<1x64x512xf32, #tpu.memory_space<vmem>>
          %gather3A_830 = tpu.memref_squeeze %gather3A_829 : memref<1x64x512xf32, #tpu.memory_space<vmem>> -> memref<64x512xf32, #tpu.memory_space<vmem>>
          %gather3A_831 = tpu.vector_load_idx %gather3A_830[%add3A_6, %broadcast_in_dim3A_826] : memref<64x512xf32, #tpu.memory_space<vmem>>[vector<16xi32>, vector<16xi32>], vector<16xf32>,
          %swap3A_832 = arith.index_cast %while3A_173 : i32 to index
          %swap3A_833 = arith.constant 768 : index
          %swap3A_834 = tpu.vector_load %arg10[%swap3A_832, %swap3A_833] {strides = array<i32>} : memref<2x1024xf32, #tpu.memory_space<vmem>>, vector<16xf32>,
          tpu.vector_store %arg10[%swap3A_832, %swap3A_833], %gather3A_831 {strides = array<i32>} : memref<2x1024xf32, #tpu.memory_space<vmem>>, vector<16xf32>,
          %gather3A_835 = arith.constant 0 : i32
          %gather3A_836 = arith.constant 0 : i32
          %gather3A_837 = tpu.memref_slice %arg9[%sub3A_198, %gather3A_835, %gather3A_836] : memref<2x64x512xf32, #tpu.memory_space<vmem>> -> memref<1x64x512xf32, #tpu.memory_space<vmem>>
          %gather3A_838 = tpu.memref_squeeze %gather3A_837 : memref<1x64x512xf32, #tpu.memory_space<vmem>> -> memref<64x512xf32, #tpu.memory_space<vmem>>
          %gather3A_839 = tpu.vector_load_idx %gather3A_838[%add3A_10, %broadcast_in_dim3A_826] : memref<64x512xf32, #tpu.memory_space<vmem>>[vector<16xi32>, vector<16xi32>], vector<16xf32>,
          %swap3A_840 = arith.index_cast %while3A_173 : i32 to index
          %swap3A_841 = arith.constant 784 : index
          %swap3A_842 = tpu.vector_load %arg10[%swap3A_840, %swap3A_841] {strides = array<i32>} : memref<2x1024xf32, #tpu.memory_space<vmem>>, vector<16xf32>,
          tpu.vector_store %arg10[%swap3A_840, %swap3A_841], %gather3A_839 {strides = array<i32>} : memref<2x1024xf32, #tpu.memory_space<vmem>>, vector<16xf32>,
          %gather3A_843 = arith.constant 0 : i32
          %gather3A_844 = arith.constant 0 : i32
          %gather3A_845 = tpu.memref_slice %arg9[%sub3A_198, %gather3A_843, %gather3A_844] : memref<2x64x512xf32, #tpu.memory_space<vmem>> -> memref<1x64x512xf32, #tpu.memory_space<vmem>>
          %gather3A_846 = tpu.memref_squeeze %gather3A_845 : memref<1x64x512xf32, #tpu.memory_space<vmem>> -> memref<64x512xf32, #tpu.memory_space<vmem>>
          %gather3A_847 = tpu.vector_load_idx %gather3A_846[%add3A_14, %broadcast_in_dim3A_826] : memref<64x512xf32, #tpu.memory_space<vmem>>[vector<16xi32>, vector<16xi32>], vector<16xf32>,
          %swap3A_848 = arith.index_cast %while3A_173 : i32 to index
          %swap3A_849 = arith.constant 800 : index
          %swap3A_850 = tpu.vector_load %arg10[%swap3A_848, %swap3A_849] {strides = array<i32>} : memref<2x1024xf32, #tpu.memory_space<vmem>>, vector<16xf32>,
          tpu.vector_store %arg10[%swap3A_848, %swap3A_849], %gather3A_847 {strides = array<i32>} : memref<2x1024xf32, #tpu.memory_space<vmem>>, vector<16xf32>,
          %gather3A_851 = arith.constant 0 : i32
          %gather3A_852 = arith.constant 0 : i32
          %gather3A_853 = tpu.memref_slice %arg9[%sub3A_198, %gather3A_851, %gather3A_852] : memref<2x64x512xf32, #tpu.memory_space<vmem>> -> memref<1x64x512xf32, #tpu.memory_space<vmem>>
          %gather3A_854 = tpu.memref_squeeze %gather3A_853 : memref<1x64x512xf32, #tpu.memory_space<vmem>> -> memref<64x512xf32, #tpu.memory_space<vmem>>
          %gather3A_855 = tpu.vector_load_idx %gather3A_854[%add3A_18, %broadcast_in_dim3A_826] : memref<64x512xf32, #tpu.memory_space<vmem>>[vector<16xi32>, vector<16xi32>], vector<16xf32>,
          %swap3A_856 = arith.index_cast %while3A_173 : i32 to index
          %swap3A_857 = arith.constant 816 : index
          %swap3A_858 = tpu.vector_load %arg10[%swap3A_856, %swap3A_857] {strides = array<i32>} : memref<2x1024xf32, #tpu.memory_space<vmem>>, vector<16xf32>,
          tpu.vector_store %arg10[%swap3A_856, %swap3A_857], %gather3A_855 {strides = array<i32>} : memref<2x1024xf32, #tpu.memory_space<vmem>>, vector<16xf32>,
          %slice3A_859 = vector.extract_strided_slice %select_n3A_216 {offsets = [12], sizes = [1], strides = [1]} : vector<16xi32> to vector<1xi32>
          %squeeze3A_860 = vector.extract %slice3A_859[0] : i32 from vector<1xi32>
          %mul3A_861 = arith.constant 64 : i32
          %mul3A_862 = arith.muli %squeeze3A_860, %mul3A_861 : i32
          %multiple_of3A_863 = tpu.assume_multiple %mul3A_862, 64 : i32
          %dma_start3A_864 = arith.constant 768 : i32
          %dma_start3A_865 = tpu.memref_slice %arg10[%while3A_173, %dma_start3A_864] : memref<2x1024xf32, #tpu.memory_space<vmem>> -> memref<1x64xf32, #tpu.memory_space<vmem>>
          %dma_start3A_866 = tpu.memref_squeeze %dma_start3A_865 : memref<1x64xf32, #tpu.memory_space<vmem>> -> memref<64xf32, #tpu.memory_space<vmem>>
          %dma_start3A_867 = tpu.memref_slice %arg6[%multiple_of3A_863] : memref<1050624xf32, #tpu.memory_space<hbm>> -> memref<64xf32, #tpu.memory_space<hbm>>
          %dma_start3A_868 = tpu.memref_slice %arg6[%multiple_of3A_863] : memref<1050624xf32, #tpu.memory_space<hbm>> -> memref<64xf32, #tpu.memory_space<hbm>>
          %dma_start3A_869 = arith.constant 768 : i32
          %dma_start3A_870 = tpu.memref_slice %arg10[%while3A_173, %dma_start3A_869] : memref<2x1024xf32, #tpu.memory_space<vmem>> -> memref<1x64xf32, #tpu.memory_space<vmem>>
          %dma_start3A_871 = tpu.memref_squeeze %dma_start3A_870 : memref<1x64xf32, #tpu.memory_space<vmem>> -> memref<64xf32, #tpu.memory_space<vmem>>
          tpu.enqueue_dma source(%dma_start3A_871 : memref<64xf32, #tpu.memory_space<vmem>>) target(%dma_start3A_868 : memref<64xf32, #tpu.memory_space<hbm>>) target_semaphore(%arg12 : memref<!tpu.dma_semaphore, #tpu.memory_space<semaphore_mem>>)
          %slice3A_872 = vector.extract_strided_slice %min3A_251 {offsets = [13], sizes = [1], strides = [1]} : vector<16xi32> to vector<1xi32>
          %squeeze3A_873 = vector.extract %slice3A_872[0] : i32 from vector<1xi32>
          %broadcast_in_dim3A_874 = vector.broadcast %squeeze3A_873 : i32 to vector<16xi32>
          %gather3A_875 = arith.constant 0 : i32
          %gather3A_876 = arith.constant 0 : i32
          %gather3A_877 = tpu.memref_slice %arg9[%sub3A_198, %gather3A_875, %gather3A_876] : memref<2x64x512xf32, #tpu.memory_space<vmem>> -> memref<1x64x512xf32, #tpu.memory_space<vmem>>
          %gather3A_878 = tpu.memref_squeeze %gather3A_877 : memref<1x64x512xf32, #tpu.memory_space<vmem>> -> memref<64x512xf32, #tpu.memory_space<vmem>>
          %gather3A_879 = tpu.vector_load_idx %gather3A_878[%add3A_6, %broadcast_in_dim3A_874] : memref<64x512xf32, #tpu.memory_space<vmem>>[vector<16xi32>, vector<16xi32>], vector<16xf32>,
          %swap3A_880 = arith.index_cast %while3A_173 : i32 to index
          %swap3A_881 = arith.constant 832 : index
          %swap3A_882 = tpu.vector_load %arg10[%swap3A_880, %swap3A_881] {strides = array<i32>} : memref<2x1024xf32, #tpu.memory_space<vmem>>, vector<16xf32>,
          tpu.vector_store %arg10[%swap3A_880, %swap3A_881], %gather3A_879 {strides = array<i32>} : memref<2x1024xf32, #tpu.memory_space<vmem>>, vector<16xf32>,
          %gather3A_883 = arith.constant 0 : i32
          %gather3A_884 = arith.constant 0 : i32
          %gather3A_885 = tpu.memref_slice %arg9[%sub3A_198, %gather3A_883, %gather3A_884] : memref<2x64x512xf32, #tpu.memory_space<vmem>> -> memref<1x64x512xf32, #tpu.memory_space<vmem>>
          %gather3A_886 = tpu.memref_squeeze %gather3A_885 : memref<1x64x512xf32, #tpu.memory_space<vmem>> -> memref<64x512xf32, #tpu.memory_space<vmem>>
          %gather3A_887 = tpu.vector_load_idx %gather3A_886[%add3A_10, %broadcast_in_dim3A_874] : memref<64x512xf32, #tpu.memory_space<vmem>>[vector<16xi32>, vector<16xi32>], vector<16xf32>,
          %swap3A_888 = arith.index_cast %while3A_173 : i32 to index
          %swap3A_889 = arith.constant 848 : index
          %swap3A_890 = tpu.vector_load %arg10[%swap3A_888, %swap3A_889] {strides = array<i32>} : memref<2x1024xf32, #tpu.memory_space<vmem>>, vector<16xf32>,
          tpu.vector_store %arg10[%swap3A_888, %swap3A_889], %gather3A_887 {strides = array<i32>} : memref<2x1024xf32, #tpu.memory_space<vmem>>, vector<16xf32>,
          %gather3A_891 = arith.constant 0 : i32
          %gather3A_892 = arith.constant 0 : i32
          %gather3A_893 = tpu.memref_slice %arg9[%sub3A_198, %gather3A_891, %gather3A_892] : memref<2x64x512xf32, #tpu.memory_space<vmem>> -> memref<1x64x512xf32, #tpu.memory_space<vmem>>
          %gather3A_894 = tpu.memref_squeeze %gather3A_893 : memref<1x64x512xf32, #tpu.memory_space<vmem>> -> memref<64x512xf32, #tpu.memory_space<vmem>>
          %gather3A_895 = tpu.vector_load_idx %gather3A_894[%add3A_14, %broadcast_in_dim3A_874] : memref<64x512xf32, #tpu.memory_space<vmem>>[vector<16xi32>, vector<16xi32>], vector<16xf32>,
          %swap3A_896 = arith.index_cast %while3A_173 : i32 to index
          %swap3A_897 = arith.constant 864 : index
          %swap3A_898 = tpu.vector_load %arg10[%swap3A_896, %swap3A_897] {strides = array<i32>} : memref<2x1024xf32, #tpu.memory_space<vmem>>, vector<16xf32>,
          tpu.vector_store %arg10[%swap3A_896, %swap3A_897], %gather3A_895 {strides = array<i32>} : memref<2x1024xf32, #tpu.memory_space<vmem>>, vector<16xf32>,
          %gather3A_899 = arith.constant 0 : i32
          %gather3A_900 = arith.constant 0 : i32
          %gather3A_901 = tpu.memref_slice %arg9[%sub3A_198, %gather3A_899, %gather3A_900] : memref<2x64x512xf32, #tpu.memory_space<vmem>> -> memref<1x64x512xf32, #tpu.memory_space<vmem>>
          %gather3A_902 = tpu.memref_squeeze %gather3A_901 : memref<1x64x512xf32, #tpu.memory_space<vmem>> -> memref<64x512xf32, #tpu.memory_space<vmem>>
          %gather3A_903 = tpu.vector_load_idx %gather3A_902[%add3A_18, %broadcast_in_dim3A_874] : memref<64x512xf32, #tpu.memory_space<vmem>>[vector<16xi32>, vector<16xi32>], vector<16xf32>,
          %swap3A_904 = arith.index_cast %while3A_173 : i32 to index
          %swap3A_905 = arith.constant 880 : index
          %swap3A_906 = tpu.vector_load %arg10[%swap3A_904, %swap3A_905] {strides = array<i32>} : memref<2x1024xf32, #tpu.memory_space<vmem>>, vector<16xf32>,
          tpu.vector_store %arg10[%swap3A_904, %swap3A_905], %gather3A_903 {strides = array<i32>} : memref<2x1024xf32, #tpu.memory_space<vmem>>, vector<16xf32>,
          %slice3A_907 = vector.extract_strided_slice %select_n3A_216 {offsets = [13], sizes = [1], strides = [1]} : vector<16xi32> to vector<1xi32>
          %squeeze3A_908 = vector.extract %slice3A_907[0] : i32 from vector<1xi32>
          %mul3A_909 = arith.constant 64 : i32
          %mul3A_910 = arith.muli %squeeze3A_908, %mul3A_909 : i32
          %multiple_of3A_911 = tpu.assume_multiple %mul3A_910, 64 : i32
          %dma_start3A_912 = arith.constant 832 : i32
          %dma_start3A_913 = tpu.memref_slice %arg10[%while3A_173, %dma_start3A_912] : memref<2x1024xf32, #tpu.memory_space<vmem>> -> memref<1x64xf32, #tpu.memory_space<vmem>>
          %dma_start3A_914 = tpu.memref_squeeze %dma_start3A_913 : memref<1x64xf32, #tpu.memory_space<vmem>> -> memref<64xf32, #tpu.memory_space<vmem>>
          %dma_start3A_915 = tpu.memref_slice %arg6[%multiple_of3A_911] : memref<1050624xf32, #tpu.memory_space<hbm>> -> memref<64xf32, #tpu.memory_space<hbm>>
          %dma_start3A_916 = tpu.memref_slice %arg6[%multiple_of3A_911] : memref<1050624xf32, #tpu.memory_space<hbm>> -> memref<64xf32, #tpu.memory_space<hbm>>
          %dma_start3A_917 = arith.constant 832 : i32
          %dma_start3A_918 = tpu.memref_slice %arg10[%while3A_173, %dma_start3A_917] : memref<2x1024xf32, #tpu.memory_space<vmem>> -> memref<1x64xf32, #tpu.memory_space<vmem>>
          %dma_start3A_919 = tpu.memref_squeeze %dma_start3A_918 : memref<1x64xf32, #tpu.memory_space<vmem>> -> memref<64xf32, #tpu.memory_space<vmem>>
          tpu.enqueue_dma source(%dma_start3A_919 : memref<64xf32, #tpu.memory_space<vmem>>) target(%dma_start3A_916 : memref<64xf32, #tpu.memory_space<hbm>>) target_semaphore(%arg12 : memref<!tpu.dma_semaphore, #tpu.memory_space<semaphore_mem>>)
          %slice3A_920 = vector.extract_strided_slice %min3A_251 {offsets = [14], sizes = [1], strides = [1]} : vector<16xi32> to vector<1xi32>
          %squeeze3A_921 = vector.extract %slice3A_920[0] : i32 from vector<1xi32>
          %broadcast_in_dim3A_922 = vector.broadcast %squeeze3A_921 : i32 to vector<16xi32>
          %gather3A_923 = arith.constant 0 : i32
          %gather3A_924 = arith.constant 0 : i32
          %gather3A_925 = tpu.memref_slice %arg9[%sub3A_198, %gather3A_923, %gather3A_924] : memref<2x64x512xf32, #tpu.memory_space<vmem>> -> memref<1x64x512xf32, #tpu.memory_space<vmem>>
          %gather3A_926 = tpu.memref_squeeze %gather3A_925 : memref<1x64x512xf32, #tpu.memory_space<vmem>> -> memref<64x512xf32, #tpu.memory_space<vmem>>
          %gather3A_927 = tpu.vector_load_idx %gather3A_926[%add3A_6, %broadcast_in_dim3A_922] : memref<64x512xf32, #tpu.memory_space<vmem>>[vector<16xi32>, vector<16xi32>], vector<16xf32>,
          %swap3A_928 = arith.index_cast %while3A_173 : i32 to index
          %swap3A_929 = arith.constant 896 : index
          %swap3A_930 = tpu.vector_load %arg10[%swap3A_928, %swap3A_929] {strides = array<i32>} : memref<2x1024xf32, #tpu.memory_space<vmem>>, vector<16xf32>,
          tpu.vector_store %arg10[%swap3A_928, %swap3A_929], %gather3A_927 {strides = array<i32>} : memref<2x1024xf32, #tpu.memory_space<vmem>>, vector<16xf32>,
          %gather3A_931 = arith.constant 0 : i32
          %gather3A_932 = arith.constant 0 : i32
          %gather3A_933 = tpu.memref_slice %arg9[%sub3A_198, %gather3A_931, %gather3A_932] : memref<2x64x512xf32, #tpu.memory_space<vmem>> -> memref<1x64x512xf32, #tpu.memory_space<vmem>>
          %gather3A_934 = tpu.memref_squeeze %gather3A_933 : memref<1x64x512xf32, #tpu.memory_space<vmem>> -> memref<64x512xf32, #tpu.memory_space<vmem>>
          %gather3A_935 = tpu.vector_load_idx %gather3A_934[%add3A_10, %broadcast_in_dim3A_922] : memref<64x512xf32, #tpu.memory_space<vmem>>[vector<16xi32>, vector<16xi32>], vector<16xf32>,
          %swap3A_936 = arith.index_cast %while3A_173 : i32 to index
          %swap3A_937 = arith.constant 912 : index
          %swap3A_938 = tpu.vector_load %arg10[%swap3A_936, %swap3A_937] {strides = array<i32>} : memref<2x1024xf32, #tpu.memory_space<vmem>>, vector<16xf32>,
          tpu.vector_store %arg10[%swap3A_936, %swap3A_937], %gather3A_935 {strides = array<i32>} : memref<2x1024xf32, #tpu.memory_space<vmem>>, vector<16xf32>,
          %gather3A_939 = arith.constant 0 : i32
          %gather3A_940 = arith.constant 0 : i32
          %gather3A_941 = tpu.memref_slice %arg9[%sub3A_198, %gather3A_939, %gather3A_940] : memref<2x64x512xf32, #tpu.memory_space<vmem>> -> memref<1x64x512xf32, #tpu.memory_space<vmem>>
          %gather3A_942 = tpu.memref_squeeze %gather3A_941 : memref<1x64x512xf32, #tpu.memory_space<vmem>> -> memref<64x512xf32, #tpu.memory_space<vmem>>
          %gather3A_943 = tpu.vector_load_idx %gather3A_942[%add3A_14, %broadcast_in_dim3A_922] : memref<64x512xf32, #tpu.memory_space<vmem>>[vector<16xi32>, vector<16xi32>], vector<16xf32>,
          %swap3A_944 = arith.index_cast %while3A_173 : i32 to index
          %swap3A_945 = arith.constant 928 : index
          %swap3A_946 = tpu.vector_load %arg10[%swap3A_944, %swap3A_945] {strides = array<i32>} : memref<2x1024xf32, #tpu.memory_space<vmem>>, vector<16xf32>,
          tpu.vector_store %arg10[%swap3A_944, %swap3A_945], %gather3A_943 {strides = array<i32>} : memref<2x1024xf32, #tpu.memory_space<vmem>>, vector<16xf32>,
          %gather3A_947 = arith.constant 0 : i32
          %gather3A_948 = arith.constant 0 : i32
          %gather3A_949 = tpu.memref_slice %arg9[%sub3A_198, %gather3A_947, %gather3A_948] : memref<2x64x512xf32, #tpu.memory_space<vmem>> -> memref<1x64x512xf32, #tpu.memory_space<vmem>>
          %gather3A_950 = tpu.memref_squeeze %gather3A_949 : memref<1x64x512xf32, #tpu.memory_space<vmem>> -> memref<64x512xf32, #tpu.memory_space<vmem>>
          %gather3A_951 = tpu.vector_load_idx %gather3A_950[%add3A_18, %broadcast_in_dim3A_922] : memref<64x512xf32, #tpu.memory_space<vmem>>[vector<16xi32>, vector<16xi32>], vector<16xf32>,
          %swap3A_952 = arith.index_cast %while3A_173 : i32 to index
          %swap3A_953 = arith.constant 944 : index
          %swap3A_954 = tpu.vector_load %arg10[%swap3A_952, %swap3A_953] {strides = array<i32>} : memref<2x1024xf32, #tpu.memory_space<vmem>>, vector<16xf32>,
          tpu.vector_store %arg10[%swap3A_952, %swap3A_953], %gather3A_951 {strides = array<i32>} : memref<2x1024xf32, #tpu.memory_space<vmem>>, vector<16xf32>,
          %slice3A_955 = vector.extract_strided_slice %select_n3A_216 {offsets = [14], sizes = [1], strides = [1]} : vector<16xi32> to vector<1xi32>
          %squeeze3A_956 = vector.extract %slice3A_955[0] : i32 from vector<1xi32>
          %mul3A_957 = arith.constant 64 : i32
          %mul3A_958 = arith.muli %squeeze3A_956, %mul3A_957 : i32
          %multiple_of3A_959 = tpu.assume_multiple %mul3A_958, 64 : i32
          %dma_start3A_960 = arith.constant 896 : i32
          %dma_start3A_961 = tpu.memref_slice %arg10[%while3A_173, %dma_start3A_960] : memref<2x1024xf32, #tpu.memory_space<vmem>> -> memref<1x64xf32, #tpu.memory_space<vmem>>
          %dma_start3A_962 = tpu.memref_squeeze %dma_start3A_961 : memref<1x64xf32, #tpu.memory_space<vmem>> -> memref<64xf32, #tpu.memory_space<vmem>>
          %dma_start3A_963 = tpu.memref_slice %arg6[%multiple_of3A_959] : memref<1050624xf32, #tpu.memory_space<hbm>> -> memref<64xf32, #tpu.memory_space<hbm>>
          %dma_start3A_964 = tpu.memref_slice %arg6[%multiple_of3A_959] : memref<1050624xf32, #tpu.memory_space<hbm>> -> memref<64xf32, #tpu.memory_space<hbm>>
          %dma_start3A_965 = arith.constant 896 : i32
          %dma_start3A_966 = tpu.memref_slice %arg10[%while3A_173, %dma_start3A_965] : memref<2x1024xf32, #tpu.memory_space<vmem>> -> memref<1x64xf32, #tpu.memory_space<vmem>>
          %dma_start3A_967 = tpu.memref_squeeze %dma_start3A_966 : memref<1x64xf32, #tpu.memory_space<vmem>> -> memref<64xf32, #tpu.memory_space<vmem>>
          tpu.enqueue_dma source(%dma_start3A_967 : memref<64xf32, #tpu.memory_space<vmem>>) target(%dma_start3A_964 : memref<64xf32, #tpu.memory_space<hbm>>) target_semaphore(%arg12 : memref<!tpu.dma_semaphore, #tpu.memory_space<semaphore_mem>>)
          %slice3A_968 = vector.extract_strided_slice %min3A_251 {offsets = [15], sizes = [1], strides = [1]} : vector<16xi32> to vector<1xi32>
          %squeeze3A_969 = vector.extract %slice3A_968[0] : i32 from vector<1xi32>
          %broadcast_in_dim3A_970 = vector.broadcast %squeeze3A_969 : i32 to vector<16xi32>
          %gather3A_971 = arith.constant 0 : i32
          %gather3A_972 = arith.constant 0 : i32
          %gather3A_973 = tpu.memref_slice %arg9[%sub3A_198, %gather3A_971, %gather3A_972] : memref<2x64x512xf32, #tpu.memory_space<vmem>> -> memref<1x64x512xf32, #tpu.memory_space<vmem>>
          %gather3A_974 = tpu.memref_squeeze %gather3A_973 : memref<1x64x512xf32, #tpu.memory_space<vmem>> -> memref<64x512xf32, #tpu.memory_space<vmem>>
          %gather3A_975 = tpu.vector_load_idx %gather3A_974[%add3A_6, %broadcast_in_dim3A_970] : memref<64x512xf32, #tpu.memory_space<vmem>>[vector<16xi32>, vector<16xi32>], vector<16xf32>,
          %swap3A_976 = arith.index_cast %while3A_173 : i32 to index
          %swap3A_977 = arith.constant 960 : index
          %swap3A_978 = tpu.vector_load %arg10[%swap3A_976, %swap3A_977] {strides = array<i32>} : memref<2x1024xf32, #tpu.memory_space<vmem>>, vector<16xf32>,
          tpu.vector_store %arg10[%swap3A_976, %swap3A_977], %gather3A_975 {strides = array<i32>} : memref<2x1024xf32, #tpu.memory_space<vmem>>, vector<16xf32>,
          %gather3A_979 = arith.constant 0 : i32
          %gather3A_980 = arith.constant 0 : i32
          %gather3A_981 = tpu.memref_slice %arg9[%sub3A_198, %gather3A_979, %gather3A_980] : memref<2x64x512xf32, #tpu.memory_space<vmem>> -> memref<1x64x512xf32, #tpu.memory_space<vmem>>
          %gather3A_982 = tpu.memref_squeeze %gather3A_981 : memref<1x64x512xf32, #tpu.memory_space<vmem>> -> memref<64x512xf32, #tpu.memory_space<vmem>>
          %gather3A_983 = tpu.vector_load_idx %gather3A_982[%add3A_10, %broadcast_in_dim3A_970] : memref<64x512xf32, #tpu.memory_space<vmem>>[vector<16xi32>, vector<16xi32>], vector<16xf32>,
          %swap3A_984 = arith.index_cast %while3A_173 : i32 to index
          %swap3A_985 = arith.constant 976 : index
          %swap3A_986 = tpu.vector_load %arg10[%swap3A_984, %swap3A_985] {strides = array<i32>} : memref<2x1024xf32, #tpu.memory_space<vmem>>, vector<16xf32>,
          tpu.vector_store %arg10[%swap3A_984, %swap3A_985], %gather3A_983 {strides = array<i32>} : memref<2x1024xf32, #tpu.memory_space<vmem>>, vector<16xf32>,
          %gather3A_987 = arith.constant 0 : i32
          %gather3A_988 = arith.constant 0 : i32
          %gather3A_989 = tpu.memref_slice %arg9[%sub3A_198, %gather3A_987, %gather3A_988] : memref<2x64x512xf32, #tpu.memory_space<vmem>> -> memref<1x64x512xf32, #tpu.memory_space<vmem>>
          %gather3A_990 = tpu.memref_squeeze %gather3A_989 : memref<1x64x512xf32, #tpu.memory_space<vmem>> -> memref<64x512xf32, #tpu.memory_space<vmem>>
          %gather3A_991 = tpu.vector_load_idx %gather3A_990[%add3A_14, %broadcast_in_dim3A_970] : memref<64x512xf32, #tpu.memory_space<vmem>>[vector<16xi32>, vector<16xi32>], vector<16xf32>,
          %swap3A_992 = arith.index_cast %while3A_173 : i32 to index
          %swap3A_993 = arith.constant 992 : index
          %swap3A_994 = tpu.vector_load %arg10[%swap3A_992, %swap3A_993] {strides = array<i32>} : memref<2x1024xf32, #tpu.memory_space<vmem>>, vector<16xf32>,
          tpu.vector_store %arg10[%swap3A_992, %swap3A_993], %gather3A_991 {strides = array<i32>} : memref<2x1024xf32, #tpu.memory_space<vmem>>, vector<16xf32>,
          %gather3A_995 = arith.constant 0 : i32
          %gather3A_996 = arith.constant 0 : i32
          %gather3A_997 = tpu.memref_slice %arg9[%sub3A_198, %gather3A_995, %gather3A_996] : memref<2x64x512xf32, #tpu.memory_space<vmem>> -> memref<1x64x512xf32, #tpu.memory_space<vmem>>
          %gather3A_998 = tpu.memref_squeeze %gather3A_997 : memref<1x64x512xf32, #tpu.memory_space<vmem>> -> memref<64x512xf32, #tpu.memory_space<vmem>>
          %gather3A_999 = tpu.vector_load_idx %gather3A_998[%add3A_18, %broadcast_in_dim3A_970] : memref<64x512xf32, #tpu.memory_space<vmem>>[vector<16xi32>, vector<16xi32>], vector<16xf32>,
          %swap3A_1000 = arith.index_cast %while3A_173 : i32 to index
          %swap3A_1001 = arith.constant 1008 : index
          %swap3A_1002 = tpu.vector_load %arg10[%swap3A_1000, %swap3A_1001] {strides = array<i32>} : memref<2x1024xf32, #tpu.memory_space<vmem>>, vector<16xf32>,
          tpu.vector_store %arg10[%swap3A_1000, %swap3A_1001], %gather3A_999 {strides = array<i32>} : memref<2x1024xf32, #tpu.memory_space<vmem>>, vector<16xf32>,
          %slice3A_1003 = vector.extract_strided_slice %select_n3A_216 {offsets = [15], sizes = [1], strides = [1]} : vector<16xi32> to vector<1xi32>
          %squeeze3A_1004 = vector.extract %slice3A_1003[0] : i32 from vector<1xi32>
          %mul3A_1005 = arith.constant 64 : i32
          %mul3A_1006 = arith.muli %squeeze3A_1004, %mul3A_1005 : i32
          %multiple_of3A_1007 = tpu.assume_multiple %mul3A_1006, 64 : i32
          %dma_start3A_1008 = arith.constant 960 : i32
          %dma_start3A_1009 = tpu.memref_slice %arg10[%while3A_173, %dma_start3A_1008] : memref<2x1024xf32, #tpu.memory_space<vmem>> -> memref<1x64xf32, #tpu.memory_space<vmem>>
          %dma_start3A_1010 = tpu.memref_squeeze %dma_start3A_1009 : memref<1x64xf32, #tpu.memory_space<vmem>> -> memref<64xf32, #tpu.memory_space<vmem>>
          %dma_start3A_1011 = tpu.memref_slice %arg6[%multiple_of3A_1007] : memref<1050624xf32, #tpu.memory_space<hbm>> -> memref<64xf32, #tpu.memory_space<hbm>>
          %dma_start3A_1012 = tpu.memref_slice %arg6[%multiple_of3A_1007] : memref<1050624xf32, #tpu.memory_space<hbm>> -> memref<64xf32, #tpu.memory_space<hbm>>
          %dma_start3A_1013 = arith.constant 960 : i32
          %dma_start3A_1014 = tpu.memref_slice %arg10[%while3A_173, %dma_start3A_1013] : memref<2x1024xf32, #tpu.memory_space<vmem>> -> memref<1x64xf32, #tpu.memory_space<vmem>>
          %dma_start3A_1015 = tpu.memref_squeeze %dma_start3A_1014 : memref<1x64xf32, #tpu.memory_space<vmem>> -> memref<64xf32, #tpu.memory_space<vmem>>
          tpu.enqueue_dma source(%dma_start3A_1015 : memref<64xf32, #tpu.memory_space<vmem>>) target(%dma_start3A_1012 : memref<64xf32, #tpu.memory_space<hbm>>) target_semaphore(%arg12 : memref<!tpu.dma_semaphore, #tpu.memory_space<semaphore_mem>>)
        } else {
        }
        %sub3A_231 = arith.constant 1 : i32
        %sub3A_232 = arith.subi %sub3A_231, %while3A_173 : i32
        %select_n3A_233 = arith.select %reduce_or3A_227, %sub3A_232, %while3A_173 : i32
        %jit3A_234 = arith.constant 1 : i32
        %select_n3A_235 = arith.select %reduce_or3A_227, %jit3A_234, %while3A_174 : i32
        %jit3A_236 = arith.constant 1 : i32
        %jit3A_237 = arith.constant 0 : i32
        %select_n3A_238 = arith.select %lt3A_206, %jit3A_236, %jit3A_237 : i32
        scf.yield %reduce_min3A_185, %sub3A_198, %select_n3A_238, %select_n3A_233, %select_n3A_235 : i32, i32, i32, i32, i32
      }
      scf.yield %while3A_169#0, %while3A_169#1, %while3A_169#2, %while3A_169#3, %while3A_169#4 : i32, i32, i32, i32, i32
    }
    %eq3A = arith.constant 1 : i32
    %eq3A_75 = arith.cmpi eq, %while3A_74#2, %eq3A : i32
    %convert_element_type3A = arith.extui %eq3A_75 : i1 to i32
    %cond3A = arith.constant 0 : i32
    %cond3A_76 = arith.cmpi ne, %convert_element_type3A, %cond3A : i32
    scf.if %cond3A_76 {
      %dma_wait3A = arith.constant 0 : i32
      %dma_wait3A_82 = arith.constant 0 : i32
      %dma_wait3A_83 = arith.constant 0 : i32
      %dma_wait3A_84 = tpu.memref_slice %arg9[%dma_wait3A, %dma_wait3A_82, %dma_wait3A_83] : memref<2x64x512xf32, #tpu.memory_space<vmem>> -> memref<1x64x512xf32, #tpu.memory_space<vmem>>
      %dma_wait3A_85 = tpu.memref_squeeze %dma_wait3A_84 : memref<1x64x512xf32, #tpu.memory_space<vmem>> -> memref<64x512xf32, #tpu.memory_space<vmem>>
      %dma_wait3A_86 = arith.constant 0 : i32
      %dma_wait3A_87 = arith.constant 0 : i32
      %dma_wait3A_88 = tpu.memref_slice %arg2[%dma_wait3A_86, %dma_wait3A_87] : memref<64x1000000xf32, #tpu.memory_space<hbm>> -> memref<64x512xf32, #tpu.memory_space<hbm>>
      %dma_wait3A_89 = arith.constant 0 : i32
      %dma_wait3A_90 = arith.constant 0 : i32
      %dma_wait3A_91 = tpu.memref_slice %arg9[%dma_wait3A, %dma_wait3A_89, %dma_wait3A_90] : memref<2x64x512xf32, #tpu.memory_space<vmem>> -> memref<1x64x512xf32, #tpu.memory_space<vmem>>
      %dma_wait3A_92 = tpu.memref_squeeze %dma_wait3A_91 : memref<1x64x512xf32, #tpu.memory_space<vmem>> -> memref<64x512xf32, #tpu.memory_space<vmem>>
      %dma_wait3A_93 = arith.constant 0 : i32
      %dma_wait3A_94 = arith.constant 0 : i32
      %dma_wait3A_95 = tpu.memref_slice %arg2[%dma_wait3A_93, %dma_wait3A_94] : memref<64x1000000xf32, #tpu.memory_space<hbm>> -> memref<64x512xf32, #tpu.memory_space<hbm>>
      tpu.wait_dma2 semaphore(%arg13 : memref<!tpu.dma_semaphore, #tpu.memory_space<semaphore_mem>>) src(%dma_wait3A_95 : memref<64x512xf32, #tpu.memory_space<hbm>>) dst(%dma_wait3A_92 : memref<64x512xf32, #tpu.memory_space<vmem>>)
    } else {
    }
    %eq3A_77 = arith.constant 1 : i32
    %eq3A_78 = arith.cmpi eq, %while3A_74#4, %eq3A_77 : i32
    %convert_element_type3A_79 = arith.extui %eq3A_78 : i1 to i32
    %cond3A_80 = arith.constant 0 : i32
    %cond3A_81 = arith.cmpi ne, %convert_element_type3A_79, %cond3A_80 : i32
    scf.if %cond3A_81 {
      %dma_wait3A = arith.constant 0 : i32
      %dma_wait3A_82 = arith.constant 0 : i32
      %dma_wait3A_83 = tpu.memref_slice %arg10[%dma_wait3A, %dma_wait3A_82] : memref<2x1024xf32, #tpu.memory_space<vmem>> -> memref<1x1024xf32, #tpu.memory_space<vmem>>
      %dma_wait3A_84 = tpu.memref_squeeze %dma_wait3A_83 : memref<1x1024xf32, #tpu.memory_space<vmem>> -> memref<1024xf32, #tpu.memory_space<vmem>>
      %dma_wait3A_85 = arith.constant 0 : i32
      %dma_wait3A_86 = tpu.memref_slice %arg6[%dma_wait3A_85] : memref<1050624xf32, #tpu.memory_space<hbm>> -> memref<1024xf32, #tpu.memory_space<hbm>>
      %dma_wait3A_87 = arith.constant 0 : i32
      %dma_wait3A_88 = tpu.memref_slice %arg10[%dma_wait3A, %dma_wait3A_87] : memref<2x1024xf32, #tpu.memory_space<vmem>> -> memref<1x1024xf32, #tpu.memory_space<vmem>>
      %dma_wait3A_89 = tpu.memref_squeeze %dma_wait3A_88 : memref<1x1024xf32, #tpu.memory_space<vmem>> -> memref<1024xf32, #tpu.memory_space<vmem>>
      %dma_wait3A_90 = arith.constant 0 : i32
      %dma_wait3A_91 = tpu.memref_slice %arg6[%dma_wait3A_90] : memref<1050624xf32, #tpu.memory_space<hbm>> -> memref<1024xf32, #tpu.memory_space<hbm>>
      tpu.wait_dma2 semaphore(%arg12 : memref<!tpu.dma_semaphore, #tpu.memory_space<semaphore_mem>>) src(%dma_wait3A_91 : memref<1024xf32, #tpu.memory_space<hbm>>) dst(%dma_wait3A_89 : memref<1024xf32, #tpu.memory_space<vmem>>)
    } else {
    }
    return
  }
}

module attributes {stable_mosaic.version = 14 : i64} {
  func.func @_mlp_body(%arg0: i32, %arg1: memref<64x2048xf32, #tpu.memory_space<vmem>>, %arg2: memref<16x64xf32, #tpu.memory_space<vmem>>, %arg3: memref<16x1xf32, #tpu.memory_space<vmem>>, %arg4: memref<16x1xf32, #tpu.memory_space<vmem>>, %arg5: memref<1x1xf32, #tpu.memory_space<vmem>>, %arg6: memref<1x2048xf32, #tpu.memory_space<vmem>>) attributes {dimension_semantics = [#tpu.dimension_semantics<arbitrary>], iteration_bounds = array<i64: 8>, scalar_prefetch = 0 : i64, scratch_operands = 0 : i64, tpu.core_type = #tpu.core_type<tc>, window_params = [{transform_indices = @transform_0, window_bounds = array<i64: 64, 2048>}, {pipeline_mode = #tpu.pipeline_mode<synchronous>, transform_indices = @transform_1, window_bounds = array<i64: 16, 64>}, {pipeline_mode = #tpu.pipeline_mode<synchronous>, transform_indices = @transform_2, window_bounds = array<i64: 16, 1>}, {pipeline_mode = #tpu.pipeline_mode<synchronous>, transform_indices = @transform_3, window_bounds = array<i64: 16, 1>}, {pipeline_mode = #tpu.pipeline_mode<synchronous>, transform_indices = @transform_4, window_bounds = array<i64: 1, 1>}, {transform_indices = @transform_5, window_bounds = array<i64: 1, 2048>}]} {
    %get3A = arith.constant 0 : index
    %get3A_0 = arith.constant 0 : index
    %get3A_1 = vector.load %arg2[%get3A, %get3A_0] : memref<16x64xf32, #tpu.memory_space<vmem>>, vector<16x64xf32>
    %get3A_2 = arith.constant 0 : index
    %get3A_3 = arith.constant 0 : index
    %get3A_4 = vector.load %arg1[%get3A_2, %get3A_3] : memref<64x2048xf32, #tpu.memory_space<vmem>>, vector<64x2048xf32>
    %dot_general3A = arith.constant dense<0.000000e+00> : vector<16x2048xf32>
    %dot_general3A_5 = tpu.matmul %get3A_1, %get3A_4, %dot_general3A {dimension_numbers = #tpu.dot_dimension_numbers<[1], [0], [0], [1], [0, 0, 1, 1], [], []>, transpose_lhs_hint = false} : vector<16x64xf32>, vector<64x2048xf32>, vector<16x2048xf32> -> vector<16x2048xf32>
    %get3A_6 = arith.constant 0 : index
    %get3A_7 = arith.constant 0 : index
    %get3A_8 = vector.load %arg3[%get3A_6, %get3A_7] : memref<16x1xf32, #tpu.memory_space<vmem>>, vector<16x1xf32>
    %add3A = vector.broadcast %get3A_8 : vector<16x1xf32> to vector<16x2048xf32>
    %add3A_9 = arith.addf %dot_general3A_5, %add3A : vector<16x2048xf32>
    %max3A = arith.constant 0.000000e+00 : f32
    %max3A_10 = vector.broadcast %max3A : f32 to vector<16x2048xf32>
    %max3A_11 = arith.maximumf %add3A_9, %max3A_10 : vector<16x2048xf32>
    %get3A_12 = arith.constant 0 : index
    %get3A_13 = arith.constant 0 : index
    %get3A_14 = vector.load %arg4[%get3A_12, %get3A_13] : memref<16x1xf32, #tpu.memory_space<vmem>>, vector<16x1xf32>
    %mul3A = vector.broadcast %get3A_14 : vector<16x1xf32> to vector<16x2048xf32>
    %mul3A_15 = arith.mulf %max3A_11, %mul3A : vector<16x2048xf32>
    %reduce_sum3A = arith.constant dense<0.000000e+00> : vector<2048xf32>
    %reduce_sum3A_16 = vector.multi_reduction <add>, %mul3A_15, %reduce_sum3A [0] : vector<16x2048xf32> to vector<2048xf32>
    %broadcast_in_dim3A = vector.shape_cast %reduce_sum3A_16 : vector<2048xf32> to vector<1x2048xf32>
    %get3A_17 = arith.constant 0 : index
    %get3A_18 = arith.constant 0 : index
    %get3A_19 = vector.load %arg5[%get3A_17, %get3A_18] : memref<1x1xf32, #tpu.memory_space<vmem>>, vector<1x1xf32>
    %add3A_20 = vector.broadcast %get3A_19 : vector<1x1xf32> to vector<1x2048xf32>
    %add3A_21 = arith.addf %broadcast_in_dim3A, %add3A_20 : vector<1x2048xf32>
    %swap3A = arith.constant 0 : index
    %swap3A_22 = arith.constant 0 : index
    %swap3A_23 = vector.load %arg6[%swap3A, %swap3A_22] : memref<1x2048xf32, #tpu.memory_space<vmem>>, vector<1x2048xf32>
    tpu.vector_store %arg6[%swap3A, %swap3A_22], %add3A_21 {strides = array<i32>} : memref<1x2048xf32, #tpu.memory_space<vmem>>, vector<1x2048xf32>,
    return
  }
  func.func @transform_0(%arg0: i32) -> (i32, i32) {
    %c0_i32 = arith.constant 0 : i32
    %c0_i32_0 = arith.constant 0 : i32
    return %c0_i32, %arg0 : i32, i32
  }
  func.func @transform_1(%arg0: i32) -> (i32, i32) {
    %c0_i32 = arith.constant 0 : i32
    %c0_i32_0 = arith.constant 0 : i32
    %c0_i32_1 = arith.constant 0 : i32
    return %c0_i32, %c0_i32_0 : i32, i32
  }
  func.func @transform_2(%arg0: i32) -> (i32, i32) {
    %c0_i32 = arith.constant 0 : i32
    %c0_i32_0 = arith.constant 0 : i32
    %c0_i32_1 = arith.constant 0 : i32
    return %c0_i32, %c0_i32_0 : i32, i32
  }
  func.func @transform_3(%arg0: i32) -> (i32, i32) {
    %c0_i32 = arith.constant 0 : i32
    %c0_i32_0 = arith.constant 0 : i32
    %c0_i32_1 = arith.constant 0 : i32
    return %c0_i32, %c0_i32_0 : i32, i32
  }
  func.func @transform_4(%arg0: i32) -> (i32, i32) {
    %c0_i32 = arith.constant 0 : i32
    %c0_i32_0 = arith.constant 0 : i32
    %c0_i32_1 = arith.constant 0 : i32
    return %c0_i32, %c0_i32_0 : i32, i32
  }
  func.func @transform_5(%arg0: i32) -> (i32, i32) {
    %c0_i32 = arith.constant 0 : i32
    %c0_i32_0 = arith.constant 0 : i32
    return %c0_i32, %arg0 : i32, i32
  }
}

</mosaic_0001>

<sc_bundles>
// kernel: kernel.4.cloned.1.call-start
scs
__scs_entry_jumppad:
0x0: {  	(pc) =	sbr.rel $0x88, $3  }
0x1: {  	(tag) =	ssettag $0x0;
	lr =	simm.s32 $0x1  }
0x2: {  	[smem:$0x3F9B] =	sst lr;
	_ =	strace $0xD0000000  }
0x3: {  	_ = 	snop  }
0x4: {  	_ = 	snop  }
0x5: {  	_ = 	snop  }
0x6: {  	_ = 	snop  }
0x7: {  	_ = 	snop  }
__scs_overlays_trampoline_lowered:
0x8: {  	[smem:$0x3FAA] =	sst s0  }
0x9: {  	[smem:$0x3FAB] =	sst s1  }
0xa: {  	[smem:$0x3FAC] =	sst s2  }
0xb: {  	[smem:$0x3FAD] =	sst s3  }
0xc: {  	[smem:$0x3FAE] =	sst s4  }
0xd: {  	[smem:$0x3FAF] =	sst s5  }
0xe: {  	[smem:$0x3FB0] =	sst s6  }
0xf: {  	[smem:$0x3FB1] =	sst s7  }
0x10: {  	[smem:$0x3FB2] =	sst s8  }
0x11: {  	[smem:$0x3FB3] =	sst s9;
	s0 =	simm.s32 @!p0 $0x0  }
0x12: {  	s1 =	sld [smem:$0x3F99];
	s0 =	simm.s32 @p0 $0x1  }
0x13: {  	[smem:$0x3FB4] =	sst s0;
	s0 =	simm.s32 @!p1 $0x0  }
0x14: {  	s2 =	sld [smem:$0x3F98];
	s0 =	simm.s32 @p1 $0x1  }
0x15: {  	[smem:$0x3FB5] =	sst s0;
	s0 =	simm.s32 @!p2 $0x0  }
0x16: {  	s3 =	sld [smem:$0x3FDB];
	s0 =	simm.s32 @p2 $0x1  }
0x17: {  	s4 =	simm.s32 $0x1BF5;
	[smem:$0x3FB7] =	sst s0  }
0x18: {  	s0 =	sld [smem:$0x3F9A];
	_ =	swait.ge [sflag:s4], $0x0  }
0x19: {  	s7 =	sld [smem:$0x3F9B]  }
0x1a: {  	s8 =	sadd.s32 $0xFFFFE003, lr  }
0x1b: {  	s9 =	sadd.s32 $0xFFFFFEF7, lr;
	s5 =	simm.s32 $0xFFFFFFFF;
	p2 =	slt.u32 s8, $0xFFFFF086  }
0x1c: {  	p1 =	slt.u32 s9, $0xF7A;
	s5 =	simm.s32 @!p2 $0x0  }
0x1d: {  	s5 =	simm.s32 @p1 $0x1;
	p0 =	seq.s32 s7, s2  }
0x1e: {  	s7 =	smul.u32 @!p0 $0xF7A, s2;
	p2 =	seq.s32 @!p0 s5, $0x0  }
0x1f: {  	s9 =	smul.u32 $0xF7A, s1;
	s8 =	simm.s32 @!p0 $0x1BF5;
	p2 =	por !p2, p0  }
0x20: {  	[sflag:s8] =	ssyncset.s32 @!p0 $0xFFFFF086;
	s6 =	sadd.s32 @!p0 s3, s7;
	s7 =	simm.s32 @!p0 $0x108  }
0x21: {  	s3 =	sadd.s32 s3, s9;
	s6 =	sadd.s32 @!p0 $0x88, s6;
	s7 =	simm.s32 @p2 $0x1082  }
0x22: {  	[simem:s7], [sflag:s8] =	dma.local @!p0 [hbm:s6], $0xF7A  }
0x23: {  	s9 =	sor.u32 $0xD0000000, s2;
	s6 =	simm.s32 $0x108;
	_ =	swait.ge @!p0 [sflag:s8], $0x0  }
0x24: {  	s3 =	sadd.s32 $0x88, s3;
	s6 =	simm.s32 @!p1 $0x1082;
	[sflag:s4] =	ssyncset.s32 $0xFFFFF086  }
0x25: {  	[simem:s6], [sflag:s4] =	dma.local [hbm:s3], $0xF7A  }
0x26: {  	[smem:$0x3F9B] =	sst s1;
	(tag) =	ssettag s2;
	_ =	strace s9  }
0x27: {  	s1 =	sld [smem:$0x3FAB]  }
0x28: {  	s2 =	sld [smem:$0x3FAC]  }
0x29: {  	s4 =	sld [smem:$0x3FAE]  }
0x2a: {  	p0 =	seq.s32 s5, $0x0;
	s5 =	sld [smem:$0x3FAF]  }
0x2b: {  	s6 =	sld [smem:$0x3FB0]  }
0x2c: {  	s7 =	sld [smem:$0x3FB1]  }
0x2d: {  	s3 =	simm.s32 $0x108;
	s8 =	sld [smem:$0x3FB2]  }
0x2e: {  	s3 =	simm.s32 @!p0 $0x1082;
	s9 =	sld [smem:$0x3FB3]  }
0x2f: {  	lr =	sadd.s32 s0, s3;
	s0 =	sld [smem:$0x3FAA]  }
0x30: {  	s3 =	sld [smem:$0x3FAD]  }
0x31: {  	[smem:$0x3FB6] =	sst s10  }
0x32: {  	s10 =	sld [smem:$0x3FB4];
	_ =	sdelay $0x3  }
0x33: {  	p0 =	seq.s32 s10, $0x1;
	s10 =	sld [smem:$0x3FB6];
	_ =	sdelay $0x3  }
0x34: {  	[smem:$0x3FB6] =	sst s10  }
0x35: {  	s10 =	sld [smem:$0x3FB5];
	_ =	sdelay $0x3  }
0x36: {  	p1 =	seq.s32 s10, $0x1;
	s10 =	sld [smem:$0x3FB6];
	_ =	sdelay $0x3  }
0x37: {  	[smem:$0x3FB6] =	sst s10  }
0x38: {  	s10 =	sld [smem:$0x3FB7]  }
0x39: {  	_ = 	snop;
	(pc) =	sbr.ind lr, $3  }
0x3a: {  	_ = 	snop  }
0x3b: {  	_ = 	snop  }
0x3c: {  	p2 =	seq.s32 s10, $0x1;
	s10 =	sld [smem:$0x3FB6]  }
0x3d: {  	_ =	shalt  }
0x3e: {  	_ =	shalt  }
0x3f: {  	_ =	shalt  }
0x40: {  	_ =	shalt  }
0x41: {  	_ =	shalt  }
0x42: {  	_ =	shalt  }
0x43: {  	_ =	shalt  }
0x44: {  	_ =	shalt  }
0x45: {  	_ =	shalt  }
0x46: {  	_ =	shalt  }
0x47: {  	_ =	shalt  }
0x48: {  	_ =	shalt  }
0x49: {  	_ =	shalt  }
0x4a: {  	_ =	shalt  }
0x4b: {  	_ =	shalt  }
0x4c: {  	_ =	shalt  }
0x4d: {  	_ =	shalt  }
0x4e: {  	_ =	shalt  }
0x4f: {  	_ =	shalt  }
0x50: {  	_ =	shalt  }
0x51: {  	_ =	shalt  }
0x52: {  	_ =	shalt  }
0x53: {  	_ =	shalt  }
0x54: {  	_ =	shalt  }
0x55: {  	_ =	shalt  }
0x56: {  	_ =	shalt  }
0x57: {  	_ =	shalt  }
0x58: {  	_ =	shalt  }
0x59: {  	_ =	shalt  }
0x5a: {  	_ =	shalt  }
0x5b: {  	_ =	shalt  }
0x5c: {  	_ =	shalt  }
0x5d: {  	_ =	shalt  }
0x5e: {  	_ =	shalt  }
0x5f: {  	_ =	shalt  }
0x60: {  	_ =	shalt  }
0x61: {  	_ =	shalt  }
0x62: {  	_ =	shalt  }
0x63: {  	_ =	shalt  }
0x64: {  	_ =	shalt  }
0x65: {  	_ =	shalt  }
0x66: {  	_ =	shalt  }
0x67: {  	_ =	shalt  }
0x68: {  	_ =	shalt  }
0x69: {  	_ =	shalt  }
0x6a: {  	_ =	shalt  }
0x6b: {  	_ =	shalt  }
0x6c: {  	_ =	shalt  }
0x6d: {  	_ =	shalt  }
0x6e: {  	_ =	shalt  }
0x6f: {  	_ =	shalt  }
0x70: {  	_ =	shalt  }
0x71: {  	_ =	shalt  }
0x72: {  	_ =	shalt  }
0x73: {  	_ =	shalt  }
0x74: {  	_ =	shalt  }
0x75: {  	_ =	shalt  }
0x76: {  	_ =	shalt  }
0x77: {  	_ =	shalt  }
0x78: {  	_ =	shalt  }
0x79: {  	_ =	shalt  }
0x7a: {  	_ =	shalt  }
0x7b: {  	_ =	shalt  }
0x7c: {  	_ =	shalt  }
0x7d: {  	_ =	shalt  }
0x7e: {  	_ =	shalt  }
0x7f: {  	_ =	shalt  }
0x80: {  	_ =	shalt  }
0x81: {  	_ =	shalt  }
0x82: {  	_ =	shalt  }
0x83: {  	_ =	shalt  }
0x84: {  	_ =	shalt  }
0x85: {  	_ =	shalt  }
0x86: {  	_ =	shalt  }
0x87: {  	_ =	shalt  }
.Lfunc_end0:
.L_simem_size_0:
called_computation_lowered:
.L_overlay_start_0:
0x88: {  	s2 =	sld [smem:$0x3FD9]  }
0x89: {  	s3 =	sld [smem:$0x3FFE];
	_ =	sdelay $0x1  }
0x8a: {  	s1 =	srdreg.scid  }
0x8b: {  	s0 =	sand.u32 $0x1, s1  }
0x8c: {  	s14 =	sshll.u32 s0, $0xA;
	s2 =	sadd.s32 s3, s2  }
0x8d: {  	s2 =	sadd.s32 s2, s14  }
0x8e: {  	[smem:$0x3FC2] =	sst s2  }
0x8f: {  	_ = 	snop  }
0x90: {  	s2 =	sld [smem:$0x3FD0];
	_ =	sdelay $0x2  }
0x91: {  	s4 =	simm.s32 $0xA;
	s5 =	simm.s32 $0x10;
	s15 =	sld [smem:$0x3FC8]  }
0x92: {  	[smem:s5], [sflag:s4] =	dma.local [hbm:s2], $0x1  }
0x93: {  	_ =	swait.eq [sflag:s4], $0x1  }
0x94: {  	[sflag:s4] =	ssyncset.done $0x0  }
0x95: {  	s16 =	sld [smem:$0x10];
	[sflag:s4] =	ssyncadd.s32 $0xFFFFFFFF  }
0x96: {  	s17 =	sld [smem:$0x11];
	(tm) =	ssettm $0x1  }
0x97: {  	s18 =	sld [smem:$0x3FFB];
	_ =	sdelay $0x3  }
0x98: {  	_ =	strace s18  }
0x99: {  	s5 =	sld [smem:$0x3FFC];
	_ =	sdelay $0x3  }
0x9a: {  	_ =	strace s5  }
0x9b: {  	s5 =	sld [smem:$0x3FFD];
	_ =	sdelay $0x3  }
0x9c: {  	_ =	strace s5  }
0x9d: {  	_ =	strace $0x8FFFFFFF  }
0x9e: {  	s19 =	sld [smem:$0x3FDB];
	_ =	sdelay $0x1  }
0x9f: {  	s6 =	simm.s32 $_scs_section_size  }
0xa0: {  	s7 =	simm.s32 $_size__tile_overlayer_lowered;
	s8 =	simm.s32 $_tile_overlayer_lowered  }
0xa1: {  	s22 =	simm.s32 $0x1BFF;
	s21 =	sshll.u32 s8, $0x1;
	s5 =	sadd.s32 s6, s19  }
0xa2: {  	s9 =	simm.s32 $0x0;
	s20 =	sshll.u32 s7, $0x1;
	s7 =	sadd.s32 s21, s5  }
0xa3: {  	[timem:s9], [sflag:s22] =	dma.local [hbm:s7], s20  }
0xa4: {  	_ =	swait.ge [sflag:s22], s20  }
0xa5: {  	s6 =	ssub.s32 $0x0, s20;
	[sflag:s22] =	ssyncset.done $0x0  }
0xa6: {  	[sflag:s22] =	ssyncadd.s32 s6;
	_ =	sdelay $0x1  }
0xa7: {  	s23 =	simm.s32 $0x1B8B  }
0xa8: {  	_ =	swait.ge [sflag:s23], $0x1  }
0xa9: {  	[sflag:s23] =	ssyncset.done $0x0  }
0xaa: {  	s25 =	simm.s32 $0x1B8E;
	s24 =	sld [smem:$0x3FFE];
	[sflag:s23] =	ssyncadd.s32 $0xFFFFFFFF  }
0xab: {  	s26 =	simm.s32 $execute0_lowered;
	[smem:$0x3FD2] =	sst s25  }
0xac: {  	s7 =	sshll.u32 s26, $0x1;
	_ =	strace $0x80000046;
	[dreg:$0x1] =	wrdreg $0xFFFFFFFF  }
0xad: {  	s28 =	simm.s32 $_size_execute0_lowered;
	s5 =	sadd.s32 s5, s7;
	[dreg:$0x0] =	wrdreg $0x0  }
0xae: {  	s7 =	sshll.u32 s28, $0x1;
	[dreg:$0x2] =	wrdreg s5  }
0xaf: {  	[dreg:$0x3] =	wrdreg s7  }
0xb0: {  	[dreg:$0x4] =	wrdreg $0xC0  }
0xb1: {  	_ =	task [dreg:s9], $0x5FFFF  }
0xb2: {  	[dreg:$0x1] =	wrdreg $0xFFFFFFFF  }
0xb3: {  	[dreg:$0x0] =	wrdreg $0x60  }
0xb4: {  	[dreg:$0x2] =	wrdreg s15  }
0xb5: {  	[dreg:$0x3] =	wrdreg s16  }
0xb6: {  	[dreg:$0x4] =	wrdreg s17  }
0xb7: {  	[dreg:$0x5] =	wrdreg s24  }
0xb8: {  	[dreg:$0x6] =	wrdreg $0x9  }
0xb9: {  	_ =	task.clear_ibuf [dreg:s9], $0x7FFFF;
	_ =	strace $0x90000046  }
0xba: {  	s29 =	simm.s32 $0x9;
	_ =	strace $0x80000048  }
0xbb: {  	_ =	swait.ge [sflag:s29], $0x1  }
0xbc: {  	[sflag:s29] =	ssyncadd.s32 $0xFFFFFFFF  }
0xbd: {  	_ =	strace $0x90000048  }
0xbe: {  	_ =	sfence  }
0xbf: {  	s30 =	sld [smem:$0x0];
	_ =	sdelay $0x2  }
0xc0: {  	s31 =	sshll.u32 s1, $0xD;
	s1 =	sshrl.u32 s1, $0x2  }
0xc1: {  	s3 =	sand.u32 $0x4000, s31;
	s1 =	sadd.s32 s1, s30  }
0xc2: {  	s0 =	sor.u32 s3, s0;
	s1 =	sshll.u32 s1, $0x11  }
0xc3: {  	s0 =	sor.u32 s1, s0  }
0xc4: {  	s0 =	sadd.s32 $0x8F2B, s0  }
0xc5: {  	[sflag:s0] =	ssyncadd.remote.s32 $0x1  }
0xc6: {  	_ =	sfence.sel $0xFFFF  }
0xc7: {  	[dreg:$0x0] =	wrdreg $0xFFFFFFFF;
	(pc) =	sbr.abs _section_cstart, $3  }
0xc8: {  	[dreg:$0x1] =	wrdreg $0xFFFFFFFF  }
0xc9: {  	_ =	task.clear_ibuf [dreg:s9], $0x2FFFF;
	_ =	strace $0x9FFFFFFF  }
0xca: {  	(tm) =	ssettm $0x7FFFFFFF  }
0xcb: {  	_ =	shalt  }
tec
execute0_lowered:
.L_overlay_start_1:
0x0: {  	(tag) =	ssettag $0x1  }
0x1: {  	v0 =	vimm.s32 $0x1380;
	vm14 =	vcmask $0x300  }
0x2: {  	vm13 =	vcmask $0x704;
	vm12 =	vcmask $0xB08;
	vm11 =	vcmask $0xF0C  }
0x3: {  	vm10 =	vcmask $0x1310;
	vm9 =	vcmask $0x1714;
	vm8 =	vcmask $0x1B18  }
0x4: {  	vm7 =	vcmask $0x1F1C;
	vm6 =	vcmask $0x2320;
	vm5 =	vcmask $0x2724  }
0x5: {  	vm4 =	vcmask $0x2B28;
	vm3 =	vcmask $0x2F2C;
	vm2 =	vcmask $0x3330  }
0x6: {  	vm1 =	vcmask $0x3734;
	vm0 =	vcmask $0x3B38;
	v3 =	vimm.f32 $0.0e+00  }
0x7: {  	v5 =	vimm.s32 $0x3380;
	v6 =	vimm.s32 $0x5380;
	v7 =	vimm.s32 $0x7380  }
0x8: {  	v0 =	vsel vm14, $0x0, v0;
	v5 =	vsel vm14, $0x2000, v5;
	v6 =	vsel vm14, $0x4000, v6  }
0x9: {  	v7 =	vsel vm14, $0x6000, v7;
	v0 =	vsel vm13, $0x80, v0;
	v5 =	vsel vm13, $0x2080, v5  }
0xa: {  	v6 =	vsel vm13, $0x4080, v6;
	v7 =	vsel vm13, $0x6080, v7;
	v0 =	vsel vm12, $0x100, v0  }
0xb: {  	v5 =	vsel vm12, $0x2100, v5;
	v6 =	vsel vm12, $0x4100, v6;
	v7 =	vsel vm12, $0x6100, v7  }
0xc: {  	v0 =	vsel vm11, $0x180, v0;
	v5 =	vsel vm11, $0x2180, v5;
	v6 =	vsel vm11, $0x4180, v6  }
0xd: {  	v7 =	vsel vm11, $0x6180, v7;
	v0 =	vsel vm10, $0x200, v0;
	v5 =	vsel vm10, $0x2200, v5  }
0xe: {  	v6 =	vsel vm10, $0x4200, v6;
	v7 =	vsel vm10, $0x6200, v7;
	v0 =	vsel vm9, $0x280, v0  }
0xf: {  	v5 =	vsel vm9, $0x2280, v5;
	v6 =	vsel vm9, $0x4280, v6;
	v7 =	vsel vm9, $0x6280, v7  }
0x10: {  	v0 =	vsel vm8, $0x300, v0;
	v5 =	vsel vm8, $0x2300, v5;
	v6 =	vsel vm8, $0x4300, v6  }
0x11: {  	v7 =	vsel vm8, $0x6300, v7;
	v0 =	vsel vm7, $0x380, v0;
	v5 =	vsel vm7, $0x2380, v5  }
0x12: {  	s1 =	srdreg.scid;
	v6 =	vsel vm7, $0x4380, v6;
	v7 =	vsel vm7, $0x6380, v7;
	v0 =	vsel vm6, $0x1000, v0  }
0x13: {  	s0 =	stileid.u32;
	s2 =	rddreg [dreg:$0x1];
	v5 =	vsel vm6, $0x3000, v5;
	v6 =	vsel vm6, $0x5000, v6;
	v7 =	vsel vm6, $0x7000, v7  }
0x14: {  	s3 =	rddreg [dreg:$0x2];
	s6 =	sand.u32 $0x1, s1;
	s31 =	sshll.u32 s0, $0x1;
	v0 =	vsel vm5, $0x1080, v0;
	v5 =	vsel vm5, $0x3080, v5;
	v6 =	vsel vm5, $0x5080, v6  }
0x15: {  	s8 =	rddreg [dreg:$0x3];
	s7 =	sor.u32 s6, s31;
	v7 =	vsel vm5, $0x7080, v7;
	v0 =	vsel vm4, $0x1100, v0;
	v5 =	vsel vm4, $0x3100, v5  }
0x16: {  	s4 =	rddreg [dreg:$0x4];
	s5 =	simm.s32 $0x0;
	s1 =	sor.u32 $0x4000, s7;
	v6 =	vsel vm4, $0x5100, v6;
	v7 =	vsel vm4, $0x7100, v7;
	v1 =	vsel vm3, $0x1180, v0  }
0x17: {  	s10 =	simm.s32 $0x4000;
	s11 =	simm.s32 $0x18800;
	s12 =	simm.s32 $0x1;
	v0 =	vmov s1;
	v5 =	vsel vm3, $0x3180, v5;
	v6 =	vsel vm3, $0x5180, v6  }
.Ltmp0:
0x18: {  	s13 =	simm.s32 $0x2;
	s6 =	ssub.s32 $0x2, s6;
	v7 =	vsel vm3, $0x7180, v7;
	v2 =	vsel vm2, $0x1200, v1;
	v1 =	vlaneseq.u32;
	(pc) =	sbr.rel .LBB2_1-.Ltmp0, $4  }
0x19: {  	s14 =	simm.s32 $0x0;
	s7 =	sshll.u32 s7, $0x4;
	s9 =	sshrl.u32 s6, $0x1;
	v5 =	vsel vm2, $0x3200, v5;
	v6 =	vsel vm2, $0x5200, v6;
	v7 =	vsel vm2, $0x7200, v7  }
0x1a: {  	[smem:$0x7FF] =	sst s5;
	s7 =	sadd.s32 s7, s8;
	s9 =	ssub.s32 s6, s9;
	v4 =	vsel vm1, $0x1280, v2;
	v2 =	vimm.s32 $0x0;
	v5 =	vsel vm1, $0x3280, v5  }
0x1b: {  	s6 =	sadd.s32 $0xC00, s8;
	s7 =	sadd.s32 $0xA00, s7;
	s8 =	smax.u32 s9, $0x1;
	v6 =	vsel vm1, $0x5280, v6;
	v7 =	vsel vm1, $0x7280, v7;
	v4 =	vsel vm0, $0x1300, v4  }
0x1c: {  	s9 =	simm.s32 $0x3;
	s1 =	rddreg [dreg:$0x0];
	_ =	strace $0x80000047;
	v5 =	vsel vm0, $0x3300, v5;
	v6 =	vsel vm0, $0x5300, v6;
	v7 =	vsel vm0, $0x7300, v7  }
.LBB2_16:
0x1d: {  	_ =	swait.ge [sflag:s12], $0x400  }
0x1e: {  	[sflag:s12] =	ssyncset.done $0x0  }
0x1f: {  	[sflag:s12] =	ssyncadd.s32 $0xFFFFFC00  }
.LBB2_17:
0x20: {  	s14 =	sadd.s32 $0x1, s14  }
0x21: {  	p0 =	sne.s32 s14, s8  }
.Ltmp1:
0x22: {  	_ = 	snop;
	(pc) =	sbr.rel @!p0 .LBB2_18-.Ltmp1, $1  }
0x23: {  	_ =	sdelay $0x3  }
.LBB2_1:
0x24: {  	[tilespmem:s5], [sflag:$0x3] =	stream.linear.gather [hbm4b:s2+s5], $0x4000, $0x38;
	[tilespmem:$0x18880] =	vst v63  }
0x25: {  	_ =	swait.ge [sflag:s9], $0x4000  }
0x26: {  	[sflag:s9] =	ssyncset.done $0x0  }
0x27: {  	[sflag:s9] =	ssyncadd.s32 $0xFFFFC000  }
0x28: {  	[tilespmem:s10], [sflag:$0x3] =	stream.linear.gather [hbm4b:s3+s5], $0x4000, $0x38;
	[tilespmem:$0x18880] =	vst v63  }
0x29: {  	_ =	swait.ge [sflag:s9], $0x4000  }
0x2a: {  	[sflag:s9] =	ssyncset.done $0x0  }
0x2b: {  	[sflag:s9] =	ssyncadd.s32 $0xFFFFC000  }
0x2c: {  	[tilespmem:s11], [sflag:$0x3] =	stream.linear.gather [hbm4b:s7+s5], $0x80, $0x38;
	[tilespmem:$0x18880] =	vst v63  }
0x2d: {  	_ =	swait.ge [sflag:s9], $0x80  }
0x2e: {  	[sflag:s9] =	ssyncset.done $0x0  }
0x2f: {  	[sflag:s9] =	ssyncadd.s32 $0xFFFFFF80  }
0x30: {  	v9 =	vld [tilespmem:$0x18800];
	_ =	sdelay $0x4  }
0x31: {  	(v2sf) =	vpush v9, $0x0  }
0x32: {  	(v2sf) =	vpush v9, $0x1;
	_ =	sdelay $0xd  }
0x33: {  	s15 =	spop (v2sf)  }
0x34: {  	s16 =	sshra.s32 s15, $0x1F;
	s17 =	spop (v2sf);
	s18 =	sand.u32 $0xF, s15  }
0x35: {  	p0 =	slt.s32 s15, $0x1;
	s16 =	sshrl.u32 s16, $0x1C;
	s17 =	sadd.s32 $0xF, s17  }
0x36: {  	p1 =	sne.s32 s18, $0x0;
	s18 =	simm.s32 $0x1;
	s16 =	sadd.s32 s16, s15  }
0x37: {  	s29 =	sand.u32 $0xF, s17;
	p0 =	por !p0, !p1;
	p6 =	slt.s32 s17, $0x1  }
0x38: {  	s31 =	sshra.s32 s17, $0x1F;
	p2 =	sne.s32 s29, $0x0;
	s30 =	sshra.s32 s16, $0x4  }
0x39: {  	p0 =	por !p0, !p0;
	s16 =	sshrl.u32 s31, $0x1C;
	p1 =	por !p6, !p2  }
0x3a: {  	s16 =	sadd.s32 s16, s17;
	s17 =	simm.s32 $0x1;
	p1 =	por !p1, !p1  }
0x3b: {  	s18 =	simm.s32 @!p0 $0x0;
	s16 =	sshra.s32 s16, $0x4;
	s17 =	simm.s32 @!p1 $0x0  }
0x3c: {  	s15 =	ssub.s32 s30, s18;
	s16 =	ssub.s32 s16, s17  }
0x3d: {  	p0 =	sge.s32 s15, s16  }
.Ltmp2:
0x3e: {  	_ = 	snop;
	(pc) =	sbr.rel @p0 .LBB2_17-.Ltmp2, $1  }
0x3f: {  	_ =	sdelay $0x3  }
.Ltmp3:
0x40: {  	(pc) =	sbr.rel .LBB2_3-.Ltmp3, $3  }
0x41: {  	_ =	sdelay $0x1  }
0x42: {  	s22 =	simm.s32 $0xFFFFFFFF;
	s18 =	simm.s32 $0x0  }
0x43: {  	v8 =	vbroadcast v9, $0x0;
	v9 =	vbroadcast v9, $0x1;
	s24 =	simm.s32 $0x0;
	s17 =	simm.s32 $0x0;
	s23 =	simm.s32 $0x0  }
.LBB2_12:
0x44: {  	s15 =	sadd.s32 $0x1, s15  }
0x45: {  	p0 =	slt.s32 s15, s16  }
.Ltmp4:
0x46: {  	_ = 	snop;
	(pc) =	sbr.rel @!p0 .LBB2_13-.Ltmp4, $1  }
0x47: {  	_ =	sdelay $0x3  }
.LBB2_3:
0x48: {  	s19 =	sshll.u32 s15, $0x4  }
0x49: {  	v10 =	vld [tilespmem:s19+$0x0];
	_ =	sdelay $0x4  }
0x4a: {  	v11 =	vor.u32 s19, v1;
	v12 =	vshra.s32 v10, $0x1F;
	v13 =	vand.u32 $0x1FF, v10  }
0x4b: {  	vm0 =	vlt.s32 v10, $0x1;
	v12 =	vshrl.u32 v12, $0x17;
	vm1 =	vne.s32 v13, $0x0  }
0x4c: {  	vm2 =	vge.s32 v11, v8;
	v12 =	vadd.s32 v12, v10;
	vm0 =	vmand vm0, vm1  }
0x4d: {  	vm1 =	vlt.s32 v11, v9;
	v11 =	vshra.s32 v12, $0x9;
	v12 =	vsel vm0, $0xFFFFFFFF, v2  }
0x4e: {  	vm0 =	vmand vm2, vm1;
	v11 =	vadd.s32 v12, v11  }
0x4f: {  	v11 =	vnsel vm0, $0xFFFFFFFF, v11  }
0x50: {  	vm1 =	veq.s32 v11, s22  }
0x51: {  	vm1 =	vmand vm0, vm1  }
0x52: {  	v12 =	vsel vm1, $0x3F800000, v3  }
0x53: {  	(xrf0) =	vmax.scan.msk.f32 $0xffff, v12;
	_ =	sdelay $0x5  }
0x54: {  	v12, _, _ =	vpop (xrf0)  }
0x55: {  	(v2sf) =	vpush v12, $0xF;
	_ =	sdelay $0xe  }
0x56: {  	s20 =	spop (v2sf)  }
0x57: {  	p0 =	sgt.f32 s20, $0.0e+00  }
.Ltmp5:
0x58: {  	_ = 	snop;
	(pc) =	sbr.rel @!p0 .LBB2_5-.Ltmp5, $2  }
0x59: {  	_ =	sdelay $0x2  }
0x5a: {  	v12 =	vld [tilespmem:s19+$0x4000]  }
0x5b: {  	s19 =	sshll.u32 s22, $0x9  }
0x5c: {  	v13 =	vmov s19  }
0x5d: {  	v13 =	vsub.s32 v10, v13  }
0x5e: {  	vm2 =	vgt.s32 v13, $0x0  }
0x5f: {  	v13 =	vnsel vm2, $0x0, v13  }
0x60: {  	v14 =	vmin.u32 v13, $0x1FF  }
0x61: {  	v13 =	vbroadcast v14, $0x0;
	_ =	sdelay $0x1  }
0x62: {  	v15 =	vshll.u32 v13, $0x3  }
0x63: {  	v13 =	vand.u32 $0x7F, v13;
	v15 =	vand.u32 $0xC00, v15  }
0x64: {  	v15 =	vor.u32 v13, v15  }
0x65: {  	p1 =	sne.s32 s24, $0x1;
	v13 =	vor.u32 v4, v15  }
0x66: {  	s19 =	simm.s32 @!p1 $0x1  }
0x67: {  	_ =	swait.ge @!p1 [sflag:s19], $0x400  }
0x68: {  	s20 =	sshll.u32 s18, $0xF;
	[sflag:s19] =	ssyncset.done @!p1 $0x0  }
0x69: {  	[sflag:s19] =	ssyncadd.s32 @!p1 $0xFFFFFC00;
	s19 =	sand.u32 $0x3FFF8000, s20  }
0x6a: {  	v13 =	vld.idx.msk [tilespmem:v13+s19+$0x8000], $0xffff  }
0x6b: {  	v16 =	vor.u32 v5, v15;
	_ =	sdelay $0x1  }
0x6c: {  	s30 =	sshll.u32 s17, $0x7  }
0x6d: {  	v17 =	vsel vm1, v12, v0;
	s20 =	sand.u32 $0x80, s30  }
0x6e: {  	[tilespmem:s20+$0x18000] =	vst v13;
	v13 =	vshll.u32 v17, $0x3  }
0x6f: {  	v16 =	vld.idx.msk [tilespmem:v16+s19+$0x8000], $0xffff;
	(v2sf) =	vpush v13, $0x0  }
0x70: {  	v56 =	vor.u32 v6, v15;
	_ =	sdelay $0x3  }
0x71: {  	[tilespmem:s20+$0x18010] =	vst v16  }
0x72: {  	v16 =	vld.idx.msk [tilespmem:v56+s19+$0x8000], $0xffff  }
0x73: {  	v15 =	vor.u32 v7, v15;
	_ =	sdelay $0x1  }
0x74: {  	v57 =	vbroadcast v14, $0x1;
	_ =	sdelay $0x1  }
0x75: {  	v58 =	vshll.u32 v57, $0x3;
	[tilespmem:s20+$0x18020] =	vst v16  }
0x76: {  	v17 =	vand.u32 $0x7F, v57;
	v16 =	vand.u32 $0xC00, v58;
	v15 =	vld.idx.msk [tilespmem:v15+s19+$0x8000], $0xffff  }
0x77: {  	v16 =	vor.u32 v17, v16  }
0x78: {  	v17 =	vor.u32 v4, v16  }
0x79: {  	s21 =	spop (v2sf)  }
0x7a: {  	s21 =	sand.u32 $0x1FFFFFF8, s21  }
0x7b: {  	s31 =	sor.u32 $0x18000, s20;
	[tilespmem:s20+$0x18030] =	vst v15;
	s21 =	sadd.s32 s6, s21  }
0x7c: {  	[hbm4b:s21+s5] =	stream.linear.scatter [tilespmem:s31], [sflag:$0x1], $0x40, $0x38;
	[tilespmem:$0x18880] =	vst v63  }
0x7d: {  	v15 =	vld.idx.msk [tilespmem:v17+s19+$0x8000], $0xffff  }
0x7e: {  	v59 =	vor.u32 v5, v16;
	_ =	sdelay $0x3  }
0x7f: {  	[tilespmem:s20+$0x18040] =	vst v15  }
0x80: {  	(v2sf) =	vpush v13, $0x1;
	v15 =	vld.idx.msk [tilespmem:v59+s19+$0x8000], $0xffff  }
0x81: {  	v60 =	vor.u32 v6, v16;
	_ =	sdelay $0x3  }
0x82: {  	[tilespmem:s20+$0x18050] =	vst v15  }
0x83: {  	v15 =	vld.idx.msk [tilespmem:v60+s19+$0x8000], $0xffff  }
0x84: {  	v16 =	vor.u32 v7, v16;
	_ =	sdelay $0x1  }
0x85: {  	v61 =	vbroadcast v14, $0x2;
	_ =	sdelay $0x1  }
0x86: {  	[tilespmem:s20+$0x18060] =	vst v15;
	v15 =	vshll.u32 v61, $0x3  }
0x87: {  	v17 =	vand.u32 $0x7F, v61;
	v16 =	vld.idx.msk [tilespmem:v16+s19+$0x8000], $0xffff;
	v15 =	vand.u32 $0xC00, v15  }
0x88: {  	v15 =	vor.u32 v17, v15  }
0x89: {  	v17 =	vor.u32 v4, v15  }
0x8a: {  	s25 =	spop (v2sf)  }
0x8b: {  	s21 =	sand.u32 $0x1FFFFFF8, s25  }
0x8c: {  	s26 =	sor.u32 $0x18040, s20;
	s21 =	sadd.s32 s6, s21;
	[tilespmem:s20+$0x18070] =	vst v16  }
0x8d: {  	[hbm4b:s21+s5] =	stream.linear.scatter [tilespmem:s26], [sflag:$0x1], $0x40, $0x38;
	[tilespmem:$0x18880] =	vst v63  }
0x8e: {  	v16 =	vld.idx.msk [tilespmem:v17+s19+$0x8000], $0xffff  }
0x8f: {  	v62 =	vor.u32 v5, v15;
	_ =	sdelay $0x3  }
0x90: {  	[tilespmem:s20+$0x18100] =	vst v16  }
0x91: {  	(v2sf) =	vpush v13, $0x2;
	v16 =	vld.idx.msk [tilespmem:v62+s19+$0x8000], $0xffff  }
0x92: {  	v63 =	vor.u32 v6, v15;
	_ =	sdelay $0x3  }
0x93: {  	[tilespmem:s20+$0x18110] =	vst v16  }
0x94: {  	v16 =	vld.idx.msk [tilespmem:v63+s19+$0x8000], $0xffff  }
0x95: {  	v15 =	vor.u32 v7, v15;
	_ =	sdelay $0x1  }
0x96: {  	v20 =	vbroadcast v14, $0x3;
	_ =	sdelay $0x1  }
0x97: {  	v21 =	vshll.u32 v20, $0x3;
	[tilespmem:s20+$0x18120] =	vst v16  }
0x98: {  	v17 =	vand.u32 $0x7F, v20;
	v16 =	vand.u32 $0xC00, v21;
	v15 =	vld.idx.msk [tilespmem:v15+s19+$0x8000], $0xffff  }
0x99: {  	v16 =	vor.u32 v17, v16  }
0x9a: {  	v17 =	vor.u32 v4, v16  }
0x9b: {  	s28 =	spop (v2sf)  }
0x9c: {  	s21 =	sand.u32 $0x1FFFFFF8, s28  }
0x9d: {  	s29 =	sor.u32 $0x18100, s20;
	s21 =	sadd.s32 s6, s21;
	[tilespmem:s20+$0x18130] =	vst v15  }
0x9e: {  	[hbm4b:s21+s5] =	stream.linear.scatter [tilespmem:s29], [sflag:$0x1], $0x40, $0x38;
	[tilespmem:$0x18880] =	vst v63  }
0x9f: {  	v15 =	vld.idx.msk [tilespmem:v17+s19+$0x8000], $0xffff  }
0xa0: {  	v22 =	vor.u32 v5, v16;
	_ =	sdelay $0x3  }
0xa1: {  	[tilespmem:s20+$0x18140] =	vst v15  }
0xa2: {  	(v2sf) =	vpush v13, $0x3;
	v15 =	vld.idx.msk [tilespmem:v22+s19+$0x8000], $0xffff  }
0xa3: {  	v23 =	vor.u32 v6, v16;
	_ =	sdelay $0x3  }
0xa4: {  	[tilespmem:s20+$0x18150] =	vst v15  }
0xa5: {  	v15 =	vld.idx.msk [tilespmem:v23+s19+$0x8000], $0xffff  }
0xa6: {  	v16 =	vor.u32 v7, v16;
	_ =	sdelay $0x1  }
0xa7: {  	v24 =	vbroadcast v14, $0x4;
	_ =	sdelay $0x1  }
0xa8: {  	[tilespmem:s20+$0x18160] =	vst v15;
	v15 =	vshll.u32 v24, $0x3  }
0xa9: {  	v17 =	vand.u32 $0x7F, v24;
	v16 =	vld.idx.msk [tilespmem:v16+s19+$0x8000], $0xffff;
	v15 =	vand.u32 $0xC00, v15  }
0xaa: {  	v15 =	vor.u32 v17, v15  }
0xab: {  	v17 =	vor.u32 v4, v15  }
0xac: {  	s30 =	spop (v2sf)  }
0xad: {  	s21 =	sand.u32 $0x1FFFFFF8, s30  }
0xae: {  	s31 =	sor.u32 $0x18140, s20;
	s21 =	sadd.s32 s6, s21;
	[tilespmem:s20+$0x18170] =	vst v16  }
0xaf: {  	[hbm4b:s21+s5] =	stream.linear.scatter [tilespmem:s31], [sflag:$0x1], $0x40, $0x38;
	[tilespmem:$0x18880] =	vst v63  }
0xb0: {  	v16 =	vld.idx.msk [tilespmem:v17+s19+$0x8000], $0xffff  }
0xb1: {  	v25 =	vor.u32 v5, v15;
	_ =	sdelay $0x3  }
0xb2: {  	[tilespmem:s20+$0x18200] =	vst v16  }
0xb3: {  	(v2sf) =	vpush v13, $0x4;
	v16 =	vld.idx.msk [tilespmem:v25+s19+$0x8000], $0xffff  }
0xb4: {  	v26 =	vor.u32 v6, v15;
	_ =	sdelay $0x3  }
0xb5: {  	[tilespmem:s20+$0x18210] =	vst v16  }
0xb6: {  	v16 =	vld.idx.msk [tilespmem:v26+s19+$0x8000], $0xffff  }
0xb7: {  	v15 =	vor.u32 v7, v15;
	_ =	sdelay $0x1  }
0xb8: {  	v27 =	vbroadcast v14, $0x5;
	_ =	sdelay $0x1  }
0xb9: {  	v28 =	vshll.u32 v27, $0x3;
	[tilespmem:s20+$0x18220] =	vst v16  }
0xba: {  	v17 =	vand.u32 $0x7F, v27;
	v16 =	vand.u32 $0xC00, v28;
	v15 =	vld.idx.msk [tilespmem:v15+s19+$0x8000], $0xffff  }
0xbb: {  	v16 =	vor.u32 v17, v16  }
0xbc: {  	v17 =	vor.u32 v4, v16  }
0xbd: {  	s25 =	spop (v2sf)  }
0xbe: {  	s21 =	sand.u32 $0x1FFFFFF8, s25  }
0xbf: {  	s26 =	sor.u32 $0x18200, s20;
	s21 =	sadd.s32 s6, s21;
	[tilespmem:s20+$0x18230] =	vst v15  }
0xc0: {  	[hbm4b:s21+s5] =	stream.linear.scatter [tilespmem:s26], [sflag:$0x1], $0x40, $0x38;
	[tilespmem:$0x18880] =	vst v63  }
0xc1: {  	v15 =	vld.idx.msk [tilespmem:v17+s19+$0x8000], $0xffff  }
0xc2: {  	v29 =	vor.u32 v5, v16;
	_ =	sdelay $0x3  }
0xc3: {  	[tilespmem:s20+$0x18240] =	vst v15  }
0xc4: {  	(v2sf) =	vpush v13, $0x5;
	v15 =	vld.idx.msk [tilespmem:v29+s19+$0x8000], $0xffff  }
0xc5: {  	v30 =	vor.u32 v6, v16;
	_ =	sdelay $0x3  }
0xc6: {  	[tilespmem:s20+$0x18250] =	vst v15  }
0xc7: {  	v15 =	vld.idx.msk [tilespmem:v30+s19+$0x8000], $0xffff  }
0xc8: {  	v16 =	vor.u32 v7, v16;
	_ =	sdelay $0x1  }
0xc9: {  	v31 =	vbroadcast v14, $0x6;
	_ =	sdelay $0x1  }
0xca: {  	[tilespmem:s20+$0x18260] =	vst v15;
	v15 =	vshll.u32 v31, $0x3  }
0xcb: {  	v17 =	vand.u32 $0x7F, v31;
	v16 =	vld.idx.msk [tilespmem:v16+s19+$0x8000], $0xffff;
	v15 =	vand.u32 $0xC00, v15  }
0xcc: {  	v15 =	vor.u32 v17, v15  }
0xcd: {  	v17 =	vor.u32 v4, v15  }
0xce: {  	s28 =	spop (v2sf)  }
0xcf: {  	s21 =	sand.u32 $0x1FFFFFF8, s28  }
0xd0: {  	s29 =	sor.u32 $0x18240, s20;
	s21 =	sadd.s32 s6, s21;
	[tilespmem:s20+$0x18270] =	vst v16  }
0xd1: {  	[hbm4b:s21+s5] =	stream.linear.scatter [tilespmem:s29], [sflag:$0x1], $0x40, $0x38;
	[tilespmem:$0x18880] =	vst v63  }
0xd2: {  	v16 =	vld.idx.msk [tilespmem:v17+s19+$0x8000], $0xffff  }
0xd3: {  	v32 =	vor.u32 v5, v15;
	_ =	sdelay $0x3  }
0xd4: {  	[tilespmem:s20+$0x18300] =	vst v16  }
0xd5: {  	(v2sf) =	vpush v13, $0x6;
	v16 =	vld.idx.msk [tilespmem:v32+s19+$0x8000], $0xffff  }
0xd6: {  	v33 =	vor.u32 v6, v15;
	_ =	sdelay $0x3  }
0xd7: {  	[tilespmem:s20+$0x18310] =	vst v16  }
0xd8: {  	v16 =	vld.idx.msk [tilespmem:v33+s19+$0x8000], $0xffff  }
0xd9: {  	v15 =	vor.u32 v7, v15;
	_ =	sdelay $0x1  }
0xda: {  	v34 =	vbroadcast v14, $0x7;
	_ =	sdelay $0x1  }
0xdb: {  	v35 =	vshll.u32 v34, $0x3;
	[tilespmem:s20+$0x18320] =	vst v16  }
0xdc: {  	v17 =	vand.u32 $0x7F, v34;
	v16 =	vand.u32 $0xC00, v35;
	v15 =	vld.idx.msk [tilespmem:v15+s19+$0x8000], $0xffff  }
0xdd: {  	v16 =	vor.u32 v17, v16  }
0xde: {  	v17 =	vor.u32 v4, v16  }
0xdf: {  	s30 =	spop (v2sf)  }
0xe0: {  	s21 =	sand.u32 $0x1FFFFFF8, s30  }
0xe1: {  	s31 =	sor.u32 $0x18300, s20;
	s21 =	sadd.s32 s6, s21;
	[tilespmem:s20+$0x18330] =	vst v15  }
0xe2: {  	[hbm4b:s21+s5] =	stream.linear.scatter [tilespmem:s31], [sflag:$0x1], $0x40, $0x38;
	[tilespmem:$0x18880] =	vst v63  }
0xe3: {  	v15 =	vld.idx.msk [tilespmem:v17+s19+$0x8000], $0xffff  }
0xe4: {  	v36 =	vor.u32 v5, v16;
	_ =	sdelay $0x3  }
0xe5: {  	[tilespmem:s20+$0x18340] =	vst v15  }
0xe6: {  	(v2sf) =	vpush v13, $0x7;
	v15 =	vld.idx.msk [tilespmem:v36+s19+$0x8000], $0xffff  }
0xe7: {  	v37 =	vor.u32 v6, v16;
	_ =	sdelay $0x3  }
0xe8: {  	[tilespmem:s20+$0x18350] =	vst v15  }
0xe9: {  	v15 =	vld.idx.msk [tilespmem:v37+s19+$0x8000], $0xffff  }
0xea: {  	v16 =	vor.u32 v7, v16;
	_ =	sdelay $0x1  }
0xeb: {  	v38 =	vbroadcast v14, $0x8;
	_ =	sdelay $0x1  }
0xec: {  	[tilespmem:s20+$0x18360] =	vst v15;
	v15 =	vshll.u32 v38, $0x3  }
0xed: {  	v17 =	vand.u32 $0x7F, v38;
	v16 =	vld.idx.msk [tilespmem:v16+s19+$0x8000], $0xffff;
	v15 =	vand.u32 $0xC00, v15  }
0xee: {  	v15 =	vor.u32 v17, v15  }
0xef: {  	v17 =	vor.u32 v4, v15  }
0xf0: {  	s25 =	spop (v2sf)  }
0xf1: {  	s21 =	sand.u32 $0x1FFFFFF8, s25  }
0xf2: {  	s26 =	sor.u32 $0x18340, s20;
	s21 =	sadd.s32 s6, s21;
	[tilespmem:s20+$0x18370] =	vst v16  }
0xf3: {  	[hbm4b:s21+s5] =	stream.linear.scatter [tilespmem:s26], [sflag:$0x1], $0x40, $0x38;
	[tilespmem:$0x18880] =	vst v63  }
0xf4: {  	v16 =	vld.idx.msk [tilespmem:v17+s19+$0x8000], $0xffff  }
0xf5: {  	v39 =	vor.u32 v5, v15  }
0xf6: {  	s28 =	sshll.u32 s17, $0xA  }
0xf7: {  	s20 =	sor.u32 s28, s20  }
0xf8: {  	s21 =	sor.u32 $0x400, s20  }
0xf9: {  	[tilespmem:s21+$0x18000] =	vst v16  }
0xfa: {  	(v2sf) =	vpush v13, $0x8;
	v16 =	vld.idx.msk [tilespmem:v39+s19+$0x8000], $0xffff  }
0xfb: {  	v40 =	vor.u32 v6, v15;
	_ =	sdelay $0x2  }
0xfc: {  	s29 =	sor.u32 $0x410, s20  }
0xfd: {  	[tilespmem:s29+$0x18000] =	vst v16  }
0xfe: {  	v16 =	vld.idx.msk [tilespmem:v40+s19+$0x8000], $0xffff  }
0xff: {  	v15 =	vor.u32 v7, v15;
	_ =	sdelay $0x1  }
0x100: {  	v41 =	vbroadcast v14, $0x9  }
0x101: {  	s30 =	sor.u32 $0x420, s20  }
0x102: {  	v42 =	vshll.u32 v41, $0x3;
	[tilespmem:s30+$0x18000] =	vst v16  }
0x103: {  	v17 =	vand.u32 $0x7F, v41;
	v16 =	vand.u32 $0xC00, v42;
	v15 =	vld.idx.msk [tilespmem:v15+s19+$0x8000], $0xffff  }
0x104: {  	v16 =	vor.u32 v17, v16  }
0x105: {  	v17 =	vor.u32 v4, v16  }
0x106: {  	s31 =	spop (v2sf)  }
0x107: {  	s24 =	sand.u32 $0x1FFFFFF8, s31;
	s25 =	sor.u32 $0x430, s20  }
0x108: {  	s24 =	sadd.s32 s6, s24;
	s21 =	sadd.s32 $0x18000, s21;
	[tilespmem:s25+$0x18000] =	vst v15  }
0x109: {  	[hbm4b:s24+s5] =	stream.linear.scatter [tilespmem:s21], [sflag:$0x1], $0x40, $0x38;
	[tilespmem:$0x18880] =	vst v63  }
0x10a: {  	v15 =	vld.idx.msk [tilespmem:v17+s19+$0x8000], $0xffff  }
0x10b: {  	v43 =	vor.u32 v5, v16;
	_ =	sdelay $0x2  }
0x10c: {  	s26 =	sor.u32 $0x440, s20  }
0x10d: {  	[tilespmem:s26+$0x18000] =	vst v15  }
0x10e: {  	(v2sf) =	vpush v13, $0x9;
	v15 =	vld.idx.msk [tilespmem:v43+s19+$0x8000], $0xffff  }
0x10f: {  	v44 =	vor.u32 v6, v16;
	_ =	sdelay $0x2  }
0x110: {  	s28 =	sor.u32 $0x450, s20  }
0x111: {  	[tilespmem:s28+$0x18000] =	vst v15  }
0x112: {  	v15 =	vld.idx.msk [tilespmem:v44+s19+$0x8000], $0xffff  }
0x113: {  	v16 =	vor.u32 v7, v16;
	_ =	sdelay $0x1  }
0x114: {  	v45 =	vbroadcast v14, $0xA  }
0x115: {  	s29 =	sor.u32 $0x460, s20  }
0x116: {  	[tilespmem:s29+$0x18000] =	vst v15;
	v15 =	vshll.u32 v45, $0x3  }
0x117: {  	v17 =	vand.u32 $0x7F, v45;
	v16 =	vld.idx.msk [tilespmem:v16+s19+$0x8000], $0xffff;
	v15 =	vand.u32 $0xC00, v15  }
0x118: {  	v15 =	vor.u32 v17, v15  }
0x119: {  	v17 =	vor.u32 v4, v15  }
0x11a: {  	s30 =	spop (v2sf)  }
0x11b: {  	s31 =	sor.u32 $0x470, s20;
	s24 =	sand.u32 $0x1FFFFFF8, s30  }
0x11c: {  	s21 =	sadd.s32 $0x18000, s26;
	s24 =	sadd.s32 s6, s24;
	[tilespmem:s31+$0x18000] =	vst v16  }
0x11d: {  	[hbm4b:s24+s5] =	stream.linear.scatter [tilespmem:s21], [sflag:$0x1], $0x40, $0x38;
	[tilespmem:$0x18880] =	vst v63  }
0x11e: {  	v16 =	vld.idx.msk [tilespmem:v17+s19+$0x8000], $0xffff  }
0x11f: {  	v46 =	vor.u32 v5, v15;
	_ =	sdelay $0x2  }
0x120: {  	s26 =	sor.u32 $0x500, s20  }
0x121: {  	[tilespmem:s26+$0x18000] =	vst v16  }
0x122: {  	(v2sf) =	vpush v13, $0xA;
	v16 =	vld.idx.msk [tilespmem:v46+s19+$0x8000], $0xffff  }
0x123: {  	v47 =	vor.u32 v6, v15;
	_ =	sdelay $0x2  }
0x124: {  	s28 =	sor.u32 $0x510, s20  }
0x125: {  	[tilespmem:s28+$0x18000] =	vst v16  }
0x126: {  	v16 =	vld.idx.msk [tilespmem:v47+s19+$0x8000], $0xffff  }
0x127: {  	v15 =	vor.u32 v7, v15;
	_ =	sdelay $0x1  }
0x128: {  	v48 =	vbroadcast v14, $0xB  }
0x129: {  	s29 =	sor.u32 $0x520, s20  }
0x12a: {  	v49 =	vshll.u32 v48, $0x3;
	[tilespmem:s29+$0x18000] =	vst v16  }
0x12b: {  	v17 =	vand.u32 $0x7F, v48;
	v16 =	vand.u32 $0xC00, v49;
	v15 =	vld.idx.msk [tilespmem:v15+s19+$0x8000], $0xffff  }
0x12c: {  	v16 =	vor.u32 v17, v16  }
0x12d: {  	v17 =	vor.u32 v4, v16  }
0x12e: {  	s30 =	spop (v2sf)  }
0x12f: {  	s31 =	sor.u32 $0x530, s20;
	s24 =	sand.u32 $0x1FFFFFF8, s30  }
0x130: {  	s21 =	sadd.s32 $0x18000, s26;
	s24 =	sadd.s32 s6, s24;
	[tilespmem:s31+$0x18000] =	vst v15  }
0x131: {  	[hbm4b:s24+s5] =	stream.linear.scatter [tilespmem:s21], [sflag:$0x1], $0x40, $0x38;
	[tilespmem:$0x18880] =	vst v63  }
0x132: {  	v15 =	vld.idx.msk [tilespmem:v17+s19+$0x8000], $0xffff  }
0x133: {  	v50 =	vor.u32 v5, v16;
	_ =	sdelay $0x2  }
0x134: {  	s25 =	sor.u32 $0x540, s20  }
0x135: {  	[tilespmem:s25+$0x18000] =	vst v15  }
0x136: {  	(v2sf) =	vpush v13, $0xB;
	v15 =	vld.idx.msk [tilespmem:v50+s19+$0x8000], $0xffff  }
0x137: {  	v51 =	vor.u32 v6, v16;
	_ =	sdelay $0x2  }
0x138: {  	s26 =	sor.u32 $0x550, s20  }
0x139: {  	[tilespmem:s26+$0x18000] =	vst v15  }
0x13a: {  	v15 =	vld.idx.msk [tilespmem:v51+s19+$0x8000], $0xffff  }
0x13b: {  	v16 =	vor.u32 v7, v16;
	_ =	sdelay $0x1  }
0x13c: {  	v52 =	vbroadcast v14, $0xC  }
0x13d: {  	s28 =	sor.u32 $0x560, s20  }
0x13e: {  	[tilespmem:s28+$0x18000] =	vst v15;
	v15 =	vshll.u32 v52, $0x3  }
0x13f: {  	v17 =	vand.u32 $0x7F, v52;
	v16 =	vld.idx.msk [tilespmem:v16+s19+$0x8000], $0xffff;
	v15 =	vand.u32 $0xC00, v15  }
0x140: {  	v15 =	vor.u32 v17, v15  }
0x141: {  	v17 =	vor.u32 v4, v15  }
0x142: {  	s29 =	spop (v2sf)  }
0x143: {  	s30 =	sor.u32 $0x570, s20;
	s24 =	sand.u32 $0x1FFFFFF8, s29  }
0x144: {  	s21 =	sadd.s32 $0x18000, s25;
	s24 =	sadd.s32 s6, s24;
	[tilespmem:s30+$0x18000] =	vst v16  }
0x145: {  	[hbm4b:s24+s5] =	stream.linear.scatter [tilespmem:s21], [sflag:$0x1], $0x40, $0x38;
	[tilespmem:$0x18880] =	vst v63  }
0x146: {  	v16 =	vld.idx.msk [tilespmem:v17+s19+$0x8000], $0xffff  }
0x147: {  	v53 =	vor.u32 v5, v15;
	_ =	sdelay $0x2  }
0x148: {  	s31 =	sor.u32 $0x600, s20  }
0x149: {  	[tilespmem:s31+$0x18000] =	vst v16  }
0x14a: {  	(v2sf) =	vpush v13, $0xC;
	v16 =	vld.idx.msk [tilespmem:v53+s19+$0x8000], $0xffff  }
0x14b: {  	v54 =	vor.u32 v6, v15;
	_ =	sdelay $0x2  }
0x14c: {  	s25 =	sor.u32 $0x610, s20  }
0x14d: {  	[tilespmem:s25+$0x18000] =	vst v16  }
0x14e: {  	v16 =	vld.idx.msk [tilespmem:v54+s19+$0x8000], $0xffff  }
0x14f: {  	v15 =	vor.u32 v7, v15;
	_ =	sdelay $0x1  }
0x150: {  	v55 =	vbroadcast v14, $0xD  }
0x151: {  	s26 =	sor.u32 $0x620, s20  }
0x152: {  	v56 =	vshll.u32 v55, $0x3;
	[tilespmem:s26+$0x18000] =	vst v16  }
0x153: {  	v17 =	vand.u32 $0x7F, v55;
	v16 =	vand.u32 $0xC00, v56;
	v15 =	vld.idx.msk [tilespmem:v15+s19+$0x8000], $0xffff  }
0x154: {  	v16 =	vor.u32 v17, v16  }
0x155: {  	v17 =	vor.u32 v4, v16  }
0x156: {  	s28 =	spop (v2sf)  }
0x157: {  	s29 =	sor.u32 $0x630, s20;
	s24 =	sand.u32 $0x1FFFFFF8, s28  }
0x158: {  	s21 =	sadd.s32 $0x18000, s31;
	s24 =	sadd.s32 s6, s24;
	[tilespmem:s29+$0x18000] =	vst v15  }
0x159: {  	[hbm4b:s24+s5] =	stream.linear.scatter [tilespmem:s21], [sflag:$0x1], $0x40, $0x38;
	[tilespmem:$0x18880] =	vst v63  }
0x15a: {  	v15 =	vld.idx.msk [tilespmem:v17+s19+$0x8000], $0xffff  }
0x15b: {  	v57 =	vor.u32 v5, v16;
	_ =	sdelay $0x2  }
0x15c: {  	s30 =	sor.u32 $0x640, s20  }
0x15d: {  	[tilespmem:s30+$0x18000] =	vst v15  }
0x15e: {  	(v2sf) =	vpush v13, $0xD;
	v15 =	vld.idx.msk [tilespmem:v57+s19+$0x8000], $0xffff  }
0x15f: {  	v58 =	vor.u32 v6, v16;
	_ =	sdelay $0x2  }
0x160: {  	s31 =	sor.u32 $0x650, s20  }
0x161: {  	[tilespmem:s31+$0x18000] =	vst v15  }
0x162: {  	v15 =	vld.idx.msk [tilespmem:v58+s19+$0x8000], $0xffff  }
0x163: {  	v16 =	vor.u32 v7, v16;
	_ =	sdelay $0x1  }
0x164: {  	v59 =	vbroadcast v14, $0xE  }
0x165: {  	s25 =	sor.u32 $0x660, s20  }
0x166: {  	[tilespmem:s25+$0x18000] =	vst v15;
	v15 =	vshll.u32 v59, $0x3  }
0x167: {  	v17 =	vand.u32 $0x7F, v59;
	v16 =	vld.idx.msk [tilespmem:v16+s19+$0x8000], $0xffff;
	v15 =	vand.u32 $0xC00, v15  }
0x168: {  	v15 =	vor.u32 v17, v15  }
0x169: {  	v17 =	vor.u32 v4, v15  }
0x16a: {  	s26 =	spop (v2sf)  }
0x16b: {  	s28 =	sor.u32 $0x670, s20;
	s24 =	sand.u32 $0x1FFFFFF8, s26  }
0x16c: {  	s21 =	sadd.s32 $0x18000, s30;
	s24 =	sadd.s32 s6, s24;
	[tilespmem:s28+$0x18000] =	vst v16  }
0x16d: {  	[hbm4b:s24+s5] =	stream.linear.scatter [tilespmem:s21], [sflag:$0x1], $0x40, $0x38;
	[tilespmem:$0x18880] =	vst v63  }
0x16e: {  	v16 =	vld.idx.msk [tilespmem:v17+s19+$0x8000], $0xffff  }
0x16f: {  	v60 =	vor.u32 v5, v15;
	_ =	sdelay $0x2  }
0x170: {  	s29 =	sor.u32 $0x700, s20  }
0x171: {  	[tilespmem:s29+$0x18000] =	vst v16  }
0x172: {  	(v2sf) =	vpush v13, $0xE;
	v16 =	vld.idx.msk [tilespmem:v60+s19+$0x8000], $0xffff  }
0x173: {  	v61 =	vor.u32 v6, v15;
	_ =	sdelay $0x2  }
0x174: {  	s30 =	sor.u32 $0x710, s20  }
0x175: {  	[tilespmem:s30+$0x18000] =	vst v16  }
0x176: {  	v16 =	vld.idx.msk [tilespmem:v61+s19+$0x8000], $0xffff  }
0x177: {  	v15 =	vor.u32 v7, v15;
	_ =	sdelay $0x1  }
0x178: {  	v14 =	vbroadcast v14, $0xF  }
0x179: {  	s31 =	sor.u32 $0x720, s20  }
0x17a: {  	v62 =	vshll.u32 v14, $0x3;
	[tilespmem:s31+$0x18000] =	vst v16  }
0x17b: {  	v14 =	vand.u32 $0x7F, v14;
	v16 =	vand.u32 $0xC00, v62;
	v15 =	vld.idx.msk [tilespmem:v15+s19+$0x8000], $0xffff  }
0x17c: {  	v14 =	vor.u32 v14, v16  }
0x17d: {  	v16 =	vor.u32 v4, v14  }
0x17e: {  	s25 =	spop (v2sf)  }
0x17f: {  	s26 =	sor.u32 $0x730, s20;
	s24 =	sand.u32 $0x1FFFFFF8, s25  }
0x180: {  	s21 =	sadd.s32 $0x18000, s29;
	s24 =	sadd.s32 s6, s24;
	[tilespmem:s26+$0x18000] =	vst v15  }
0x181: {  	[hbm4b:s24+s5] =	stream.linear.scatter [tilespmem:s21], [sflag:$0x1], $0x40, $0x38;
	[tilespmem:$0x18880] =	vst v63  }
0x182: {  	v15 =	vld.idx.msk [tilespmem:v16+s19+$0x8000], $0xffff  }
0x183: {  	v63 =	vor.u32 v5, v14;
	_ =	sdelay $0x2  }
0x184: {  	s28 =	sor.u32 $0x740, s20  }
0x185: {  	[tilespmem:s28+$0x18000] =	vst v15  }
0x186: {  	(v2sf) =	vpush v13, $0xF;
	v15 =	vld.idx.msk [tilespmem:v63+s19+$0x8000], $0xffff  }
0x187: {  	v13 =	vor.u32 v6, v14;
	_ =	sdelay $0x2  }
0x188: {  	s29 =	sor.u32 $0x750, s20  }
0x189: {  	[tilespmem:s29+$0x18000] =	vst v15  }
0x18a: {  	v13 =	vld.idx.msk [tilespmem:v13+s19+$0x8000], $0xffff  }
0x18b: {  	v14 =	vor.u32 v7, v14;
	_ =	sdelay $0x2  }
0x18c: {  	s30 =	sor.u32 $0x760, s20  }
0x18d: {  	[tilespmem:s30+$0x18000] =	vst v13  }
0x18e: {  	v13 =	vld.idx.msk [tilespmem:v14+s19+$0x8000], $0xffff;
	_ =	sdelay $0x2  }
0x18f: {  	s31 =	spop (v2sf)  }
0x190: {  	s20 =	sor.u32 $0x770, s20;
	s19 =	sand.u32 $0x1FFFFFF8, s31  }
0x191: {  	s21 =	sadd.s32 $0x18000, s28;
	s24 =	simm.s32 $0x1;
	s19 =	sadd.s32 s6, s19;
	[tilespmem:s20+$0x18000] =	vst v13  }
0x192: {  	[hbm4b:s19+s5] =	stream.linear.scatter [tilespmem:s21], [sflag:$0x1], $0x40, $0x38;
	[tilespmem:$0x18880] =	vst v63  }
.LBB2_5:
0x193: {  	v13 =	vxor.u32 $0x80000000, v11  }
0x194: {  	(xrf0) =	vmax.scan.msk.u32 $0xffff, v13;
	_ =	sdelay $0x5  }
0x195: {  	v14, _, _ =	vpop (xrf0)  }
0x196: {  	(v2sf) =	vpush v14, $0xF;
	_ =	sdelay $0xe  }
0x197: {  	s19 =	spop (v2sf)  }
0x198: {  	s19 =	sxor.u32 $0x80000000, s19  }
0x199: {  	p1 =	sge.s32 s22, s19  }
.Ltmp6:
0x19a: {  	_ = 	snop;
	(pc) =	sbr.rel @p1 .LBB2_12-.Ltmp6, $4  }
.Ltmp7:
0x19b: {  	_ = 	snop;
	(pc) =	sbr.rel @!p1 .LBB2_6-.Ltmp7, $4  }
0x19c: {  	_ = 	snop  }
0x19d: {  	s20 =	sxor.u32 $0x1, s17  }
0x19e: {  	s17 =	smov.u32 @p0 s20  }
0x19f: {  	_ = 	snop  }
.LBB2_11:
0x1a0: {  	p2 =	slt.s32 s20, s19  }
.Ltmp8:
0x1a1: {  	_ = 	snop;
	(pc) =	sbr.rel @!p2 .LBB2_12-.Ltmp8, $4  }
0x1a2: {  	_ = 	snop  }
0x1a3: {  	p1 =	slt.s32 s22, $0x7A1  }
0x1a4: {  	s18 =	sxor.u32 $0x1, s17;
	s23 =	simm.s32 $0x1;
	s22 =	smov.u32 s20  }
0x1a5: {  	s17 =	smov.u32 @p0 s18;
	s23 =	simm.s32 @!p1 $0x0;
	s18 =	smov.u32 s21  }
.LBB2_6:
0x1a6: {  	vm1 =	vgt.s32 v11, s22  }
0x1a7: {  	v14 =	vnsel vm1, $0xC0000000, v13  }
0x1a8: {  	(xrf0) =	vmin.scan.msk.u32 $0xffff, v14;
	_ =	sdelay $0x5  }
0x1a9: {  	v14, _, _ =	vpop (xrf0)  }
0x1aa: {  	(v2sf) =	vpush v14, $0xF;
	_ =	sdelay $0xa  }
0x1ab: {  	p0 =	sne.s32 s23, $0x0  }
.Ltmp9:
0x1ac: {  	_ = 	snop;
	(pc) =	sbr.rel @!p0 .LBB2_8-.Ltmp9, $3  }
0x1ad: {  	_ =	sdelay $0x1  }
0x1ae: {  	s25 =	spop (v2sf)  }
0x1af: {  	s21 =	sxor.u32 $0x1, s18;
	s20 =	sxor.u32 $0x80000000, s25  }
0x1b0: {  	s22 =	sadd.s32 $0x1, s22  }
0x1b1: {  	p0 =	seq.s32 s20, s22  }
.Ltmp10:
0x1b2: {  	_ = 	snop;
	(pc) =	sbr.rel @p0 .LBB2_9-.Ltmp10, $4  }
0x1b3: {  	_ = 	snop  }
0x1b4: {  	_ =	swait.ge [sflag:s13], $0x8000  }
0x1b5: {  	[sflag:s13] =	ssyncset.done $0x0  }
0x1b6: {  	[sflag:s13] =	ssyncadd.s32 $0xFFFF8000  }
.LBB2_8:
0x1b7: {  	s22 =	sshll.u32 s21, $0xF;
	s23 =	sshll.u32 s25, $0x9;
	p0 =	slt.s32 s20, $0x7A1  }
0x1b8: {  	s22 =	sand.u32 $0x3FFF8000, s22;
	s23 =	sand.u32 $0x1FFFFE00, s23;
	s28 =	simm.s32 @p0 $0x1000  }
0x1b9: {  	s29 =	simm.s32 @p0 $0x7A1400;
	s26 =	sadd.s32 $0x8000, s22;
	s23 =	sadd.s32 s1, s23  }
0x1ba: {  	[tilespmem:s26], [sflag:$0x3] =	stream.strided.gather @p0 [hbm4b:s23+s28], $0x8000, s29, s28, $0x38;
	[tilespmem:$0x18880] =	vst v63  }
0x1bb: {  	s28 =	simm.s32 @p0 $0x3  }
0x1bc: {  	_ =	swait.ge @p0 [sflag:s28], $0x8000  }
0x1bd: {  	[sflag:s28] =	ssyncset.done @p0 $0x0  }
0x1be: {  	[sflag:s28] =	ssyncadd.s32 @p0 $0xFFFF8000;
	s28 =	simm.s32 @!p0 $0x0  }
0x1bf: {  	[tilespmem:s26], [sflag:$0x3] =	stream.linear.gather @!p0 [hbm4b:s23+s28], $0x400, $0x38;
	[tilespmem:$0x18880] =	vst v63  }
0x1c0: {  	s29 =	sadd.s32 @!p0 $0x9000, s22;
	s26 =	sadd.s32 @!p0 $0xF4280, s23  }
0x1c1: {  	[tilespmem:s29], [sflag:$0x3] =	stream.linear.gather @!p0 [hbm4b:s26+s28], $0x400, $0x38;
	[tilespmem:$0x18880] =	vst v63  }
0x1c2: {  	s26 =	sadd.s32 @!p0 $0x1E8500, s23;
	s29 =	sadd.s32 @!p0 $0xA000, s22  }
0x1c3: {  	[tilespmem:s29], [sflag:$0x3] =	stream.linear.gather @!p0 [hbm4b:s26+s28], $0x400, $0x38;
	[tilespmem:$0x18880] =	vst v63  }
0x1c4: {  	s26 =	sadd.s32 @!p0 $0x2DC780, s23;
	s29 =	sadd.s32 @!p0 $0xB000, s22  }
0x1c5: {  	[tilespmem:s29], [sflag:$0x3] =	stream.linear.gather @!p0 [hbm4b:s26+s28], $0x400, $0x38;
	[tilespmem:$0x18880] =	vst v63  }
0x1c6: {  	s26 =	sadd.s32 @!p0 $0x3D0A00, s23;
	s29 =	sadd.s32 @!p0 $0xC000, s22  }
0x1c7: {  	[tilespmem:s29], [sflag:$0x3] =	stream.linear.gather @!p0 [hbm4b:s26+s28], $0x400, $0x38;
	[tilespmem:$0x18880] =	vst v63  }
0x1c8: {  	s26 =	sadd.s32 @!p0 $0x4C4C80, s23;
	s29 =	sadd.s32 @!p0 $0xD000, s22  }
0x1c9: {  	[tilespmem:s29], [sflag:$0x3] =	stream.linear.gather @!p0 [hbm4b:s26+s28], $0x400, $0x38;
	[tilespmem:$0x18880] =	vst v63  }
0x1ca: {  	s26 =	sadd.s32 @!p0 $0x5B8F00, s23;
	s29 =	sadd.s32 @!p0 $0xE000, s22  }
0x1cb: {  	[tilespmem:s29], [sflag:$0x3] =	stream.linear.gather @!p0 [hbm4b:s26+s28], $0x400, $0x38;
	[tilespmem:$0x18880] =	vst v63  }
0x1cc: {  	s23 =	sadd.s32 @!p0 $0x6AD180, s23;
	s22 =	sadd.s32 @!p0 $0xF000, s22  }
0x1cd: {  	[tilespmem:s22], [sflag:$0x3] =	stream.linear.gather @!p0 [hbm4b:s23+s28], $0x400, $0x38;
	[tilespmem:$0x18880] =	vst v63  }
0x1ce: {  	s22 =	simm.s32 @!p0 $0x3  }
0x1cf: {  	_ =	swait.ge @!p0 [sflag:s22], $0x2000  }
0x1d0: {  	[sflag:s22] =	ssyncset.done @!p0 $0x0  }
0x1d1: {  	[sflag:s22] =	ssyncadd.s32 @!p0 $0xFFFFE000  }
.LBB2_9:
0x1d2: {  	vm1 =	veq.s32 v11, s20  }
0x1d3: {  	vm1 =	vmand vm0, vm1  }
0x1d4: {  	v14 =	vsel vm1, $0x3F800000, v3  }
0x1d5: {  	(xrf0) =	vmax.scan.msk.f32 $0xffff, v14;
	_ =	sdelay $0x5  }
0x1d6: {  	v14, _, _ =	vpop (xrf0)  }
0x1d7: {  	(v2sf) =	vpush v14, $0xF;
	_ =	sdelay $0x8  }
0x1d8: {  	s22 =	sadd.s32 $0x80000001, s25  }
0x1d9: {  	p0 =	sgt.s32 s22, $0x7A0  }
0x1da: {  	s18 =	sshll.u32 @!p0 s18, $0xF;
	s23 =	sshll.u32 @!p0 s22, $0x9  }
0x1db: {  	s26 =	simm.s32 @!p0 $0x1000;
	s18 =	sand.u32 @!p0 $0x3FFF8000, s18;
	s23 =	sand.u32 @!p0 $0x1FFFFE00, s23  }
0x1dc: {  	s28 =	simm.s32 @!p0 $0x7A1400;
	s18 =	sadd.s32 @!p0 $0x8000, s18;
	s23 =	sadd.s32 @!p0 s1, s23  }
0x1dd: {  	[tilespmem:s18], [sflag:$0x2] =	stream.strided.gather @!p0 [hbm4b:s23+s26], $0x8000, s28, s26, $0x38;
	[tilespmem:$0x18880] =	vst v63  }
0x1de: {  	s31 =	spop (v2sf)  }
0x1df: {  	p0 =	sgt.f32 s31, $0.0e+00  }
.Ltmp11:
0x1e0: {  	_ = 	snop;
	(pc) =	sbr.rel @!p0 .LBB2_11-.Ltmp11, $1  }
0x1e1: {  	_ =	sdelay $0x3  }
0x1e2: {  	s18 =	sshll.u32 s25, $0x9  }
0x1e3: {  	v14 =	vmov s18  }
0x1e4: {  	v14 =	vsub.s32 v10, v14  }
0x1e5: {  	vm2 =	vgt.s32 v14, $0x0  }
0x1e6: {  	v14 =	vnsel vm2, $0x0, v14  }
0x1e7: {  	v15 =	vmin.u32 v14, $0x1FF  }
0x1e8: {  	v14 =	vbroadcast v15, $0x0;
	_ =	sdelay $0x1  }
0x1e9: {  	v16 =	vshll.u32 v14, $0x3  }
0x1ea: {  	v14 =	vand.u32 $0x7F, v14;
	v16 =	vand.u32 $0xC00, v16  }
0x1eb: {  	v16 =	vor.u32 v14, v16  }
0x1ec: {  	p1 =	sne.s32 s24, $0x1;
	v14 =	vor.u32 v4, v16  }
0x1ed: {  	s18 =	simm.s32 @!p1 $0x1  }
0x1ee: {  	_ =	swait.ge @!p1 [sflag:s18], $0x400  }
0x1ef: {  	s23 =	sshll.u32 s21, $0xF;
	[sflag:s18] =	ssyncset.done @!p1 $0x0  }
0x1f0: {  	[sflag:s18] =	ssyncadd.s32 @!p1 $0xFFFFFC00;
	s18 =	sand.u32 $0x3FFF8000, s23  }
0x1f1: {  	v14 =	vld.idx.msk [tilespmem:v14+s18+$0x8000], $0xffff  }
0x1f2: {  	v17 =	vor.u32 v5, v16;
	_ =	sdelay $0x1  }
0x1f3: {  	s29 =	sshll.u32 s17, $0x7  }
0x1f4: {  	v18 =	vsel vm1, v12, v0;
	s23 =	sand.u32 $0x80, s29  }
0x1f5: {  	[tilespmem:s23+$0x18000] =	vst v14;
	v14 =	vshll.u32 v18, $0x3  }
0x1f6: {  	v17 =	vld.idx.msk [tilespmem:v17+s18+$0x8000], $0xffff;
	(v2sf) =	vpush v14, $0x0  }
0x1f7: {  	v48 =	vor.u32 v6, v16;
	_ =	sdelay $0x3  }
0x1f8: {  	[tilespmem:s23+$0x18010] =	vst v17  }
0x1f9: {  	v17 =	vld.idx.msk [tilespmem:v48+s18+$0x8000], $0xffff  }
0x1fa: {  	v16 =	vor.u32 v7, v16;
	_ =	sdelay $0x1  }
0x1fb: {  	v49 =	vbroadcast v15, $0x1;
	_ =	sdelay $0x1  }
0x1fc: {  	v50 =	vshll.u32 v49, $0x3;
	[tilespmem:s23+$0x18020] =	vst v17  }
0x1fd: {  	v18 =	vand.u32 $0x7F, v49;
	v17 =	vand.u32 $0xC00, v50;
	v16 =	vld.idx.msk [tilespmem:v16+s18+$0x8000], $0xffff  }
0x1fe: {  	v17 =	vor.u32 v18, v17  }
0x1ff: {  	v18 =	vor.u32 v4, v17  }
0x200: {  	s30 =	spop (v2sf)  }
0x201: {  	s24 =	sand.u32 $0x1FFFFFF8, s30  }
0x202: {  	s31 =	sor.u32 $0x18000, s23;
	[tilespmem:s23+$0x18030] =	vst v16;
	s24 =	sadd.s32 s6, s24  }
0x203: {  	[hbm4b:s24+s5] =	stream.linear.scatter [tilespmem:s31], [sflag:$0x1], $0x40, $0x38;
	[tilespmem:$0x18880] =	vst v63  }
0x204: {  	v16 =	vld.idx.msk [tilespmem:v18+s18+$0x8000], $0xffff  }
0x205: {  	v51 =	vor.u32 v5, v17;
	_ =	sdelay $0x3  }
0x206: {  	[tilespmem:s23+$0x18040] =	vst v16  }
0x207: {  	(v2sf) =	vpush v14, $0x1;
	v16 =	vld.idx.msk [tilespmem:v51+s18+$0x8000], $0xffff  }
0x208: {  	v52 =	vor.u32 v6, v17;
	_ =	sdelay $0x3  }
0x209: {  	[tilespmem:s23+$0x18050] =	vst v16  }
0x20a: {  	v16 =	vld.idx.msk [tilespmem:v52+s18+$0x8000], $0xffff  }
0x20b: {  	v17 =	vor.u32 v7, v17;
	_ =	sdelay $0x1  }
0x20c: {  	v53 =	vbroadcast v15, $0x2;
	_ =	sdelay $0x1  }
0x20d: {  	v54 =	vshll.u32 v53, $0x3;
	[tilespmem:s23+$0x18060] =	vst v16  }
0x20e: {  	v18 =	vand.u32 $0x7F, v53;
	v16 =	vand.u32 $0xC00, v54;
	v17 =	vld.idx.msk [tilespmem:v17+s18+$0x8000], $0xffff  }
0x20f: {  	v16 =	vor.u32 v18, v16  }
0x210: {  	v18 =	vor.u32 v4, v16  }
0x211: {  	s25 =	spop (v2sf)  }
0x212: {  	s24 =	sand.u32 $0x1FFFFFF8, s25  }
0x213: {  	s26 =	sor.u32 $0x18040, s23;
	s24 =	sadd.s32 s6, s24;
	[tilespmem:s23+$0x18070] =	vst v17  }
0x214: {  	[hbm4b:s24+s5] =	stream.linear.scatter [tilespmem:s26], [sflag:$0x1], $0x40, $0x38;
	[tilespmem:$0x18880] =	vst v63  }
0x215: {  	v17 =	vld.idx.msk [tilespmem:v18+s18+$0x8000], $0xffff  }
0x216: {  	v55 =	vor.u32 v5, v16;
	_ =	sdelay $0x3  }
0x217: {  	[tilespmem:s23+$0x18100] =	vst v17  }
0x218: {  	(v2sf) =	vpush v14, $0x2;
	v17 =	vld.idx.msk [tilespmem:v55+s18+$0x8000], $0xffff  }
0x219: {  	v56 =	vor.u32 v6, v16;
	_ =	sdelay $0x3  }
0x21a: {  	[tilespmem:s23+$0x18110] =	vst v17  }
0x21b: {  	v17 =	vld.idx.msk [tilespmem:v56+s18+$0x8000], $0xffff  }
0x21c: {  	v16 =	vor.u32 v7, v16;
	_ =	sdelay $0x1  }
0x21d: {  	v57 =	vbroadcast v15, $0x3;
	_ =	sdelay $0x1  }
0x21e: {  	v58 =	vshll.u32 v57, $0x3;
	[tilespmem:s23+$0x18120] =	vst v17  }
0x21f: {  	v18 =	vand.u32 $0x7F, v57;
	v17 =	vand.u32 $0xC00, v58;
	v16 =	vld.idx.msk [tilespmem:v16+s18+$0x8000], $0xffff  }
0x220: {  	v17 =	vor.u32 v18, v17  }
0x221: {  	v18 =	vor.u32 v4, v17  }
0x222: {  	s28 =	spop (v2sf)  }
0x223: {  	s24 =	sand.u32 $0x1FFFFFF8, s28  }
0x224: {  	s29 =	sor.u32 $0x18100, s23;
	s24 =	sadd.s32 s6, s24;
	[tilespmem:s23+$0x18130] =	vst v16  }
0x225: {  	[hbm4b:s24+s5] =	stream.linear.scatter [tilespmem:s29], [sflag:$0x1], $0x40, $0x38;
	[tilespmem:$0x18880] =	vst v63  }
0x226: {  	v16 =	vld.idx.msk [tilespmem:v18+s18+$0x8000], $0xffff  }
0x227: {  	v59 =	vor.u32 v5, v17;
	_ =	sdelay $0x3  }
0x228: {  	[tilespmem:s23+$0x18140] =	vst v16  }
0x229: {  	(v2sf) =	vpush v14, $0x3;
	v16 =	vld.idx.msk [tilespmem:v59+s18+$0x8000], $0xffff  }
0x22a: {  	v60 =	vor.u32 v6, v17;
	_ =	sdelay $0x3  }
0x22b: {  	[tilespmem:s23+$0x18150] =	vst v16  }
0x22c: {  	v16 =	vld.idx.msk [tilespmem:v60+s18+$0x8000], $0xffff  }
0x22d: {  	v17 =	vor.u32 v7, v17;
	_ =	sdelay $0x1  }
0x22e: {  	v61 =	vbroadcast v15, $0x4;
	_ =	sdelay $0x1  }
0x22f: {  	v62 =	vshll.u32 v61, $0x3;
	[tilespmem:s23+$0x18160] =	vst v16  }
0x230: {  	v18 =	vand.u32 $0x7F, v61;
	v16 =	vand.u32 $0xC00, v62;
	v17 =	vld.idx.msk [tilespmem:v17+s18+$0x8000], $0xffff  }
0x231: {  	v16 =	vor.u32 v18, v16  }
0x232: {  	v18 =	vor.u32 v4, v16  }
0x233: {  	s30 =	spop (v2sf)  }
0x234: {  	s24 =	sand.u32 $0x1FFFFFF8, s30  }
0x235: {  	s31 =	sor.u32 $0x18140, s23;
	s24 =	sadd.s32 s6, s24;
	[tilespmem:s23+$0x18170] =	vst v17  }
0x236: {  	[hbm4b:s24+s5] =	stream.linear.scatter [tilespmem:s31], [sflag:$0x1], $0x40, $0x38;
	[tilespmem:$0x18880] =	vst v63  }
0x237: {  	v17 =	vld.idx.msk [tilespmem:v18+s18+$0x8000], $0xffff  }
0x238: {  	v63 =	vor.u32 v5, v16;
	_ =	sdelay $0x3  }
0x239: {  	[tilespmem:s23+$0x18200] =	vst v17  }
0x23a: {  	(v2sf) =	vpush v14, $0x4;
	v17 =	vld.idx.msk [tilespmem:v63+s18+$0x8000], $0xffff  }
0x23b: {  	v21 =	vor.u32 v6, v16;
	_ =	sdelay $0x3  }
0x23c: {  	[tilespmem:s23+$0x18210] =	vst v17  }
0x23d: {  	v17 =	vld.idx.msk [tilespmem:v21+s18+$0x8000], $0xffff  }
0x23e: {  	v16 =	vor.u32 v7, v16;
	_ =	sdelay $0x1  }
0x23f: {  	v22 =	vbroadcast v15, $0x5;
	_ =	sdelay $0x1  }
0x240: {  	v23 =	vshll.u32 v22, $0x3;
	[tilespmem:s23+$0x18220] =	vst v17  }
0x241: {  	v18 =	vand.u32 $0x7F, v22;
	v17 =	vand.u32 $0xC00, v23;
	v16 =	vld.idx.msk [tilespmem:v16+s18+$0x8000], $0xffff  }
0x242: {  	v17 =	vor.u32 v18, v17  }
0x243: {  	v18 =	vor.u32 v4, v17  }
0x244: {  	s25 =	spop (v2sf)  }
0x245: {  	s24 =	sand.u32 $0x1FFFFFF8, s25  }
0x246: {  	s26 =	sor.u32 $0x18200, s23;
	s24 =	sadd.s32 s6, s24;
	[tilespmem:s23+$0x18230] =	vst v16  }
0x247: {  	[hbm4b:s24+s5] =	stream.linear.scatter [tilespmem:s26], [sflag:$0x1], $0x40, $0x38;
	[tilespmem:$0x18880] =	vst v63  }
0x248: {  	v16 =	vld.idx.msk [tilespmem:v18+s18+$0x8000], $0xffff  }
0x249: {  	v24 =	vor.u32 v5, v17;
	_ =	sdelay $0x3  }
0x24a: {  	[tilespmem:s23+$0x18240] =	vst v16  }
0x24b: {  	(v2sf) =	vpush v14, $0x5;
	v16 =	vld.idx.msk [tilespmem:v24+s18+$0x8000], $0xffff  }
0x24c: {  	v25 =	vor.u32 v6, v17;
	_ =	sdelay $0x3  }
0x24d: {  	[tilespmem:s23+$0x18250] =	vst v16  }
0x24e: {  	v16 =	vld.idx.msk [tilespmem:v25+s18+$0x8000], $0xffff  }
0x24f: {  	v17 =	vor.u32 v7, v17;
	_ =	sdelay $0x1  }
0x250: {  	v26 =	vbroadcast v15, $0x6;
	_ =	sdelay $0x1  }
0x251: {  	v27 =	vshll.u32 v26, $0x3;
	[tilespmem:s23+$0x18260] =	vst v16  }
0x252: {  	v18 =	vand.u32 $0x7F, v26;
	v16 =	vand.u32 $0xC00, v27;
	v17 =	vld.idx.msk [tilespmem:v17+s18+$0x8000], $0xffff  }
0x253: {  	v16 =	vor.u32 v18, v16  }
0x254: {  	v18 =	vor.u32 v4, v16  }
0x255: {  	s28 =	spop (v2sf)  }
0x256: {  	s24 =	sand.u32 $0x1FFFFFF8, s28  }
0x257: {  	s29 =	sor.u32 $0x18240, s23;
	s24 =	sadd.s32 s6, s24;
	[tilespmem:s23+$0x18270] =	vst v17  }
0x258: {  	[hbm4b:s24+s5] =	stream.linear.scatter [tilespmem:s29], [sflag:$0x1], $0x40, $0x38;
	[tilespmem:$0x18880] =	vst v63  }
0x259: {  	v17 =	vld.idx.msk [tilespmem:v18+s18+$0x8000], $0xffff  }
0x25a: {  	v28 =	vor.u32 v5, v16;
	_ =	sdelay $0x3  }
0x25b: {  	[tilespmem:s23+$0x18300] =	vst v17  }
0x25c: {  	(v2sf) =	vpush v14, $0x6;
	v17 =	vld.idx.msk [tilespmem:v28+s18+$0x8000], $0xffff  }
0x25d: {  	v29 =	vor.u32 v6, v16;
	_ =	sdelay $0x3  }
0x25e: {  	[tilespmem:s23+$0x18310] =	vst v17  }
0x25f: {  	v17 =	vld.idx.msk [tilespmem:v29+s18+$0x8000], $0xffff  }
0x260: {  	v16 =	vor.u32 v7, v16;
	_ =	sdelay $0x1  }
0x261: {  	v30 =	vbroadcast v15, $0x7;
	_ =	sdelay $0x1  }
0x262: {  	v31 =	vshll.u32 v30, $0x3;
	[tilespmem:s23+$0x18320] =	vst v17  }
0x263: {  	v18 =	vand.u32 $0x7F, v30;
	v17 =	vand.u32 $0xC00, v31;
	v16 =	vld.idx.msk [tilespmem:v16+s18+$0x8000], $0xffff  }
0x264: {  	v17 =	vor.u32 v18, v17  }
0x265: {  	v18 =	vor.u32 v4, v17  }
0x266: {  	s30 =	spop (v2sf)  }
0x267: {  	s24 =	sand.u32 $0x1FFFFFF8, s30  }
0x268: {  	s31 =	sor.u32 $0x18300, s23;
	s24 =	sadd.s32 s6, s24;
	[tilespmem:s23+$0x18330] =	vst v16  }
0x269: {  	[hbm4b:s24+s5] =	stream.linear.scatter [tilespmem:s31], [sflag:$0x1], $0x40, $0x38;
	[tilespmem:$0x18880] =	vst v63  }
0x26a: {  	v16 =	vld.idx.msk [tilespmem:v18+s18+$0x8000], $0xffff  }
0x26b: {  	v32 =	vor.u32 v5, v17;
	_ =	sdelay $0x3  }
0x26c: {  	[tilespmem:s23+$0x18340] =	vst v16  }
0x26d: {  	(v2sf) =	vpush v14, $0x7;
	v16 =	vld.idx.msk [tilespmem:v32+s18+$0x8000], $0xffff  }
0x26e: {  	v33 =	vor.u32 v6, v17;
	_ =	sdelay $0x3  }
0x26f: {  	[tilespmem:s23+$0x18350] =	vst v16  }
0x270: {  	v16 =	vld.idx.msk [tilespmem:v33+s18+$0x8000], $0xffff  }
0x271: {  	v17 =	vor.u32 v7, v17;
	_ =	sdelay $0x1  }
0x272: {  	v34 =	vbroadcast v15, $0x8;
	_ =	sdelay $0x1  }
0x273: {  	v35 =	vshll.u32 v34, $0x3;
	[tilespmem:s23+$0x18360] =	vst v16  }
0x274: {  	v18 =	vand.u32 $0x7F, v34;
	v16 =	vand.u32 $0xC00, v35;
	v17 =	vld.idx.msk [tilespmem:v17+s18+$0x8000], $0xffff  }
0x275: {  	v16 =	vor.u32 v18, v16  }
0x276: {  	v18 =	vor.u32 v4, v16  }
0x277: {  	s25 =	spop (v2sf)  }
0x278: {  	s24 =	sand.u32 $0x1FFFFFF8, s25  }
0x279: {  	s26 =	sor.u32 $0x18340, s23;
	s24 =	sadd.s32 s6, s24;
	[tilespmem:s23+$0x18370] =	vst v17  }
0x27a: {  	[hbm4b:s24+s5] =	stream.linear.scatter [tilespmem:s26], [sflag:$0x1], $0x40, $0x38;
	[tilespmem:$0x18880] =	vst v63  }
0x27b: {  	v17 =	vld.idx.msk [tilespmem:v18+s18+$0x8000], $0xffff  }
0x27c: {  	v36 =	vor.u32 v5, v16  }
0x27d: {  	s28 =	sshll.u32 s17, $0xA  }
0x27e: {  	s23 =	sor.u32 s28, s23  }
0x27f: {  	s24 =	sor.u32 $0x400, s23  }
0x280: {  	[tilespmem:s24+$0x18000] =	vst v17  }
0x281: {  	(v2sf) =	vpush v14, $0x8;
	v17 =	vld.idx.msk [tilespmem:v36+s18+$0x8000], $0xffff  }
0x282: {  	v37 =	vor.u32 v6, v16;
	_ =	sdelay $0x2  }
0x283: {  	s29 =	sor.u32 $0x410, s23  }
0x284: {  	[tilespmem:s29+$0x18000] =	vst v17  }
0x285: {  	v17 =	vld.idx.msk [tilespmem:v37+s18+$0x8000], $0xffff  }
0x286: {  	v16 =	vor.u32 v7, v16;
	_ =	sdelay $0x1  }
0x287: {  	v38 =	vbroadcast v15, $0x9  }
0x288: {  	s30 =	sor.u32 $0x420, s23  }
0x289: {  	v39 =	vshll.u32 v38, $0x3;
	[tilespmem:s30+$0x18000] =	vst v17  }
0x28a: {  	v18 =	vand.u32 $0x7F, v38;
	v17 =	vand.u32 $0xC00, v39;
	v16 =	vld.idx.msk [tilespmem:v16+s18+$0x8000], $0xffff  }
0x28b: {  	v17 =	vor.u32 v18, v17  }
0x28c: {  	v18 =	vor.u32 v4, v17  }
0x28d: {  	s31 =	spop (v2sf)  }
0x28e: {  	s25 =	sand.u32 $0x1FFFFFF8, s31;
	s26 =	sor.u32 $0x430, s23  }
0x28f: {  	s25 =	sadd.s32 s6, s25;
	s24 =	sadd.s32 $0x18000, s24;
	[tilespmem:s26+$0x18000] =	vst v16  }
0x290: {  	[hbm4b:s25+s5] =	stream.linear.scatter [tilespmem:s24], [sflag:$0x1], $0x40, $0x38;
	[tilespmem:$0x18880] =	vst v63  }
0x291: {  	v16 =	vld.idx.msk [tilespmem:v18+s18+$0x8000], $0xffff  }
0x292: {  	v40 =	vor.u32 v5, v17;
	_ =	sdelay $0x2  }
0x293: {  	s26 =	sor.u32 $0x440, s23  }
0x294: {  	[tilespmem:s26+$0x18000] =	vst v16  }
0x295: {  	(v2sf) =	vpush v14, $0x9;
	v16 =	vld.idx.msk [tilespmem:v40+s18+$0x8000], $0xffff  }
0x296: {  	v41 =	vor.u32 v6, v17;
	_ =	sdelay $0x2  }
0x297: {  	s28 =	sor.u32 $0x450, s23  }
0x298: {  	[tilespmem:s28+$0x18000] =	vst v16  }
0x299: {  	v16 =	vld.idx.msk [tilespmem:v41+s18+$0x8000], $0xffff  }
0x29a: {  	v17 =	vor.u32 v7, v17;
	_ =	sdelay $0x1  }
0x29b: {  	v42 =	vbroadcast v15, $0xA  }
0x29c: {  	s29 =	sor.u32 $0x460, s23  }
0x29d: {  	v43 =	vshll.u32 v42, $0x3;
	[tilespmem:s29+$0x18000] =	vst v16  }
0x29e: {  	v18 =	vand.u32 $0x7F, v42;
	v16 =	vand.u32 $0xC00, v43;
	v17 =	vld.idx.msk [tilespmem:v17+s18+$0x8000], $0xffff  }
0x29f: {  	v16 =	vor.u32 v18, v16  }
0x2a0: {  	v18 =	vor.u32 v4, v16  }
0x2a1: {  	s30 =	spop (v2sf)  }
0x2a2: {  	s31 =	sor.u32 $0x470, s23;
	s25 =	sand.u32 $0x1FFFFFF8, s30  }
0x2a3: {  	s24 =	sadd.s32 $0x18000, s26;
	s25 =	sadd.s32 s6, s25;
	[tilespmem:s31+$0x18000] =	vst v17  }
0x2a4: {  	[hbm4b:s25+s5] =	stream.linear.scatter [tilespmem:s24], [sflag:$0x1], $0x40, $0x38;
	[tilespmem:$0x18880] =	vst v63  }
0x2a5: {  	v17 =	vld.idx.msk [tilespmem:v18+s18+$0x8000], $0xffff  }
0x2a6: {  	v44 =	vor.u32 v5, v16;
	_ =	sdelay $0x2  }
0x2a7: {  	s26 =	sor.u32 $0x500, s23  }
0x2a8: {  	[tilespmem:s26+$0x18000] =	vst v17  }
0x2a9: {  	(v2sf) =	vpush v14, $0xA;
	v17 =	vld.idx.msk [tilespmem:v44+s18+$0x8000], $0xffff  }
0x2aa: {  	v45 =	vor.u32 v6, v16;
	_ =	sdelay $0x2  }
0x2ab: {  	s28 =	sor.u32 $0x510, s23  }
0x2ac: {  	[tilespmem:s28+$0x18000] =	vst v17  }
0x2ad: {  	v17 =	vld.idx.msk [tilespmem:v45+s18+$0x8000], $0xffff  }
0x2ae: {  	v16 =	vor.u32 v7, v16;
	_ =	sdelay $0x1  }
0x2af: {  	v46 =	vbroadcast v15, $0xB  }
0x2b0: {  	s29 =	sor.u32 $0x520, s23  }
0x2b1: {  	v47 =	vshll.u32 v46, $0x3;
	[tilespmem:s29+$0x18000] =	vst v17  }
0x2b2: {  	v18 =	vand.u32 $0x7F, v46;
	v17 =	vand.u32 $0xC00, v47;
	v16 =	vld.idx.msk [tilespmem:v16+s18+$0x8000], $0xffff  }
0x2b3: {  	v17 =	vor.u32 v18, v17  }
0x2b4: {  	v18 =	vor.u32 v4, v17  }
0x2b5: {  	s30 =	spop (v2sf)  }
0x2b6: {  	s31 =	sor.u32 $0x530, s23;
	s25 =	sand.u32 $0x1FFFFFF8, s30  }
0x2b7: {  	s24 =	sadd.s32 $0x18000, s26;
	s25 =	sadd.s32 s6, s25;
	[tilespmem:s31+$0x18000] =	vst v16  }
0x2b8: {  	[hbm4b:s25+s5] =	stream.linear.scatter [tilespmem:s24], [sflag:$0x1], $0x40, $0x38;
	[tilespmem:$0x18880] =	vst v63  }
0x2b9: {  	v16 =	vld.idx.msk [tilespmem:v18+s18+$0x8000], $0xffff  }
0x2ba: {  	v48 =	vor.u32 v5, v17;
	_ =	sdelay $0x2  }
0x2bb: {  	s26 =	sor.u32 $0x540, s23  }
0x2bc: {  	[tilespmem:s26+$0x18000] =	vst v16  }
0x2bd: {  	(v2sf) =	vpush v14, $0xB;
	v16 =	vld.idx.msk [tilespmem:v48+s18+$0x8000], $0xffff  }
0x2be: {  	v49 =	vor.u32 v6, v17;
	_ =	sdelay $0x2  }
0x2bf: {  	s28 =	sor.u32 $0x550, s23  }
0x2c0: {  	[tilespmem:s28+$0x18000] =	vst v16  }
0x2c1: {  	v16 =	vld.idx.msk [tilespmem:v49+s18+$0x8000], $0xffff  }
0x2c2: {  	v17 =	vor.u32 v7, v17;
	_ =	sdelay $0x1  }
0x2c3: {  	v50 =	vbroadcast v15, $0xC  }
0x2c4: {  	s29 =	sor.u32 $0x560, s23  }
0x2c5: {  	v51 =	vshll.u32 v50, $0x3;
	[tilespmem:s29+$0x18000] =	vst v16  }
0x2c6: {  	v18 =	vand.u32 $0x7F, v50;
	v16 =	vand.u32 $0xC00, v51;
	v17 =	vld.idx.msk [tilespmem:v17+s18+$0x8000], $0xffff  }
0x2c7: {  	v16 =	vor.u32 v18, v16  }
0x2c8: {  	v18 =	vor.u32 v4, v16  }
0x2c9: {  	s30 =	spop (v2sf)  }
0x2ca: {  	s31 =	sor.u32 $0x570, s23;
	s25 =	sand.u32 $0x1FFFFFF8, s30  }
0x2cb: {  	s24 =	sadd.s32 $0x18000, s26;
	s25 =	sadd.s32 s6, s25;
	[tilespmem:s31+$0x18000] =	vst v17  }
0x2cc: {  	[hbm4b:s25+s5] =	stream.linear.scatter [tilespmem:s24], [sflag:$0x1], $0x40, $0x38;
	[tilespmem:$0x18880] =	vst v63  }
0x2cd: {  	v17 =	vld.idx.msk [tilespmem:v18+s18+$0x8000], $0xffff  }
0x2ce: {  	v52 =	vor.u32 v5, v16;
	_ =	sdelay $0x2  }
0x2cf: {  	s26 =	sor.u32 $0x600, s23  }
0x2d0: {  	[tilespmem:s26+$0x18000] =	vst v17  }
0x2d1: {  	(v2sf) =	vpush v14, $0xC;
	v17 =	vld.idx.msk [tilespmem:v52+s18+$0x8000], $0xffff  }
0x2d2: {  	v53 =	vor.u32 v6, v16;
	_ =	sdelay $0x2  }
0x2d3: {  	s28 =	sor.u32 $0x610, s23  }
0x2d4: {  	[tilespmem:s28+$0x18000] =	vst v17  }
0x2d5: {  	v17 =	vld.idx.msk [tilespmem:v53+s18+$0x8000], $0xffff  }
0x2d6: {  	v16 =	vor.u32 v7, v16;
	_ =	sdelay $0x1  }
0x2d7: {  	v54 =	vbroadcast v15, $0xD  }
0x2d8: {  	s29 =	sor.u32 $0x620, s23  }
0x2d9: {  	v55 =	vshll.u32 v54, $0x3;
	[tilespmem:s29+$0x18000] =	vst v17  }
0x2da: {  	v18 =	vand.u32 $0x7F, v54;
	v17 =	vand.u32 $0xC00, v55;
	v16 =	vld.idx.msk [tilespmem:v16+s18+$0x8000], $0xffff  }
0x2db: {  	v17 =	vor.u32 v18, v17  }
0x2dc: {  	v18 =	vor.u32 v4, v17  }
0x2dd: {  	s30 =	spop (v2sf)  }
0x2de: {  	s31 =	sor.u32 $0x630, s23;
	s25 =	sand.u32 $0x1FFFFFF8, s30  }
0x2df: {  	s24 =	sadd.s32 $0x18000, s26;
	s25 =	sadd.s32 s6, s25;
	[tilespmem:s31+$0x18000] =	vst v16  }
0x2e0: {  	[hbm4b:s25+s5] =	stream.linear.scatter [tilespmem:s24], [sflag:$0x1], $0x40, $0x38;
	[tilespmem:$0x18880] =	vst v63  }
0x2e1: {  	v16 =	vld.idx.msk [tilespmem:v18+s18+$0x8000], $0xffff  }
0x2e2: {  	v56 =	vor.u32 v5, v17;
	_ =	sdelay $0x2  }
0x2e3: {  	s26 =	sor.u32 $0x640, s23  }
0x2e4: {  	[tilespmem:s26+$0x18000] =	vst v16  }
0x2e5: {  	(v2sf) =	vpush v14, $0xD;
	v16 =	vld.idx.msk [tilespmem:v56+s18+$0x8000], $0xffff  }
0x2e6: {  	v57 =	vor.u32 v6, v17;
	_ =	sdelay $0x2  }
0x2e7: {  	s28 =	sor.u32 $0x650, s23  }
0x2e8: {  	[tilespmem:s28+$0x18000] =	vst v16  }
0x2e9: {  	v16 =	vld.idx.msk [tilespmem:v57+s18+$0x8000], $0xffff  }
0x2ea: {  	v17 =	vor.u32 v7, v17;
	_ =	sdelay $0x1  }
0x2eb: {  	v58 =	vbroadcast v15, $0xE  }
0x2ec: {  	s29 =	sor.u32 $0x660, s23  }
0x2ed: {  	v59 =	vshll.u32 v58, $0x3;
	[tilespmem:s29+$0x18000] =	vst v16  }
0x2ee: {  	v18 =	vand.u32 $0x7F, v58;
	v16 =	vand.u32 $0xC00, v59;
	v17 =	vld.idx.msk [tilespmem:v17+s18+$0x8000], $0xffff  }
0x2ef: {  	v16 =	vor.u32 v18, v16  }
0x2f0: {  	v18 =	vor.u32 v4, v16  }
0x2f1: {  	s30 =	spop (v2sf)  }
0x2f2: {  	s31 =	sor.u32 $0x670, s23;
	s25 =	sand.u32 $0x1FFFFFF8, s30  }
0x2f3: {  	s24 =	sadd.s32 $0x18000, s26;
	s25 =	sadd.s32 s6, s25;
	[tilespmem:s31+$0x18000] =	vst v17  }
0x2f4: {  	[hbm4b:s25+s5] =	stream.linear.scatter [tilespmem:s24], [sflag:$0x1], $0x40, $0x38;
	[tilespmem:$0x18880] =	vst v63  }
0x2f5: {  	v17 =	vld.idx.msk [tilespmem:v18+s18+$0x8000], $0xffff  }
0x2f6: {  	v60 =	vor.u32 v5, v16;
	_ =	sdelay $0x2  }
0x2f7: {  	s26 =	sor.u32 $0x700, s23  }
0x2f8: {  	[tilespmem:s26+$0x18000] =	vst v17  }
0x2f9: {  	(v2sf) =	vpush v14, $0xE;
	v17 =	vld.idx.msk [tilespmem:v60+s18+$0x8000], $0xffff  }
0x2fa: {  	v61 =	vor.u32 v6, v16;
	_ =	sdelay $0x2  }
0x2fb: {  	s28 =	sor.u32 $0x710, s23  }
0x2fc: {  	[tilespmem:s28+$0x18000] =	vst v17  }
0x2fd: {  	v17 =	vld.idx.msk [tilespmem:v61+s18+$0x8000], $0xffff  }
0x2fe: {  	v16 =	vor.u32 v7, v16;
	_ =	sdelay $0x1  }
0x2ff: {  	v15 =	vbroadcast v15, $0xF  }
0x300: {  	s29 =	sor.u32 $0x720, s23  }
0x301: {  	v62 =	vshll.u32 v15, $0x3;
	[tilespmem:s29+$0x18000] =	vst v17  }
0x302: {  	v15 =	vand.u32 $0x7F, v15;
	v17 =	vand.u32 $0xC00, v62;
	v16 =	vld.idx.msk [tilespmem:v16+s18+$0x8000], $0xffff  }
0x303: {  	v15 =	vor.u32 v15, v17  }
0x304: {  	v17 =	vor.u32 v4, v15  }
0x305: {  	s30 =	spop (v2sf)  }
0x306: {  	s31 =	sor.u32 $0x730, s23;
	s25 =	sand.u32 $0x1FFFFFF8, s30  }
0x307: {  	s24 =	sadd.s32 $0x18000, s26;
	s25 =	sadd.s32 s6, s25;
	[tilespmem:s31+$0x18000] =	vst v16  }
0x308: {  	[hbm4b:s25+s5] =	stream.linear.scatter [tilespmem:s24], [sflag:$0x1], $0x40, $0x38;
	[tilespmem:$0x18880] =	vst v63  }
0x309: {  	v16 =	vld.idx.msk [tilespmem:v17+s18+$0x8000], $0xffff  }
0x30a: {  	v63 =	vor.u32 v5, v15;
	_ =	sdelay $0x2  }
0x30b: {  	s28 =	sor.u32 $0x740, s23  }
0x30c: {  	[tilespmem:s28+$0x18000] =	vst v16  }
0x30d: {  	(v2sf) =	vpush v14, $0xF;
	v16 =	vld.idx.msk [tilespmem:v63+s18+$0x8000], $0xffff  }
0x30e: {  	v14 =	vor.u32 v6, v15;
	_ =	sdelay $0x2  }
0x30f: {  	s29 =	sor.u32 $0x750, s23  }
0x310: {  	[tilespmem:s29+$0x18000] =	vst v16  }
0x311: {  	v14 =	vld.idx.msk [tilespmem:v14+s18+$0x8000], $0xffff  }
0x312: {  	v15 =	vor.u32 v7, v15;
	_ =	sdelay $0x2  }
0x313: {  	s30 =	sor.u32 $0x760, s23  }
0x314: {  	[tilespmem:s30+$0x18000] =	vst v14  }
0x315: {  	v14 =	vld.idx.msk [tilespmem:v15+s18+$0x8000], $0xffff;
	_ =	sdelay $0x2  }
.Ltmp12:
0x316: {  	s31 =	spop (v2sf);
	(pc) =	sbr.rel .LBB2_11-.Ltmp12, $4  }
0x317: {  	s23 =	sor.u32 $0x770, s23;
	s18 =	sand.u32 $0x1FFFFFF8, s31  }
0x318: {  	s24 =	sadd.s32 $0x18000, s28;
	s18 =	sadd.s32 s6, s18;
	[tilespmem:s23+$0x18000] =	vst v14  }
0x319: {  	[hbm4b:s18+s5] =	stream.linear.scatter [tilespmem:s24], [sflag:$0x1], $0x40, $0x38;
	[tilespmem:$0x18880] =	vst v63  }
0x31a: {  	s24 =	simm.s32 $0x1  }
.LBB2_13:
0x31b: {  	p0 =	seq.s32 s23, $0x0  }
.Ltmp13:
0x31c: {  	_ = 	snop;
	(pc) =	sbr.rel @p0 .LBB2_15-.Ltmp13, $1  }
0x31d: {  	_ =	sdelay $0x3  }
0x31e: {  	p0 =	seq.s32 s24, $0x1  }
.Ltmp14:
0x31f: {  	_ = 	snop;
	(pc) =	sbr.rel @p0 .LBB2_16-.Ltmp14, $4  }
.Ltmp15:
0x320: {  	_ = 	snop;
	(pc) =	sbr.rel @!p0 .LBB2_17-.Ltmp15, $4  }
0x321: {  	_ =	swait.ge [sflag:s13], $0x8000  }
0x322: {  	[sflag:s13] =	ssyncset.done $0x0  }
0x323: {  	[sflag:s13] =	ssyncadd.s32 $0xFFFF8000  }
0x324: {  	_ = 	snop  }
.LBB2_15:
0x325: {  	p0 =	sne.s32 s24, $0x1  }
.Ltmp16:
0x326: {  	_ = 	snop;
	(pc) =	sbr.rel @p0 .LBB2_17-.Ltmp16, $4  }
.Ltmp17:
0x327: {  	_ = 	snop;
	(pc) =	sbr.rel @!p0 .LBB2_16-.Ltmp17, $4  }
0x328: {  	_ = 	snop  }
0x329: {  	_ = 	snop  }
0x32a: {  	_ = 	snop  }
0x32b: {  	_ = 	snop  }
.LBB2_18:
0x32c: {  	_ =	sfence.sel $0x180000  }
0x32d: {  	[bflag:$0x0] =	sbarrier.arrive $0xFFFF  }
0x32e: {  	p0 =	sne.s32 s0, $0x0;
	_ =	strace $0x90000047  }
0x32f: {  	s0 =	sadd.s32 @!p0 $0x100000, s4;
	[bflag:$0x2] =	sbarrier.arrive $0xFFFF  }
0x330: {  	[sflag:s0] =	ssyncadd.tile.s32 @!p0 $0x1;
	_ =	shalt  }
.Lfunc_end2:
_tile_overlayer_lowered:
.L_overlay_start_2:
0x331: {  	(tag) =	ssettag $0x2  }
0x332: {  	s0 =	rddreg [dreg:$0x0];
	s2 =	stileid.u32  }
0x333: {  	s1 =	rddreg [dreg:$0x1];
	p0 =	sne.s32 s2, $0x0  }
0x334: {  	s3 =	rddreg [dreg:$0x2];
	[bflag:$0x3] =	sbarrier.arrive $0xFFFF;
	s2 =	simm.s32 @!p0 $0x1C03  }
0x335: {  	[timem:s3], [sflag:s2] =	dma.local @!p0 [hbm:s0], s1  }
0x336: {  	s0 =	simm.s32 @!p0 $0x3  }
0x337: {  	_ =	swait.ge @!p0 [sflag:s0], s1  }
0x338: {  	s1 =	ssub.s32 @!p0 $0x0, s1;
	[sflag:s0] =	ssyncset.done @!p0 $0x0  }
0x339: {  	[sflag:s0] =	ssyncadd.s32 @!p0 s1  }
0x33a: {  	[bflag:$0x3] =	sbarrier.arrive $0xFFFF  }
0x33b: {  	_ =	shalt  }

</sc_bundles>
